<compile_context>
chip_gen: v7x
topology: tpu7x:2x2x1
jax: 0.10.2.dev20260603
libtpu: 0.0.44.dev20260713+nightly
codegen_flags: <defaults>
</compile_context>

<pallas_src>
import functools

import jax
import jax.numpy as jnp
from jax import lax
from jax.experimental import pallas as pl
from jax.experimental.pallas import tpu as pltpu
from jax.experimental.pallas import tpu_sc as plsc

N = 10000
E = 320000
DN = 128
DE = 16
H = 80

NC, NS = 2, 16
NW = NC * NS
CH = 80
NCH_A = 77
NCH_B = 48
E_A = NW * NCH_A * CH
E_B = NW * NCH_B * CH
ROWS_A = E_A // CH
HP = 128
F32 = jnp.float32

_SC_PARAMS = pltpu.CompilerParams(use_tc_tiling_on_sc=False)



@functools.cache
def _sc_mesh():
    return plsc.VectorSubcoreMesh(
        core_axis_name="c", subcore_axis_name="s", num_cores=NC, num_subcores=NS)


@functools.cache
def _gather_sum_kernel(nchunk, row0):
    per_w = nchunk * CH

    def body(a_hbm, b_hbm, dst_hbm, src_hbm, out_hbm,
             idxd, idxs, a0, b0, a1, b1, sem0, sem1):
        wid = lax.axis_index("s") * NC + lax.axis_index("c")
        r0 = row0 + wid * nchunk
        pltpu.sync_copy(dst_hbm.at[pl.ds(r0, nchunk)], idxd)
        pltpu.sync_copy(src_hbm.at[pl.ds(r0, nchunk)], idxs)
        base = wid * per_w

        def fire(j, ab, bb, sem):
            pltpu.async_copy(a_hbm.at[idxd.at[j]], ab, sem)
            pltpu.async_copy(b_hbm.at[idxs.at[j]], bb, sem)

        def drain(ab, bb, sem):
            pltpu.make_async_copy(a_hbm.at[idxd.at[0]], ab, sem).wait()
            pltpu.make_async_copy(b_hbm.at[idxs.at[0]], bb, sem).wait()

        def addstore(ab, bb, j):
            def row(i, c2):
                for q in range(HP // 16):
                    sl = pl.ds(q * 16, 16)
                    ab[i, sl] = ab[i, sl] + bb[i, sl]
                return c2

            lax.fori_loop(0, CH, row, 0)
            pltpu.sync_copy(ab, out_hbm.at[pl.ds(base + j * CH, CH)])

        fire(0, a0, b0, sem0)
        fire(1, a1, b1, sem1)

        def pair(i, carry):
            j0 = 2 * i
            drain(a0, b0, sem0)
            addstore(a0, b0, j0)

            @pl.when(j0 + 2 < nchunk)
            def _():
                fire(j0 + 2, a0, b0, sem0)

            drain(a1, b1, sem1)
            addstore(a1, b1, j0 + 1)

            @pl.when(j0 + 3 < nchunk)
            def _():
                fire(j0 + 3, a1, b1, sem1)

            return carry

        lax.fori_loop(0, nchunk // 2, pair, 0)
        if nchunk % 2:
            drain(a0, b0, sem0)
            addstore(a0, b0, nchunk - 1)

    return pl.kernel(
        body,
        out_type=jax.ShapeDtypeStruct((NW * per_w, HP), F32),
        mesh=_sc_mesh(),
        compiler_params=_SC_PARAMS,
        scratch_types=[
            pltpu.VMEM((nchunk, CH), jnp.int32),
            pltpu.VMEM((nchunk, CH), jnp.int32),
            pltpu.VMEM((CH, HP), F32),
            pltpu.VMEM((CH, HP), F32),
            pltpu.VMEM((CH, HP), F32),
            pltpu.VMEM((CH, HP), F32),
            pltpu.SemaphoreType.DMA,
            pltpu.SemaphoreType.DMA,
        ],
    )


@functools.cache
def _scatter_add_kernel(ncha, nchb):
    def body(ea_hbm, eb_hbm, dst_hbm, zero_hbm, out_hbm,
             idxa, idxb, e0, e1, shared, sem0, sem1):
        c = lax.axis_index("c")
        s = lax.axis_index("s")
        wid = s * NC + c

        @pl.when(s == 0)
        def _():
            pltpu.sync_copy(zero_hbm, shared)

        plsc.subcore_barrier()
        pltpu.sync_copy(dst_hbm.at[pl.ds(wid * ncha, ncha)], idxa)
        pltpu.sync_copy(dst_hbm.at[pl.ds(ROWS_A + wid * nchb, nchb)], idxb)

        def phase(e_hbm, idx, nch):
            base = wid * nch * CH

            def fire(j, eb, sem):
                pltpu.async_copy(
                    e_hbm.at[pl.ds(base + j * CH, CH), pl.ds(0, DE)], eb, sem)

            def drain(eb, sem):
                pltpu.make_async_copy(
                    e_hbm.at[pl.ds(0, CH), pl.ds(0, DE)], eb, sem).wait()

            def scat(eb, j):
                pltpu.sync_copy(eb, shared.at[idx.at[j]], add=True)

            fire(0, e0, sem0)
            fire(1, e1, sem1)

            def pair(i, carry):
                j0 = 2 * i
                drain(e0, sem0)
                scat(e0, j0)

                @pl.when(j0 + 2 < nch)
                def _():
                    fire(j0 + 2, e0, sem0)

                drain(e1, sem1)
                scat(e1, j0 + 1)

                @pl.when(j0 + 3 < nch)
                def _():
                    fire(j0 + 3, e1, sem1)

                return carry

            lax.fori_loop(0, nch // 2, pair, 0)
            if nch % 2:
                drain(e0, sem0)
                scat(e0, nch - 1)

        phase(ea_hbm, idxa, ncha)
        phase(eb_hbm, idxb, nchb)
        plsc.subcore_barrier()

        @pl.when(s == 0)
        def _():
            pltpu.sync_copy(shared, out_hbm.at[c])

    return pl.kernel(
        body,
        out_type=jax.ShapeDtypeStruct((NC, N, DE), F32),
        mesh=_sc_mesh(),
        compiler_params=_SC_PARAMS,
        scratch_types=[
            pltpu.VMEM((ncha, CH), jnp.int32),
            pltpu.VMEM((nchb, CH), jnp.int32),
            pltpu.VMEM((CH, DE), F32),
            pltpu.VMEM((CH, DE), F32),
            pltpu.VMEM_SHARED((N, DE), F32),
            pltpu.SemaphoreType.DMA,
            pltpu.SemaphoreType.DMA,
        ],
    )



def _dot(a, b):
    return jnp.dot(a, b, preferred_element_type=F32)


def _full(a):
    return pl.BlockSpec(a.shape, lambda i: (0,) * a.ndim)


def _project_body(x_ref, wd_ref, ws_ref, a_ref, b_ref):
    xb = x_ref[...]
    a_ref[...] = _dot(xb, wd_ref[...])
    b_ref[...] = _dot(xb, ws_ref[...])


def _node_project(x, wd, ws, blk=2000):
    return pl.pallas_call(
        _project_body,
        grid=(N // blk,),
        in_specs=[pl.BlockSpec((blk, DN), lambda i: (i, 0)),
                  _full(wd), _full(ws)],
        out_specs=[pl.BlockSpec((blk, HP), lambda i: (i, 0)),
                   pl.BlockSpec((blk, HP), lambda i: (i, 0))],
        out_shape=[jax.ShapeDtypeStruct((N, HP), F32),
                   jax.ShapeDtypeStruct((N, HP), F32)],
    )(x, wd, ws)


def _dot_tl(at, b):
    return lax.dot_general(at, b, (((0,), (0,)), ((), ())),
                           preferred_element_type=F32)


def _edge_body(g_ref, ea_ref, we_ref, b1_ref, w2_ref, b2_ref, w3_ref, b3_ref,
               w4_ref, b4_ref, out_ref):
    h = g_ref[...] + _dot_tl(ea_ref[...], we_ref[...]) + b1_ref[...]
    h = jnp.maximum(h, 0.0)
    h = jnp.maximum(_dot(h, w2_ref[...]) + b2_ref[...], 0.0)
    h = jnp.maximum(_dot(h, w3_ref[...]) + b3_ref[...], 0.0)
    out_ref[...] = _dot(h, w4_ref[...]) + b4_ref[...]


def _edge_mlp(g, ea_t, weights, blk=2560):
    ne = g.shape[0]
    return pl.pallas_call(
        _edge_body,
        grid=(ne // blk,),
        in_specs=[pl.BlockSpec((blk, HP), lambda i: (i, 0)),
                  pl.BlockSpec((DE, blk), lambda i: (0, i))]
                 + [_full(w) for w in weights],
        out_specs=pl.BlockSpec((blk, HP), lambda i: (i, 0)),
        out_shape=jax.ShapeDtypeStruct((ne, HP), F32),
    )(g, ea_t, *weights)


def _node_fused_body(x_ref, agg_ref, wx_ref, wa_ref, b1_ref, w2_ref, b2_ref,
                     w3_ref, b3_ref, w4_ref, b4_ref, wd_ref, ws_ref,
                     a_ref, b_ref):
    agg = agg_ref[0] + agg_ref[1]
    h = _dot(x_ref[...], wx_ref[...]) + _dot(agg, wa_ref[...]) + b1_ref[...]
    h = jnp.maximum(h, 0.0)
    h = jnp.maximum(_dot(h, w2_ref[...]) + b2_ref[...], 0.0)
    h = jnp.maximum(_dot(h, w3_ref[...]) + b3_ref[...], 0.0)
    x1 = _dot(h, w4_ref[...]) + b4_ref[...]
    a_ref[...] = _dot(x1, wd_ref[...])
    b_ref[...] = _dot(x1, ws_ref[...])


def _node_fused(x, agg2, weights, blk=2000):
    return pl.pallas_call(
        _node_fused_body,
        grid=(N // blk,),
        in_specs=[pl.BlockSpec((blk, DN), lambda i: (i, 0)),
                  pl.BlockSpec((NC, blk, DE), lambda i: (0, i, 0))]
                 + [_full(w) for w in weights],
        out_specs=[pl.BlockSpec((blk, HP), lambda i: (i, 0)),
                   pl.BlockSpec((blk, HP), lambda i: (i, 0))],
        out_shape=[jax.ShapeDtypeStruct((N, HP), F32),
                   jax.ShapeDtypeStruct((N, HP), F32)],
    )(x, agg2, *weights)


def _edge_final_body(g_ref, e1_ref, ea_ref, we_ref, b1_ref, w2_ref, b2_ref,
                     w3_ref, b3_ref, w4_ref, b4_ref, va_ref, vb_ref, vc_ref,
                     c1_ref, v2_ref, c2_ref, v3_ref, c3_ref, v4_ref, c4_ref,
                     out_ref):
    e1 = e1_ref[...]
    h = g_ref[...] + _dot(e1, we_ref[...]) + b1_ref[...]
    h = jnp.maximum(h, 0.0)
    h = jnp.maximum(_dot(h, w2_ref[...]) + b2_ref[...], 0.0)
    h = jnp.maximum(_dot(h, w3_ref[...]) + b3_ref[...], 0.0)
    e2 = _dot(h, w4_ref[...]) + b4_ref[...]
    hw = (_dot_tl(ea_ref[...], va_ref[...]) + _dot(e1, vb_ref[...])
          + _dot(e2, vc_ref[...]) + c1_ref[...])
    hw = jnp.maximum(hw, 0.0)
    hw = jnp.maximum(_dot(hw, v2_ref[...]) + c2_ref[...], 0.0)
    hw = jnp.maximum(_dot(hw, v3_ref[...]) + c3_ref[...], 0.0)
    out_ref[...] = jax.nn.sigmoid(_dot(hw, v4_ref[...]) + c4_ref[...])


def _edge_final(g, e1, ea_t, weights, blk=2560):
    ne = g.shape[0]
    return pl.pallas_call(
        _edge_final_body,
        grid=(ne // blk,),
        in_specs=[pl.BlockSpec((blk, HP), lambda i: (i, 0)),
                  pl.BlockSpec((blk, HP), lambda i: (i, 0)),
                  pl.BlockSpec((DE, blk), lambda i: (0, i))]
                 + [_full(w) for w in weights],
        out_specs=pl.BlockSpec((blk, 1), lambda i: (i, 0)),
        out_shape=jax.ShapeDtypeStruct((ne, 1), F32),
    )(g, e1, ea_t, *weights)



def kernel(x, edge_index, edge_attr, params):
    dst2 = edge_index[1].reshape(E // CH, CH)
    src2 = edge_index[0].reshape(E // CH, CH)
    ea_t = edge_attr.T
    eat_a, eat_b = ea_t[:, :E_A], ea_t[:, E_A:]
    zeros = jnp.zeros((N, DE), F32)

    def padc(w):
        return jnp.concatenate(
            [w, jnp.zeros(w.shape[:-1] + (HP - w.shape[-1],), w.dtype)], -1)

    def padr(w):
        return jnp.concatenate(
            [w, jnp.zeros((HP - w.shape[0],) + w.shape[1:], w.dtype)], 0)

    (r1w1, r1b1), (r1w2, r1b2), (r1w3, r1b3), (r1w4, r1b4) = params['r1']
    (o1w1, o1b1), (o1w2, o1b2), (o1w3, o1b3), (o1w4, o1b4) = params['o1']
    (r2w1, r2b1), (r2w2, r2b2), (r2w3, r2b3), (r2w4, r2b4) = params['r2']
    (ww1, wb1), (ww2, wb2), (ww3, wb3), (ww4, wb4) = params['w']

    a1, b1 = _node_project(x, padc(r1w1[:DN]), padc(r1w1[DN:2 * DN]))
    g1a = _gather_sum_kernel(NCH_A, 0)(a1, b1, dst2, src2)
    g1b = _gather_sum_kernel(NCH_B, ROWS_A)(a1, b1, dst2, src2)
    r1ws = (padc(r1w1[2 * DN:]), padc(r1b1[None]), padr(r1w2), r1b2[None],
            r1w3, r1b3[None], padc(r1w4), padc(r1b4[None]))
    e1a = _edge_mlp(g1a, eat_a, r1ws)
    e1b = _edge_mlp(g1b, eat_b, r1ws)
    agg2 = _scatter_add_kernel(NCH_A, NCH_B)(e1a, e1b, dst2, zeros)

    a2, b2 = _node_fused(x, agg2,
                         (o1w1[:DN], o1w1[DN:], o1b1[None], o1w2, o1b2[None],
                          o1w3, o1b3[None], o1w4, o1b4[None],
                          padc(r2w1[:DN]), padc(r2w1[DN:2 * DN])))

    g2a = _gather_sum_kernel(NCH_A, 0)(a2, b2, dst2, src2)
    g2b = _gather_sum_kernel(NCH_B, ROWS_A)(a2, b2, dst2, src2)
    weights = (padr(padc(r2w1[2 * DN:])), padc(r2b1[None]), padr(r2w2),
               r2b2[None], r2w3, r2b3[None], r2w4, r2b4[None],
               ww1[:DE], padr(ww1[DE:2 * DE]), ww1[2 * DE:],
               wb1[None], ww2, wb2[None], ww3, wb3[None], ww4, wb4[None])
    out_a = _edge_final(g2a, e1a, eat_a, weights)
    out_b = _edge_final(g2b, e1b, eat_b, weights)
    return jnp.concatenate([out_a, out_b], axis=0)

# --- scband reference (transcript-rebuilt; emitter-appended) ---
"""Pipeline reference for scband-tcn-15564961480881 (READ-ONLY COPY).

The authoritative reference and input builder live on the scoring server;
editing this copy changes nothing except your own understanding.
"""

import jax, jax.numpy as jnp
import numpy as np

N_NODES = 10000
N_EDGES = 320000
D_NODE = 128
D_EDGE = 16
HIDDEN = 80


def _init_mlp(key, sizes):
    params = []
    for i in range(len(sizes) - 1):
        key, k1, k2 = jax.random.split(key, 3)
        lim = 1.0 / np.sqrt(sizes[i])
        W = jax.random.uniform(k1, (sizes[i], sizes[i + 1]), minval=-lim, maxval=lim, dtype=jnp.float32)
        b = jax.random.uniform(k2, (sizes[i + 1],), minval=-lim, maxval=lim, dtype=jnp.float32)
        params.append((W, b))
    return params


def _mlp(params, x):
    n = len(params)
    for i, (W, b) in enumerate(params):
        x = x @ W + b
        if i < n - 1:
            x = jax.nn.relu(x)
    return x


def setup_inputs(seed: int = 0) -> dict:
    key = jax.random.key(seed)
    ks = jax.random.split(key, 8)
    x = jax.random.normal(ks[0], (N_NODES, D_NODE), dtype=jnp.float32)
    edge_index = jax.random.randint(ks[1], (2, N_EDGES), 0, N_NODES, dtype=jnp.int32)
    edge_attr = jax.random.normal(ks[2], (N_EDGES, D_EDGE), dtype=jnp.float32)
    r_sizes = [2 * D_NODE + D_EDGE, HIDDEN, HIDDEN, HIDDEN, D_EDGE]
    o_sizes = [D_NODE + D_EDGE, HIDDEN, HIDDEN, HIDDEN, D_NODE]
    w_sizes = [3 * D_EDGE, HIDDEN, HIDDEN, HIDDEN, 1]
    params = {
        'r1': _init_mlp(ks[3], r_sizes),
        'o1': _init_mlp(ks[4], o_sizes),
        'r2': _init_mlp(ks[5], r_sizes),
        'o2': _init_mlp(ks[6], o_sizes),
        'w': _init_mlp(ks[7], w_sizes),
    }
    return {'x': x, 'edge_index': edge_index, 'edge_attr': edge_attr, 'params': params}


def _in_layer(rp, op, x, src, dst, edge_attr):
    # PyG flow 'source_to_target': x_i = x[dst], x_j = x[src]
    m = jnp.concatenate([x[dst], x[src], edge_attr], axis=1)
    e = _mlp(rp, m)
    aggr = jnp.zeros((x.shape[0], e.shape[1]), dtype=x.dtype).at[dst].add(e)
    x_new = _mlp(op, jnp.concatenate([x, aggr], axis=1))
    return x_new, e


def reference(x, edge_index, edge_attr, params):
    src = edge_index[0]
    dst = edge_index[1]
    x1, e1 = _in_layer(params['r1'], params['o1'], x, src, dst, edge_attr)
    x2, e2 = _in_layer(params['r2'], params['o2'], x1, src, dst, e1)
    initial_edge_attr = jnp.concatenate([edge_attr, e1, e2], axis=1)
    edge_weights = jax.nn.sigmoid(_mlp(params['w'], initial_edge_attr))
    return edge_weights

if __name__ == "__main__":
    import jax
    _d = setup_inputs()
    print(jax.jit(kernel)(*tuple(_d.values())))

</pallas_src>

<mosaic_0001>
#map = affine_map<(d0, d1) -> (0, 0)>
module attributes {stable_mosaic.version = 14 : i64} {
  func.func @body(%arg0: i32, %arg1: i32, %arg2: memref<10000x128xf32, #tpu.memory_space<hbm>>, %arg3: memref<10000x128xf32, #tpu.memory_space<hbm>>, %arg4: memref<4000x80xi32, #tpu.memory_space<hbm>>, %arg5: memref<4000x80xi32, #tpu.memory_space<hbm>>, %arg6: memref<122880x128xf32, #tpu.memory_space<hbm>>, %arg7: memref<48x80xi32, #tpu.memory_space<vmem>>, %arg8: memref<48x80xi32, #tpu.memory_space<vmem>>, %arg9: memref<80x128xf32, #tpu.memory_space<vmem>>, %arg10: memref<80x128xf32, #tpu.memory_space<vmem>>, %arg11: memref<80x128xf32, #tpu.memory_space<vmem>>, %arg12: memref<80x128xf32, #tpu.memory_space<vmem>>, %arg13: memref<!tpu.dma_semaphore, #tpu.memory_space<semaphore_mem>>, %arg14: memref<!tpu.dma_semaphore, #tpu.memory_space<semaphore_mem>>) attributes {dimension_semantics = [#tpu.dimension_semantics<core_parallel>, #tpu.dimension_semantics<subcore_parallel>], iteration_bounds = array<i64: 2, 16>, scalar_prefetch = 0 : i64, scratch_operands = 8 : i64, tpu.core_type = #tpu.core_type<sc_vector_subcore>, window_params = [{transform_indices = #map}, {transform_indices = #map}, {transform_indices = #map}, {transform_indices = #map}, {transform_indices = #map}]} {
    %mul3A = arith.constant 2 : i32
    %mul3A_0 = arith.muli %arg1, %mul3A : i32
    %add3A = arith.addi %mul3A_0, %arg0 : i32
    %mul3A_1 = arith.constant 48 : i32
    %mul3A_2 = arith.muli %add3A, %mul3A_1 : i32
    %add3A_3 = arith.constant 2464 : i32
    %add3A_4 = arith.addi %add3A_3, %mul3A_2 : i32
    "tpu.region"() ({
      %run_scoped3A = tpu.sem_alloc : memref<!tpu.dma_semaphore, #tpu.memory_space<semaphore_mem>>
      %dma_start3A_39 = arith.constant 0 : i32
      %dma_start3A_40 = tpu.memref_slice %arg4[%add3A_4, %dma_start3A_39] : memref<4000x80xi32, #tpu.memory_space<hbm>> -> memref<48x80xi32, #tpu.memory_space<hbm>>
      %dma_start3A_41 = arith.constant 0 : i32
      %dma_start3A_42 = tpu.memref_slice %arg4[%add3A_4, %dma_start3A_41] : memref<4000x80xi32, #tpu.memory_space<hbm>> -> memref<48x80xi32, #tpu.memory_space<hbm>>
      tpu.enqueue_dma source(%dma_start3A_42 : memref<48x80xi32, #tpu.memory_space<hbm>>) target(%arg7 : memref<48x80xi32, #tpu.memory_space<vmem>>) target_semaphore(%run_scoped3A : memref<!tpu.dma_semaphore, #tpu.memory_space<semaphore_mem>>)
      %dma_wait3A = arith.constant 0 : i32
      %dma_wait3A_43 = tpu.memref_slice %arg4[%add3A_4, %dma_wait3A] : memref<4000x80xi32, #tpu.memory_space<hbm>> -> memref<48x80xi32, #tpu.memory_space<hbm>>
      %dma_wait3A_44 = arith.constant 0 : i32
      %dma_wait3A_45 = tpu.memref_slice %arg4[%add3A_4, %dma_wait3A_44] : memref<4000x80xi32, #tpu.memory_space<hbm>> -> memref<48x80xi32, #tpu.memory_space<hbm>>
      tpu.wait_dma2 semaphore(%run_scoped3A : memref<!tpu.dma_semaphore, #tpu.memory_space<semaphore_mem>>) src(%dma_wait3A_45 : memref<48x80xi32, #tpu.memory_space<hbm>>) dst(%arg7 : memref<48x80xi32, #tpu.memory_space<vmem>>)
      tpu.yield
    }) : () -> ()
    "tpu.region"() ({
      %run_scoped3A = tpu.sem_alloc : memref<!tpu.dma_semaphore, #tpu.memory_space<semaphore_mem>>
      %dma_start3A_39 = arith.constant 0 : i32
      %dma_start3A_40 = tpu.memref_slice %arg5[%add3A_4, %dma_start3A_39] : memref<4000x80xi32, #tpu.memory_space<hbm>> -> memref<48x80xi32, #tpu.memory_space<hbm>>
      %dma_start3A_41 = arith.constant 0 : i32
      %dma_start3A_42 = tpu.memref_slice %arg5[%add3A_4, %dma_start3A_41] : memref<4000x80xi32, #tpu.memory_space<hbm>> -> memref<48x80xi32, #tpu.memory_space<hbm>>
      tpu.enqueue_dma source(%dma_start3A_42 : memref<48x80xi32, #tpu.memory_space<hbm>>) target(%arg8 : memref<48x80xi32, #tpu.memory_space<vmem>>) target_semaphore(%run_scoped3A : memref<!tpu.dma_semaphore, #tpu.memory_space<semaphore_mem>>)
      %dma_wait3A = arith.constant 0 : i32
      %dma_wait3A_43 = tpu.memref_slice %arg5[%add3A_4, %dma_wait3A] : memref<4000x80xi32, #tpu.memory_space<hbm>> -> memref<48x80xi32, #tpu.memory_space<hbm>>
      %dma_wait3A_44 = arith.constant 0 : i32
      %dma_wait3A_45 = tpu.memref_slice %arg5[%add3A_4, %dma_wait3A_44] : memref<4000x80xi32, #tpu.memory_space<hbm>> -> memref<48x80xi32, #tpu.memory_space<hbm>>
      tpu.wait_dma2 semaphore(%run_scoped3A : memref<!tpu.dma_semaphore, #tpu.memory_space<semaphore_mem>>) src(%dma_wait3A_45 : memref<48x80xi32, #tpu.memory_space<hbm>>) dst(%arg8 : memref<48x80xi32, #tpu.memory_space<vmem>>)
      tpu.yield
    }) : () -> ()
    %mul3A_5 = arith.constant 3840 : i32
    %mul3A_6 = arith.muli %add3A, %mul3A_5 : i32
    %dma_start3A = arith.constant 0 : i32
    %dma_start3A_7 = arith.constant 0 : i32
    %dma_start3A_8 = tpu.memref_slice %arg7[%dma_start3A, %dma_start3A_7] : memref<48x80xi32, #tpu.memory_space<vmem>> -> memref<1x80xi32, #tpu.memory_space<vmem>>
    %dma_start3A_9 = tpu.memref_squeeze %dma_start3A_8 : memref<1x80xi32, #tpu.memory_space<vmem>> -> memref<80xi32, #tpu.memory_space<vmem>>
    %dma_start3A_10 = arith.constant 0 : i32
    %dma_start3A_11 = arith.constant 0 : i32
    %dma_start3A_12 = tpu.memref_slice %arg2[%dma_start3A_10, %dma_start3A_11] : memref<10000x128xf32, #tpu.memory_space<hbm>> -> memref<10000x128xf32, #tpu.memory_space<hbm>>
    tpu.enqueue_indirect_dma source(%dma_start3A_12 : memref<10000x128xf32, #tpu.memory_space<hbm>>) target(%arg9 : memref<80x128xf32, #tpu.memory_space<vmem>>) offsets(%dma_start3A_9 : memref<80xi32, #tpu.memory_space<vmem>>) semaphore(%arg13 : memref<!tpu.dma_semaphore, #tpu.memory_space<semaphore_mem>>)
    %dma_start3A_13 = arith.constant 0 : i32
    %dma_start3A_14 = arith.constant 0 : i32
    %dma_start3A_15 = tpu.memref_slice %arg8[%dma_start3A_13, %dma_start3A_14] : memref<48x80xi32, #tpu.memory_space<vmem>> -> memref<1x80xi32, #tpu.memory_space<vmem>>
    %dma_start3A_16 = tpu.memref_squeeze %dma_start3A_15 : memref<1x80xi32, #tpu.memory_space<vmem>> -> memref<80xi32, #tpu.memory_space<vmem>>
    %dma_start3A_17 = arith.constant 0 : i32
    %dma_start3A_18 = arith.constant 0 : i32
    %dma_start3A_19 = tpu.memref_slice %arg3[%dma_start3A_17, %dma_start3A_18] : memref<10000x128xf32, #tpu.memory_space<hbm>> -> memref<10000x128xf32, #tpu.memory_space<hbm>>
    tpu.enqueue_indirect_dma source(%dma_start3A_19 : memref<10000x128xf32, #tpu.memory_space<hbm>>) target(%arg10 : memref<80x128xf32, #tpu.memory_space<vmem>>) offsets(%dma_start3A_16 : memref<80xi32, #tpu.memory_space<vmem>>) semaphore(%arg13 : memref<!tpu.dma_semaphore, #tpu.memory_space<semaphore_mem>>)
    %dma_start3A_20 = arith.constant 1 : i32
    %dma_start3A_21 = arith.constant 0 : i32
    %dma_start3A_22 = tpu.memref_slice %arg7[%dma_start3A_20, %dma_start3A_21] : memref<48x80xi32, #tpu.memory_space<vmem>> -> memref<1x80xi32, #tpu.memory_space<vmem>>
    %dma_start3A_23 = tpu.memref_squeeze %dma_start3A_22 : memref<1x80xi32, #tpu.memory_space<vmem>> -> memref<80xi32, #tpu.memory_space<vmem>>
    %dma_start3A_24 = arith.constant 0 : i32
    %dma_start3A_25 = arith.constant 0 : i32
    %dma_start3A_26 = tpu.memref_slice %arg2[%dma_start3A_24, %dma_start3A_25] : memref<10000x128xf32, #tpu.memory_space<hbm>> -> memref<10000x128xf32, #tpu.memory_space<hbm>>
    tpu.enqueue_indirect_dma source(%dma_start3A_26 : memref<10000x128xf32, #tpu.memory_space<hbm>>) target(%arg11 : memref<80x128xf32, #tpu.memory_space<vmem>>) offsets(%dma_start3A_23 : memref<80xi32, #tpu.memory_space<vmem>>) semaphore(%arg14 : memref<!tpu.dma_semaphore, #tpu.memory_space<semaphore_mem>>)
    %dma_start3A_27 = arith.constant 1 : i32
    %dma_start3A_28 = arith.constant 0 : i32
    %dma_start3A_29 = tpu.memref_slice %arg8[%dma_start3A_27, %dma_start3A_28] : memref<48x80xi32, #tpu.memory_space<vmem>> -> memref<1x80xi32, #tpu.memory_space<vmem>>
    %dma_start3A_30 = tpu.memref_squeeze %dma_start3A_29 : memref<1x80xi32, #tpu.memory_space<vmem>> -> memref<80xi32, #tpu.memory_space<vmem>>
    %dma_start3A_31 = arith.constant 0 : i32
    %dma_start3A_32 = arith.constant 0 : i32
    %dma_start3A_33 = tpu.memref_slice %arg3[%dma_start3A_31, %dma_start3A_32] : memref<10000x128xf32, #tpu.memory_space<hbm>> -> memref<10000x128xf32, #tpu.memory_space<hbm>>
    tpu.enqueue_indirect_dma source(%dma_start3A_33 : memref<10000x128xf32, #tpu.memory_space<hbm>>) target(%arg12 : memref<80x128xf32, #tpu.memory_space<vmem>>) offsets(%dma_start3A_30 : memref<80xi32, #tpu.memory_space<vmem>>) semaphore(%arg14 : memref<!tpu.dma_semaphore, #tpu.memory_space<semaphore_mem>>)
    %scan3A = arith.constant 0 : i32
    %scan3A_34 = arith.constant 0 : i32
    %scan3A_35 = arith.constant 24 : i32
    %scan3A_36 = arith.addi %scan3A_34, %scan3A_35 : i32
    %scan3A_37 = arith.constant 1 : i32
    scf.for %scan3A_39 = %scan3A_34 to %scan3A_36 step %scan3A_37  : i32 {
      %mul3A_40 = arith.constant 2 : i32
      %mul3A_41 = arith.muli %mul3A_40, %scan3A_39 : i32
      %dma_wait3A = arith.constant 0 : i32
      %dma_wait3A_42 = arith.constant 0 : i32
      %dma_wait3A_43 = tpu.memref_slice %arg7[%dma_wait3A, %dma_wait3A_42] : memref<48x80xi32, #tpu.memory_space<vmem>> -> memref<1x80xi32, #tpu.memory_space<vmem>>
      %dma_wait3A_44 = tpu.memref_squeeze %dma_wait3A_43 : memref<1x80xi32, #tpu.memory_space<vmem>> -> memref<80xi32, #tpu.memory_space<vmem>>
      %dma_wait3A_45 = arith.constant 0 : i32
      %dma_wait3A_46 = arith.constant 0 : i32
      %dma_wait3A_47 = tpu.memref_slice %arg2[%dma_wait3A_45, %dma_wait3A_46] : memref<10000x128xf32, #tpu.memory_space<hbm>> -> memref<10000x128xf32, #tpu.memory_space<hbm>>
      tpu.wait_indirect_dma semaphore(%arg13 : memref<!tpu.dma_semaphore, #tpu.memory_space<semaphore_mem>>) src(%dma_wait3A_47 : memref<10000x128xf32, #tpu.memory_space<hbm>>) dst(%arg9 : memref<80x128xf32, #tpu.memory_space<vmem>>)
      %dma_wait3A_48 = arith.constant 0 : i32
      %dma_wait3A_49 = arith.constant 0 : i32
      %dma_wait3A_50 = tpu.memref_slice %arg8[%dma_wait3A_48, %dma_wait3A_49] : memref<48x80xi32, #tpu.memory_space<vmem>> -> memref<1x80xi32, #tpu.memory_space<vmem>>
      %dma_wait3A_51 = tpu.memref_squeeze %dma_wait3A_50 : memref<1x80xi32, #tpu.memory_space<vmem>> -> memref<80xi32, #tpu.memory_space<vmem>>
      %dma_wait3A_52 = arith.constant 0 : i32
      %dma_wait3A_53 = arith.constant 0 : i32
      %dma_wait3A_54 = tpu.memref_slice %arg3[%dma_wait3A_52, %dma_wait3A_53] : memref<10000x128xf32, #tpu.memory_space<hbm>> -> memref<10000x128xf32, #tpu.memory_space<hbm>>
      tpu.wait_indirect_dma semaphore(%arg13 : memref<!tpu.dma_semaphore, #tpu.memory_space<semaphore_mem>>) src(%dma_wait3A_54 : memref<10000x128xf32, #tpu.memory_space<hbm>>) dst(%arg10 : memref<80x128xf32, #tpu.memory_space<vmem>>)
      %scan3A_55 = arith.constant 0 : i32
      %scan3A_56 = arith.constant 0 : i32
      %scan3A_57 = arith.constant 80 : i32
      %scan3A_58 = arith.addi %scan3A_56, %scan3A_57 : i32
      %scan3A_59 = arith.constant 1 : i32
      scf.for %scan3A_100 = %scan3A_56 to %scan3A_58 step %scan3A_59  : i32 {
        %get3A = arith.index_cast %scan3A_100 : i32 to index
        %get3A_101 = arith.constant 0 : index
        %get3A_102 = tpu.vector_load %arg9[%get3A, %get3A_101] {strides = array<i32>} : memref<80x128xf32, #tpu.memory_space<vmem>>, vector<1x16xf32>,
        %get3A_103 = vector.shape_cast %get3A_102 : vector<1x16xf32> to vector<16xf32>
        %get3A_104 = arith.index_cast %scan3A_100 : i32 to index
        %get3A_105 = arith.constant 0 : index
        %get3A_106 = tpu.vector_load %arg10[%get3A_104, %get3A_105] {strides = array<i32>} : memref<80x128xf32, #tpu.memory_space<vmem>>, vector<1x16xf32>,
        %get3A_107 = vector.shape_cast %get3A_106 : vector<1x16xf32> to vector<16xf32>
        %add3A_108 = arith.addf %get3A_103, %get3A_107 : vector<16xf32>
        %swap3A = arith.index_cast %scan3A_100 : i32 to index
        %swap3A_109 = arith.constant 0 : index
        %swap3A_110 = tpu.vector_load %arg9[%swap3A, %swap3A_109] {strides = array<i32>} : memref<80x128xf32, #tpu.memory_space<vmem>>, vector<1x16xf32>,
        %swap3A_111 = vector.shape_cast %swap3A_110 : vector<1x16xf32> to vector<16xf32>
        %swap3A_112 = vector.shape_cast %add3A_108 : vector<16xf32> to vector<1x16xf32>
        tpu.vector_store %arg9[%swap3A, %swap3A_109], %swap3A_112 {strides = array<i32>} : memref<80x128xf32, #tpu.memory_space<vmem>>, vector<1x16xf32>,
        %get3A_113 = arith.index_cast %scan3A_100 : i32 to index
        %get3A_114 = arith.constant 16 : index
        %get3A_115 = tpu.vector_load %arg9[%get3A_113, %get3A_114] {strides = array<i32>} : memref<80x128xf32, #tpu.memory_space<vmem>>, vector<1x16xf32>,
        %get3A_116 = vector.shape_cast %get3A_115 : vector<1x16xf32> to vector<16xf32>
        %get3A_117 = arith.index_cast %scan3A_100 : i32 to index
        %get3A_118 = arith.constant 16 : index
        %get3A_119 = tpu.vector_load %arg10[%get3A_117, %get3A_118] {strides = array<i32>} : memref<80x128xf32, #tpu.memory_space<vmem>>, vector<1x16xf32>,
        %get3A_120 = vector.shape_cast %get3A_119 : vector<1x16xf32> to vector<16xf32>
        %add3A_121 = arith.addf %get3A_116, %get3A_120 : vector<16xf32>
        %swap3A_122 = arith.index_cast %scan3A_100 : i32 to index
        %swap3A_123 = arith.constant 16 : index
        %swap3A_124 = tpu.vector_load %arg9[%swap3A_122, %swap3A_123] {strides = array<i32>} : memref<80x128xf32, #tpu.memory_space<vmem>>, vector<1x16xf32>,
        %swap3A_125 = vector.shape_cast %swap3A_124 : vector<1x16xf32> to vector<16xf32>
        %swap3A_126 = vector.shape_cast %add3A_121 : vector<16xf32> to vector<1x16xf32>
        tpu.vector_store %arg9[%swap3A_122, %swap3A_123], %swap3A_126 {strides = array<i32>} : memref<80x128xf32, #tpu.memory_space<vmem>>, vector<1x16xf32>,
        %get3A_127 = arith.index_cast %scan3A_100 : i32 to index
        %get3A_128 = arith.constant 32 : index
        %get3A_129 = tpu.vector_load %arg9[%get3A_127, %get3A_128] {strides = array<i32>} : memref<80x128xf32, #tpu.memory_space<vmem>>, vector<1x16xf32>,
        %get3A_130 = vector.shape_cast %get3A_129 : vector<1x16xf32> to vector<16xf32>
        %get3A_131 = arith.index_cast %scan3A_100 : i32 to index
        %get3A_132 = arith.constant 32 : index
        %get3A_133 = tpu.vector_load %arg10[%get3A_131, %get3A_132] {strides = array<i32>} : memref<80x128xf32, #tpu.memory_space<vmem>>, vector<1x16xf32>,
        %get3A_134 = vector.shape_cast %get3A_133 : vector<1x16xf32> to vector<16xf32>
        %add3A_135 = arith.addf %get3A_130, %get3A_134 : vector<16xf32>
        %swap3A_136 = arith.index_cast %scan3A_100 : i32 to index
        %swap3A_137 = arith.constant 32 : index
        %swap3A_138 = tpu.vector_load %arg9[%swap3A_136, %swap3A_137] {strides = array<i32>} : memref<80x128xf32, #tpu.memory_space<vmem>>, vector<1x16xf32>,
        %swap3A_139 = vector.shape_cast %swap3A_138 : vector<1x16xf32> to vector<16xf32>
        %swap3A_140 = vector.shape_cast %add3A_135 : vector<16xf32> to vector<1x16xf32>
        tpu.vector_store %arg9[%swap3A_136, %swap3A_137], %swap3A_140 {strides = array<i32>} : memref<80x128xf32, #tpu.memory_space<vmem>>, vector<1x16xf32>,
        %get3A_141 = arith.index_cast %scan3A_100 : i32 to index
        %get3A_142 = arith.constant 48 : index
        %get3A_143 = tpu.vector_load %arg9[%get3A_141, %get3A_142] {strides = array<i32>} : memref<80x128xf32, #tpu.memory_space<vmem>>, vector<1x16xf32>,
        %get3A_144 = vector.shape_cast %get3A_143 : vector<1x16xf32> to vector<16xf32>
        %get3A_145 = arith.index_cast %scan3A_100 : i32 to index
        %get3A_146 = arith.constant 48 : index
        %get3A_147 = tpu.vector_load %arg10[%get3A_145, %get3A_146] {strides = array<i32>} : memref<80x128xf32, #tpu.memory_space<vmem>>, vector<1x16xf32>,
        %get3A_148 = vector.shape_cast %get3A_147 : vector<1x16xf32> to vector<16xf32>
        %add3A_149 = arith.addf %get3A_144, %get3A_148 : vector<16xf32>
        %swap3A_150 = arith.index_cast %scan3A_100 : i32 to index
        %swap3A_151 = arith.constant 48 : index
        %swap3A_152 = tpu.vector_load %arg9[%swap3A_150, %swap3A_151] {strides = array<i32>} : memref<80x128xf32, #tpu.memory_space<vmem>>, vector<1x16xf32>,
        %swap3A_153 = vector.shape_cast %swap3A_152 : vector<1x16xf32> to vector<16xf32>
        %swap3A_154 = vector.shape_cast %add3A_149 : vector<16xf32> to vector<1x16xf32>
        tpu.vector_store %arg9[%swap3A_150, %swap3A_151], %swap3A_154 {strides = array<i32>} : memref<80x128xf32, #tpu.memory_space<vmem>>, vector<1x16xf32>,
        %get3A_155 = arith.index_cast %scan3A_100 : i32 to index
        %get3A_156 = arith.constant 64 : index
        %get3A_157 = tpu.vector_load %arg9[%get3A_155, %get3A_156] {strides = array<i32>} : memref<80x128xf32, #tpu.memory_space<vmem>>, vector<1x16xf32>,
        %get3A_158 = vector.shape_cast %get3A_157 : vector<1x16xf32> to vector<16xf32>
        %get3A_159 = arith.index_cast %scan3A_100 : i32 to index
        %get3A_160 = arith.constant 64 : index
        %get3A_161 = tpu.vector_load %arg10[%get3A_159, %get3A_160] {strides = array<i32>} : memref<80x128xf32, #tpu.memory_space<vmem>>, vector<1x16xf32>,
        %get3A_162 = vector.shape_cast %get3A_161 : vector<1x16xf32> to vector<16xf32>
        %add3A_163 = arith.addf %get3A_158, %get3A_162 : vector<16xf32>
        %swap3A_164 = arith.index_cast %scan3A_100 : i32 to index
        %swap3A_165 = arith.constant 64 : index
        %swap3A_166 = tpu.vector_load %arg9[%swap3A_164, %swap3A_165] {strides = array<i32>} : memref<80x128xf32, #tpu.memory_space<vmem>>, vector<1x16xf32>,
        %swap3A_167 = vector.shape_cast %swap3A_166 : vector<1x16xf32> to vector<16xf32>
        %swap3A_168 = vector.shape_cast %add3A_163 : vector<16xf32> to vector<1x16xf32>
        tpu.vector_store %arg9[%swap3A_164, %swap3A_165], %swap3A_168 {strides = array<i32>} : memref<80x128xf32, #tpu.memory_space<vmem>>, vector<1x16xf32>,
        %get3A_169 = arith.index_cast %scan3A_100 : i32 to index
        %get3A_170 = arith.constant 80 : index
        %get3A_171 = tpu.vector_load %arg9[%get3A_169, %get3A_170] {strides = array<i32>} : memref<80x128xf32, #tpu.memory_space<vmem>>, vector<1x16xf32>,
        %get3A_172 = vector.shape_cast %get3A_171 : vector<1x16xf32> to vector<16xf32>
        %get3A_173 = arith.index_cast %scan3A_100 : i32 to index
        %get3A_174 = arith.constant 80 : index
        %get3A_175 = tpu.vector_load %arg10[%get3A_173, %get3A_174] {strides = array<i32>} : memref<80x128xf32, #tpu.memory_space<vmem>>, vector<1x16xf32>,
        %get3A_176 = vector.shape_cast %get3A_175 : vector<1x16xf32> to vector<16xf32>
        %add3A_177 = arith.addf %get3A_172, %get3A_176 : vector<16xf32>
        %swap3A_178 = arith.index_cast %scan3A_100 : i32 to index
        %swap3A_179 = arith.constant 80 : index
        %swap3A_180 = tpu.vector_load %arg9[%swap3A_178, %swap3A_179] {strides = array<i32>} : memref<80x128xf32, #tpu.memory_space<vmem>>, vector<1x16xf32>,
        %swap3A_181 = vector.shape_cast %swap3A_180 : vector<1x16xf32> to vector<16xf32>
        %swap3A_182 = vector.shape_cast %add3A_177 : vector<16xf32> to vector<1x16xf32>
        tpu.vector_store %arg9[%swap3A_178, %swap3A_179], %swap3A_182 {strides = array<i32>} : memref<80x128xf32, #tpu.memory_space<vmem>>, vector<1x16xf32>,
        %get3A_183 = arith.index_cast %scan3A_100 : i32 to index
        %get3A_184 = arith.constant 96 : index
        %get3A_185 = tpu.vector_load %arg9[%get3A_183, %get3A_184] {strides = array<i32>} : memref<80x128xf32, #tpu.memory_space<vmem>>, vector<1x16xf32>,
        %get3A_186 = vector.shape_cast %get3A_185 : vector<1x16xf32> to vector<16xf32>
        %get3A_187 = arith.index_cast %scan3A_100 : i32 to index
        %get3A_188 = arith.constant 96 : index
        %get3A_189 = tpu.vector_load %arg10[%get3A_187, %get3A_188] {strides = array<i32>} : memref<80x128xf32, #tpu.memory_space<vmem>>, vector<1x16xf32>,
        %get3A_190 = vector.shape_cast %get3A_189 : vector<1x16xf32> to vector<16xf32>
        %add3A_191 = arith.addf %get3A_186, %get3A_190 : vector<16xf32>
        %swap3A_192 = arith.index_cast %scan3A_100 : i32 to index
        %swap3A_193 = arith.constant 96 : index
        %swap3A_194 = tpu.vector_load %arg9[%swap3A_192, %swap3A_193] {strides = array<i32>} : memref<80x128xf32, #tpu.memory_space<vmem>>, vector<1x16xf32>,
        %swap3A_195 = vector.shape_cast %swap3A_194 : vector<1x16xf32> to vector<16xf32>
        %swap3A_196 = vector.shape_cast %add3A_191 : vector<16xf32> to vector<1x16xf32>
        tpu.vector_store %arg9[%swap3A_192, %swap3A_193], %swap3A_196 {strides = array<i32>} : memref<80x128xf32, #tpu.memory_space<vmem>>, vector<1x16xf32>,
        %get3A_197 = arith.index_cast %scan3A_100 : i32 to index
        %get3A_198 = arith.constant 112 : index
        %get3A_199 = tpu.vector_load %arg9[%get3A_197, %get3A_198] {strides = array<i32>} : memref<80x128xf32, #tpu.memory_space<vmem>>, vector<1x16xf32>,
        %get3A_200 = vector.shape_cast %get3A_199 : vector<1x16xf32> to vector<16xf32>
        %get3A_201 = arith.index_cast %scan3A_100 : i32 to index
        %get3A_202 = arith.constant 112 : index
        %get3A_203 = tpu.vector_load %arg10[%get3A_201, %get3A_202] {strides = array<i32>} : memref<80x128xf32, #tpu.memory_space<vmem>>, vector<1x16xf32>,
        %get3A_204 = vector.shape_cast %get3A_203 : vector<1x16xf32> to vector<16xf32>
        %add3A_205 = arith.addf %get3A_200, %get3A_204 : vector<16xf32>
        %swap3A_206 = arith.index_cast %scan3A_100 : i32 to index
        %swap3A_207 = arith.constant 112 : index
        %swap3A_208 = tpu.vector_load %arg9[%swap3A_206, %swap3A_207] {strides = array<i32>} : memref<80x128xf32, #tpu.memory_space<vmem>>, vector<1x16xf32>,
        %swap3A_209 = vector.shape_cast %swap3A_208 : vector<1x16xf32> to vector<16xf32>
        %swap3A_210 = vector.shape_cast %add3A_205 : vector<16xf32> to vector<1x16xf32>
        tpu.vector_store %arg9[%swap3A_206, %swap3A_207], %swap3A_210 {strides = array<i32>} : memref<80x128xf32, #tpu.memory_space<vmem>>, vector<1x16xf32>,
      }
      %scan3A_60 = arith.constant 80 : i32
      %mul3A_61 = arith.constant 80 : i32
      %mul3A_62 = arith.muli %mul3A_41, %mul3A_61 : i32
      %add3A_63 = arith.addi %mul3A_6, %mul3A_62 : i32
      "tpu.region"() ({
        %run_scoped3A = tpu.sem_alloc : memref<!tpu.dma_semaphore, #tpu.memory_space<semaphore_mem>>
        %dma_start3A_100 = arith.constant 0 : i32
        %dma_start3A_101 = tpu.memref_slice %arg6[%add3A_63, %dma_start3A_100] : memref<122880x128xf32, #tpu.memory_space<hbm>> -> memref<80x128xf32, #tpu.memory_space<hbm>>
        %dma_start3A_102 = arith.constant 0 : i32
        %dma_start3A_103 = tpu.memref_slice %arg6[%add3A_63, %dma_start3A_102] : memref<122880x128xf32, #tpu.memory_space<hbm>> -> memref<80x128xf32, #tpu.memory_space<hbm>>
        tpu.enqueue_dma source(%arg9 : memref<80x128xf32, #tpu.memory_space<vmem>>) target(%dma_start3A_103 : memref<80x128xf32, #tpu.memory_space<hbm>>) target_semaphore(%run_scoped3A : memref<!tpu.dma_semaphore, #tpu.memory_space<semaphore_mem>>)
        %dma_wait3A_104 = arith.constant 0 : i32
        %dma_wait3A_105 = tpu.memref_slice %arg6[%add3A_63, %dma_wait3A_104] : memref<122880x128xf32, #tpu.memory_space<hbm>> -> memref<80x128xf32, #tpu.memory_space<hbm>>
        %dma_wait3A_106 = arith.constant 0 : i32
        %dma_wait3A_107 = tpu.memref_slice %arg6[%add3A_63, %dma_wait3A_106] : memref<122880x128xf32, #tpu.memory_space<hbm>> -> memref<80x128xf32, #tpu.memory_space<hbm>>
        tpu.wait_dma2 semaphore(%run_scoped3A : memref<!tpu.dma_semaphore, #tpu.memory_space<semaphore_mem>>) src(%arg9 : memref<80x128xf32, #tpu.memory_space<vmem>>) dst(%dma_wait3A_107 : memref<80x128xf32, #tpu.memory_space<hbm>>)
        tpu.yield
      }) : () -> ()
      %add3A_64 = arith.constant 2 : i32
      %add3A_65 = arith.addi %mul3A_41, %add3A_64 : i32
      %lt3A = arith.constant 48 : i32
      %lt3A_66 = arith.cmpi slt, %add3A_65, %lt3A : i32
      %convert_element_type3A = arith.extui %lt3A_66 : i1 to i32
      %cond3A = arith.constant 0 : i32
      %cond3A_67 = arith.cmpi ne, %convert_element_type3A, %cond3A : i32
      scf.if %cond3A_67 {
        %add3A_100 = arith.constant 2 : i32
        %add3A_101 = arith.addi %mul3A_41, %add3A_100 : i32
        %dma_start3A_102 = arith.constant 0 : i32
        %dma_start3A_103 = tpu.memref_slice %arg7[%add3A_101, %dma_start3A_102] : memref<48x80xi32, #tpu.memory_space<vmem>> -> memref<1x80xi32, #tpu.memory_space<vmem>>
        %dma_start3A_104 = tpu.memref_squeeze %dma_start3A_103 : memref<1x80xi32, #tpu.memory_space<vmem>> -> memref<80xi32, #tpu.memory_space<vmem>>
        %dma_start3A_105 = arith.constant 0 : i32
        %dma_start3A_106 = arith.constant 0 : i32
        %dma_start3A_107 = tpu.memref_slice %arg2[%dma_start3A_105, %dma_start3A_106] : memref<10000x128xf32, #tpu.memory_space<hbm>> -> memref<10000x128xf32, #tpu.memory_space<hbm>>
        tpu.enqueue_indirect_dma source(%dma_start3A_107 : memref<10000x128xf32, #tpu.memory_space<hbm>>) target(%arg9 : memref<80x128xf32, #tpu.memory_space<vmem>>) offsets(%dma_start3A_104 : memref<80xi32, #tpu.memory_space<vmem>>) semaphore(%arg13 : memref<!tpu.dma_semaphore, #tpu.memory_space<semaphore_mem>>)
        %dma_start3A_108 = arith.constant 0 : i32
        %dma_start3A_109 = tpu.memref_slice %arg8[%add3A_101, %dma_start3A_108] : memref<48x80xi32, #tpu.memory_space<vmem>> -> memref<1x80xi32, #tpu.memory_space<vmem>>
        %dma_start3A_110 = tpu.memref_squeeze %dma_start3A_109 : memref<1x80xi32, #tpu.memory_space<vmem>> -> memref<80xi32, #tpu.memory_space<vmem>>
        %dma_start3A_111 = arith.constant 0 : i32
        %dma_start3A_112 = arith.constant 0 : i32
        %dma_start3A_113 = tpu.memref_slice %arg3[%dma_start3A_111, %dma_start3A_112] : memref<10000x128xf32, #tpu.memory_space<hbm>> -> memref<10000x128xf32, #tpu.memory_space<hbm>>
        tpu.enqueue_indirect_dma source(%dma_start3A_113 : memref<10000x128xf32, #tpu.memory_space<hbm>>) target(%arg10 : memref<80x128xf32, #tpu.memory_space<vmem>>) offsets(%dma_start3A_110 : memref<80xi32, #tpu.memory_space<vmem>>) semaphore(%arg13 : memref<!tpu.dma_semaphore, #tpu.memory_space<semaphore_mem>>)
      } else {
      }
      %dma_wait3A_68 = arith.constant 0 : i32
      %dma_wait3A_69 = arith.constant 0 : i32
      %dma_wait3A_70 = tpu.memref_slice %arg7[%dma_wait3A_68, %dma_wait3A_69] : memref<48x80xi32, #tpu.memory_space<vmem>> -> memref<1x80xi32, #tpu.memory_space<vmem>>
      %dma_wait3A_71 = tpu.memref_squeeze %dma_wait3A_70 : memref<1x80xi32, #tpu.memory_space<vmem>> -> memref<80xi32, #tpu.memory_space<vmem>>
      %dma_wait3A_72 = arith.constant 0 : i32
      %dma_wait3A_73 = arith.constant 0 : i32
      %dma_wait3A_74 = tpu.memref_slice %arg2[%dma_wait3A_72, %dma_wait3A_73] : memref<10000x128xf32, #tpu.memory_space<hbm>> -> memref<10000x128xf32, #tpu.memory_space<hbm>>
      tpu.wait_indirect_dma semaphore(%arg14 : memref<!tpu.dma_semaphore, #tpu.memory_space<semaphore_mem>>) src(%dma_wait3A_74 : memref<10000x128xf32, #tpu.memory_space<hbm>>) dst(%arg11 : memref<80x128xf32, #tpu.memory_space<vmem>>)
      %dma_wait3A_75 = arith.constant 0 : i32
      %dma_wait3A_76 = arith.constant 0 : i32
      %dma_wait3A_77 = tpu.memref_slice %arg8[%dma_wait3A_75, %dma_wait3A_76] : memref<48x80xi32, #tpu.memory_space<vmem>> -> memref<1x80xi32, #tpu.memory_space<vmem>>
      %dma_wait3A_78 = tpu.memref_squeeze %dma_wait3A_77 : memref<1x80xi32, #tpu.memory_space<vmem>> -> memref<80xi32, #tpu.memory_space<vmem>>
      %dma_wait3A_79 = arith.constant 0 : i32
      %dma_wait3A_80 = arith.constant 0 : i32
      %dma_wait3A_81 = tpu.memref_slice %arg3[%dma_wait3A_79, %dma_wait3A_80] : memref<10000x128xf32, #tpu.memory_space<hbm>> -> memref<10000x128xf32, #tpu.memory_space<hbm>>
      tpu.wait_indirect_dma semaphore(%arg14 : memref<!tpu.dma_semaphore, #tpu.memory_space<semaphore_mem>>) src(%dma_wait3A_81 : memref<10000x128xf32, #tpu.memory_space<hbm>>) dst(%arg12 : memref<80x128xf32, #tpu.memory_space<vmem>>)
      %add3A_82 = arith.constant 1 : i32
      %add3A_83 = arith.addi %mul3A_41, %add3A_82 : i32
      %scan3A_84 = arith.constant 0 : i32
      %scan3A_85 = arith.constant 0 : i32
      %scan3A_86 = arith.constant 80 : i32
      %scan3A_87 = arith.addi %scan3A_85, %scan3A_86 : i32
      %scan3A_88 = arith.constant 1 : i32
      scf.for %scan3A_100 = %scan3A_85 to %scan3A_87 step %scan3A_88  : i32 {
        %get3A = arith.index_cast %scan3A_100 : i32 to index
        %get3A_101 = arith.constant 0 : index
        %get3A_102 = tpu.vector_load %arg11[%get3A, %get3A_101] {strides = array<i32>} : memref<80x128xf32, #tpu.memory_space<vmem>>, vector<1x16xf32>,
        %get3A_103 = vector.shape_cast %get3A_102 : vector<1x16xf32> to vector<16xf32>
        %get3A_104 = arith.index_cast %scan3A_100 : i32 to index
        %get3A_105 = arith.constant 0 : index
        %get3A_106 = tpu.vector_load %arg12[%get3A_104, %get3A_105] {strides = array<i32>} : memref<80x128xf32, #tpu.memory_space<vmem>>, vector<1x16xf32>,
        %get3A_107 = vector.shape_cast %get3A_106 : vector<1x16xf32> to vector<16xf32>
        %add3A_108 = arith.addf %get3A_103, %get3A_107 : vector<16xf32>
        %swap3A = arith.index_cast %scan3A_100 : i32 to index
        %swap3A_109 = arith.constant 0 : index
        %swap3A_110 = tpu.vector_load %arg11[%swap3A, %swap3A_109] {strides = array<i32>} : memref<80x128xf32, #tpu.memory_space<vmem>>, vector<1x16xf32>,
        %swap3A_111 = vector.shape_cast %swap3A_110 : vector<1x16xf32> to vector<16xf32>
        %swap3A_112 = vector.shape_cast %add3A_108 : vector<16xf32> to vector<1x16xf32>
        tpu.vector_store %arg11[%swap3A, %swap3A_109], %swap3A_112 {strides = array<i32>} : memref<80x128xf32, #tpu.memory_space<vmem>>, vector<1x16xf32>,
        %get3A_113 = arith.index_cast %scan3A_100 : i32 to index
        %get3A_114 = arith.constant 16 : index
        %get3A_115 = tpu.vector_load %arg11[%get3A_113, %get3A_114] {strides = array<i32>} : memref<80x128xf32, #tpu.memory_space<vmem>>, vector<1x16xf32>,
        %get3A_116 = vector.shape_cast %get3A_115 : vector<1x16xf32> to vector<16xf32>
        %get3A_117 = arith.index_cast %scan3A_100 : i32 to index
        %get3A_118 = arith.constant 16 : index
        %get3A_119 = tpu.vector_load %arg12[%get3A_117, %get3A_118] {strides = array<i32>} : memref<80x128xf32, #tpu.memory_space<vmem>>, vector<1x16xf32>,
        %get3A_120 = vector.shape_cast %get3A_119 : vector<1x16xf32> to vector<16xf32>
        %add3A_121 = arith.addf %get3A_116, %get3A_120 : vector<16xf32>
        %swap3A_122 = arith.index_cast %scan3A_100 : i32 to index
        %swap3A_123 = arith.constant 16 : index
        %swap3A_124 = tpu.vector_load %arg11[%swap3A_122, %swap3A_123] {strides = array<i32>} : memref<80x128xf32, #tpu.memory_space<vmem>>, vector<1x16xf32>,
        %swap3A_125 = vector.shape_cast %swap3A_124 : vector<1x16xf32> to vector<16xf32>
        %swap3A_126 = vector.shape_cast %add3A_121 : vector<16xf32> to vector<1x16xf32>
        tpu.vector_store %arg11[%swap3A_122, %swap3A_123], %swap3A_126 {strides = array<i32>} : memref<80x128xf32, #tpu.memory_space<vmem>>, vector<1x16xf32>,
        %get3A_127 = arith.index_cast %scan3A_100 : i32 to index
        %get3A_128 = arith.constant 32 : index
        %get3A_129 = tpu.vector_load %arg11[%get3A_127, %get3A_128] {strides = array<i32>} : memref<80x128xf32, #tpu.memory_space<vmem>>, vector<1x16xf32>,
        %get3A_130 = vector.shape_cast %get3A_129 : vector<1x16xf32> to vector<16xf32>
        %get3A_131 = arith.index_cast %scan3A_100 : i32 to index
        %get3A_132 = arith.constant 32 : index
        %get3A_133 = tpu.vector_load %arg12[%get3A_131, %get3A_132] {strides = array<i32>} : memref<80x128xf32, #tpu.memory_space<vmem>>, vector<1x16xf32>,
        %get3A_134 = vector.shape_cast %get3A_133 : vector<1x16xf32> to vector<16xf32>
        %add3A_135 = arith.addf %get3A_130, %get3A_134 : vector<16xf32>
        %swap3A_136 = arith.index_cast %scan3A_100 : i32 to index
        %swap3A_137 = arith.constant 32 : index
        %swap3A_138 = tpu.vector_load %arg11[%swap3A_136, %swap3A_137] {strides = array<i32>} : memref<80x128xf32, #tpu.memory_space<vmem>>, vector<1x16xf32>,
        %swap3A_139 = vector.shape_cast %swap3A_138 : vector<1x16xf32> to vector<16xf32>
        %swap3A_140 = vector.shape_cast %add3A_135 : vector<16xf32> to vector<1x16xf32>
        tpu.vector_store %arg11[%swap3A_136, %swap3A_137], %swap3A_140 {strides = array<i32>} : memref<80x128xf32, #tpu.memory_space<vmem>>, vector<1x16xf32>,
        %get3A_141 = arith.index_cast %scan3A_100 : i32 to index
        %get3A_142 = arith.constant 48 : index
        %get3A_143 = tpu.vector_load %arg11[%get3A_141, %get3A_142] {strides = array<i32>} : memref<80x128xf32, #tpu.memory_space<vmem>>, vector<1x16xf32>,
        %get3A_144 = vector.shape_cast %get3A_143 : vector<1x16xf32> to vector<16xf32>
        %get3A_145 = arith.index_cast %scan3A_100 : i32 to index
        %get3A_146 = arith.constant 48 : index
        %get3A_147 = tpu.vector_load %arg12[%get3A_145, %get3A_146] {strides = array<i32>} : memref<80x128xf32, #tpu.memory_space<vmem>>, vector<1x16xf32>,
        %get3A_148 = vector.shape_cast %get3A_147 : vector<1x16xf32> to vector<16xf32>
        %add3A_149 = arith.addf %get3A_144, %get3A_148 : vector<16xf32>
        %swap3A_150 = arith.index_cast %scan3A_100 : i32 to index
        %swap3A_151 = arith.constant 48 : index
        %swap3A_152 = tpu.vector_load %arg11[%swap3A_150, %swap3A_151] {strides = array<i32>} : memref<80x128xf32, #tpu.memory_space<vmem>>, vector<1x16xf32>,
        %swap3A_153 = vector.shape_cast %swap3A_152 : vector<1x16xf32> to vector<16xf32>
        %swap3A_154 = vector.shape_cast %add3A_149 : vector<16xf32> to vector<1x16xf32>
        tpu.vector_store %arg11[%swap3A_150, %swap3A_151], %swap3A_154 {strides = array<i32>} : memref<80x128xf32, #tpu.memory_space<vmem>>, vector<1x16xf32>,
        %get3A_155 = arith.index_cast %scan3A_100 : i32 to index
        %get3A_156 = arith.constant 64 : index
        %get3A_157 = tpu.vector_load %arg11[%get3A_155, %get3A_156] {strides = array<i32>} : memref<80x128xf32, #tpu.memory_space<vmem>>, vector<1x16xf32>,
        %get3A_158 = vector.shape_cast %get3A_157 : vector<1x16xf32> to vector<16xf32>
        %get3A_159 = arith.index_cast %scan3A_100 : i32 to index
        %get3A_160 = arith.constant 64 : index
        %get3A_161 = tpu.vector_load %arg12[%get3A_159, %get3A_160] {strides = array<i32>} : memref<80x128xf32, #tpu.memory_space<vmem>>, vector<1x16xf32>,
        %get3A_162 = vector.shape_cast %get3A_161 : vector<1x16xf32> to vector<16xf32>
        %add3A_163 = arith.addf %get3A_158, %get3A_162 : vector<16xf32>
        %swap3A_164 = arith.index_cast %scan3A_100 : i32 to index
        %swap3A_165 = arith.constant 64 : index
        %swap3A_166 = tpu.vector_load %arg11[%swap3A_164, %swap3A_165] {strides = array<i32>} : memref<80x128xf32, #tpu.memory_space<vmem>>, vector<1x16xf32>,
        %swap3A_167 = vector.shape_cast %swap3A_166 : vector<1x16xf32> to vector<16xf32>
        %swap3A_168 = vector.shape_cast %add3A_163 : vector<16xf32> to vector<1x16xf32>
        tpu.vector_store %arg11[%swap3A_164, %swap3A_165], %swap3A_168 {strides = array<i32>} : memref<80x128xf32, #tpu.memory_space<vmem>>, vector<1x16xf32>,
        %get3A_169 = arith.index_cast %scan3A_100 : i32 to index
        %get3A_170 = arith.constant 80 : index
        %get3A_171 = tpu.vector_load %arg11[%get3A_169, %get3A_170] {strides = array<i32>} : memref<80x128xf32, #tpu.memory_space<vmem>>, vector<1x16xf32>,
        %get3A_172 = vector.shape_cast %get3A_171 : vector<1x16xf32> to vector<16xf32>
        %get3A_173 = arith.index_cast %scan3A_100 : i32 to index
        %get3A_174 = arith.constant 80 : index
        %get3A_175 = tpu.vector_load %arg12[%get3A_173, %get3A_174] {strides = array<i32>} : memref<80x128xf32, #tpu.memory_space<vmem>>, vector<1x16xf32>,
        %get3A_176 = vector.shape_cast %get3A_175 : vector<1x16xf32> to vector<16xf32>
        %add3A_177 = arith.addf %get3A_172, %get3A_176 : vector<16xf32>
        %swap3A_178 = arith.index_cast %scan3A_100 : i32 to index
        %swap3A_179 = arith.constant 80 : index
        %swap3A_180 = tpu.vector_load %arg11[%swap3A_178, %swap3A_179] {strides = array<i32>} : memref<80x128xf32, #tpu.memory_space<vmem>>, vector<1x16xf32>,
        %swap3A_181 = vector.shape_cast %swap3A_180 : vector<1x16xf32> to vector<16xf32>
        %swap3A_182 = vector.shape_cast %add3A_177 : vector<16xf32> to vector<1x16xf32>
        tpu.vector_store %arg11[%swap3A_178, %swap3A_179], %swap3A_182 {strides = array<i32>} : memref<80x128xf32, #tpu.memory_space<vmem>>, vector<1x16xf32>,
        %get3A_183 = arith.index_cast %scan3A_100 : i32 to index
        %get3A_184 = arith.constant 96 : index
        %get3A_185 = tpu.vector_load %arg11[%get3A_183, %get3A_184] {strides = array<i32>} : memref<80x128xf32, #tpu.memory_space<vmem>>, vector<1x16xf32>,
        %get3A_186 = vector.shape_cast %get3A_185 : vector<1x16xf32> to vector<16xf32>
        %get3A_187 = arith.index_cast %scan3A_100 : i32 to index
        %get3A_188 = arith.constant 96 : index
        %get3A_189 = tpu.vector_load %arg12[%get3A_187, %get3A_188] {strides = array<i32>} : memref<80x128xf32, #tpu.memory_space<vmem>>, vector<1x16xf32>,
        %get3A_190 = vector.shape_cast %get3A_189 : vector<1x16xf32> to vector<16xf32>
        %add3A_191 = arith.addf %get3A_186, %get3A_190 : vector<16xf32>
        %swap3A_192 = arith.index_cast %scan3A_100 : i32 to index
        %swap3A_193 = arith.constant 96 : index
        %swap3A_194 = tpu.vector_load %arg11[%swap3A_192, %swap3A_193] {strides = array<i32>} : memref<80x128xf32, #tpu.memory_space<vmem>>, vector<1x16xf32>,
        %swap3A_195 = vector.shape_cast %swap3A_194 : vector<1x16xf32> to vector<16xf32>
        %swap3A_196 = vector.shape_cast %add3A_191 : vector<16xf32> to vector<1x16xf32>
        tpu.vector_store %arg11[%swap3A_192, %swap3A_193], %swap3A_196 {strides = array<i32>} : memref<80x128xf32, #tpu.memory_space<vmem>>, vector<1x16xf32>,
        %get3A_197 = arith.index_cast %scan3A_100 : i32 to index
        %get3A_198 = arith.constant 112 : index
        %get3A_199 = tpu.vector_load %arg11[%get3A_197, %get3A_198] {strides = array<i32>} : memref<80x128xf32, #tpu.memory_space<vmem>>, vector<1x16xf32>,
        %get3A_200 = vector.shape_cast %get3A_199 : vector<1x16xf32> to vector<16xf32>
        %get3A_201 = arith.index_cast %scan3A_100 : i32 to index
        %get3A_202 = arith.constant 112 : index
        %get3A_203 = tpu.vector_load %arg12[%get3A_201, %get3A_202] {strides = array<i32>} : memref<80x128xf32, #tpu.memory_space<vmem>>, vector<1x16xf32>,
        %get3A_204 = vector.shape_cast %get3A_203 : vector<1x16xf32> to vector<16xf32>
        %add3A_205 = arith.addf %get3A_200, %get3A_204 : vector<16xf32>
        %swap3A_206 = arith.index_cast %scan3A_100 : i32 to index
        %swap3A_207 = arith.constant 112 : index
        %swap3A_208 = tpu.vector_load %arg11[%swap3A_206, %swap3A_207] {strides = array<i32>} : memref<80x128xf32, #tpu.memory_space<vmem>>, vector<1x16xf32>,
        %swap3A_209 = vector.shape_cast %swap3A_208 : vector<1x16xf32> to vector<16xf32>
        %swap3A_210 = vector.shape_cast %add3A_205 : vector<16xf32> to vector<1x16xf32>
        tpu.vector_store %arg11[%swap3A_206, %swap3A_207], %swap3A_210 {strides = array<i32>} : memref<80x128xf32, #tpu.memory_space<vmem>>, vector<1x16xf32>,
      }
      %scan3A_89 = arith.constant 80 : i32
      %mul3A_90 = arith.constant 80 : i32
      %mul3A_91 = arith.muli %add3A_83, %mul3A_90 : i32
      %add3A_92 = arith.addi %mul3A_6, %mul3A_91 : i32
      "tpu.region"() ({
        %run_scoped3A = tpu.sem_alloc : memref<!tpu.dma_semaphore, #tpu.memory_space<semaphore_mem>>
        %dma_start3A_100 = arith.constant 0 : i32
        %dma_start3A_101 = tpu.memref_slice %arg6[%add3A_92, %dma_start3A_100] : memref<122880x128xf32, #tpu.memory_space<hbm>> -> memref<80x128xf32, #tpu.memory_space<hbm>>
        %dma_start3A_102 = arith.constant 0 : i32
        %dma_start3A_103 = tpu.memref_slice %arg6[%add3A_92, %dma_start3A_102] : memref<122880x128xf32, #tpu.memory_space<hbm>> -> memref<80x128xf32, #tpu.memory_space<hbm>>
        tpu.enqueue_dma source(%arg11 : memref<80x128xf32, #tpu.memory_space<vmem>>) target(%dma_start3A_103 : memref<80x128xf32, #tpu.memory_space<hbm>>) target_semaphore(%run_scoped3A : memref<!tpu.dma_semaphore, #tpu.memory_space<semaphore_mem>>)
        %dma_wait3A_104 = arith.constant 0 : i32
        %dma_wait3A_105 = tpu.memref_slice %arg6[%add3A_92, %dma_wait3A_104] : memref<122880x128xf32, #tpu.memory_space<hbm>> -> memref<80x128xf32, #tpu.memory_space<hbm>>
        %dma_wait3A_106 = arith.constant 0 : i32
        %dma_wait3A_107 = tpu.memref_slice %arg6[%add3A_92, %dma_wait3A_106] : memref<122880x128xf32, #tpu.memory_space<hbm>> -> memref<80x128xf32, #tpu.memory_space<hbm>>
        tpu.wait_dma2 semaphore(%run_scoped3A : memref<!tpu.dma_semaphore, #tpu.memory_space<semaphore_mem>>) src(%arg11 : memref<80x128xf32, #tpu.memory_space<vmem>>) dst(%dma_wait3A_107 : memref<80x128xf32, #tpu.memory_space<hbm>>)
        tpu.yield
      }) : () -> ()
      %add3A_93 = arith.constant 3 : i32
      %add3A_94 = arith.addi %mul3A_41, %add3A_93 : i32
      %lt3A_95 = arith.constant 48 : i32
      %lt3A_96 = arith.cmpi slt, %add3A_94, %lt3A_95 : i32
      %convert_element_type3A_97 = arith.extui %lt3A_96 : i1 to i32
      %cond3A_98 = arith.constant 0 : i32
      %cond3A_99 = arith.cmpi ne, %convert_element_type3A_97, %cond3A_98 : i32
      scf.if %cond3A_99 {
        %add3A_100 = arith.constant 3 : i32
        %add3A_101 = arith.addi %mul3A_41, %add3A_100 : i32
        %dma_start3A_102 = arith.constant 0 : i32
        %dma_start3A_103 = tpu.memref_slice %arg7[%add3A_101, %dma_start3A_102] : memref<48x80xi32, #tpu.memory_space<vmem>> -> memref<1x80xi32, #tpu.memory_space<vmem>>
        %dma_start3A_104 = tpu.memref_squeeze %dma_start3A_103 : memref<1x80xi32, #tpu.memory_space<vmem>> -> memref<80xi32, #tpu.memory_space<vmem>>
        %dma_start3A_105 = arith.constant 0 : i32
        %dma_start3A_106 = arith.constant 0 : i32
        %dma_start3A_107 = tpu.memref_slice %arg2[%dma_start3A_105, %dma_start3A_106] : memref<10000x128xf32, #tpu.memory_space<hbm>> -> memref<10000x128xf32, #tpu.memory_space<hbm>>
        tpu.enqueue_indirect_dma source(%dma_start3A_107 : memref<10000x128xf32, #tpu.memory_space<hbm>>) target(%arg11 : memref<80x128xf32, #tpu.memory_space<vmem>>) offsets(%dma_start3A_104 : memref<80xi32, #tpu.memory_space<vmem>>) semaphore(%arg14 : memref<!tpu.dma_semaphore, #tpu.memory_space<semaphore_mem>>)
        %dma_start3A_108 = arith.constant 0 : i32
        %dma_start3A_109 = tpu.memref_slice %arg8[%add3A_101, %dma_start3A_108] : memref<48x80xi32, #tpu.memory_space<vmem>> -> memref<1x80xi32, #tpu.memory_space<vmem>>
        %dma_start3A_110 = tpu.memref_squeeze %dma_start3A_109 : memref<1x80xi32, #tpu.memory_space<vmem>> -> memref<80xi32, #tpu.memory_space<vmem>>
        %dma_start3A_111 = arith.constant 0 : i32
        %dma_start3A_112 = arith.constant 0 : i32
        %dma_start3A_113 = tpu.memref_slice %arg3[%dma_start3A_111, %dma_start3A_112] : memref<10000x128xf32, #tpu.memory_space<hbm>> -> memref<10000x128xf32, #tpu.memory_space<hbm>>
        tpu.enqueue_indirect_dma source(%dma_start3A_113 : memref<10000x128xf32, #tpu.memory_space<hbm>>) target(%arg12 : memref<80x128xf32, #tpu.memory_space<vmem>>) offsets(%dma_start3A_110 : memref<80xi32, #tpu.memory_space<vmem>>) semaphore(%arg14 : memref<!tpu.dma_semaphore, #tpu.memory_space<semaphore_mem>>)
      } else {
      }
    }
    %scan3A_38 = arith.constant 24 : i32
    return
  }
}

#map = affine_map<(d0, d1) -> (0, 0)>
#map1 = affine_map<(d0, d1) -> (0, 0, 0)>
module attributes {stable_mosaic.version = 14 : i64} {
  func.func @body(%arg0: i32, %arg1: i32, %arg2: memref<197120x128xf32, #tpu.memory_space<hbm>>, %arg3: memref<122880x128xf32, #tpu.memory_space<hbm>>, %arg4: memref<4000x80xi32, #tpu.memory_space<hbm>>, %arg5: memref<10000x16xf32, #tpu.memory_space<hbm>>, %arg6: memref<2x10000x16xf32, #tpu.memory_space<hbm>>, %arg7: memref<77x80xi32, #tpu.memory_space<vmem>>, %arg8: memref<48x80xi32, #tpu.memory_space<vmem>>, %arg9: memref<80x16xf32, #tpu.memory_space<vmem>>, %arg10: memref<80x16xf32, #tpu.memory_space<vmem>>, %arg11: memref<10000x16xf32, #tpu.memory_space<vmem_shared>>, %arg12: memref<!tpu.dma_semaphore, #tpu.memory_space<semaphore_mem>>, %arg13: memref<!tpu.dma_semaphore, #tpu.memory_space<semaphore_mem>>) attributes {dimension_semantics = [#tpu.dimension_semantics<core_parallel>, #tpu.dimension_semantics<subcore_parallel>], iteration_bounds = array<i64: 2, 16>, scalar_prefetch = 0 : i64, scratch_operands = 7 : i64, tpu.core_type = #tpu.core_type<sc_vector_subcore>, window_params = [{transform_indices = #map}, {transform_indices = #map}, {transform_indices = #map}, {transform_indices = #map}, {transform_indices = #map1}]} {
    %mul3A = arith.constant 2 : i32
    %mul3A_0 = arith.muli %arg1, %mul3A : i32
    %add3A = arith.addi %mul3A_0, %arg0 : i32
    %eq3A = arith.constant 0 : i32
    %eq3A_1 = arith.cmpi eq, %arg1, %eq3A : i32
    %convert_element_type3A = arith.extui %eq3A_1 : i1 to i32
    %cond3A = arith.constant 0 : i32
    %cond3A_2 = arith.cmpi ne, %convert_element_type3A, %cond3A : i32
    scf.if %cond3A_2 {
      "tpu.region"() ({
        %run_scoped3A_62 = tpu.sem_alloc : memref<!tpu.dma_semaphore, #tpu.memory_space<semaphore_mem>>
        tpu.enqueue_dma source(%arg5 : memref<10000x16xf32, #tpu.memory_space<hbm>>) target(%arg11 : memref<10000x16xf32, #tpu.memory_space<vmem_shared>>) target_semaphore(%run_scoped3A_62 : memref<!tpu.dma_semaphore, #tpu.memory_space<semaphore_mem>>)
        tpu.wait_dma2 semaphore(%run_scoped3A_62 : memref<!tpu.dma_semaphore, #tpu.memory_space<semaphore_mem>>) src(%arg5 : memref<10000x16xf32, #tpu.memory_space<hbm>>) dst(%arg11 : memref<10000x16xf32, #tpu.memory_space<vmem_shared>>)
        tpu.yield
      }) : () -> ()
    } else {
    }
    %barrier3A = arith.constant 0 : index
    tpu.barrier barrier_id(%barrier3A)
    %mul3A_3 = arith.constant 77 : i32
    %mul3A_4 = arith.muli %add3A, %mul3A_3 : i32
    "tpu.region"() ({
      %run_scoped3A_62 = tpu.sem_alloc : memref<!tpu.dma_semaphore, #tpu.memory_space<semaphore_mem>>
      %dma_start3A_63 = arith.constant 0 : i32
      %dma_start3A_64 = tpu.memref_slice %arg4[%mul3A_4, %dma_start3A_63] : memref<4000x80xi32, #tpu.memory_space<hbm>> -> memref<77x80xi32, #tpu.memory_space<hbm>>
      %dma_start3A_65 = arith.constant 0 : i32
      %dma_start3A_66 = tpu.memref_slice %arg4[%mul3A_4, %dma_start3A_65] : memref<4000x80xi32, #tpu.memory_space<hbm>> -> memref<77x80xi32, #tpu.memory_space<hbm>>
      tpu.enqueue_dma source(%dma_start3A_66 : memref<77x80xi32, #tpu.memory_space<hbm>>) target(%arg7 : memref<77x80xi32, #tpu.memory_space<vmem>>) target_semaphore(%run_scoped3A_62 : memref<!tpu.dma_semaphore, #tpu.memory_space<semaphore_mem>>)
      %dma_wait3A_67 = arith.constant 0 : i32
      %dma_wait3A_68 = tpu.memref_slice %arg4[%mul3A_4, %dma_wait3A_67] : memref<4000x80xi32, #tpu.memory_space<hbm>> -> memref<77x80xi32, #tpu.memory_space<hbm>>
      %dma_wait3A_69 = arith.constant 0 : i32
      %dma_wait3A_70 = tpu.memref_slice %arg4[%mul3A_4, %dma_wait3A_69] : memref<4000x80xi32, #tpu.memory_space<hbm>> -> memref<77x80xi32, #tpu.memory_space<hbm>>
      tpu.wait_dma2 semaphore(%run_scoped3A_62 : memref<!tpu.dma_semaphore, #tpu.memory_space<semaphore_mem>>) src(%dma_wait3A_70 : memref<77x80xi32, #tpu.memory_space<hbm>>) dst(%arg7 : memref<77x80xi32, #tpu.memory_space<vmem>>)
      tpu.yield
    }) : () -> ()
    %mul3A_5 = arith.constant 48 : i32
    %mul3A_6 = arith.muli %add3A, %mul3A_5 : i32
    %add3A_7 = arith.constant 2464 : i32
    %add3A_8 = arith.addi %add3A_7, %mul3A_6 : i32
    "tpu.region"() ({
      %run_scoped3A_62 = tpu.sem_alloc : memref<!tpu.dma_semaphore, #tpu.memory_space<semaphore_mem>>
      %dma_start3A_63 = arith.constant 0 : i32
      %dma_start3A_64 = tpu.memref_slice %arg4[%add3A_8, %dma_start3A_63] : memref<4000x80xi32, #tpu.memory_space<hbm>> -> memref<48x80xi32, #tpu.memory_space<hbm>>
      %dma_start3A_65 = arith.constant 0 : i32
      %dma_start3A_66 = tpu.memref_slice %arg4[%add3A_8, %dma_start3A_65] : memref<4000x80xi32, #tpu.memory_space<hbm>> -> memref<48x80xi32, #tpu.memory_space<hbm>>
      tpu.enqueue_dma source(%dma_start3A_66 : memref<48x80xi32, #tpu.memory_space<hbm>>) target(%arg8 : memref<48x80xi32, #tpu.memory_space<vmem>>) target_semaphore(%run_scoped3A_62 : memref<!tpu.dma_semaphore, #tpu.memory_space<semaphore_mem>>)
      %dma_wait3A_67 = arith.constant 0 : i32
      %dma_wait3A_68 = tpu.memref_slice %arg4[%add3A_8, %dma_wait3A_67] : memref<4000x80xi32, #tpu.memory_space<hbm>> -> memref<48x80xi32, #tpu.memory_space<hbm>>
      %dma_wait3A_69 = arith.constant 0 : i32
      %dma_wait3A_70 = tpu.memref_slice %arg4[%add3A_8, %dma_wait3A_69] : memref<4000x80xi32, #tpu.memory_space<hbm>> -> memref<48x80xi32, #tpu.memory_space<hbm>>
      tpu.wait_dma2 semaphore(%run_scoped3A_62 : memref<!tpu.dma_semaphore, #tpu.memory_space<semaphore_mem>>) src(%dma_wait3A_70 : memref<48x80xi32, #tpu.memory_space<hbm>>) dst(%arg8 : memref<48x80xi32, #tpu.memory_space<vmem>>)
      tpu.yield
    }) : () -> ()
    %mul3A_9 = arith.constant 77 : i32
    %mul3A_10 = arith.muli %add3A, %mul3A_9 : i32
    %mul3A_11 = arith.constant 80 : i32
    %mul3A_12 = arith.muli %mul3A_10, %mul3A_11 : i32
    %add3A_13 = arith.constant 0 : i32
    %add3A_14 = arith.addi %mul3A_12, %add3A_13 : i32
    %dma_start3A = arith.constant 0 : i32
    %dma_start3A_15 = tpu.memref_slice %arg2[%add3A_14, %dma_start3A] : memref<197120x128xf32, #tpu.memory_space<hbm>> -> memref<80x16xf32, #tpu.memory_space<hbm>>
    %dma_start3A_16 = arith.constant 0 : i32
    %dma_start3A_17 = tpu.memref_slice %arg2[%add3A_14, %dma_start3A_16] : memref<197120x128xf32, #tpu.memory_space<hbm>> -> memref<80x16xf32, #tpu.memory_space<hbm>>
    tpu.enqueue_dma source(%dma_start3A_17 : memref<80x16xf32, #tpu.memory_space<hbm>>) target(%arg9 : memref<80x16xf32, #tpu.memory_space<vmem>>) target_semaphore(%arg12 : memref<!tpu.dma_semaphore, #tpu.memory_space<semaphore_mem>>)
    %add3A_18 = arith.constant 80 : i32
    %add3A_19 = arith.addi %mul3A_12, %add3A_18 : i32
    %dma_start3A_20 = arith.constant 0 : i32
    %dma_start3A_21 = tpu.memref_slice %arg2[%add3A_19, %dma_start3A_20] : memref<197120x128xf32, #tpu.memory_space<hbm>> -> memref<80x16xf32, #tpu.memory_space<hbm>>
    %dma_start3A_22 = arith.constant 0 : i32
    %dma_start3A_23 = tpu.memref_slice %arg2[%add3A_19, %dma_start3A_22] : memref<197120x128xf32, #tpu.memory_space<hbm>> -> memref<80x16xf32, #tpu.memory_space<hbm>>
    tpu.enqueue_dma source(%dma_start3A_23 : memref<80x16xf32, #tpu.memory_space<hbm>>) target(%arg10 : memref<80x16xf32, #tpu.memory_space<vmem>>) target_semaphore(%arg13 : memref<!tpu.dma_semaphore, #tpu.memory_space<semaphore_mem>>)
    %scan3A = arith.constant 0 : i32
    %scan3A_24 = arith.constant 0 : i32
    %scan3A_25 = arith.constant 38 : i32
    %scan3A_26 = arith.addi %scan3A_24, %scan3A_25 : i32
    %scan3A_27 = arith.constant 1 : i32
    scf.for %scan3A_62 = %scan3A_24 to %scan3A_26 step %scan3A_27  : i32 {
      %mul3A_63 = arith.constant 2 : i32
      %mul3A_64 = arith.muli %mul3A_63, %scan3A_62 : i32
      %dma_wait3A_65 = arith.constant 0 : i32
      %dma_wait3A_66 = arith.constant 0 : i32
      %dma_wait3A_67 = tpu.memref_slice %arg2[%dma_wait3A_65, %dma_wait3A_66] : memref<197120x128xf32, #tpu.memory_space<hbm>> -> memref<80x16xf32, #tpu.memory_space<hbm>>
      %dma_wait3A_68 = arith.constant 0 : i32
      %dma_wait3A_69 = arith.constant 0 : i32
      %dma_wait3A_70 = tpu.memref_slice %arg2[%dma_wait3A_68, %dma_wait3A_69] : memref<197120x128xf32, #tpu.memory_space<hbm>> -> memref<80x16xf32, #tpu.memory_space<hbm>>
      tpu.wait_dma2 semaphore(%arg12 : memref<!tpu.dma_semaphore, #tpu.memory_space<semaphore_mem>>) src(%dma_wait3A_70 : memref<80x16xf32, #tpu.memory_space<hbm>>) dst(%arg9 : memref<80x16xf32, #tpu.memory_space<vmem>>)
      "tpu.region"() ({
        %run_scoped3A_92 = tpu.sem_alloc : memref<!tpu.dma_semaphore, #tpu.memory_space<semaphore_mem>>
        %dma_start3A_93 = arith.constant 0 : i32
        %dma_start3A_94 = tpu.memref_slice %arg7[%mul3A_64, %dma_start3A_93] : memref<77x80xi32, #tpu.memory_space<vmem>> -> memref<1x80xi32, #tpu.memory_space<vmem>>
        %dma_start3A_95 = tpu.memref_squeeze %dma_start3A_94 : memref<1x80xi32, #tpu.memory_space<vmem>> -> memref<80xi32, #tpu.memory_space<vmem>>
        %dma_start3A_96 = arith.constant 0 : i32
        %dma_start3A_97 = arith.constant 0 : i32
        %dma_start3A_98 = tpu.memref_slice %arg11[%dma_start3A_96, %dma_start3A_97] : memref<10000x16xf32, #tpu.memory_space<vmem_shared>> -> memref<10000x16xf32, #tpu.memory_space<vmem_shared>>
        tpu.enqueue_indirect_dma source(%arg9 : memref<80x16xf32, #tpu.memory_space<vmem>>) target(%dma_start3A_98 : memref<10000x16xf32, #tpu.memory_space<vmem_shared>>) offsets(%dma_start3A_95 : memref<80xi32, #tpu.memory_space<vmem>>) semaphore(%run_scoped3A_92 : memref<!tpu.dma_semaphore, #tpu.memory_space<semaphore_mem>>) {add = true}
        %dma_wait3A_99 = arith.constant 0 : i32
        %dma_wait3A_100 = tpu.memref_slice %arg7[%mul3A_64, %dma_wait3A_99] : memref<77x80xi32, #tpu.memory_space<vmem>> -> memref<1x80xi32, #tpu.memory_space<vmem>>
        %dma_wait3A_101 = tpu.memref_squeeze %dma_wait3A_100 : memref<1x80xi32, #tpu.memory_space<vmem>> -> memref<80xi32, #tpu.memory_space<vmem>>
        %dma_wait3A_102 = arith.constant 0 : i32
        %dma_wait3A_103 = arith.constant 0 : i32
        %dma_wait3A_104 = tpu.memref_slice %arg11[%dma_wait3A_102, %dma_wait3A_103] : memref<10000x16xf32, #tpu.memory_space<vmem_shared>> -> memref<10000x16xf32, #tpu.memory_space<vmem_shared>>
        tpu.wait_indirect_dma semaphore(%run_scoped3A_92 : memref<!tpu.dma_semaphore, #tpu.memory_space<semaphore_mem>>) src(%arg9 : memref<80x16xf32, #tpu.memory_space<vmem>>) dst(%dma_wait3A_104 : memref<10000x16xf32, #tpu.memory_space<vmem_shared>>)
        tpu.yield
      }) : () -> ()
      %add3A_71 = arith.constant 2 : i32
      %add3A_72 = arith.addi %mul3A_64, %add3A_71 : i32
      %lt3A = arith.constant 77 : i32
      %lt3A_73 = arith.cmpi slt, %add3A_72, %lt3A : i32
      %convert_element_type3A_74 = arith.extui %lt3A_73 : i1 to i32
      %cond3A_75 = arith.constant 0 : i32
      %cond3A_76 = arith.cmpi ne, %convert_element_type3A_74, %cond3A_75 : i32
      scf.if %cond3A_76 {
        %add3A_92 = arith.constant 2 : i32
        %add3A_93 = arith.addi %mul3A_64, %add3A_92 : i32
        %mul3A_94 = arith.constant 80 : i32
        %mul3A_95 = arith.muli %add3A_93, %mul3A_94 : i32
        %add3A_96 = arith.addi %mul3A_12, %mul3A_95 : i32
        %dma_start3A_97 = arith.constant 0 : i32
        %dma_start3A_98 = tpu.memref_slice %arg2[%add3A_96, %dma_start3A_97] : memref<197120x128xf32, #tpu.memory_space<hbm>> -> memref<80x16xf32, #tpu.memory_space<hbm>>
        %dma_start3A_99 = arith.constant 0 : i32
        %dma_start3A_100 = tpu.memref_slice %arg2[%add3A_96, %dma_start3A_99] : memref<197120x128xf32, #tpu.memory_space<hbm>> -> memref<80x16xf32, #tpu.memory_space<hbm>>
        tpu.enqueue_dma source(%dma_start3A_100 : memref<80x16xf32, #tpu.memory_space<hbm>>) target(%arg9 : memref<80x16xf32, #tpu.memory_space<vmem>>) target_semaphore(%arg12 : memref<!tpu.dma_semaphore, #tpu.memory_space<semaphore_mem>>)
      } else {
      }
      %dma_wait3A_77 = arith.constant 0 : i32
      %dma_wait3A_78 = arith.constant 0 : i32
      %dma_wait3A_79 = tpu.memref_slice %arg2[%dma_wait3A_77, %dma_wait3A_78] : memref<197120x128xf32, #tpu.memory_space<hbm>> -> memref<80x16xf32, #tpu.memory_space<hbm>>
      %dma_wait3A_80 = arith.constant 0 : i32
      %dma_wait3A_81 = arith.constant 0 : i32
      %dma_wait3A_82 = tpu.memref_slice %arg2[%dma_wait3A_80, %dma_wait3A_81] : memref<197120x128xf32, #tpu.memory_space<hbm>> -> memref<80x16xf32, #tpu.memory_space<hbm>>
      tpu.wait_dma2 semaphore(%arg13 : memref<!tpu.dma_semaphore, #tpu.memory_space<semaphore_mem>>) src(%dma_wait3A_82 : memref<80x16xf32, #tpu.memory_space<hbm>>) dst(%arg10 : memref<80x16xf32, #tpu.memory_space<vmem>>)
      %add3A_83 = arith.constant 1 : i32
      %add3A_84 = arith.addi %mul3A_64, %add3A_83 : i32
      "tpu.region"() ({
        %run_scoped3A_92 = tpu.sem_alloc : memref<!tpu.dma_semaphore, #tpu.memory_space<semaphore_mem>>
        %dma_start3A_93 = arith.constant 0 : i32
        %dma_start3A_94 = tpu.memref_slice %arg7[%add3A_84, %dma_start3A_93] : memref<77x80xi32, #tpu.memory_space<vmem>> -> memref<1x80xi32, #tpu.memory_space<vmem>>
        %dma_start3A_95 = tpu.memref_squeeze %dma_start3A_94 : memref<1x80xi32, #tpu.memory_space<vmem>> -> memref<80xi32, #tpu.memory_space<vmem>>
        %dma_start3A_96 = arith.constant 0 : i32
        %dma_start3A_97 = arith.constant 0 : i32
        %dma_start3A_98 = tpu.memref_slice %arg11[%dma_start3A_96, %dma_start3A_97] : memref<10000x16xf32, #tpu.memory_space<vmem_shared>> -> memref<10000x16xf32, #tpu.memory_space<vmem_shared>>
        tpu.enqueue_indirect_dma source(%arg10 : memref<80x16xf32, #tpu.memory_space<vmem>>) target(%dma_start3A_98 : memref<10000x16xf32, #tpu.memory_space<vmem_shared>>) offsets(%dma_start3A_95 : memref<80xi32, #tpu.memory_space<vmem>>) semaphore(%run_scoped3A_92 : memref<!tpu.dma_semaphore, #tpu.memory_space<semaphore_mem>>) {add = true}
        %dma_wait3A_99 = arith.constant 0 : i32
        %dma_wait3A_100 = tpu.memref_slice %arg7[%add3A_84, %dma_wait3A_99] : memref<77x80xi32, #tpu.memory_space<vmem>> -> memref<1x80xi32, #tpu.memory_space<vmem>>
        %dma_wait3A_101 = tpu.memref_squeeze %dma_wait3A_100 : memref<1x80xi32, #tpu.memory_space<vmem>> -> memref<80xi32, #tpu.memory_space<vmem>>
        %dma_wait3A_102 = arith.constant 0 : i32
        %dma_wait3A_103 = arith.constant 0 : i32
        %dma_wait3A_104 = tpu.memref_slice %arg11[%dma_wait3A_102, %dma_wait3A_103] : memref<10000x16xf32, #tpu.memory_space<vmem_shared>> -> memref<10000x16xf32, #tpu.memory_space<vmem_shared>>
        tpu.wait_indirect_dma semaphore(%run_scoped3A_92 : memref<!tpu.dma_semaphore, #tpu.memory_space<semaphore_mem>>) src(%arg10 : memref<80x16xf32, #tpu.memory_space<vmem>>) dst(%dma_wait3A_104 : memref<10000x16xf32, #tpu.memory_space<vmem_shared>>)
        tpu.yield
      }) : () -> ()
      %add3A_85 = arith.constant 3 : i32
      %add3A_86 = arith.addi %mul3A_64, %add3A_85 : i32
      %lt3A_87 = arith.constant 77 : i32
      %lt3A_88 = arith.cmpi slt, %add3A_86, %lt3A_87 : i32
      %convert_element_type3A_89 = arith.extui %lt3A_88 : i1 to i32
      %cond3A_90 = arith.constant 0 : i32
      %cond3A_91 = arith.cmpi ne, %convert_element_type3A_89, %cond3A_90 : i32
      scf.if %cond3A_91 {
        %add3A_92 = arith.constant 3 : i32
        %add3A_93 = arith.addi %mul3A_64, %add3A_92 : i32
        %mul3A_94 = arith.constant 80 : i32
        %mul3A_95 = arith.muli %add3A_93, %mul3A_94 : i32
        %add3A_96 = arith.addi %mul3A_12, %mul3A_95 : i32
        %dma_start3A_97 = arith.constant 0 : i32
        %dma_start3A_98 = tpu.memref_slice %arg2[%add3A_96, %dma_start3A_97] : memref<197120x128xf32, #tpu.memory_space<hbm>> -> memref<80x16xf32, #tpu.memory_space<hbm>>
        %dma_start3A_99 = arith.constant 0 : i32
        %dma_start3A_100 = tpu.memref_slice %arg2[%add3A_96, %dma_start3A_99] : memref<197120x128xf32, #tpu.memory_space<hbm>> -> memref<80x16xf32, #tpu.memory_space<hbm>>
        tpu.enqueue_dma source(%dma_start3A_100 : memref<80x16xf32, #tpu.memory_space<hbm>>) target(%arg10 : memref<80x16xf32, #tpu.memory_space<vmem>>) target_semaphore(%arg13 : memref<!tpu.dma_semaphore, #tpu.memory_space<semaphore_mem>>)
      } else {
      }
    }
    %scan3A_28 = arith.constant 38 : i32
    %dma_wait3A = arith.constant 0 : i32
    %dma_wait3A_29 = arith.constant 0 : i32
    %dma_wait3A_30 = tpu.memref_slice %arg2[%dma_wait3A, %dma_wait3A_29] : memref<197120x128xf32, #tpu.memory_space<hbm>> -> memref<80x16xf32, #tpu.memory_space<hbm>>
    %dma_wait3A_31 = arith.constant 0 : i32
    %dma_wait3A_32 = arith.constant 0 : i32
    %dma_wait3A_33 = tpu.memref_slice %arg2[%dma_wait3A_31, %dma_wait3A_32] : memref<197120x128xf32, #tpu.memory_space<hbm>> -> memref<80x16xf32, #tpu.memory_space<hbm>>
    tpu.wait_dma2 semaphore(%arg12 : memref<!tpu.dma_semaphore, #tpu.memory_space<semaphore_mem>>) src(%dma_wait3A_33 : memref<80x16xf32, #tpu.memory_space<hbm>>) dst(%arg9 : memref<80x16xf32, #tpu.memory_space<vmem>>)
    %run_scoped3A = arith.constant 76 : i32
    "tpu.region"() ({
      %run_scoped3A_62 = tpu.sem_alloc : memref<!tpu.dma_semaphore, #tpu.memory_space<semaphore_mem>>
      %dma_start3A_63 = arith.constant 0 : i32
      %dma_start3A_64 = tpu.memref_slice %arg7[%run_scoped3A, %dma_start3A_63] : memref<77x80xi32, #tpu.memory_space<vmem>> -> memref<1x80xi32, #tpu.memory_space<vmem>>
      %dma_start3A_65 = tpu.memref_squeeze %dma_start3A_64 : memref<1x80xi32, #tpu.memory_space<vmem>> -> memref<80xi32, #tpu.memory_space<vmem>>
      %dma_start3A_66 = arith.constant 0 : i32
      %dma_start3A_67 = arith.constant 0 : i32
      %dma_start3A_68 = tpu.memref_slice %arg11[%dma_start3A_66, %dma_start3A_67] : memref<10000x16xf32, #tpu.memory_space<vmem_shared>> -> memref<10000x16xf32, #tpu.memory_space<vmem_shared>>
      tpu.enqueue_indirect_dma source(%arg9 : memref<80x16xf32, #tpu.memory_space<vmem>>) target(%dma_start3A_68 : memref<10000x16xf32, #tpu.memory_space<vmem_shared>>) offsets(%dma_start3A_65 : memref<80xi32, #tpu.memory_space<vmem>>) semaphore(%run_scoped3A_62 : memref<!tpu.dma_semaphore, #tpu.memory_space<semaphore_mem>>) {add = true}
      %dma_wait3A_69 = arith.constant 0 : i32
      %dma_wait3A_70 = tpu.memref_slice %arg7[%run_scoped3A, %dma_wait3A_69] : memref<77x80xi32, #tpu.memory_space<vmem>> -> memref<1x80xi32, #tpu.memory_space<vmem>>
      %dma_wait3A_71 = tpu.memref_squeeze %dma_wait3A_70 : memref<1x80xi32, #tpu.memory_space<vmem>> -> memref<80xi32, #tpu.memory_space<vmem>>
      %dma_wait3A_72 = arith.constant 0 : i32
      %dma_wait3A_73 = arith.constant 0 : i32
      %dma_wait3A_74 = tpu.memref_slice %arg11[%dma_wait3A_72, %dma_wait3A_73] : memref<10000x16xf32, #tpu.memory_space<vmem_shared>> -> memref<10000x16xf32, #tpu.memory_space<vmem_shared>>
      tpu.wait_indirect_dma semaphore(%run_scoped3A_62 : memref<!tpu.dma_semaphore, #tpu.memory_space<semaphore_mem>>) src(%arg9 : memref<80x16xf32, #tpu.memory_space<vmem>>) dst(%dma_wait3A_74 : memref<10000x16xf32, #tpu.memory_space<vmem_shared>>)
      tpu.yield
    }) : () -> ()
    %mul3A_34 = arith.constant 48 : i32
    %mul3A_35 = arith.muli %add3A, %mul3A_34 : i32
    %mul3A_36 = arith.constant 80 : i32
    %mul3A_37 = arith.muli %mul3A_35, %mul3A_36 : i32
    %add3A_38 = arith.constant 0 : i32
    %add3A_39 = arith.addi %mul3A_37, %add3A_38 : i32
    %dma_start3A_40 = arith.constant 0 : i32
    %dma_start3A_41 = tpu.memref_slice %arg3[%add3A_39, %dma_start3A_40] : memref<122880x128xf32, #tpu.memory_space<hbm>> -> memref<80x16xf32, #tpu.memory_space<hbm>>
    %dma_start3A_42 = arith.constant 0 : i32
    %dma_start3A_43 = tpu.memref_slice %arg3[%add3A_39, %dma_start3A_42] : memref<122880x128xf32, #tpu.memory_space<hbm>> -> memref<80x16xf32, #tpu.memory_space<hbm>>
    tpu.enqueue_dma source(%dma_start3A_43 : memref<80x16xf32, #tpu.memory_space<hbm>>) target(%arg9 : memref<80x16xf32, #tpu.memory_space<vmem>>) target_semaphore(%arg12 : memref<!tpu.dma_semaphore, #tpu.memory_space<semaphore_mem>>)
    %add3A_44 = arith.constant 80 : i32
    %add3A_45 = arith.addi %mul3A_37, %add3A_44 : i32
    %dma_start3A_46 = arith.constant 0 : i32
    %dma_start3A_47 = tpu.memref_slice %arg3[%add3A_45, %dma_start3A_46] : memref<122880x128xf32, #tpu.memory_space<hbm>> -> memref<80x16xf32, #tpu.memory_space<hbm>>
    %dma_start3A_48 = arith.constant 0 : i32
    %dma_start3A_49 = tpu.memref_slice %arg3[%add3A_45, %dma_start3A_48] : memref<122880x128xf32, #tpu.memory_space<hbm>> -> memref<80x16xf32, #tpu.memory_space<hbm>>
    tpu.enqueue_dma source(%dma_start3A_49 : memref<80x16xf32, #tpu.memory_space<hbm>>) target(%arg10 : memref<80x16xf32, #tpu.memory_space<vmem>>) target_semaphore(%arg13 : memref<!tpu.dma_semaphore, #tpu.memory_space<semaphore_mem>>)
    %scan3A_50 = arith.constant 0 : i32
    %scan3A_51 = arith.constant 0 : i32
    %scan3A_52 = arith.constant 24 : i32
    %scan3A_53 = arith.addi %scan3A_51, %scan3A_52 : i32
    %scan3A_54 = arith.constant 1 : i32
    scf.for %scan3A_62 = %scan3A_51 to %scan3A_53 step %scan3A_54  : i32 {
      %mul3A_63 = arith.constant 2 : i32
      %mul3A_64 = arith.muli %mul3A_63, %scan3A_62 : i32
      %dma_wait3A_65 = arith.constant 0 : i32
      %dma_wait3A_66 = arith.constant 0 : i32
      %dma_wait3A_67 = tpu.memref_slice %arg3[%dma_wait3A_65, %dma_wait3A_66] : memref<122880x128xf32, #tpu.memory_space<hbm>> -> memref<80x16xf32, #tpu.memory_space<hbm>>
      %dma_wait3A_68 = arith.constant 0 : i32
      %dma_wait3A_69 = arith.constant 0 : i32
      %dma_wait3A_70 = tpu.memref_slice %arg3[%dma_wait3A_68, %dma_wait3A_69] : memref<122880x128xf32, #tpu.memory_space<hbm>> -> memref<80x16xf32, #tpu.memory_space<hbm>>
      tpu.wait_dma2 semaphore(%arg12 : memref<!tpu.dma_semaphore, #tpu.memory_space<semaphore_mem>>) src(%dma_wait3A_70 : memref<80x16xf32, #tpu.memory_space<hbm>>) dst(%arg9 : memref<80x16xf32, #tpu.memory_space<vmem>>)
      "tpu.region"() ({
        %run_scoped3A_92 = tpu.sem_alloc : memref<!tpu.dma_semaphore, #tpu.memory_space<semaphore_mem>>
        %dma_start3A_93 = arith.constant 0 : i32
        %dma_start3A_94 = tpu.memref_slice %arg8[%mul3A_64, %dma_start3A_93] : memref<48x80xi32, #tpu.memory_space<vmem>> -> memref<1x80xi32, #tpu.memory_space<vmem>>
        %dma_start3A_95 = tpu.memref_squeeze %dma_start3A_94 : memref<1x80xi32, #tpu.memory_space<vmem>> -> memref<80xi32, #tpu.memory_space<vmem>>
        %dma_start3A_96 = arith.constant 0 : i32
        %dma_start3A_97 = arith.constant 0 : i32
        %dma_start3A_98 = tpu.memref_slice %arg11[%dma_start3A_96, %dma_start3A_97] : memref<10000x16xf32, #tpu.memory_space<vmem_shared>> -> memref<10000x16xf32, #tpu.memory_space<vmem_shared>>
        tpu.enqueue_indirect_dma source(%arg9 : memref<80x16xf32, #tpu.memory_space<vmem>>) target(%dma_start3A_98 : memref<10000x16xf32, #tpu.memory_space<vmem_shared>>) offsets(%dma_start3A_95 : memref<80xi32, #tpu.memory_space<vmem>>) semaphore(%run_scoped3A_92 : memref<!tpu.dma_semaphore, #tpu.memory_space<semaphore_mem>>) {add = true}
        %dma_wait3A_99 = arith.constant 0 : i32
        %dma_wait3A_100 = tpu.memref_slice %arg8[%mul3A_64, %dma_wait3A_99] : memref<48x80xi32, #tpu.memory_space<vmem>> -> memref<1x80xi32, #tpu.memory_space<vmem>>
        %dma_wait3A_101 = tpu.memref_squeeze %dma_wait3A_100 : memref<1x80xi32, #tpu.memory_space<vmem>> -> memref<80xi32, #tpu.memory_space<vmem>>
        %dma_wait3A_102 = arith.constant 0 : i32
        %dma_wait3A_103 = arith.constant 0 : i32
        %dma_wait3A_104 = tpu.memref_slice %arg11[%dma_wait3A_102, %dma_wait3A_103] : memref<10000x16xf32, #tpu.memory_space<vmem_shared>> -> memref<10000x16xf32, #tpu.memory_space<vmem_shared>>
        tpu.wait_indirect_dma semaphore(%run_scoped3A_92 : memref<!tpu.dma_semaphore, #tpu.memory_space<semaphore_mem>>) src(%arg9 : memref<80x16xf32, #tpu.memory_space<vmem>>) dst(%dma_wait3A_104 : memref<10000x16xf32, #tpu.memory_space<vmem_shared>>)
        tpu.yield
      }) : () -> ()
      %add3A_71 = arith.constant 2 : i32
      %add3A_72 = arith.addi %mul3A_64, %add3A_71 : i32
      %lt3A = arith.constant 48 : i32
      %lt3A_73 = arith.cmpi slt, %add3A_72, %lt3A : i32
      %convert_element_type3A_74 = arith.extui %lt3A_73 : i1 to i32
      %cond3A_75 = arith.constant 0 : i32
      %cond3A_76 = arith.cmpi ne, %convert_element_type3A_74, %cond3A_75 : i32
      scf.if %cond3A_76 {
        %add3A_92 = arith.constant 2 : i32
        %add3A_93 = arith.addi %mul3A_64, %add3A_92 : i32
        %mul3A_94 = arith.constant 80 : i32
        %mul3A_95 = arith.muli %add3A_93, %mul3A_94 : i32
        %add3A_96 = arith.addi %mul3A_37, %mul3A_95 : i32
        %dma_start3A_97 = arith.constant 0 : i32
        %dma_start3A_98 = tpu.memref_slice %arg3[%add3A_96, %dma_start3A_97] : memref<122880x128xf32, #tpu.memory_space<hbm>> -> memref<80x16xf32, #tpu.memory_space<hbm>>
        %dma_start3A_99 = arith.constant 0 : i32
        %dma_start3A_100 = tpu.memref_slice %arg3[%add3A_96, %dma_start3A_99] : memref<122880x128xf32, #tpu.memory_space<hbm>> -> memref<80x16xf32, #tpu.memory_space<hbm>>
        tpu.enqueue_dma source(%dma_start3A_100 : memref<80x16xf32, #tpu.memory_space<hbm>>) target(%arg9 : memref<80x16xf32, #tpu.memory_space<vmem>>) target_semaphore(%arg12 : memref<!tpu.dma_semaphore, #tpu.memory_space<semaphore_mem>>)
      } else {
      }
      %dma_wait3A_77 = arith.constant 0 : i32
      %dma_wait3A_78 = arith.constant 0 : i32
      %dma_wait3A_79 = tpu.memref_slice %arg3[%dma_wait3A_77, %dma_wait3A_78] : memref<122880x128xf32, #tpu.memory_space<hbm>> -> memref<80x16xf32, #tpu.memory_space<hbm>>
      %dma_wait3A_80 = arith.constant 0 : i32
      %dma_wait3A_81 = arith.constant 0 : i32
      %dma_wait3A_82 = tpu.memref_slice %arg3[%dma_wait3A_80, %dma_wait3A_81] : memref<122880x128xf32, #tpu.memory_space<hbm>> -> memref<80x16xf32, #tpu.memory_space<hbm>>
      tpu.wait_dma2 semaphore(%arg13 : memref<!tpu.dma_semaphore, #tpu.memory_space<semaphore_mem>>) src(%dma_wait3A_82 : memref<80x16xf32, #tpu.memory_space<hbm>>) dst(%arg10 : memref<80x16xf32, #tpu.memory_space<vmem>>)
      %add3A_83 = arith.constant 1 : i32
      %add3A_84 = arith.addi %mul3A_64, %add3A_83 : i32
      "tpu.region"() ({
        %run_scoped3A_92 = tpu.sem_alloc : memref<!tpu.dma_semaphore, #tpu.memory_space<semaphore_mem>>
        %dma_start3A_93 = arith.constant 0 : i32
        %dma_start3A_94 = tpu.memref_slice %arg8[%add3A_84, %dma_start3A_93] : memref<48x80xi32, #tpu.memory_space<vmem>> -> memref<1x80xi32, #tpu.memory_space<vmem>>
        %dma_start3A_95 = tpu.memref_squeeze %dma_start3A_94 : memref<1x80xi32, #tpu.memory_space<vmem>> -> memref<80xi32, #tpu.memory_space<vmem>>
        %dma_start3A_96 = arith.constant 0 : i32
        %dma_start3A_97 = arith.constant 0 : i32
        %dma_start3A_98 = tpu.memref_slice %arg11[%dma_start3A_96, %dma_start3A_97] : memref<10000x16xf32, #tpu.memory_space<vmem_shared>> -> memref<10000x16xf32, #tpu.memory_space<vmem_shared>>
        tpu.enqueue_indirect_dma source(%arg10 : memref<80x16xf32, #tpu.memory_space<vmem>>) target(%dma_start3A_98 : memref<10000x16xf32, #tpu.memory_space<vmem_shared>>) offsets(%dma_start3A_95 : memref<80xi32, #tpu.memory_space<vmem>>) semaphore(%run_scoped3A_92 : memref<!tpu.dma_semaphore, #tpu.memory_space<semaphore_mem>>) {add = true}
        %dma_wait3A_99 = arith.constant 0 : i32
        %dma_wait3A_100 = tpu.memref_slice %arg8[%add3A_84, %dma_wait3A_99] : memref<48x80xi32, #tpu.memory_space<vmem>> -> memref<1x80xi32, #tpu.memory_space<vmem>>
        %dma_wait3A_101 = tpu.memref_squeeze %dma_wait3A_100 : memref<1x80xi32, #tpu.memory_space<vmem>> -> memref<80xi32, #tpu.memory_space<vmem>>
        %dma_wait3A_102 = arith.constant 0 : i32
        %dma_wait3A_103 = arith.constant 0 : i32
        %dma_wait3A_104 = tpu.memref_slice %arg11[%dma_wait3A_102, %dma_wait3A_103] : memref<10000x16xf32, #tpu.memory_space<vmem_shared>> -> memref<10000x16xf32, #tpu.memory_space<vmem_shared>>
        tpu.wait_indirect_dma semaphore(%run_scoped3A_92 : memref<!tpu.dma_semaphore, #tpu.memory_space<semaphore_mem>>) src(%arg10 : memref<80x16xf32, #tpu.memory_space<vmem>>) dst(%dma_wait3A_104 : memref<10000x16xf32, #tpu.memory_space<vmem_shared>>)
        tpu.yield
      }) : () -> ()
      %add3A_85 = arith.constant 3 : i32
      %add3A_86 = arith.addi %mul3A_64, %add3A_85 : i32
      %lt3A_87 = arith.constant 48 : i32
      %lt3A_88 = arith.cmpi slt, %add3A_86, %lt3A_87 : i32
      %convert_element_type3A_89 = arith.extui %lt3A_88 : i1 to i32
      %cond3A_90 = arith.constant 0 : i32
      %cond3A_91 = arith.cmpi ne, %convert_element_type3A_89, %cond3A_90 : i32
      scf.if %cond3A_91 {
        %add3A_92 = arith.constant 3 : i32
        %add3A_93 = arith.addi %mul3A_64, %add3A_92 : i32
        %mul3A_94 = arith.constant 80 : i32
        %mul3A_95 = arith.muli %add3A_93, %mul3A_94 : i32
        %add3A_96 = arith.addi %mul3A_37, %mul3A_95 : i32
        %dma_start3A_97 = arith.constant 0 : i32
        %dma_start3A_98 = tpu.memref_slice %arg3[%add3A_96, %dma_start3A_97] : memref<122880x128xf32, #tpu.memory_space<hbm>> -> memref<80x16xf32, #tpu.memory_space<hbm>>
        %dma_start3A_99 = arith.constant 0 : i32
        %dma_start3A_100 = tpu.memref_slice %arg3[%add3A_96, %dma_start3A_99] : memref<122880x128xf32, #tpu.memory_space<hbm>> -> memref<80x16xf32, #tpu.memory_space<hbm>>
        tpu.enqueue_dma source(%dma_start3A_100 : memref<80x16xf32, #tpu.memory_space<hbm>>) target(%arg10 : memref<80x16xf32, #tpu.memory_space<vmem>>) target_semaphore(%arg13 : memref<!tpu.dma_semaphore, #tpu.memory_space<semaphore_mem>>)
      } else {
      }
    }
    %scan3A_55 = arith.constant 24 : i32
    %barrier3A_56 = arith.constant 0 : index
    tpu.barrier barrier_id(%barrier3A_56)
    %eq3A_57 = arith.constant 0 : i32
    %eq3A_58 = arith.cmpi eq, %arg1, %eq3A_57 : i32
    %convert_element_type3A_59 = arith.extui %eq3A_58 : i1 to i32
    %cond3A_60 = arith.constant 0 : i32
    %cond3A_61 = arith.cmpi ne, %convert_element_type3A_59, %cond3A_60 : i32
    scf.if %cond3A_61 {
      "tpu.region"() ({
        %run_scoped3A_62 = tpu.sem_alloc : memref<!tpu.dma_semaphore, #tpu.memory_space<semaphore_mem>>
        %dma_start3A_63 = arith.constant 0 : i32
        %dma_start3A_64 = arith.constant 0 : i32
        %dma_start3A_65 = tpu.memref_slice %arg6[%arg0, %dma_start3A_63, %dma_start3A_64] : memref<2x10000x16xf32, #tpu.memory_space<hbm>> -> memref<1x10000x16xf32, #tpu.memory_space<hbm>>
        %dma_start3A_66 = tpu.memref_squeeze %dma_start3A_65 : memref<1x10000x16xf32, #tpu.memory_space<hbm>> -> memref<10000x16xf32, #tpu.memory_space<hbm>>
        tpu.enqueue_dma source(%arg11 : memref<10000x16xf32, #tpu.memory_space<vmem_shared>>) target(%dma_start3A_66 : memref<10000x16xf32, #tpu.memory_space<hbm>>) target_semaphore(%run_scoped3A_62 : memref<!tpu.dma_semaphore, #tpu.memory_space<semaphore_mem>>)
        %dma_wait3A_67 = arith.constant 0 : i32
        %dma_wait3A_68 = arith.constant 0 : i32
        %dma_wait3A_69 = tpu.memref_slice %arg6[%arg0, %dma_wait3A_67, %dma_wait3A_68] : memref<2x10000x16xf32, #tpu.memory_space<hbm>> -> memref<1x10000x16xf32, #tpu.memory_space<hbm>>
        %dma_wait3A_70 = tpu.memref_squeeze %dma_wait3A_69 : memref<1x10000x16xf32, #tpu.memory_space<hbm>> -> memref<10000x16xf32, #tpu.memory_space<hbm>>
        tpu.wait_dma2 semaphore(%run_scoped3A_62 : memref<!tpu.dma_semaphore, #tpu.memory_space<semaphore_mem>>) src(%arg11 : memref<10000x16xf32, #tpu.memory_space<vmem_shared>>) dst(%dma_wait3A_70 : memref<10000x16xf32, #tpu.memory_space<hbm>>)
        tpu.yield
      }) : () -> ()
    } else {
    }
    return
  }
}

#map = affine_map<(d0, d1) -> (0, 0)>
module attributes {stable_mosaic.version = 14 : i64} {
  func.func @body(%arg0: i32, %arg1: i32, %arg2: memref<10000x128xf32, #tpu.memory_space<hbm>>, %arg3: memref<10000x128xf32, #tpu.memory_space<hbm>>, %arg4: memref<4000x80xi32, #tpu.memory_space<hbm>>, %arg5: memref<4000x80xi32, #tpu.memory_space<hbm>>, %arg6: memref<197120x128xf32, #tpu.memory_space<hbm>>, %arg7: memref<77x80xi32, #tpu.memory_space<vmem>>, %arg8: memref<77x80xi32, #tpu.memory_space<vmem>>, %arg9: memref<80x128xf32, #tpu.memory_space<vmem>>, %arg10: memref<80x128xf32, #tpu.memory_space<vmem>>, %arg11: memref<80x128xf32, #tpu.memory_space<vmem>>, %arg12: memref<80x128xf32, #tpu.memory_space<vmem>>, %arg13: memref<!tpu.dma_semaphore, #tpu.memory_space<semaphore_mem>>, %arg14: memref<!tpu.dma_semaphore, #tpu.memory_space<semaphore_mem>>) attributes {dimension_semantics = [#tpu.dimension_semantics<core_parallel>, #tpu.dimension_semantics<subcore_parallel>], iteration_bounds = array<i64: 2, 16>, scalar_prefetch = 0 : i64, scratch_operands = 8 : i64, tpu.core_type = #tpu.core_type<sc_vector_subcore>, window_params = [{transform_indices = #map}, {transform_indices = #map}, {transform_indices = #map}, {transform_indices = #map}, {transform_indices = #map}]} {
    %mul3A = arith.constant 2 : i32
    %mul3A_0 = arith.muli %arg1, %mul3A : i32
    %add3A = arith.addi %mul3A_0, %arg0 : i32
    %mul3A_1 = arith.constant 77 : i32
    %mul3A_2 = arith.muli %add3A, %mul3A_1 : i32
    %add3A_3 = arith.constant 0 : i32
    %add3A_4 = arith.addi %add3A_3, %mul3A_2 : i32
    "tpu.region"() ({
      %run_scoped3A = tpu.sem_alloc : memref<!tpu.dma_semaphore, #tpu.memory_space<semaphore_mem>>
      %dma_start3A_60 = arith.constant 0 : i32
      %dma_start3A_61 = tpu.memref_slice %arg4[%add3A_4, %dma_start3A_60] : memref<4000x80xi32, #tpu.memory_space<hbm>> -> memref<77x80xi32, #tpu.memory_space<hbm>>
      %dma_start3A_62 = arith.constant 0 : i32
      %dma_start3A_63 = tpu.memref_slice %arg4[%add3A_4, %dma_start3A_62] : memref<4000x80xi32, #tpu.memory_space<hbm>> -> memref<77x80xi32, #tpu.memory_space<hbm>>
      tpu.enqueue_dma source(%dma_start3A_63 : memref<77x80xi32, #tpu.memory_space<hbm>>) target(%arg7 : memref<77x80xi32, #tpu.memory_space<vmem>>) target_semaphore(%run_scoped3A : memref<!tpu.dma_semaphore, #tpu.memory_space<semaphore_mem>>)
      %dma_wait3A_64 = arith.constant 0 : i32
      %dma_wait3A_65 = tpu.memref_slice %arg4[%add3A_4, %dma_wait3A_64] : memref<4000x80xi32, #tpu.memory_space<hbm>> -> memref<77x80xi32, #tpu.memory_space<hbm>>
      %dma_wait3A_66 = arith.constant 0 : i32
      %dma_wait3A_67 = tpu.memref_slice %arg4[%add3A_4, %dma_wait3A_66] : memref<4000x80xi32, #tpu.memory_space<hbm>> -> memref<77x80xi32, #tpu.memory_space<hbm>>
      tpu.wait_dma2 semaphore(%run_scoped3A : memref<!tpu.dma_semaphore, #tpu.memory_space<semaphore_mem>>) src(%dma_wait3A_67 : memref<77x80xi32, #tpu.memory_space<hbm>>) dst(%arg7 : memref<77x80xi32, #tpu.memory_space<vmem>>)
      tpu.yield
    }) : () -> ()
    "tpu.region"() ({
      %run_scoped3A = tpu.sem_alloc : memref<!tpu.dma_semaphore, #tpu.memory_space<semaphore_mem>>
      %dma_start3A_60 = arith.constant 0 : i32
      %dma_start3A_61 = tpu.memref_slice %arg5[%add3A_4, %dma_start3A_60] : memref<4000x80xi32, #tpu.memory_space<hbm>> -> memref<77x80xi32, #tpu.memory_space<hbm>>
      %dma_start3A_62 = arith.constant 0 : i32
      %dma_start3A_63 = tpu.memref_slice %arg5[%add3A_4, %dma_start3A_62] : memref<4000x80xi32, #tpu.memory_space<hbm>> -> memref<77x80xi32, #tpu.memory_space<hbm>>
      tpu.enqueue_dma source(%dma_start3A_63 : memref<77x80xi32, #tpu.memory_space<hbm>>) target(%arg8 : memref<77x80xi32, #tpu.memory_space<vmem>>) target_semaphore(%run_scoped3A : memref<!tpu.dma_semaphore, #tpu.memory_space<semaphore_mem>>)
      %dma_wait3A_64 = arith.constant 0 : i32
      %dma_wait3A_65 = tpu.memref_slice %arg5[%add3A_4, %dma_wait3A_64] : memref<4000x80xi32, #tpu.memory_space<hbm>> -> memref<77x80xi32, #tpu.memory_space<hbm>>
      %dma_wait3A_66 = arith.constant 0 : i32
      %dma_wait3A_67 = tpu.memref_slice %arg5[%add3A_4, %dma_wait3A_66] : memref<4000x80xi32, #tpu.memory_space<hbm>> -> memref<77x80xi32, #tpu.memory_space<hbm>>
      tpu.wait_dma2 semaphore(%run_scoped3A : memref<!tpu.dma_semaphore, #tpu.memory_space<semaphore_mem>>) src(%dma_wait3A_67 : memref<77x80xi32, #tpu.memory_space<hbm>>) dst(%arg8 : memref<77x80xi32, #tpu.memory_space<vmem>>)
      tpu.yield
    }) : () -> ()
    %mul3A_5 = arith.constant 6160 : i32
    %mul3A_6 = arith.muli %add3A, %mul3A_5 : i32
    %dma_start3A = arith.constant 0 : i32
    %dma_start3A_7 = arith.constant 0 : i32
    %dma_start3A_8 = tpu.memref_slice %arg7[%dma_start3A, %dma_start3A_7] : memref<77x80xi32, #tpu.memory_space<vmem>> -> memref<1x80xi32, #tpu.memory_space<vmem>>
    %dma_start3A_9 = tpu.memref_squeeze %dma_start3A_8 : memref<1x80xi32, #tpu.memory_space<vmem>> -> memref<80xi32, #tpu.memory_space<vmem>>
    %dma_start3A_10 = arith.constant 0 : i32
    %dma_start3A_11 = arith.constant 0 : i32
    %dma_start3A_12 = tpu.memref_slice %arg2[%dma_start3A_10, %dma_start3A_11] : memref<10000x128xf32, #tpu.memory_space<hbm>> -> memref<10000x128xf32, #tpu.memory_space<hbm>>
    tpu.enqueue_indirect_dma source(%dma_start3A_12 : memref<10000x128xf32, #tpu.memory_space<hbm>>) target(%arg9 : memref<80x128xf32, #tpu.memory_space<vmem>>) offsets(%dma_start3A_9 : memref<80xi32, #tpu.memory_space<vmem>>) semaphore(%arg13 : memref<!tpu.dma_semaphore, #tpu.memory_space<semaphore_mem>>)
    %dma_start3A_13 = arith.constant 0 : i32
    %dma_start3A_14 = arith.constant 0 : i32
    %dma_start3A_15 = tpu.memref_slice %arg8[%dma_start3A_13, %dma_start3A_14] : memref<77x80xi32, #tpu.memory_space<vmem>> -> memref<1x80xi32, #tpu.memory_space<vmem>>
    %dma_start3A_16 = tpu.memref_squeeze %dma_start3A_15 : memref<1x80xi32, #tpu.memory_space<vmem>> -> memref<80xi32, #tpu.memory_space<vmem>>
    %dma_start3A_17 = arith.constant 0 : i32
    %dma_start3A_18 = arith.constant 0 : i32
    %dma_start3A_19 = tpu.memref_slice %arg3[%dma_start3A_17, %dma_start3A_18] : memref<10000x128xf32, #tpu.memory_space<hbm>> -> memref<10000x128xf32, #tpu.memory_space<hbm>>
    tpu.enqueue_indirect_dma source(%dma_start3A_19 : memref<10000x128xf32, #tpu.memory_space<hbm>>) target(%arg10 : memref<80x128xf32, #tpu.memory_space<vmem>>) offsets(%dma_start3A_16 : memref<80xi32, #tpu.memory_space<vmem>>) semaphore(%arg13 : memref<!tpu.dma_semaphore, #tpu.memory_space<semaphore_mem>>)
    %dma_start3A_20 = arith.constant 1 : i32
    %dma_start3A_21 = arith.constant 0 : i32
    %dma_start3A_22 = tpu.memref_slice %arg7[%dma_start3A_20, %dma_start3A_21] : memref<77x80xi32, #tpu.memory_space<vmem>> -> memref<1x80xi32, #tpu.memory_space<vmem>>
    %dma_start3A_23 = tpu.memref_squeeze %dma_start3A_22 : memref<1x80xi32, #tpu.memory_space<vmem>> -> memref<80xi32, #tpu.memory_space<vmem>>
    %dma_start3A_24 = arith.constant 0 : i32
    %dma_start3A_25 = arith.constant 0 : i32
    %dma_start3A_26 = tpu.memref_slice %arg2[%dma_start3A_24, %dma_start3A_25] : memref<10000x128xf32, #tpu.memory_space<hbm>> -> memref<10000x128xf32, #tpu.memory_space<hbm>>
    tpu.enqueue_indirect_dma source(%dma_start3A_26 : memref<10000x128xf32, #tpu.memory_space<hbm>>) target(%arg11 : memref<80x128xf32, #tpu.memory_space<vmem>>) offsets(%dma_start3A_23 : memref<80xi32, #tpu.memory_space<vmem>>) semaphore(%arg14 : memref<!tpu.dma_semaphore, #tpu.memory_space<semaphore_mem>>)
    %dma_start3A_27 = arith.constant 1 : i32
    %dma_start3A_28 = arith.constant 0 : i32
    %dma_start3A_29 = tpu.memref_slice %arg8[%dma_start3A_27, %dma_start3A_28] : memref<77x80xi32, #tpu.memory_space<vmem>> -> memref<1x80xi32, #tpu.memory_space<vmem>>
    %dma_start3A_30 = tpu.memref_squeeze %dma_start3A_29 : memref<1x80xi32, #tpu.memory_space<vmem>> -> memref<80xi32, #tpu.memory_space<vmem>>
    %dma_start3A_31 = arith.constant 0 : i32
    %dma_start3A_32 = arith.constant 0 : i32
    %dma_start3A_33 = tpu.memref_slice %arg3[%dma_start3A_31, %dma_start3A_32] : memref<10000x128xf32, #tpu.memory_space<hbm>> -> memref<10000x128xf32, #tpu.memory_space<hbm>>
    tpu.enqueue_indirect_dma source(%dma_start3A_33 : memref<10000x128xf32, #tpu.memory_space<hbm>>) target(%arg12 : memref<80x128xf32, #tpu.memory_space<vmem>>) offsets(%dma_start3A_30 : memref<80xi32, #tpu.memory_space<vmem>>) semaphore(%arg14 : memref<!tpu.dma_semaphore, #tpu.memory_space<semaphore_mem>>)
    %scan3A = arith.constant 0 : i32
    %scan3A_34 = arith.constant 0 : i32
    %scan3A_35 = arith.constant 38 : i32
    %scan3A_36 = arith.addi %scan3A_34, %scan3A_35 : i32
    %scan3A_37 = arith.constant 1 : i32
    scf.for %scan3A_60 = %scan3A_34 to %scan3A_36 step %scan3A_37  : i32 {
      %mul3A_61 = arith.constant 2 : i32
      %mul3A_62 = arith.muli %mul3A_61, %scan3A_60 : i32
      %dma_wait3A_63 = arith.constant 0 : i32
      %dma_wait3A_64 = arith.constant 0 : i32
      %dma_wait3A_65 = tpu.memref_slice %arg7[%dma_wait3A_63, %dma_wait3A_64] : memref<77x80xi32, #tpu.memory_space<vmem>> -> memref<1x80xi32, #tpu.memory_space<vmem>>
      %dma_wait3A_66 = tpu.memref_squeeze %dma_wait3A_65 : memref<1x80xi32, #tpu.memory_space<vmem>> -> memref<80xi32, #tpu.memory_space<vmem>>
      %dma_wait3A_67 = arith.constant 0 : i32
      %dma_wait3A_68 = arith.constant 0 : i32
      %dma_wait3A_69 = tpu.memref_slice %arg2[%dma_wait3A_67, %dma_wait3A_68] : memref<10000x128xf32, #tpu.memory_space<hbm>> -> memref<10000x128xf32, #tpu.memory_space<hbm>>
      tpu.wait_indirect_dma semaphore(%arg13 : memref<!tpu.dma_semaphore, #tpu.memory_space<semaphore_mem>>) src(%dma_wait3A_69 : memref<10000x128xf32, #tpu.memory_space<hbm>>) dst(%arg9 : memref<80x128xf32, #tpu.memory_space<vmem>>)
      %dma_wait3A_70 = arith.constant 0 : i32
      %dma_wait3A_71 = arith.constant 0 : i32
      %dma_wait3A_72 = tpu.memref_slice %arg8[%dma_wait3A_70, %dma_wait3A_71] : memref<77x80xi32, #tpu.memory_space<vmem>> -> memref<1x80xi32, #tpu.memory_space<vmem>>
      %dma_wait3A_73 = tpu.memref_squeeze %dma_wait3A_72 : memref<1x80xi32, #tpu.memory_space<vmem>> -> memref<80xi32, #tpu.memory_space<vmem>>
      %dma_wait3A_74 = arith.constant 0 : i32
      %dma_wait3A_75 = arith.constant 0 : i32
      %dma_wait3A_76 = tpu.memref_slice %arg3[%dma_wait3A_74, %dma_wait3A_75] : memref<10000x128xf32, #tpu.memory_space<hbm>> -> memref<10000x128xf32, #tpu.memory_space<hbm>>
      tpu.wait_indirect_dma semaphore(%arg13 : memref<!tpu.dma_semaphore, #tpu.memory_space<semaphore_mem>>) src(%dma_wait3A_76 : memref<10000x128xf32, #tpu.memory_space<hbm>>) dst(%arg10 : memref<80x128xf32, #tpu.memory_space<vmem>>)
      %scan3A_77 = arith.constant 0 : i32
      %scan3A_78 = arith.constant 0 : i32
      %scan3A_79 = arith.constant 80 : i32
      %scan3A_80 = arith.addi %scan3A_78, %scan3A_79 : i32
      %scan3A_81 = arith.constant 1 : i32
      scf.for %scan3A_122 = %scan3A_78 to %scan3A_80 step %scan3A_81  : i32 {
        %get3A = arith.index_cast %scan3A_122 : i32 to index
        %get3A_123 = arith.constant 0 : index
        %get3A_124 = tpu.vector_load %arg9[%get3A, %get3A_123] {strides = array<i32>} : memref<80x128xf32, #tpu.memory_space<vmem>>, vector<1x16xf32>,
        %get3A_125 = vector.shape_cast %get3A_124 : vector<1x16xf32> to vector<16xf32>
        %get3A_126 = arith.index_cast %scan3A_122 : i32 to index
        %get3A_127 = arith.constant 0 : index
        %get3A_128 = tpu.vector_load %arg10[%get3A_126, %get3A_127] {strides = array<i32>} : memref<80x128xf32, #tpu.memory_space<vmem>>, vector<1x16xf32>,
        %get3A_129 = vector.shape_cast %get3A_128 : vector<1x16xf32> to vector<16xf32>
        %add3A_130 = arith.addf %get3A_125, %get3A_129 : vector<16xf32>
        %swap3A = arith.index_cast %scan3A_122 : i32 to index
        %swap3A_131 = arith.constant 0 : index
        %swap3A_132 = tpu.vector_load %arg9[%swap3A, %swap3A_131] {strides = array<i32>} : memref<80x128xf32, #tpu.memory_space<vmem>>, vector<1x16xf32>,
        %swap3A_133 = vector.shape_cast %swap3A_132 : vector<1x16xf32> to vector<16xf32>
        %swap3A_134 = vector.shape_cast %add3A_130 : vector<16xf32> to vector<1x16xf32>
        tpu.vector_store %arg9[%swap3A, %swap3A_131], %swap3A_134 {strides = array<i32>} : memref<80x128xf32, #tpu.memory_space<vmem>>, vector<1x16xf32>,
        %get3A_135 = arith.index_cast %scan3A_122 : i32 to index
        %get3A_136 = arith.constant 16 : index
        %get3A_137 = tpu.vector_load %arg9[%get3A_135, %get3A_136] {strides = array<i32>} : memref<80x128xf32, #tpu.memory_space<vmem>>, vector<1x16xf32>,
        %get3A_138 = vector.shape_cast %get3A_137 : vector<1x16xf32> to vector<16xf32>
        %get3A_139 = arith.index_cast %scan3A_122 : i32 to index
        %get3A_140 = arith.constant 16 : index
        %get3A_141 = tpu.vector_load %arg10[%get3A_139, %get3A_140] {strides = array<i32>} : memref<80x128xf32, #tpu.memory_space<vmem>>, vector<1x16xf32>,
        %get3A_142 = vector.shape_cast %get3A_141 : vector<1x16xf32> to vector<16xf32>
        %add3A_143 = arith.addf %get3A_138, %get3A_142 : vector<16xf32>
        %swap3A_144 = arith.index_cast %scan3A_122 : i32 to index
        %swap3A_145 = arith.constant 16 : index
        %swap3A_146 = tpu.vector_load %arg9[%swap3A_144, %swap3A_145] {strides = array<i32>} : memref<80x128xf32, #tpu.memory_space<vmem>>, vector<1x16xf32>,
        %swap3A_147 = vector.shape_cast %swap3A_146 : vector<1x16xf32> to vector<16xf32>
        %swap3A_148 = vector.shape_cast %add3A_143 : vector<16xf32> to vector<1x16xf32>
        tpu.vector_store %arg9[%swap3A_144, %swap3A_145], %swap3A_148 {strides = array<i32>} : memref<80x128xf32, #tpu.memory_space<vmem>>, vector<1x16xf32>,
        %get3A_149 = arith.index_cast %scan3A_122 : i32 to index
        %get3A_150 = arith.constant 32 : index
        %get3A_151 = tpu.vector_load %arg9[%get3A_149, %get3A_150] {strides = array<i32>} : memref<80x128xf32, #tpu.memory_space<vmem>>, vector<1x16xf32>,
        %get3A_152 = vector.shape_cast %get3A_151 : vector<1x16xf32> to vector<16xf32>
        %get3A_153 = arith.index_cast %scan3A_122 : i32 to index
        %get3A_154 = arith.constant 32 : index
        %get3A_155 = tpu.vector_load %arg10[%get3A_153, %get3A_154] {strides = array<i32>} : memref<80x128xf32, #tpu.memory_space<vmem>>, vector<1x16xf32>,
        %get3A_156 = vector.shape_cast %get3A_155 : vector<1x16xf32> to vector<16xf32>
        %add3A_157 = arith.addf %get3A_152, %get3A_156 : vector<16xf32>
        %swap3A_158 = arith.index_cast %scan3A_122 : i32 to index
        %swap3A_159 = arith.constant 32 : index
        %swap3A_160 = tpu.vector_load %arg9[%swap3A_158, %swap3A_159] {strides = array<i32>} : memref<80x128xf32, #tpu.memory_space<vmem>>, vector<1x16xf32>,
        %swap3A_161 = vector.shape_cast %swap3A_160 : vector<1x16xf32> to vector<16xf32>
        %swap3A_162 = vector.shape_cast %add3A_157 : vector<16xf32> to vector<1x16xf32>
        tpu.vector_store %arg9[%swap3A_158, %swap3A_159], %swap3A_162 {strides = array<i32>} : memref<80x128xf32, #tpu.memory_space<vmem>>, vector<1x16xf32>,
        %get3A_163 = arith.index_cast %scan3A_122 : i32 to index
        %get3A_164 = arith.constant 48 : index
        %get3A_165 = tpu.vector_load %arg9[%get3A_163, %get3A_164] {strides = array<i32>} : memref<80x128xf32, #tpu.memory_space<vmem>>, vector<1x16xf32>,
        %get3A_166 = vector.shape_cast %get3A_165 : vector<1x16xf32> to vector<16xf32>
        %get3A_167 = arith.index_cast %scan3A_122 : i32 to index
        %get3A_168 = arith.constant 48 : index
        %get3A_169 = tpu.vector_load %arg10[%get3A_167, %get3A_168] {strides = array<i32>} : memref<80x128xf32, #tpu.memory_space<vmem>>, vector<1x16xf32>,
        %get3A_170 = vector.shape_cast %get3A_169 : vector<1x16xf32> to vector<16xf32>
        %add3A_171 = arith.addf %get3A_166, %get3A_170 : vector<16xf32>
        %swap3A_172 = arith.index_cast %scan3A_122 : i32 to index
        %swap3A_173 = arith.constant 48 : index
        %swap3A_174 = tpu.vector_load %arg9[%swap3A_172, %swap3A_173] {strides = array<i32>} : memref<80x128xf32, #tpu.memory_space<vmem>>, vector<1x16xf32>,
        %swap3A_175 = vector.shape_cast %swap3A_174 : vector<1x16xf32> to vector<16xf32>
        %swap3A_176 = vector.shape_cast %add3A_171 : vector<16xf32> to vector<1x16xf32>
        tpu.vector_store %arg9[%swap3A_172, %swap3A_173], %swap3A_176 {strides = array<i32>} : memref<80x128xf32, #tpu.memory_space<vmem>>, vector<1x16xf32>,
        %get3A_177 = arith.index_cast %scan3A_122 : i32 to index
        %get3A_178 = arith.constant 64 : index
        %get3A_179 = tpu.vector_load %arg9[%get3A_177, %get3A_178] {strides = array<i32>} : memref<80x128xf32, #tpu.memory_space<vmem>>, vector<1x16xf32>,
        %get3A_180 = vector.shape_cast %get3A_179 : vector<1x16xf32> to vector<16xf32>
        %get3A_181 = arith.index_cast %scan3A_122 : i32 to index
        %get3A_182 = arith.constant 64 : index
        %get3A_183 = tpu.vector_load %arg10[%get3A_181, %get3A_182] {strides = array<i32>} : memref<80x128xf32, #tpu.memory_space<vmem>>, vector<1x16xf32>,
        %get3A_184 = vector.shape_cast %get3A_183 : vector<1x16xf32> to vector<16xf32>
        %add3A_185 = arith.addf %get3A_180, %get3A_184 : vector<16xf32>
        %swap3A_186 = arith.index_cast %scan3A_122 : i32 to index
        %swap3A_187 = arith.constant 64 : index
        %swap3A_188 = tpu.vector_load %arg9[%swap3A_186, %swap3A_187] {strides = array<i32>} : memref<80x128xf32, #tpu.memory_space<vmem>>, vector<1x16xf32>,
        %swap3A_189 = vector.shape_cast %swap3A_188 : vector<1x16xf32> to vector<16xf32>
        %swap3A_190 = vector.shape_cast %add3A_185 : vector<16xf32> to vector<1x16xf32>
        tpu.vector_store %arg9[%swap3A_186, %swap3A_187], %swap3A_190 {strides = array<i32>} : memref<80x128xf32, #tpu.memory_space<vmem>>, vector<1x16xf32>,
        %get3A_191 = arith.index_cast %scan3A_122 : i32 to index
        %get3A_192 = arith.constant 80 : index
        %get3A_193 = tpu.vector_load %arg9[%get3A_191, %get3A_192] {strides = array<i32>} : memref<80x128xf32, #tpu.memory_space<vmem>>, vector<1x16xf32>,
        %get3A_194 = vector.shape_cast %get3A_193 : vector<1x16xf32> to vector<16xf32>
        %get3A_195 = arith.index_cast %scan3A_122 : i32 to index
        %get3A_196 = arith.constant 80 : index
        %get3A_197 = tpu.vector_load %arg10[%get3A_195, %get3A_196] {strides = array<i32>} : memref<80x128xf32, #tpu.memory_space<vmem>>, vector<1x16xf32>,
        %get3A_198 = vector.shape_cast %get3A_197 : vector<1x16xf32> to vector<16xf32>
        %add3A_199 = arith.addf %get3A_194, %get3A_198 : vector<16xf32>
        %swap3A_200 = arith.index_cast %scan3A_122 : i32 to index
        %swap3A_201 = arith.constant 80 : index
        %swap3A_202 = tpu.vector_load %arg9[%swap3A_200, %swap3A_201] {strides = array<i32>} : memref<80x128xf32, #tpu.memory_space<vmem>>, vector<1x16xf32>,
        %swap3A_203 = vector.shape_cast %swap3A_202 : vector<1x16xf32> to vector<16xf32>
        %swap3A_204 = vector.shape_cast %add3A_199 : vector<16xf32> to vector<1x16xf32>
        tpu.vector_store %arg9[%swap3A_200, %swap3A_201], %swap3A_204 {strides = array<i32>} : memref<80x128xf32, #tpu.memory_space<vmem>>, vector<1x16xf32>,
        %get3A_205 = arith.index_cast %scan3A_122 : i32 to index
        %get3A_206 = arith.constant 96 : index
        %get3A_207 = tpu.vector_load %arg9[%get3A_205, %get3A_206] {strides = array<i32>} : memref<80x128xf32, #tpu.memory_space<vmem>>, vector<1x16xf32>,
        %get3A_208 = vector.shape_cast %get3A_207 : vector<1x16xf32> to vector<16xf32>
        %get3A_209 = arith.index_cast %scan3A_122 : i32 to index
        %get3A_210 = arith.constant 96 : index
        %get3A_211 = tpu.vector_load %arg10[%get3A_209, %get3A_210] {strides = array<i32>} : memref<80x128xf32, #tpu.memory_space<vmem>>, vector<1x16xf32>,
        %get3A_212 = vector.shape_cast %get3A_211 : vector<1x16xf32> to vector<16xf32>
        %add3A_213 = arith.addf %get3A_208, %get3A_212 : vector<16xf32>
        %swap3A_214 = arith.index_cast %scan3A_122 : i32 to index
        %swap3A_215 = arith.constant 96 : index
        %swap3A_216 = tpu.vector_load %arg9[%swap3A_214, %swap3A_215] {strides = array<i32>} : memref<80x128xf32, #tpu.memory_space<vmem>>, vector<1x16xf32>,
        %swap3A_217 = vector.shape_cast %swap3A_216 : vector<1x16xf32> to vector<16xf32>
        %swap3A_218 = vector.shape_cast %add3A_213 : vector<16xf32> to vector<1x16xf32>
        tpu.vector_store %arg9[%swap3A_214, %swap3A_215], %swap3A_218 {strides = array<i32>} : memref<80x128xf32, #tpu.memory_space<vmem>>, vector<1x16xf32>,
        %get3A_219 = arith.index_cast %scan3A_122 : i32 to index
        %get3A_220 = arith.constant 112 : index
        %get3A_221 = tpu.vector_load %arg9[%get3A_219, %get3A_220] {strides = array<i32>} : memref<80x128xf32, #tpu.memory_space<vmem>>, vector<1x16xf32>,
        %get3A_222 = vector.shape_cast %get3A_221 : vector<1x16xf32> to vector<16xf32>
        %get3A_223 = arith.index_cast %scan3A_122 : i32 to index
        %get3A_224 = arith.constant 112 : index
        %get3A_225 = tpu.vector_load %arg10[%get3A_223, %get3A_224] {strides = array<i32>} : memref<80x128xf32, #tpu.memory_space<vmem>>, vector<1x16xf32>,
        %get3A_226 = vector.shape_cast %get3A_225 : vector<1x16xf32> to vector<16xf32>
        %add3A_227 = arith.addf %get3A_222, %get3A_226 : vector<16xf32>
        %swap3A_228 = arith.index_cast %scan3A_122 : i32 to index
        %swap3A_229 = arith.constant 112 : index
        %swap3A_230 = tpu.vector_load %arg9[%swap3A_228, %swap3A_229] {strides = array<i32>} : memref<80x128xf32, #tpu.memory_space<vmem>>, vector<1x16xf32>,
        %swap3A_231 = vector.shape_cast %swap3A_230 : vector<1x16xf32> to vector<16xf32>
        %swap3A_232 = vector.shape_cast %add3A_227 : vector<16xf32> to vector<1x16xf32>
        tpu.vector_store %arg9[%swap3A_228, %swap3A_229], %swap3A_232 {strides = array<i32>} : memref<80x128xf32, #tpu.memory_space<vmem>>, vector<1x16xf32>,
      }
      %scan3A_82 = arith.constant 80 : i32
      %mul3A_83 = arith.constant 80 : i32
      %mul3A_84 = arith.muli %mul3A_62, %mul3A_83 : i32
      %add3A_85 = arith.addi %mul3A_6, %mul3A_84 : i32
      "tpu.region"() ({
        %run_scoped3A = tpu.sem_alloc : memref<!tpu.dma_semaphore, #tpu.memory_space<semaphore_mem>>
        %dma_start3A_122 = arith.constant 0 : i32
        %dma_start3A_123 = tpu.memref_slice %arg6[%add3A_85, %dma_start3A_122] : memref<197120x128xf32, #tpu.memory_space<hbm>> -> memref<80x128xf32, #tpu.memory_space<hbm>>
        %dma_start3A_124 = arith.constant 0 : i32
        %dma_start3A_125 = tpu.memref_slice %arg6[%add3A_85, %dma_start3A_124] : memref<197120x128xf32, #tpu.memory_space<hbm>> -> memref<80x128xf32, #tpu.memory_space<hbm>>
        tpu.enqueue_dma source(%arg9 : memref<80x128xf32, #tpu.memory_space<vmem>>) target(%dma_start3A_125 : memref<80x128xf32, #tpu.memory_space<hbm>>) target_semaphore(%run_scoped3A : memref<!tpu.dma_semaphore, #tpu.memory_space<semaphore_mem>>)
        %dma_wait3A_126 = arith.constant 0 : i32
        %dma_wait3A_127 = tpu.memref_slice %arg6[%add3A_85, %dma_wait3A_126] : memref<197120x128xf32, #tpu.memory_space<hbm>> -> memref<80x128xf32, #tpu.memory_space<hbm>>
        %dma_wait3A_128 = arith.constant 0 : i32
        %dma_wait3A_129 = tpu.memref_slice %arg6[%add3A_85, %dma_wait3A_128] : memref<197120x128xf32, #tpu.memory_space<hbm>> -> memref<80x128xf32, #tpu.memory_space<hbm>>
        tpu.wait_dma2 semaphore(%run_scoped3A : memref<!tpu.dma_semaphore, #tpu.memory_space<semaphore_mem>>) src(%arg9 : memref<80x128xf32, #tpu.memory_space<vmem>>) dst(%dma_wait3A_129 : memref<80x128xf32, #tpu.memory_space<hbm>>)
        tpu.yield
      }) : () -> ()
      %add3A_86 = arith.constant 2 : i32
      %add3A_87 = arith.addi %mul3A_62, %add3A_86 : i32
      %lt3A = arith.constant 77 : i32
      %lt3A_88 = arith.cmpi slt, %add3A_87, %lt3A : i32
      %convert_element_type3A = arith.extui %lt3A_88 : i1 to i32
      %cond3A = arith.constant 0 : i32
      %cond3A_89 = arith.cmpi ne, %convert_element_type3A, %cond3A : i32
      scf.if %cond3A_89 {
        %add3A_122 = arith.constant 2 : i32
        %add3A_123 = arith.addi %mul3A_62, %add3A_122 : i32
        %dma_start3A_124 = arith.constant 0 : i32
        %dma_start3A_125 = tpu.memref_slice %arg7[%add3A_123, %dma_start3A_124] : memref<77x80xi32, #tpu.memory_space<vmem>> -> memref<1x80xi32, #tpu.memory_space<vmem>>
        %dma_start3A_126 = tpu.memref_squeeze %dma_start3A_125 : memref<1x80xi32, #tpu.memory_space<vmem>> -> memref<80xi32, #tpu.memory_space<vmem>>
        %dma_start3A_127 = arith.constant 0 : i32
        %dma_start3A_128 = arith.constant 0 : i32
        %dma_start3A_129 = tpu.memref_slice %arg2[%dma_start3A_127, %dma_start3A_128] : memref<10000x128xf32, #tpu.memory_space<hbm>> -> memref<10000x128xf32, #tpu.memory_space<hbm>>
        tpu.enqueue_indirect_dma source(%dma_start3A_129 : memref<10000x128xf32, #tpu.memory_space<hbm>>) target(%arg9 : memref<80x128xf32, #tpu.memory_space<vmem>>) offsets(%dma_start3A_126 : memref<80xi32, #tpu.memory_space<vmem>>) semaphore(%arg13 : memref<!tpu.dma_semaphore, #tpu.memory_space<semaphore_mem>>)
        %dma_start3A_130 = arith.constant 0 : i32
        %dma_start3A_131 = tpu.memref_slice %arg8[%add3A_123, %dma_start3A_130] : memref<77x80xi32, #tpu.memory_space<vmem>> -> memref<1x80xi32, #tpu.memory_space<vmem>>
        %dma_start3A_132 = tpu.memref_squeeze %dma_start3A_131 : memref<1x80xi32, #tpu.memory_space<vmem>> -> memref<80xi32, #tpu.memory_space<vmem>>
        %dma_start3A_133 = arith.constant 0 : i32
        %dma_start3A_134 = arith.constant 0 : i32
        %dma_start3A_135 = tpu.memref_slice %arg3[%dma_start3A_133, %dma_start3A_134] : memref<10000x128xf32, #tpu.memory_space<hbm>> -> memref<10000x128xf32, #tpu.memory_space<hbm>>
        tpu.enqueue_indirect_dma source(%dma_start3A_135 : memref<10000x128xf32, #tpu.memory_space<hbm>>) target(%arg10 : memref<80x128xf32, #tpu.memory_space<vmem>>) offsets(%dma_start3A_132 : memref<80xi32, #tpu.memory_space<vmem>>) semaphore(%arg13 : memref<!tpu.dma_semaphore, #tpu.memory_space<semaphore_mem>>)
      } else {
      }
      %dma_wait3A_90 = arith.constant 0 : i32
      %dma_wait3A_91 = arith.constant 0 : i32
      %dma_wait3A_92 = tpu.memref_slice %arg7[%dma_wait3A_90, %dma_wait3A_91] : memref<77x80xi32, #tpu.memory_space<vmem>> -> memref<1x80xi32, #tpu.memory_space<vmem>>
      %dma_wait3A_93 = tpu.memref_squeeze %dma_wait3A_92 : memref<1x80xi32, #tpu.memory_space<vmem>> -> memref<80xi32, #tpu.memory_space<vmem>>
      %dma_wait3A_94 = arith.constant 0 : i32
      %dma_wait3A_95 = arith.constant 0 : i32
      %dma_wait3A_96 = tpu.memref_slice %arg2[%dma_wait3A_94, %dma_wait3A_95] : memref<10000x128xf32, #tpu.memory_space<hbm>> -> memref<10000x128xf32, #tpu.memory_space<hbm>>
      tpu.wait_indirect_dma semaphore(%arg14 : memref<!tpu.dma_semaphore, #tpu.memory_space<semaphore_mem>>) src(%dma_wait3A_96 : memref<10000x128xf32, #tpu.memory_space<hbm>>) dst(%arg11 : memref<80x128xf32, #tpu.memory_space<vmem>>)
      %dma_wait3A_97 = arith.constant 0 : i32
      %dma_wait3A_98 = arith.constant 0 : i32
      %dma_wait3A_99 = tpu.memref_slice %arg8[%dma_wait3A_97, %dma_wait3A_98] : memref<77x80xi32, #tpu.memory_space<vmem>> -> memref<1x80xi32, #tpu.memory_space<vmem>>
      %dma_wait3A_100 = tpu.memref_squeeze %dma_wait3A_99 : memref<1x80xi32, #tpu.memory_space<vmem>> -> memref<80xi32, #tpu.memory_space<vmem>>
      %dma_wait3A_101 = arith.constant 0 : i32
      %dma_wait3A_102 = arith.constant 0 : i32
      %dma_wait3A_103 = tpu.memref_slice %arg3[%dma_wait3A_101, %dma_wait3A_102] : memref<10000x128xf32, #tpu.memory_space<hbm>> -> memref<10000x128xf32, #tpu.memory_space<hbm>>
      tpu.wait_indirect_dma semaphore(%arg14 : memref<!tpu.dma_semaphore, #tpu.memory_space<semaphore_mem>>) src(%dma_wait3A_103 : memref<10000x128xf32, #tpu.memory_space<hbm>>) dst(%arg12 : memref<80x128xf32, #tpu.memory_space<vmem>>)
      %add3A_104 = arith.constant 1 : i32
      %add3A_105 = arith.addi %mul3A_62, %add3A_104 : i32
      %scan3A_106 = arith.constant 0 : i32
      %scan3A_107 = arith.constant 0 : i32
      %scan3A_108 = arith.constant 80 : i32
      %scan3A_109 = arith.addi %scan3A_107, %scan3A_108 : i32
      %scan3A_110 = arith.constant 1 : i32
      scf.for %scan3A_122 = %scan3A_107 to %scan3A_109 step %scan3A_110  : i32 {
        %get3A = arith.index_cast %scan3A_122 : i32 to index
        %get3A_123 = arith.constant 0 : index
        %get3A_124 = tpu.vector_load %arg11[%get3A, %get3A_123] {strides = array<i32>} : memref<80x128xf32, #tpu.memory_space<vmem>>, vector<1x16xf32>,
        %get3A_125 = vector.shape_cast %get3A_124 : vector<1x16xf32> to vector<16xf32>
        %get3A_126 = arith.index_cast %scan3A_122 : i32 to index
        %get3A_127 = arith.constant 0 : index
        %get3A_128 = tpu.vector_load %arg12[%get3A_126, %get3A_127] {strides = array<i32>} : memref<80x128xf32, #tpu.memory_space<vmem>>, vector<1x16xf32>,
        %get3A_129 = vector.shape_cast %get3A_128 : vector<1x16xf32> to vector<16xf32>
        %add3A_130 = arith.addf %get3A_125, %get3A_129 : vector<16xf32>
        %swap3A = arith.index_cast %scan3A_122 : i32 to index
        %swap3A_131 = arith.constant 0 : index
        %swap3A_132 = tpu.vector_load %arg11[%swap3A, %swap3A_131] {strides = array<i32>} : memref<80x128xf32, #tpu.memory_space<vmem>>, vector<1x16xf32>,
        %swap3A_133 = vector.shape_cast %swap3A_132 : vector<1x16xf32> to vector<16xf32>
        %swap3A_134 = vector.shape_cast %add3A_130 : vector<16xf32> to vector<1x16xf32>
        tpu.vector_store %arg11[%swap3A, %swap3A_131], %swap3A_134 {strides = array<i32>} : memref<80x128xf32, #tpu.memory_space<vmem>>, vector<1x16xf32>,
        %get3A_135 = arith.index_cast %scan3A_122 : i32 to index
        %get3A_136 = arith.constant 16 : index
        %get3A_137 = tpu.vector_load %arg11[%get3A_135, %get3A_136] {strides = array<i32>} : memref<80x128xf32, #tpu.memory_space<vmem>>, vector<1x16xf32>,
        %get3A_138 = vector.shape_cast %get3A_137 : vector<1x16xf32> to vector<16xf32>
        %get3A_139 = arith.index_cast %scan3A_122 : i32 to index
        %get3A_140 = arith.constant 16 : index
        %get3A_141 = tpu.vector_load %arg12[%get3A_139, %get3A_140] {strides = array<i32>} : memref<80x128xf32, #tpu.memory_space<vmem>>, vector<1x16xf32>,
        %get3A_142 = vector.shape_cast %get3A_141 : vector<1x16xf32> to vector<16xf32>
        %add3A_143 = arith.addf %get3A_138, %get3A_142 : vector<16xf32>
        %swap3A_144 = arith.index_cast %scan3A_122 : i32 to index
        %swap3A_145 = arith.constant 16 : index
        %swap3A_146 = tpu.vector_load %arg11[%swap3A_144, %swap3A_145] {strides = array<i32>} : memref<80x128xf32, #tpu.memory_space<vmem>>, vector<1x16xf32>,
        %swap3A_147 = vector.shape_cast %swap3A_146 : vector<1x16xf32> to vector<16xf32>
        %swap3A_148 = vector.shape_cast %add3A_143 : vector<16xf32> to vector<1x16xf32>
        tpu.vector_store %arg11[%swap3A_144, %swap3A_145], %swap3A_148 {strides = array<i32>} : memref<80x128xf32, #tpu.memory_space<vmem>>, vector<1x16xf32>,
        %get3A_149 = arith.index_cast %scan3A_122 : i32 to index
        %get3A_150 = arith.constant 32 : index
        %get3A_151 = tpu.vector_load %arg11[%get3A_149, %get3A_150] {strides = array<i32>} : memref<80x128xf32, #tpu.memory_space<vmem>>, vector<1x16xf32>,
        %get3A_152 = vector.shape_cast %get3A_151 : vector<1x16xf32> to vector<16xf32>
        %get3A_153 = arith.index_cast %scan3A_122 : i32 to index
        %get3A_154 = arith.constant 32 : index
        %get3A_155 = tpu.vector_load %arg12[%get3A_153, %get3A_154] {strides = array<i32>} : memref<80x128xf32, #tpu.memory_space<vmem>>, vector<1x16xf32>,
        %get3A_156 = vector.shape_cast %get3A_155 : vector<1x16xf32> to vector<16xf32>
        %add3A_157 = arith.addf %get3A_152, %get3A_156 : vector<16xf32>
        %swap3A_158 = arith.index_cast %scan3A_122 : i32 to index
        %swap3A_159 = arith.constant 32 : index
        %swap3A_160 = tpu.vector_load %arg11[%swap3A_158, %swap3A_159] {strides = array<i32>} : memref<80x128xf32, #tpu.memory_space<vmem>>, vector<1x16xf32>,
        %swap3A_161 = vector.shape_cast %swap3A_160 : vector<1x16xf32> to vector<16xf32>
        %swap3A_162 = vector.shape_cast %add3A_157 : vector<16xf32> to vector<1x16xf32>
        tpu.vector_store %arg11[%swap3A_158, %swap3A_159], %swap3A_162 {strides = array<i32>} : memref<80x128xf32, #tpu.memory_space<vmem>>, vector<1x16xf32>,
        %get3A_163 = arith.index_cast %scan3A_122 : i32 to index
        %get3A_164 = arith.constant 48 : index
        %get3A_165 = tpu.vector_load %arg11[%get3A_163, %get3A_164] {strides = array<i32>} : memref<80x128xf32, #tpu.memory_space<vmem>>, vector<1x16xf32>,
        %get3A_166 = vector.shape_cast %get3A_165 : vector<1x16xf32> to vector<16xf32>
        %get3A_167 = arith.index_cast %scan3A_122 : i32 to index
        %get3A_168 = arith.constant 48 : index
        %get3A_169 = tpu.vector_load %arg12[%get3A_167, %get3A_168] {strides = array<i32>} : memref<80x128xf32, #tpu.memory_space<vmem>>, vector<1x16xf32>,
        %get3A_170 = vector.shape_cast %get3A_169 : vector<1x16xf32> to vector<16xf32>
        %add3A_171 = arith.addf %get3A_166, %get3A_170 : vector<16xf32>
        %swap3A_172 = arith.index_cast %scan3A_122 : i32 to index
        %swap3A_173 = arith.constant 48 : index
        %swap3A_174 = tpu.vector_load %arg11[%swap3A_172, %swap3A_173] {strides = array<i32>} : memref<80x128xf32, #tpu.memory_space<vmem>>, vector<1x16xf32>,
        %swap3A_175 = vector.shape_cast %swap3A_174 : vector<1x16xf32> to vector<16xf32>
        %swap3A_176 = vector.shape_cast %add3A_171 : vector<16xf32> to vector<1x16xf32>
        tpu.vector_store %arg11[%swap3A_172, %swap3A_173], %swap3A_176 {strides = array<i32>} : memref<80x128xf32, #tpu.memory_space<vmem>>, vector<1x16xf32>,
        %get3A_177 = arith.index_cast %scan3A_122 : i32 to index
        %get3A_178 = arith.constant 64 : index
        %get3A_179 = tpu.vector_load %arg11[%get3A_177, %get3A_178] {strides = array<i32>} : memref<80x128xf32, #tpu.memory_space<vmem>>, vector<1x16xf32>,
        %get3A_180 = vector.shape_cast %get3A_179 : vector<1x16xf32> to vector<16xf32>
        %get3A_181 = arith.index_cast %scan3A_122 : i32 to index
        %get3A_182 = arith.constant 64 : index
        %get3A_183 = tpu.vector_load %arg12[%get3A_181, %get3A_182] {strides = array<i32>} : memref<80x128xf32, #tpu.memory_space<vmem>>, vector<1x16xf32>,
        %get3A_184 = vector.shape_cast %get3A_183 : vector<1x16xf32> to vector<16xf32>
        %add3A_185 = arith.addf %get3A_180, %get3A_184 : vector<16xf32>
        %swap3A_186 = arith.index_cast %scan3A_122 : i32 to index
        %swap3A_187 = arith.constant 64 : index
        %swap3A_188 = tpu.vector_load %arg11[%swap3A_186, %swap3A_187] {strides = array<i32>} : memref<80x128xf32, #tpu.memory_space<vmem>>, vector<1x16xf32>,
        %swap3A_189 = vector.shape_cast %swap3A_188 : vector<1x16xf32> to vector<16xf32>
        %swap3A_190 = vector.shape_cast %add3A_185 : vector<16xf32> to vector<1x16xf32>
        tpu.vector_store %arg11[%swap3A_186, %swap3A_187], %swap3A_190 {strides = array<i32>} : memref<80x128xf32, #tpu.memory_space<vmem>>, vector<1x16xf32>,
        %get3A_191 = arith.index_cast %scan3A_122 : i32 to index
        %get3A_192 = arith.constant 80 : index
        %get3A_193 = tpu.vector_load %arg11[%get3A_191, %get3A_192] {strides = array<i32>} : memref<80x128xf32, #tpu.memory_space<vmem>>, vector<1x16xf32>,
        %get3A_194 = vector.shape_cast %get3A_193 : vector<1x16xf32> to vector<16xf32>
        %get3A_195 = arith.index_cast %scan3A_122 : i32 to index
        %get3A_196 = arith.constant 80 : index
        %get3A_197 = tpu.vector_load %arg12[%get3A_195, %get3A_196] {strides = array<i32>} : memref<80x128xf32, #tpu.memory_space<vmem>>, vector<1x16xf32>,
        %get3A_198 = vector.shape_cast %get3A_197 : vector<1x16xf32> to vector<16xf32>
        %add3A_199 = arith.addf %get3A_194, %get3A_198 : vector<16xf32>
        %swap3A_200 = arith.index_cast %scan3A_122 : i32 to index
        %swap3A_201 = arith.constant 80 : index
        %swap3A_202 = tpu.vector_load %arg11[%swap3A_200, %swap3A_201] {strides = array<i32>} : memref<80x128xf32, #tpu.memory_space<vmem>>, vector<1x16xf32>,
        %swap3A_203 = vector.shape_cast %swap3A_202 : vector<1x16xf32> to vector<16xf32>
        %swap3A_204 = vector.shape_cast %add3A_199 : vector<16xf32> to vector<1x16xf32>
        tpu.vector_store %arg11[%swap3A_200, %swap3A_201], %swap3A_204 {strides = array<i32>} : memref<80x128xf32, #tpu.memory_space<vmem>>, vector<1x16xf32>,
        %get3A_205 = arith.index_cast %scan3A_122 : i32 to index
        %get3A_206 = arith.constant 96 : index
        %get3A_207 = tpu.vector_load %arg11[%get3A_205, %get3A_206] {strides = array<i32>} : memref<80x128xf32, #tpu.memory_space<vmem>>, vector<1x16xf32>,
        %get3A_208 = vector.shape_cast %get3A_207 : vector<1x16xf32> to vector<16xf32>
        %get3A_209 = arith.index_cast %scan3A_122 : i32 to index
        %get3A_210 = arith.constant 96 : index
        %get3A_211 = tpu.vector_load %arg12[%get3A_209, %get3A_210] {strides = array<i32>} : memref<80x128xf32, #tpu.memory_space<vmem>>, vector<1x16xf32>,
        %get3A_212 = vector.shape_cast %get3A_211 : vector<1x16xf32> to vector<16xf32>
        %add3A_213 = arith.addf %get3A_208, %get3A_212 : vector<16xf32>
        %swap3A_214 = arith.index_cast %scan3A_122 : i32 to index
        %swap3A_215 = arith.constant 96 : index
        %swap3A_216 = tpu.vector_load %arg11[%swap3A_214, %swap3A_215] {strides = array<i32>} : memref<80x128xf32, #tpu.memory_space<vmem>>, vector<1x16xf32>,
        %swap3A_217 = vector.shape_cast %swap3A_216 : vector<1x16xf32> to vector<16xf32>
        %swap3A_218 = vector.shape_cast %add3A_213 : vector<16xf32> to vector<1x16xf32>
        tpu.vector_store %arg11[%swap3A_214, %swap3A_215], %swap3A_218 {strides = array<i32>} : memref<80x128xf32, #tpu.memory_space<vmem>>, vector<1x16xf32>,
        %get3A_219 = arith.index_cast %scan3A_122 : i32 to index
        %get3A_220 = arith.constant 112 : index
        %get3A_221 = tpu.vector_load %arg11[%get3A_219, %get3A_220] {strides = array<i32>} : memref<80x128xf32, #tpu.memory_space<vmem>>, vector<1x16xf32>,
        %get3A_222 = vector.shape_cast %get3A_221 : vector<1x16xf32> to vector<16xf32>
        %get3A_223 = arith.index_cast %scan3A_122 : i32 to index
        %get3A_224 = arith.constant 112 : index
        %get3A_225 = tpu.vector_load %arg12[%get3A_223, %get3A_224] {strides = array<i32>} : memref<80x128xf32, #tpu.memory_space<vmem>>, vector<1x16xf32>,
        %get3A_226 = vector.shape_cast %get3A_225 : vector<1x16xf32> to vector<16xf32>
        %add3A_227 = arith.addf %get3A_222, %get3A_226 : vector<16xf32>
        %swap3A_228 = arith.index_cast %scan3A_122 : i32 to index
        %swap3A_229 = arith.constant 112 : index
        %swap3A_230 = tpu.vector_load %arg11[%swap3A_228, %swap3A_229] {strides = array<i32>} : memref<80x128xf32, #tpu.memory_space<vmem>>, vector<1x16xf32>,
        %swap3A_231 = vector.shape_cast %swap3A_230 : vector<1x16xf32> to vector<16xf32>
        %swap3A_232 = vector.shape_cast %add3A_227 : vector<16xf32> to vector<1x16xf32>
        tpu.vector_store %arg11[%swap3A_228, %swap3A_229], %swap3A_232 {strides = array<i32>} : memref<80x128xf32, #tpu.memory_space<vmem>>, vector<1x16xf32>,
      }
      %scan3A_111 = arith.constant 80 : i32
      %mul3A_112 = arith.constant 80 : i32
      %mul3A_113 = arith.muli %add3A_105, %mul3A_112 : i32
      %add3A_114 = arith.addi %mul3A_6, %mul3A_113 : i32
      "tpu.region"() ({
        %run_scoped3A = tpu.sem_alloc : memref<!tpu.dma_semaphore, #tpu.memory_space<semaphore_mem>>
        %dma_start3A_122 = arith.constant 0 : i32
        %dma_start3A_123 = tpu.memref_slice %arg6[%add3A_114, %dma_start3A_122] : memref<197120x128xf32, #tpu.memory_space<hbm>> -> memref<80x128xf32, #tpu.memory_space<hbm>>
        %dma_start3A_124 = arith.constant 0 : i32
        %dma_start3A_125 = tpu.memref_slice %arg6[%add3A_114, %dma_start3A_124] : memref<197120x128xf32, #tpu.memory_space<hbm>> -> memref<80x128xf32, #tpu.memory_space<hbm>>
        tpu.enqueue_dma source(%arg11 : memref<80x128xf32, #tpu.memory_space<vmem>>) target(%dma_start3A_125 : memref<80x128xf32, #tpu.memory_space<hbm>>) target_semaphore(%run_scoped3A : memref<!tpu.dma_semaphore, #tpu.memory_space<semaphore_mem>>)
        %dma_wait3A_126 = arith.constant 0 : i32
        %dma_wait3A_127 = tpu.memref_slice %arg6[%add3A_114, %dma_wait3A_126] : memref<197120x128xf32, #tpu.memory_space<hbm>> -> memref<80x128xf32, #tpu.memory_space<hbm>>
        %dma_wait3A_128 = arith.constant 0 : i32
        %dma_wait3A_129 = tpu.memref_slice %arg6[%add3A_114, %dma_wait3A_128] : memref<197120x128xf32, #tpu.memory_space<hbm>> -> memref<80x128xf32, #tpu.memory_space<hbm>>
        tpu.wait_dma2 semaphore(%run_scoped3A : memref<!tpu.dma_semaphore, #tpu.memory_space<semaphore_mem>>) src(%arg11 : memref<80x128xf32, #tpu.memory_space<vmem>>) dst(%dma_wait3A_129 : memref<80x128xf32, #tpu.memory_space<hbm>>)
        tpu.yield
      }) : () -> ()
      %add3A_115 = arith.constant 3 : i32
      %add3A_116 = arith.addi %mul3A_62, %add3A_115 : i32
      %lt3A_117 = arith.constant 77 : i32
      %lt3A_118 = arith.cmpi slt, %add3A_116, %lt3A_117 : i32
      %convert_element_type3A_119 = arith.extui %lt3A_118 : i1 to i32
      %cond3A_120 = arith.constant 0 : i32
      %cond3A_121 = arith.cmpi ne, %convert_element_type3A_119, %cond3A_120 : i32
      scf.if %cond3A_121 {
        %add3A_122 = arith.constant 3 : i32
        %add3A_123 = arith.addi %mul3A_62, %add3A_122 : i32
        %dma_start3A_124 = arith.constant 0 : i32
        %dma_start3A_125 = tpu.memref_slice %arg7[%add3A_123, %dma_start3A_124] : memref<77x80xi32, #tpu.memory_space<vmem>> -> memref<1x80xi32, #tpu.memory_space<vmem>>
        %dma_start3A_126 = tpu.memref_squeeze %dma_start3A_125 : memref<1x80xi32, #tpu.memory_space<vmem>> -> memref<80xi32, #tpu.memory_space<vmem>>
        %dma_start3A_127 = arith.constant 0 : i32
        %dma_start3A_128 = arith.constant 0 : i32
        %dma_start3A_129 = tpu.memref_slice %arg2[%dma_start3A_127, %dma_start3A_128] : memref<10000x128xf32, #tpu.memory_space<hbm>> -> memref<10000x128xf32, #tpu.memory_space<hbm>>
        tpu.enqueue_indirect_dma source(%dma_start3A_129 : memref<10000x128xf32, #tpu.memory_space<hbm>>) target(%arg11 : memref<80x128xf32, #tpu.memory_space<vmem>>) offsets(%dma_start3A_126 : memref<80xi32, #tpu.memory_space<vmem>>) semaphore(%arg14 : memref<!tpu.dma_semaphore, #tpu.memory_space<semaphore_mem>>)
        %dma_start3A_130 = arith.constant 0 : i32
        %dma_start3A_131 = tpu.memref_slice %arg8[%add3A_123, %dma_start3A_130] : memref<77x80xi32, #tpu.memory_space<vmem>> -> memref<1x80xi32, #tpu.memory_space<vmem>>
        %dma_start3A_132 = tpu.memref_squeeze %dma_start3A_131 : memref<1x80xi32, #tpu.memory_space<vmem>> -> memref<80xi32, #tpu.memory_space<vmem>>
        %dma_start3A_133 = arith.constant 0 : i32
        %dma_start3A_134 = arith.constant 0 : i32
        %dma_start3A_135 = tpu.memref_slice %arg3[%dma_start3A_133, %dma_start3A_134] : memref<10000x128xf32, #tpu.memory_space<hbm>> -> memref<10000x128xf32, #tpu.memory_space<hbm>>
        tpu.enqueue_indirect_dma source(%dma_start3A_135 : memref<10000x128xf32, #tpu.memory_space<hbm>>) target(%arg12 : memref<80x128xf32, #tpu.memory_space<vmem>>) offsets(%dma_start3A_132 : memref<80xi32, #tpu.memory_space<vmem>>) semaphore(%arg14 : memref<!tpu.dma_semaphore, #tpu.memory_space<semaphore_mem>>)
      } else {
      }
    }
    %scan3A_38 = arith.constant 38 : i32
    %dma_wait3A = arith.constant 0 : i32
    %dma_wait3A_39 = arith.constant 0 : i32
    %dma_wait3A_40 = tpu.memref_slice %arg7[%dma_wait3A, %dma_wait3A_39] : memref<77x80xi32, #tpu.memory_space<vmem>> -> memref<1x80xi32, #tpu.memory_space<vmem>>
    %dma_wait3A_41 = tpu.memref_squeeze %dma_wait3A_40 : memref<1x80xi32, #tpu.memory_space<vmem>> -> memref<80xi32, #tpu.memory_space<vmem>>
    %dma_wait3A_42 = arith.constant 0 : i32
    %dma_wait3A_43 = arith.constant 0 : i32
    %dma_wait3A_44 = tpu.memref_slice %arg2[%dma_wait3A_42, %dma_wait3A_43] : memref<10000x128xf32, #tpu.memory_space<hbm>> -> memref<10000x128xf32, #tpu.memory_space<hbm>>
    tpu.wait_indirect_dma semaphore(%arg13 : memref<!tpu.dma_semaphore, #tpu.memory_space<semaphore_mem>>) src(%dma_wait3A_44 : memref<10000x128xf32, #tpu.memory_space<hbm>>) dst(%arg9 : memref<80x128xf32, #tpu.memory_space<vmem>>)
    %dma_wait3A_45 = arith.constant 0 : i32
    %dma_wait3A_46 = arith.constant 0 : i32
    %dma_wait3A_47 = tpu.memref_slice %arg8[%dma_wait3A_45, %dma_wait3A_46] : memref<77x80xi32, #tpu.memory_space<vmem>> -> memref<1x80xi32, #tpu.memory_space<vmem>>
    %dma_wait3A_48 = tpu.memref_squeeze %dma_wait3A_47 : memref<1x80xi32, #tpu.memory_space<vmem>> -> memref<80xi32, #tpu.memory_space<vmem>>
    %dma_wait3A_49 = arith.constant 0 : i32
    %dma_wait3A_50 = arith.constant 0 : i32
    %dma_wait3A_51 = tpu.memref_slice %arg3[%dma_wait3A_49, %dma_wait3A_50] : memref<10000x128xf32, #tpu.memory_space<hbm>> -> memref<10000x128xf32, #tpu.memory_space<hbm>>
    tpu.wait_indirect_dma semaphore(%arg13 : memref<!tpu.dma_semaphore, #tpu.memory_space<semaphore_mem>>) src(%dma_wait3A_51 : memref<10000x128xf32, #tpu.memory_space<hbm>>) dst(%arg10 : memref<80x128xf32, #tpu.memory_space<vmem>>)
    %scan3A_52 = arith.constant 0 : i32
    %scan3A_53 = arith.constant 0 : i32
    %scan3A_54 = arith.constant 80 : i32
    %scan3A_55 = arith.addi %scan3A_53, %scan3A_54 : i32
    %scan3A_56 = arith.constant 1 : i32
    scf.for %scan3A_60 = %scan3A_53 to %scan3A_55 step %scan3A_56  : i32 {
      %get3A = arith.index_cast %scan3A_60 : i32 to index
      %get3A_61 = arith.constant 0 : index
      %get3A_62 = tpu.vector_load %arg9[%get3A, %get3A_61] {strides = array<i32>} : memref<80x128xf32, #tpu.memory_space<vmem>>, vector<1x16xf32>,
      %get3A_63 = vector.shape_cast %get3A_62 : vector<1x16xf32> to vector<16xf32>
      %get3A_64 = arith.index_cast %scan3A_60 : i32 to index
      %get3A_65 = arith.constant 0 : index
      %get3A_66 = tpu.vector_load %arg10[%get3A_64, %get3A_65] {strides = array<i32>} : memref<80x128xf32, #tpu.memory_space<vmem>>, vector<1x16xf32>,
      %get3A_67 = vector.shape_cast %get3A_66 : vector<1x16xf32> to vector<16xf32>
      %add3A_68 = arith.addf %get3A_63, %get3A_67 : vector<16xf32>
      %swap3A = arith.index_cast %scan3A_60 : i32 to index
      %swap3A_69 = arith.constant 0 : index
      %swap3A_70 = tpu.vector_load %arg9[%swap3A, %swap3A_69] {strides = array<i32>} : memref<80x128xf32, #tpu.memory_space<vmem>>, vector<1x16xf32>,
      %swap3A_71 = vector.shape_cast %swap3A_70 : vector<1x16xf32> to vector<16xf32>
      %swap3A_72 = vector.shape_cast %add3A_68 : vector<16xf32> to vector<1x16xf32>
      tpu.vector_store %arg9[%swap3A, %swap3A_69], %swap3A_72 {strides = array<i32>} : memref<80x128xf32, #tpu.memory_space<vmem>>, vector<1x16xf32>,
      %get3A_73 = arith.index_cast %scan3A_60 : i32 to index
      %get3A_74 = arith.constant 16 : index
      %get3A_75 = tpu.vector_load %arg9[%get3A_73, %get3A_74] {strides = array<i32>} : memref<80x128xf32, #tpu.memory_space<vmem>>, vector<1x16xf32>,
      %get3A_76 = vector.shape_cast %get3A_75 : vector<1x16xf32> to vector<16xf32>
      %get3A_77 = arith.index_cast %scan3A_60 : i32 to index
      %get3A_78 = arith.constant 16 : index
      %get3A_79 = tpu.vector_load %arg10[%get3A_77, %get3A_78] {strides = array<i32>} : memref<80x128xf32, #tpu.memory_space<vmem>>, vector<1x16xf32>,
      %get3A_80 = vector.shape_cast %get3A_79 : vector<1x16xf32> to vector<16xf32>
      %add3A_81 = arith.addf %get3A_76, %get3A_80 : vector<16xf32>
      %swap3A_82 = arith.index_cast %scan3A_60 : i32 to index
      %swap3A_83 = arith.constant 16 : index
      %swap3A_84 = tpu.vector_load %arg9[%swap3A_82, %swap3A_83] {strides = array<i32>} : memref<80x128xf32, #tpu.memory_space<vmem>>, vector<1x16xf32>,
      %swap3A_85 = vector.shape_cast %swap3A_84 : vector<1x16xf32> to vector<16xf32>
      %swap3A_86 = vector.shape_cast %add3A_81 : vector<16xf32> to vector<1x16xf32>
      tpu.vector_store %arg9[%swap3A_82, %swap3A_83], %swap3A_86 {strides = array<i32>} : memref<80x128xf32, #tpu.memory_space<vmem>>, vector<1x16xf32>,
      %get3A_87 = arith.index_cast %scan3A_60 : i32 to index
      %get3A_88 = arith.constant 32 : index
      %get3A_89 = tpu.vector_load %arg9[%get3A_87, %get3A_88] {strides = array<i32>} : memref<80x128xf32, #tpu.memory_space<vmem>>, vector<1x16xf32>,
      %get3A_90 = vector.shape_cast %get3A_89 : vector<1x16xf32> to vector<16xf32>
      %get3A_91 = arith.index_cast %scan3A_60 : i32 to index
      %get3A_92 = arith.constant 32 : index
      %get3A_93 = tpu.vector_load %arg10[%get3A_91, %get3A_92] {strides = array<i32>} : memref<80x128xf32, #tpu.memory_space<vmem>>, vector<1x16xf32>,
      %get3A_94 = vector.shape_cast %get3A_93 : vector<1x16xf32> to vector<16xf32>
      %add3A_95 = arith.addf %get3A_90, %get3A_94 : vector<16xf32>
      %swap3A_96 = arith.index_cast %scan3A_60 : i32 to index
      %swap3A_97 = arith.constant 32 : index
      %swap3A_98 = tpu.vector_load %arg9[%swap3A_96, %swap3A_97] {strides = array<i32>} : memref<80x128xf32, #tpu.memory_space<vmem>>, vector<1x16xf32>,
      %swap3A_99 = vector.shape_cast %swap3A_98 : vector<1x16xf32> to vector<16xf32>
      %swap3A_100 = vector.shape_cast %add3A_95 : vector<16xf32> to vector<1x16xf32>
      tpu.vector_store %arg9[%swap3A_96, %swap3A_97], %swap3A_100 {strides = array<i32>} : memref<80x128xf32, #tpu.memory_space<vmem>>, vector<1x16xf32>,
      %get3A_101 = arith.index_cast %scan3A_60 : i32 to index
      %get3A_102 = arith.constant 48 : index
      %get3A_103 = tpu.vector_load %arg9[%get3A_101, %get3A_102] {strides = array<i32>} : memref<80x128xf32, #tpu.memory_space<vmem>>, vector<1x16xf32>,
      %get3A_104 = vector.shape_cast %get3A_103 : vector<1x16xf32> to vector<16xf32>
      %get3A_105 = arith.index_cast %scan3A_60 : i32 to index
      %get3A_106 = arith.constant 48 : index
      %get3A_107 = tpu.vector_load %arg10[%get3A_105, %get3A_106] {strides = array<i32>} : memref<80x128xf32, #tpu.memory_space<vmem>>, vector<1x16xf32>,
      %get3A_108 = vector.shape_cast %get3A_107 : vector<1x16xf32> to vector<16xf32>
      %add3A_109 = arith.addf %get3A_104, %get3A_108 : vector<16xf32>
      %swap3A_110 = arith.index_cast %scan3A_60 : i32 to index
      %swap3A_111 = arith.constant 48 : index
      %swap3A_112 = tpu.vector_load %arg9[%swap3A_110, %swap3A_111] {strides = array<i32>} : memref<80x128xf32, #tpu.memory_space<vmem>>, vector<1x16xf32>,
      %swap3A_113 = vector.shape_cast %swap3A_112 : vector<1x16xf32> to vector<16xf32>
      %swap3A_114 = vector.shape_cast %add3A_109 : vector<16xf32> to vector<1x16xf32>
      tpu.vector_store %arg9[%swap3A_110, %swap3A_111], %swap3A_114 {strides = array<i32>} : memref<80x128xf32, #tpu.memory_space<vmem>>, vector<1x16xf32>,
      %get3A_115 = arith.index_cast %scan3A_60 : i32 to index
      %get3A_116 = arith.constant 64 : index
      %get3A_117 = tpu.vector_load %arg9[%get3A_115, %get3A_116] {strides = array<i32>} : memref<80x128xf32, #tpu.memory_space<vmem>>, vector<1x16xf32>,
      %get3A_118 = vector.shape_cast %get3A_117 : vector<1x16xf32> to vector<16xf32>
      %get3A_119 = arith.index_cast %scan3A_60 : i32 to index
      %get3A_120 = arith.constant 64 : index
      %get3A_121 = tpu.vector_load %arg10[%get3A_119, %get3A_120] {strides = array<i32>} : memref<80x128xf32, #tpu.memory_space<vmem>>, vector<1x16xf32>,
      %get3A_122 = vector.shape_cast %get3A_121 : vector<1x16xf32> to vector<16xf32>
      %add3A_123 = arith.addf %get3A_118, %get3A_122 : vector<16xf32>
      %swap3A_124 = arith.index_cast %scan3A_60 : i32 to index
      %swap3A_125 = arith.constant 64 : index
      %swap3A_126 = tpu.vector_load %arg9[%swap3A_124, %swap3A_125] {strides = array<i32>} : memref<80x128xf32, #tpu.memory_space<vmem>>, vector<1x16xf32>,
      %swap3A_127 = vector.shape_cast %swap3A_126 : vector<1x16xf32> to vector<16xf32>
      %swap3A_128 = vector.shape_cast %add3A_123 : vector<16xf32> to vector<1x16xf32>
      tpu.vector_store %arg9[%swap3A_124, %swap3A_125], %swap3A_128 {strides = array<i32>} : memref<80x128xf32, #tpu.memory_space<vmem>>, vector<1x16xf32>,
      %get3A_129 = arith.index_cast %scan3A_60 : i32 to index
      %get3A_130 = arith.constant 80 : index
      %get3A_131 = tpu.vector_load %arg9[%get3A_129, %get3A_130] {strides = array<i32>} : memref<80x128xf32, #tpu.memory_space<vmem>>, vector<1x16xf32>,
      %get3A_132 = vector.shape_cast %get3A_131 : vector<1x16xf32> to vector<16xf32>
      %get3A_133 = arith.index_cast %scan3A_60 : i32 to index
      %get3A_134 = arith.constant 80 : index
      %get3A_135 = tpu.vector_load %arg10[%get3A_133, %get3A_134] {strides = array<i32>} : memref<80x128xf32, #tpu.memory_space<vmem>>, vector<1x16xf32>,
      %get3A_136 = vector.shape_cast %get3A_135 : vector<1x16xf32> to vector<16xf32>
      %add3A_137 = arith.addf %get3A_132, %get3A_136 : vector<16xf32>
      %swap3A_138 = arith.index_cast %scan3A_60 : i32 to index
      %swap3A_139 = arith.constant 80 : index
      %swap3A_140 = tpu.vector_load %arg9[%swap3A_138, %swap3A_139] {strides = array<i32>} : memref<80x128xf32, #tpu.memory_space<vmem>>, vector<1x16xf32>,
      %swap3A_141 = vector.shape_cast %swap3A_140 : vector<1x16xf32> to vector<16xf32>
      %swap3A_142 = vector.shape_cast %add3A_137 : vector<16xf32> to vector<1x16xf32>
      tpu.vector_store %arg9[%swap3A_138, %swap3A_139], %swap3A_142 {strides = array<i32>} : memref<80x128xf32, #tpu.memory_space<vmem>>, vector<1x16xf32>,
      %get3A_143 = arith.index_cast %scan3A_60 : i32 to index
      %get3A_144 = arith.constant 96 : index
      %get3A_145 = tpu.vector_load %arg9[%get3A_143, %get3A_144] {strides = array<i32>} : memref<80x128xf32, #tpu.memory_space<vmem>>, vector<1x16xf32>,
      %get3A_146 = vector.shape_cast %get3A_145 : vector<1x16xf32> to vector<16xf32>
      %get3A_147 = arith.index_cast %scan3A_60 : i32 to index
      %get3A_148 = arith.constant 96 : index
      %get3A_149 = tpu.vector_load %arg10[%get3A_147, %get3A_148] {strides = array<i32>} : memref<80x128xf32, #tpu.memory_space<vmem>>, vector<1x16xf32>,
      %get3A_150 = vector.shape_cast %get3A_149 : vector<1x16xf32> to vector<16xf32>
      %add3A_151 = arith.addf %get3A_146, %get3A_150 : vector<16xf32>
      %swap3A_152 = arith.index_cast %scan3A_60 : i32 to index
      %swap3A_153 = arith.constant 96 : index
      %swap3A_154 = tpu.vector_load %arg9[%swap3A_152, %swap3A_153] {strides = array<i32>} : memref<80x128xf32, #tpu.memory_space<vmem>>, vector<1x16xf32>,
      %swap3A_155 = vector.shape_cast %swap3A_154 : vector<1x16xf32> to vector<16xf32>
      %swap3A_156 = vector.shape_cast %add3A_151 : vector<16xf32> to vector<1x16xf32>
      tpu.vector_store %arg9[%swap3A_152, %swap3A_153], %swap3A_156 {strides = array<i32>} : memref<80x128xf32, #tpu.memory_space<vmem>>, vector<1x16xf32>,
      %get3A_157 = arith.index_cast %scan3A_60 : i32 to index
      %get3A_158 = arith.constant 112 : index
      %get3A_159 = tpu.vector_load %arg9[%get3A_157, %get3A_158] {strides = array<i32>} : memref<80x128xf32, #tpu.memory_space<vmem>>, vector<1x16xf32>,
      %get3A_160 = vector.shape_cast %get3A_159 : vector<1x16xf32> to vector<16xf32>
      %get3A_161 = arith.index_cast %scan3A_60 : i32 to index
      %get3A_162 = arith.constant 112 : index
      %get3A_163 = tpu.vector_load %arg10[%get3A_161, %get3A_162] {strides = array<i32>} : memref<80x128xf32, #tpu.memory_space<vmem>>, vector<1x16xf32>,
      %get3A_164 = vector.shape_cast %get3A_163 : vector<1x16xf32> to vector<16xf32>
      %add3A_165 = arith.addf %get3A_160, %get3A_164 : vector<16xf32>
      %swap3A_166 = arith.index_cast %scan3A_60 : i32 to index
      %swap3A_167 = arith.constant 112 : index
      %swap3A_168 = tpu.vector_load %arg9[%swap3A_166, %swap3A_167] {strides = array<i32>} : memref<80x128xf32, #tpu.memory_space<vmem>>, vector<1x16xf32>,
      %swap3A_169 = vector.shape_cast %swap3A_168 : vector<1x16xf32> to vector<16xf32>
      %swap3A_170 = vector.shape_cast %add3A_165 : vector<16xf32> to vector<1x16xf32>
      tpu.vector_store %arg9[%swap3A_166, %swap3A_167], %swap3A_170 {strides = array<i32>} : memref<80x128xf32, #tpu.memory_space<vmem>>, vector<1x16xf32>,
    }
    %scan3A_57 = arith.constant 80 : i32
    %add3A_58 = arith.constant 6080 : i32
    %add3A_59 = arith.addi %mul3A_6, %add3A_58 : i32
    "tpu.region"() ({
      %run_scoped3A = tpu.sem_alloc : memref<!tpu.dma_semaphore, #tpu.memory_space<semaphore_mem>>
      %dma_start3A_60 = arith.constant 0 : i32
      %dma_start3A_61 = tpu.memref_slice %arg6[%add3A_59, %dma_start3A_60] : memref<197120x128xf32, #tpu.memory_space<hbm>> -> memref<80x128xf32, #tpu.memory_space<hbm>>
      %dma_start3A_62 = arith.constant 0 : i32
      %dma_start3A_63 = tpu.memref_slice %arg6[%add3A_59, %dma_start3A_62] : memref<197120x128xf32, #tpu.memory_space<hbm>> -> memref<80x128xf32, #tpu.memory_space<hbm>>
      tpu.enqueue_dma source(%arg9 : memref<80x128xf32, #tpu.memory_space<vmem>>) target(%dma_start3A_63 : memref<80x128xf32, #tpu.memory_space<hbm>>) target_semaphore(%run_scoped3A : memref<!tpu.dma_semaphore, #tpu.memory_space<semaphore_mem>>)
      %dma_wait3A_64 = arith.constant 0 : i32
      %dma_wait3A_65 = tpu.memref_slice %arg6[%add3A_59, %dma_wait3A_64] : memref<197120x128xf32, #tpu.memory_space<hbm>> -> memref<80x128xf32, #tpu.memory_space<hbm>>
      %dma_wait3A_66 = arith.constant 0 : i32
      %dma_wait3A_67 = tpu.memref_slice %arg6[%add3A_59, %dma_wait3A_66] : memref<197120x128xf32, #tpu.memory_space<hbm>> -> memref<80x128xf32, #tpu.memory_space<hbm>>
      tpu.wait_dma2 semaphore(%run_scoped3A : memref<!tpu.dma_semaphore, #tpu.memory_space<semaphore_mem>>) src(%arg9 : memref<80x128xf32, #tpu.memory_space<vmem>>) dst(%dma_wait3A_67 : memref<80x128xf32, #tpu.memory_space<hbm>>)
      tpu.yield
    }) : () -> ()
    return
  }
}

#map = affine_map<(d0, d1) -> (0, 0)>
module attributes {stable_mosaic.version = 14 : i64} {
  func.func @body(%arg0: i32, %arg1: i32, %arg2: memref<10000x128xf32, #tpu.memory_space<hbm>>, %arg3: memref<10000x128xf32, #tpu.memory_space<hbm>>, %arg4: memref<4000x80xi32, #tpu.memory_space<hbm>>, %arg5: memref<4000x80xi32, #tpu.memory_space<hbm>>, %arg6: memref<122880x128xf32, #tpu.memory_space<hbm>>, %arg7: memref<48x80xi32, #tpu.memory_space<vmem>>, %arg8: memref<48x80xi32, #tpu.memory_space<vmem>>, %arg9: memref<80x128xf32, #tpu.memory_space<vmem>>, %arg10: memref<80x128xf32, #tpu.memory_space<vmem>>, %arg11: memref<80x128xf32, #tpu.memory_space<vmem>>, %arg12: memref<80x128xf32, #tpu.memory_space<vmem>>, %arg13: memref<!tpu.dma_semaphore, #tpu.memory_space<semaphore_mem>>, %arg14: memref<!tpu.dma_semaphore, #tpu.memory_space<semaphore_mem>>) attributes {dimension_semantics = [#tpu.dimension_semantics<core_parallel>, #tpu.dimension_semantics<subcore_parallel>], iteration_bounds = array<i64: 2, 16>, scalar_prefetch = 0 : i64, scratch_operands = 8 : i64, tpu.core_type = #tpu.core_type<sc_vector_subcore>, window_params = [{transform_indices = #map}, {transform_indices = #map}, {transform_indices = #map}, {transform_indices = #map}, {transform_indices = #map}]} {
    %mul3A = arith.constant 2 : i32
    %mul3A_0 = arith.muli %arg1, %mul3A : i32
    %add3A = arith.addi %mul3A_0, %arg0 : i32
    %mul3A_1 = arith.constant 48 : i32
    %mul3A_2 = arith.muli %add3A, %mul3A_1 : i32
    %add3A_3 = arith.constant 2464 : i32
    %add3A_4 = arith.addi %add3A_3, %mul3A_2 : i32
    "tpu.region"() ({
      %run_scoped3A = tpu.sem_alloc : memref<!tpu.dma_semaphore, #tpu.memory_space<semaphore_mem>>
      %dma_start3A_39 = arith.constant 0 : i32
      %dma_start3A_40 = tpu.memref_slice %arg4[%add3A_4, %dma_start3A_39] : memref<4000x80xi32, #tpu.memory_space<hbm>> -> memref<48x80xi32, #tpu.memory_space<hbm>>
      %dma_start3A_41 = arith.constant 0 : i32
      %dma_start3A_42 = tpu.memref_slice %arg4[%add3A_4, %dma_start3A_41] : memref<4000x80xi32, #tpu.memory_space<hbm>> -> memref<48x80xi32, #tpu.memory_space<hbm>>
      tpu.enqueue_dma source(%dma_start3A_42 : memref<48x80xi32, #tpu.memory_space<hbm>>) target(%arg7 : memref<48x80xi32, #tpu.memory_space<vmem>>) target_semaphore(%run_scoped3A : memref<!tpu.dma_semaphore, #tpu.memory_space<semaphore_mem>>)
      %dma_wait3A = arith.constant 0 : i32
      %dma_wait3A_43 = tpu.memref_slice %arg4[%add3A_4, %dma_wait3A] : memref<4000x80xi32, #tpu.memory_space<hbm>> -> memref<48x80xi32, #tpu.memory_space<hbm>>
      %dma_wait3A_44 = arith.constant 0 : i32
      %dma_wait3A_45 = tpu.memref_slice %arg4[%add3A_4, %dma_wait3A_44] : memref<4000x80xi32, #tpu.memory_space<hbm>> -> memref<48x80xi32, #tpu.memory_space<hbm>>
      tpu.wait_dma2 semaphore(%run_scoped3A : memref<!tpu.dma_semaphore, #tpu.memory_space<semaphore_mem>>) src(%dma_wait3A_45 : memref<48x80xi32, #tpu.memory_space<hbm>>) dst(%arg7 : memref<48x80xi32, #tpu.memory_space<vmem>>)
      tpu.yield
    }) : () -> ()
    "tpu.region"() ({
      %run_scoped3A = tpu.sem_alloc : memref<!tpu.dma_semaphore, #tpu.memory_space<semaphore_mem>>
      %dma_start3A_39 = arith.constant 0 : i32
      %dma_start3A_40 = tpu.memref_slice %arg5[%add3A_4, %dma_start3A_39] : memref<4000x80xi32, #tpu.memory_space<hbm>> -> memref<48x80xi32, #tpu.memory_space<hbm>>
      %dma_start3A_41 = arith.constant 0 : i32
      %dma_start3A_42 = tpu.memref_slice %arg5[%add3A_4, %dma_start3A_41] : memref<4000x80xi32, #tpu.memory_space<hbm>> -> memref<48x80xi32, #tpu.memory_space<hbm>>
      tpu.enqueue_dma source(%dma_start3A_42 : memref<48x80xi32, #tpu.memory_space<hbm>>) target(%arg8 : memref<48x80xi32, #tpu.memory_space<vmem>>) target_semaphore(%run_scoped3A : memref<!tpu.dma_semaphore, #tpu.memory_space<semaphore_mem>>)
      %dma_wait3A = arith.constant 0 : i32
      %dma_wait3A_43 = tpu.memref_slice %arg5[%add3A_4, %dma_wait3A] : memref<4000x80xi32, #tpu.memory_space<hbm>> -> memref<48x80xi32, #tpu.memory_space<hbm>>
      %dma_wait3A_44 = arith.constant 0 : i32
      %dma_wait3A_45 = tpu.memref_slice %arg5[%add3A_4, %dma_wait3A_44] : memref<4000x80xi32, #tpu.memory_space<hbm>> -> memref<48x80xi32, #tpu.memory_space<hbm>>
      tpu.wait_dma2 semaphore(%run_scoped3A : memref<!tpu.dma_semaphore, #tpu.memory_space<semaphore_mem>>) src(%dma_wait3A_45 : memref<48x80xi32, #tpu.memory_space<hbm>>) dst(%arg8 : memref<48x80xi32, #tpu.memory_space<vmem>>)
      tpu.yield
    }) : () -> ()
    %mul3A_5 = arith.constant 3840 : i32
    %mul3A_6 = arith.muli %add3A, %mul3A_5 : i32
    %dma_start3A = arith.constant 0 : i32
    %dma_start3A_7 = arith.constant 0 : i32
    %dma_start3A_8 = tpu.memref_slice %arg7[%dma_start3A, %dma_start3A_7] : memref<48x80xi32, #tpu.memory_space<vmem>> -> memref<1x80xi32, #tpu.memory_space<vmem>>
    %dma_start3A_9 = tpu.memref_squeeze %dma_start3A_8 : memref<1x80xi32, #tpu.memory_space<vmem>> -> memref<80xi32, #tpu.memory_space<vmem>>
    %dma_start3A_10 = arith.constant 0 : i32
    %dma_start3A_11 = arith.constant 0 : i32
    %dma_start3A_12 = tpu.memref_slice %arg2[%dma_start3A_10, %dma_start3A_11] : memref<10000x128xf32, #tpu.memory_space<hbm>> -> memref<10000x128xf32, #tpu.memory_space<hbm>>
    tpu.enqueue_indirect_dma source(%dma_start3A_12 : memref<10000x128xf32, #tpu.memory_space<hbm>>) target(%arg9 : memref<80x128xf32, #tpu.memory_space<vmem>>) offsets(%dma_start3A_9 : memref<80xi32, #tpu.memory_space<vmem>>) semaphore(%arg13 : memref<!tpu.dma_semaphore, #tpu.memory_space<semaphore_mem>>)
    %dma_start3A_13 = arith.constant 0 : i32
    %dma_start3A_14 = arith.constant 0 : i32
    %dma_start3A_15 = tpu.memref_slice %arg8[%dma_start3A_13, %dma_start3A_14] : memref<48x80xi32, #tpu.memory_space<vmem>> -> memref<1x80xi32, #tpu.memory_space<vmem>>
    %dma_start3A_16 = tpu.memref_squeeze %dma_start3A_15 : memref<1x80xi32, #tpu.memory_space<vmem>> -> memref<80xi32, #tpu.memory_space<vmem>>
    %dma_start3A_17 = arith.constant 0 : i32
    %dma_start3A_18 = arith.constant 0 : i32
    %dma_start3A_19 = tpu.memref_slice %arg3[%dma_start3A_17, %dma_start3A_18] : memref<10000x128xf32, #tpu.memory_space<hbm>> -> memref<10000x128xf32, #tpu.memory_space<hbm>>
    tpu.enqueue_indirect_dma source(%dma_start3A_19 : memref<10000x128xf32, #tpu.memory_space<hbm>>) target(%arg10 : memref<80x128xf32, #tpu.memory_space<vmem>>) offsets(%dma_start3A_16 : memref<80xi32, #tpu.memory_space<vmem>>) semaphore(%arg13 : memref<!tpu.dma_semaphore, #tpu.memory_space<semaphore_mem>>)
    %dma_start3A_20 = arith.constant 1 : i32
    %dma_start3A_21 = arith.constant 0 : i32
    %dma_start3A_22 = tpu.memref_slice %arg7[%dma_start3A_20, %dma_start3A_21] : memref<48x80xi32, #tpu.memory_space<vmem>> -> memref<1x80xi32, #tpu.memory_space<vmem>>
    %dma_start3A_23 = tpu.memref_squeeze %dma_start3A_22 : memref<1x80xi32, #tpu.memory_space<vmem>> -> memref<80xi32, #tpu.memory_space<vmem>>
    %dma_start3A_24 = arith.constant 0 : i32
    %dma_start3A_25 = arith.constant 0 : i32
    %dma_start3A_26 = tpu.memref_slice %arg2[%dma_start3A_24, %dma_start3A_25] : memref<10000x128xf32, #tpu.memory_space<hbm>> -> memref<10000x128xf32, #tpu.memory_space<hbm>>
    tpu.enqueue_indirect_dma source(%dma_start3A_26 : memref<10000x128xf32, #tpu.memory_space<hbm>>) target(%arg11 : memref<80x128xf32, #tpu.memory_space<vmem>>) offsets(%dma_start3A_23 : memref<80xi32, #tpu.memory_space<vmem>>) semaphore(%arg14 : memref<!tpu.dma_semaphore, #tpu.memory_space<semaphore_mem>>)
    %dma_start3A_27 = arith.constant 1 : i32
    %dma_start3A_28 = arith.constant 0 : i32
    %dma_start3A_29 = tpu.memref_slice %arg8[%dma_start3A_27, %dma_start3A_28] : memref<48x80xi32, #tpu.memory_space<vmem>> -> memref<1x80xi32, #tpu.memory_space<vmem>>
    %dma_start3A_30 = tpu.memref_squeeze %dma_start3A_29 : memref<1x80xi32, #tpu.memory_space<vmem>> -> memref<80xi32, #tpu.memory_space<vmem>>
    %dma_start3A_31 = arith.constant 0 : i32
    %dma_start3A_32 = arith.constant 0 : i32
    %dma_start3A_33 = tpu.memref_slice %arg3[%dma_start3A_31, %dma_start3A_32] : memref<10000x128xf32, #tpu.memory_space<hbm>> -> memref<10000x128xf32, #tpu.memory_space<hbm>>
    tpu.enqueue_indirect_dma source(%dma_start3A_33 : memref<10000x128xf32, #tpu.memory_space<hbm>>) target(%arg12 : memref<80x128xf32, #tpu.memory_space<vmem>>) offsets(%dma_start3A_30 : memref<80xi32, #tpu.memory_space<vmem>>) semaphore(%arg14 : memref<!tpu.dma_semaphore, #tpu.memory_space<semaphore_mem>>)
    %scan3A = arith.constant 0 : i32
    %scan3A_34 = arith.constant 0 : i32
    %scan3A_35 = arith.constant 24 : i32
    %scan3A_36 = arith.addi %scan3A_34, %scan3A_35 : i32
    %scan3A_37 = arith.constant 1 : i32
    scf.for %scan3A_39 = %scan3A_34 to %scan3A_36 step %scan3A_37  : i32 {
      %mul3A_40 = arith.constant 2 : i32
      %mul3A_41 = arith.muli %mul3A_40, %scan3A_39 : i32
      %dma_wait3A = arith.constant 0 : i32
      %dma_wait3A_42 = arith.constant 0 : i32
      %dma_wait3A_43 = tpu.memref_slice %arg7[%dma_wait3A, %dma_wait3A_42] : memref<48x80xi32, #tpu.memory_space<vmem>> -> memref<1x80xi32, #tpu.memory_space<vmem>>
      %dma_wait3A_44 = tpu.memref_squeeze %dma_wait3A_43 : memref<1x80xi32, #tpu.memory_space<vmem>> -> memref<80xi32, #tpu.memory_space<vmem>>
      %dma_wait3A_45 = arith.constant 0 : i32
      %dma_wait3A_46 = arith.constant 0 : i32
      %dma_wait3A_47 = tpu.memref_slice %arg2[%dma_wait3A_45, %dma_wait3A_46] : memref<10000x128xf32, #tpu.memory_space<hbm>> -> memref<10000x128xf32, #tpu.memory_space<hbm>>
      tpu.wait_indirect_dma semaphore(%arg13 : memref<!tpu.dma_semaphore, #tpu.memory_space<semaphore_mem>>) src(%dma_wait3A_47 : memref<10000x128xf32, #tpu.memory_space<hbm>>) dst(%arg9 : memref<80x128xf32, #tpu.memory_space<vmem>>)
      %dma_wait3A_48 = arith.constant 0 : i32
      %dma_wait3A_49 = arith.constant 0 : i32
      %dma_wait3A_50 = tpu.memref_slice %arg8[%dma_wait3A_48, %dma_wait3A_49] : memref<48x80xi32, #tpu.memory_space<vmem>> -> memref<1x80xi32, #tpu.memory_space<vmem>>
      %dma_wait3A_51 = tpu.memref_squeeze %dma_wait3A_50 : memref<1x80xi32, #tpu.memory_space<vmem>> -> memref<80xi32, #tpu.memory_space<vmem>>
      %dma_wait3A_52 = arith.constant 0 : i32
      %dma_wait3A_53 = arith.constant 0 : i32
      %dma_wait3A_54 = tpu.memref_slice %arg3[%dma_wait3A_52, %dma_wait3A_53] : memref<10000x128xf32, #tpu.memory_space<hbm>> -> memref<10000x128xf32, #tpu.memory_space<hbm>>
      tpu.wait_indirect_dma semaphore(%arg13 : memref<!tpu.dma_semaphore, #tpu.memory_space<semaphore_mem>>) src(%dma_wait3A_54 : memref<10000x128xf32, #tpu.memory_space<hbm>>) dst(%arg10 : memref<80x128xf32, #tpu.memory_space<vmem>>)
      %scan3A_55 = arith.constant 0 : i32
      %scan3A_56 = arith.constant 0 : i32
      %scan3A_57 = arith.constant 80 : i32
      %scan3A_58 = arith.addi %scan3A_56, %scan3A_57 : i32
      %scan3A_59 = arith.constant 1 : i32
      scf.for %scan3A_100 = %scan3A_56 to %scan3A_58 step %scan3A_59  : i32 {
        %get3A = arith.index_cast %scan3A_100 : i32 to index
        %get3A_101 = arith.constant 0 : index
        %get3A_102 = tpu.vector_load %arg9[%get3A, %get3A_101] {strides = array<i32>} : memref<80x128xf32, #tpu.memory_space<vmem>>, vector<1x16xf32>,
        %get3A_103 = vector.shape_cast %get3A_102 : vector<1x16xf32> to vector<16xf32>
        %get3A_104 = arith.index_cast %scan3A_100 : i32 to index
        %get3A_105 = arith.constant 0 : index
        %get3A_106 = tpu.vector_load %arg10[%get3A_104, %get3A_105] {strides = array<i32>} : memref<80x128xf32, #tpu.memory_space<vmem>>, vector<1x16xf32>,
        %get3A_107 = vector.shape_cast %get3A_106 : vector<1x16xf32> to vector<16xf32>
        %add3A_108 = arith.addf %get3A_103, %get3A_107 : vector<16xf32>
        %swap3A = arith.index_cast %scan3A_100 : i32 to index
        %swap3A_109 = arith.constant 0 : index
        %swap3A_110 = tpu.vector_load %arg9[%swap3A, %swap3A_109] {strides = array<i32>} : memref<80x128xf32, #tpu.memory_space<vmem>>, vector<1x16xf32>,
        %swap3A_111 = vector.shape_cast %swap3A_110 : vector<1x16xf32> to vector<16xf32>
        %swap3A_112 = vector.shape_cast %add3A_108 : vector<16xf32> to vector<1x16xf32>
        tpu.vector_store %arg9[%swap3A, %swap3A_109], %swap3A_112 {strides = array<i32>} : memref<80x128xf32, #tpu.memory_space<vmem>>, vector<1x16xf32>,
        %get3A_113 = arith.index_cast %scan3A_100 : i32 to index
        %get3A_114 = arith.constant 16 : index
        %get3A_115 = tpu.vector_load %arg9[%get3A_113, %get3A_114] {strides = array<i32>} : memref<80x128xf32, #tpu.memory_space<vmem>>, vector<1x16xf32>,
        %get3A_116 = vector.shape_cast %get3A_115 : vector<1x16xf32> to vector<16xf32>
        %get3A_117 = arith.index_cast %scan3A_100 : i32 to index
        %get3A_118 = arith.constant 16 : index
        %get3A_119 = tpu.vector_load %arg10[%get3A_117, %get3A_118] {strides = array<i32>} : memref<80x128xf32, #tpu.memory_space<vmem>>, vector<1x16xf32>,
        %get3A_120 = vector.shape_cast %get3A_119 : vector<1x16xf32> to vector<16xf32>
        %add3A_121 = arith.addf %get3A_116, %get3A_120 : vector<16xf32>
        %swap3A_122 = arith.index_cast %scan3A_100 : i32 to index
        %swap3A_123 = arith.constant 16 : index
        %swap3A_124 = tpu.vector_load %arg9[%swap3A_122, %swap3A_123] {strides = array<i32>} : memref<80x128xf32, #tpu.memory_space<vmem>>, vector<1x16xf32>,
        %swap3A_125 = vector.shape_cast %swap3A_124 : vector<1x16xf32> to vector<16xf32>
        %swap3A_126 = vector.shape_cast %add3A_121 : vector<16xf32> to vector<1x16xf32>
        tpu.vector_store %arg9[%swap3A_122, %swap3A_123], %swap3A_126 {strides = array<i32>} : memref<80x128xf32, #tpu.memory_space<vmem>>, vector<1x16xf32>,
        %get3A_127 = arith.index_cast %scan3A_100 : i32 to index
        %get3A_128 = arith.constant 32 : index
        %get3A_129 = tpu.vector_load %arg9[%get3A_127, %get3A_128] {strides = array<i32>} : memref<80x128xf32, #tpu.memory_space<vmem>>, vector<1x16xf32>,
        %get3A_130 = vector.shape_cast %get3A_129 : vector<1x16xf32> to vector<16xf32>
        %get3A_131 = arith.index_cast %scan3A_100 : i32 to index
        %get3A_132 = arith.constant 32 : index
        %get3A_133 = tpu.vector_load %arg10[%get3A_131, %get3A_132] {strides = array<i32>} : memref<80x128xf32, #tpu.memory_space<vmem>>, vector<1x16xf32>,
        %get3A_134 = vector.shape_cast %get3A_133 : vector<1x16xf32> to vector<16xf32>
        %add3A_135 = arith.addf %get3A_130, %get3A_134 : vector<16xf32>
        %swap3A_136 = arith.index_cast %scan3A_100 : i32 to index
        %swap3A_137 = arith.constant 32 : index
        %swap3A_138 = tpu.vector_load %arg9[%swap3A_136, %swap3A_137] {strides = array<i32>} : memref<80x128xf32, #tpu.memory_space<vmem>>, vector<1x16xf32>,
        %swap3A_139 = vector.shape_cast %swap3A_138 : vector<1x16xf32> to vector<16xf32>
        %swap3A_140 = vector.shape_cast %add3A_135 : vector<16xf32> to vector<1x16xf32>
        tpu.vector_store %arg9[%swap3A_136, %swap3A_137], %swap3A_140 {strides = array<i32>} : memref<80x128xf32, #tpu.memory_space<vmem>>, vector<1x16xf32>,
        %get3A_141 = arith.index_cast %scan3A_100 : i32 to index
        %get3A_142 = arith.constant 48 : index
        %get3A_143 = tpu.vector_load %arg9[%get3A_141, %get3A_142] {strides = array<i32>} : memref<80x128xf32, #tpu.memory_space<vmem>>, vector<1x16xf32>,
        %get3A_144 = vector.shape_cast %get3A_143 : vector<1x16xf32> to vector<16xf32>
        %get3A_145 = arith.index_cast %scan3A_100 : i32 to index
        %get3A_146 = arith.constant 48 : index
        %get3A_147 = tpu.vector_load %arg10[%get3A_145, %get3A_146] {strides = array<i32>} : memref<80x128xf32, #tpu.memory_space<vmem>>, vector<1x16xf32>,
        %get3A_148 = vector.shape_cast %get3A_147 : vector<1x16xf32> to vector<16xf32>
        %add3A_149 = arith.addf %get3A_144, %get3A_148 : vector<16xf32>
        %swap3A_150 = arith.index_cast %scan3A_100 : i32 to index
        %swap3A_151 = arith.constant 48 : index
        %swap3A_152 = tpu.vector_load %arg9[%swap3A_150, %swap3A_151] {strides = array<i32>} : memref<80x128xf32, #tpu.memory_space<vmem>>, vector<1x16xf32>,
        %swap3A_153 = vector.shape_cast %swap3A_152 : vector<1x16xf32> to vector<16xf32>
        %swap3A_154 = vector.shape_cast %add3A_149 : vector<16xf32> to vector<1x16xf32>
        tpu.vector_store %arg9[%swap3A_150, %swap3A_151], %swap3A_154 {strides = array<i32>} : memref<80x128xf32, #tpu.memory_space<vmem>>, vector<1x16xf32>,
        %get3A_155 = arith.index_cast %scan3A_100 : i32 to index
        %get3A_156 = arith.constant 64 : index
        %get3A_157 = tpu.vector_load %arg9[%get3A_155, %get3A_156] {strides = array<i32>} : memref<80x128xf32, #tpu.memory_space<vmem>>, vector<1x16xf32>,
        %get3A_158 = vector.shape_cast %get3A_157 : vector<1x16xf32> to vector<16xf32>
        %get3A_159 = arith.index_cast %scan3A_100 : i32 to index
        %get3A_160 = arith.constant 64 : index
        %get3A_161 = tpu.vector_load %arg10[%get3A_159, %get3A_160] {strides = array<i32>} : memref<80x128xf32, #tpu.memory_space<vmem>>, vector<1x16xf32>,
        %get3A_162 = vector.shape_cast %get3A_161 : vector<1x16xf32> to vector<16xf32>
        %add3A_163 = arith.addf %get3A_158, %get3A_162 : vector<16xf32>
        %swap3A_164 = arith.index_cast %scan3A_100 : i32 to index
        %swap3A_165 = arith.constant 64 : index
        %swap3A_166 = tpu.vector_load %arg9[%swap3A_164, %swap3A_165] {strides = array<i32>} : memref<80x128xf32, #tpu.memory_space<vmem>>, vector<1x16xf32>,
        %swap3A_167 = vector.shape_cast %swap3A_166 : vector<1x16xf32> to vector<16xf32>
        %swap3A_168 = vector.shape_cast %add3A_163 : vector<16xf32> to vector<1x16xf32>
        tpu.vector_store %arg9[%swap3A_164, %swap3A_165], %swap3A_168 {strides = array<i32>} : memref<80x128xf32, #tpu.memory_space<vmem>>, vector<1x16xf32>,
        %get3A_169 = arith.index_cast %scan3A_100 : i32 to index
        %get3A_170 = arith.constant 80 : index
        %get3A_171 = tpu.vector_load %arg9[%get3A_169, %get3A_170] {strides = array<i32>} : memref<80x128xf32, #tpu.memory_space<vmem>>, vector<1x16xf32>,
        %get3A_172 = vector.shape_cast %get3A_171 : vector<1x16xf32> to vector<16xf32>
        %get3A_173 = arith.index_cast %scan3A_100 : i32 to index
        %get3A_174 = arith.constant 80 : index
        %get3A_175 = tpu.vector_load %arg10[%get3A_173, %get3A_174] {strides = array<i32>} : memref<80x128xf32, #tpu.memory_space<vmem>>, vector<1x16xf32>,
        %get3A_176 = vector.shape_cast %get3A_175 : vector<1x16xf32> to vector<16xf32>
        %add3A_177 = arith.addf %get3A_172, %get3A_176 : vector<16xf32>
        %swap3A_178 = arith.index_cast %scan3A_100 : i32 to index
        %swap3A_179 = arith.constant 80 : index
        %swap3A_180 = tpu.vector_load %arg9[%swap3A_178, %swap3A_179] {strides = array<i32>} : memref<80x128xf32, #tpu.memory_space<vmem>>, vector<1x16xf32>,
        %swap3A_181 = vector.shape_cast %swap3A_180 : vector<1x16xf32> to vector<16xf32>
        %swap3A_182 = vector.shape_cast %add3A_177 : vector<16xf32> to vector<1x16xf32>
        tpu.vector_store %arg9[%swap3A_178, %swap3A_179], %swap3A_182 {strides = array<i32>} : memref<80x128xf32, #tpu.memory_space<vmem>>, vector<1x16xf32>,
        %get3A_183 = arith.index_cast %scan3A_100 : i32 to index
        %get3A_184 = arith.constant 96 : index
        %get3A_185 = tpu.vector_load %arg9[%get3A_183, %get3A_184] {strides = array<i32>} : memref<80x128xf32, #tpu.memory_space<vmem>>, vector<1x16xf32>,
        %get3A_186 = vector.shape_cast %get3A_185 : vector<1x16xf32> to vector<16xf32>
        %get3A_187 = arith.index_cast %scan3A_100 : i32 to index
        %get3A_188 = arith.constant 96 : index
        %get3A_189 = tpu.vector_load %arg10[%get3A_187, %get3A_188] {strides = array<i32>} : memref<80x128xf32, #tpu.memory_space<vmem>>, vector<1x16xf32>,
        %get3A_190 = vector.shape_cast %get3A_189 : vector<1x16xf32> to vector<16xf32>
        %add3A_191 = arith.addf %get3A_186, %get3A_190 : vector<16xf32>
        %swap3A_192 = arith.index_cast %scan3A_100 : i32 to index
        %swap3A_193 = arith.constant 96 : index
        %swap3A_194 = tpu.vector_load %arg9[%swap3A_192, %swap3A_193] {strides = array<i32>} : memref<80x128xf32, #tpu.memory_space<vmem>>, vector<1x16xf32>,
        %swap3A_195 = vector.shape_cast %swap3A_194 : vector<1x16xf32> to vector<16xf32>
        %swap3A_196 = vector.shape_cast %add3A_191 : vector<16xf32> to vector<1x16xf32>
        tpu.vector_store %arg9[%swap3A_192, %swap3A_193], %swap3A_196 {strides = array<i32>} : memref<80x128xf32, #tpu.memory_space<vmem>>, vector<1x16xf32>,
        %get3A_197 = arith.index_cast %scan3A_100 : i32 to index
        %get3A_198 = arith.constant 112 : index
        %get3A_199 = tpu.vector_load %arg9[%get3A_197, %get3A_198] {strides = array<i32>} : memref<80x128xf32, #tpu.memory_space<vmem>>, vector<1x16xf32>,
        %get3A_200 = vector.shape_cast %get3A_199 : vector<1x16xf32> to vector<16xf32>
        %get3A_201 = arith.index_cast %scan3A_100 : i32 to index
        %get3A_202 = arith.constant 112 : index
        %get3A_203 = tpu.vector_load %arg10[%get3A_201, %get3A_202] {strides = array<i32>} : memref<80x128xf32, #tpu.memory_space<vmem>>, vector<1x16xf32>,
        %get3A_204 = vector.shape_cast %get3A_203 : vector<1x16xf32> to vector<16xf32>
        %add3A_205 = arith.addf %get3A_200, %get3A_204 : vector<16xf32>
        %swap3A_206 = arith.index_cast %scan3A_100 : i32 to index
        %swap3A_207 = arith.constant 112 : index
        %swap3A_208 = tpu.vector_load %arg9[%swap3A_206, %swap3A_207] {strides = array<i32>} : memref<80x128xf32, #tpu.memory_space<vmem>>, vector<1x16xf32>,
        %swap3A_209 = vector.shape_cast %swap3A_208 : vector<1x16xf32> to vector<16xf32>
        %swap3A_210 = vector.shape_cast %add3A_205 : vector<16xf32> to vector<1x16xf32>
        tpu.vector_store %arg9[%swap3A_206, %swap3A_207], %swap3A_210 {strides = array<i32>} : memref<80x128xf32, #tpu.memory_space<vmem>>, vector<1x16xf32>,
      }
      %scan3A_60 = arith.constant 80 : i32
      %mul3A_61 = arith.constant 80 : i32
      %mul3A_62 = arith.muli %mul3A_41, %mul3A_61 : i32
      %add3A_63 = arith.addi %mul3A_6, %mul3A_62 : i32
      "tpu.region"() ({
        %run_scoped3A = tpu.sem_alloc : memref<!tpu.dma_semaphore, #tpu.memory_space<semaphore_mem>>
        %dma_start3A_100 = arith.constant 0 : i32
        %dma_start3A_101 = tpu.memref_slice %arg6[%add3A_63, %dma_start3A_100] : memref<122880x128xf32, #tpu.memory_space<hbm>> -> memref<80x128xf32, #tpu.memory_space<hbm>>
        %dma_start3A_102 = arith.constant 0 : i32
        %dma_start3A_103 = tpu.memref_slice %arg6[%add3A_63, %dma_start3A_102] : memref<122880x128xf32, #tpu.memory_space<hbm>> -> memref<80x128xf32, #tpu.memory_space<hbm>>
        tpu.enqueue_dma source(%arg9 : memref<80x128xf32, #tpu.memory_space<vmem>>) target(%dma_start3A_103 : memref<80x128xf32, #tpu.memory_space<hbm>>) target_semaphore(%run_scoped3A : memref<!tpu.dma_semaphore, #tpu.memory_space<semaphore_mem>>)
        %dma_wait3A_104 = arith.constant 0 : i32
        %dma_wait3A_105 = tpu.memref_slice %arg6[%add3A_63, %dma_wait3A_104] : memref<122880x128xf32, #tpu.memory_space<hbm>> -> memref<80x128xf32, #tpu.memory_space<hbm>>
        %dma_wait3A_106 = arith.constant 0 : i32
        %dma_wait3A_107 = tpu.memref_slice %arg6[%add3A_63, %dma_wait3A_106] : memref<122880x128xf32, #tpu.memory_space<hbm>> -> memref<80x128xf32, #tpu.memory_space<hbm>>
        tpu.wait_dma2 semaphore(%run_scoped3A : memref<!tpu.dma_semaphore, #tpu.memory_space<semaphore_mem>>) src(%arg9 : memref<80x128xf32, #tpu.memory_space<vmem>>) dst(%dma_wait3A_107 : memref<80x128xf32, #tpu.memory_space<hbm>>)
        tpu.yield
      }) : () -> ()
      %add3A_64 = arith.constant 2 : i32
      %add3A_65 = arith.addi %mul3A_41, %add3A_64 : i32
      %lt3A = arith.constant 48 : i32
      %lt3A_66 = arith.cmpi slt, %add3A_65, %lt3A : i32
      %convert_element_type3A = arith.extui %lt3A_66 : i1 to i32
      %cond3A = arith.constant 0 : i32
      %cond3A_67 = arith.cmpi ne, %convert_element_type3A, %cond3A : i32
      scf.if %cond3A_67 {
        %add3A_100 = arith.constant 2 : i32
        %add3A_101 = arith.addi %mul3A_41, %add3A_100 : i32
        %dma_start3A_102 = arith.constant 0 : i32
        %dma_start3A_103 = tpu.memref_slice %arg7[%add3A_101, %dma_start3A_102] : memref<48x80xi32, #tpu.memory_space<vmem>> -> memref<1x80xi32, #tpu.memory_space<vmem>>
        %dma_start3A_104 = tpu.memref_squeeze %dma_start3A_103 : memref<1x80xi32, #tpu.memory_space<vmem>> -> memref<80xi32, #tpu.memory_space<vmem>>
        %dma_start3A_105 = arith.constant 0 : i32
        %dma_start3A_106 = arith.constant 0 : i32
        %dma_start3A_107 = tpu.memref_slice %arg2[%dma_start3A_105, %dma_start3A_106] : memref<10000x128xf32, #tpu.memory_space<hbm>> -> memref<10000x128xf32, #tpu.memory_space<hbm>>
        tpu.enqueue_indirect_dma source(%dma_start3A_107 : memref<10000x128xf32, #tpu.memory_space<hbm>>) target(%arg9 : memref<80x128xf32, #tpu.memory_space<vmem>>) offsets(%dma_start3A_104 : memref<80xi32, #tpu.memory_space<vmem>>) semaphore(%arg13 : memref<!tpu.dma_semaphore, #tpu.memory_space<semaphore_mem>>)
        %dma_start3A_108 = arith.constant 0 : i32
        %dma_start3A_109 = tpu.memref_slice %arg8[%add3A_101, %dma_start3A_108] : memref<48x80xi32, #tpu.memory_space<vmem>> -> memref<1x80xi32, #tpu.memory_space<vmem>>
        %dma_start3A_110 = tpu.memref_squeeze %dma_start3A_109 : memref<1x80xi32, #tpu.memory_space<vmem>> -> memref<80xi32, #tpu.memory_space<vmem>>
        %dma_start3A_111 = arith.constant 0 : i32
        %dma_start3A_112 = arith.constant 0 : i32
        %dma_start3A_113 = tpu.memref_slice %arg3[%dma_start3A_111, %dma_start3A_112] : memref<10000x128xf32, #tpu.memory_space<hbm>> -> memref<10000x128xf32, #tpu.memory_space<hbm>>
        tpu.enqueue_indirect_dma source(%dma_start3A_113 : memref<10000x128xf32, #tpu.memory_space<hbm>>) target(%arg10 : memref<80x128xf32, #tpu.memory_space<vmem>>) offsets(%dma_start3A_110 : memref<80xi32, #tpu.memory_space<vmem>>) semaphore(%arg13 : memref<!tpu.dma_semaphore, #tpu.memory_space<semaphore_mem>>)
      } else {
      }
      %dma_wait3A_68 = arith.constant 0 : i32
      %dma_wait3A_69 = arith.constant 0 : i32
      %dma_wait3A_70 = tpu.memref_slice %arg7[%dma_wait3A_68, %dma_wait3A_69] : memref<48x80xi32, #tpu.memory_space<vmem>> -> memref<1x80xi32, #tpu.memory_space<vmem>>
      %dma_wait3A_71 = tpu.memref_squeeze %dma_wait3A_70 : memref<1x80xi32, #tpu.memory_space<vmem>> -> memref<80xi32, #tpu.memory_space<vmem>>
      %dma_wait3A_72 = arith.constant 0 : i32
      %dma_wait3A_73 = arith.constant 0 : i32
      %dma_wait3A_74 = tpu.memref_slice %arg2[%dma_wait3A_72, %dma_wait3A_73] : memref<10000x128xf32, #tpu.memory_space<hbm>> -> memref<10000x128xf32, #tpu.memory_space<hbm>>
      tpu.wait_indirect_dma semaphore(%arg14 : memref<!tpu.dma_semaphore, #tpu.memory_space<semaphore_mem>>) src(%dma_wait3A_74 : memref<10000x128xf32, #tpu.memory_space<hbm>>) dst(%arg11 : memref<80x128xf32, #tpu.memory_space<vmem>>)
      %dma_wait3A_75 = arith.constant 0 : i32
      %dma_wait3A_76 = arith.constant 0 : i32
      %dma_wait3A_77 = tpu.memref_slice %arg8[%dma_wait3A_75, %dma_wait3A_76] : memref<48x80xi32, #tpu.memory_space<vmem>> -> memref<1x80xi32, #tpu.memory_space<vmem>>
      %dma_wait3A_78 = tpu.memref_squeeze %dma_wait3A_77 : memref<1x80xi32, #tpu.memory_space<vmem>> -> memref<80xi32, #tpu.memory_space<vmem>>
      %dma_wait3A_79 = arith.constant 0 : i32
      %dma_wait3A_80 = arith.constant 0 : i32
      %dma_wait3A_81 = tpu.memref_slice %arg3[%dma_wait3A_79, %dma_wait3A_80] : memref<10000x128xf32, #tpu.memory_space<hbm>> -> memref<10000x128xf32, #tpu.memory_space<hbm>>
      tpu.wait_indirect_dma semaphore(%arg14 : memref<!tpu.dma_semaphore, #tpu.memory_space<semaphore_mem>>) src(%dma_wait3A_81 : memref<10000x128xf32, #tpu.memory_space<hbm>>) dst(%arg12 : memref<80x128xf32, #tpu.memory_space<vmem>>)
      %add3A_82 = arith.constant 1 : i32
      %add3A_83 = arith.addi %mul3A_41, %add3A_82 : i32
      %scan3A_84 = arith.constant 0 : i32
      %scan3A_85 = arith.constant 0 : i32
      %scan3A_86 = arith.constant 80 : i32
      %scan3A_87 = arith.addi %scan3A_85, %scan3A_86 : i32
      %scan3A_88 = arith.constant 1 : i32
      scf.for %scan3A_100 = %scan3A_85 to %scan3A_87 step %scan3A_88  : i32 {
        %get3A = arith.index_cast %scan3A_100 : i32 to index
        %get3A_101 = arith.constant 0 : index
        %get3A_102 = tpu.vector_load %arg11[%get3A, %get3A_101] {strides = array<i32>} : memref<80x128xf32, #tpu.memory_space<vmem>>, vector<1x16xf32>,
        %get3A_103 = vector.shape_cast %get3A_102 : vector<1x16xf32> to vector<16xf32>
        %get3A_104 = arith.index_cast %scan3A_100 : i32 to index
        %get3A_105 = arith.constant 0 : index
        %get3A_106 = tpu.vector_load %arg12[%get3A_104, %get3A_105] {strides = array<i32>} : memref<80x128xf32, #tpu.memory_space<vmem>>, vector<1x16xf32>,
        %get3A_107 = vector.shape_cast %get3A_106 : vector<1x16xf32> to vector<16xf32>
        %add3A_108 = arith.addf %get3A_103, %get3A_107 : vector<16xf32>
        %swap3A = arith.index_cast %scan3A_100 : i32 to index
        %swap3A_109 = arith.constant 0 : index
        %swap3A_110 = tpu.vector_load %arg11[%swap3A, %swap3A_109] {strides = array<i32>} : memref<80x128xf32, #tpu.memory_space<vmem>>, vector<1x16xf32>,
        %swap3A_111 = vector.shape_cast %swap3A_110 : vector<1x16xf32> to vector<16xf32>
        %swap3A_112 = vector.shape_cast %add3A_108 : vector<16xf32> to vector<1x16xf32>
        tpu.vector_store %arg11[%swap3A, %swap3A_109], %swap3A_112 {strides = array<i32>} : memref<80x128xf32, #tpu.memory_space<vmem>>, vector<1x16xf32>,
        %get3A_113 = arith.index_cast %scan3A_100 : i32 to index
        %get3A_114 = arith.constant 16 : index
        %get3A_115 = tpu.vector_load %arg11[%get3A_113, %get3A_114] {strides = array<i32>} : memref<80x128xf32, #tpu.memory_space<vmem>>, vector<1x16xf32>,
        %get3A_116 = vector.shape_cast %get3A_115 : vector<1x16xf32> to vector<16xf32>
        %get3A_117 = arith.index_cast %scan3A_100 : i32 to index
        %get3A_118 = arith.constant 16 : index
        %get3A_119 = tpu.vector_load %arg12[%get3A_117, %get3A_118] {strides = array<i32>} : memref<80x128xf32, #tpu.memory_space<vmem>>, vector<1x16xf32>,
        %get3A_120 = vector.shape_cast %get3A_119 : vector<1x16xf32> to vector<16xf32>
        %add3A_121 = arith.addf %get3A_116, %get3A_120 : vector<16xf32>
        %swap3A_122 = arith.index_cast %scan3A_100 : i32 to index
        %swap3A_123 = arith.constant 16 : index
        %swap3A_124 = tpu.vector_load %arg11[%swap3A_122, %swap3A_123] {strides = array<i32>} : memref<80x128xf32, #tpu.memory_space<vmem>>, vector<1x16xf32>,
        %swap3A_125 = vector.shape_cast %swap3A_124 : vector<1x16xf32> to vector<16xf32>
        %swap3A_126 = vector.shape_cast %add3A_121 : vector<16xf32> to vector<1x16xf32>
        tpu.vector_store %arg11[%swap3A_122, %swap3A_123], %swap3A_126 {strides = array<i32>} : memref<80x128xf32, #tpu.memory_space<vmem>>, vector<1x16xf32>,
        %get3A_127 = arith.index_cast %scan3A_100 : i32 to index
        %get3A_128 = arith.constant 32 : index
        %get3A_129 = tpu.vector_load %arg11[%get3A_127, %get3A_128] {strides = array<i32>} : memref<80x128xf32, #tpu.memory_space<vmem>>, vector<1x16xf32>,
        %get3A_130 = vector.shape_cast %get3A_129 : vector<1x16xf32> to vector<16xf32>
        %get3A_131 = arith.index_cast %scan3A_100 : i32 to index
        %get3A_132 = arith.constant 32 : index
        %get3A_133 = tpu.vector_load %arg12[%get3A_131, %get3A_132] {strides = array<i32>} : memref<80x128xf32, #tpu.memory_space<vmem>>, vector<1x16xf32>,
        %get3A_134 = vector.shape_cast %get3A_133 : vector<1x16xf32> to vector<16xf32>
        %add3A_135 = arith.addf %get3A_130, %get3A_134 : vector<16xf32>
        %swap3A_136 = arith.index_cast %scan3A_100 : i32 to index
        %swap3A_137 = arith.constant 32 : index
        %swap3A_138 = tpu.vector_load %arg11[%swap3A_136, %swap3A_137] {strides = array<i32>} : memref<80x128xf32, #tpu.memory_space<vmem>>, vector<1x16xf32>,
        %swap3A_139 = vector.shape_cast %swap3A_138 : vector<1x16xf32> to vector<16xf32>
        %swap3A_140 = vector.shape_cast %add3A_135 : vector<16xf32> to vector<1x16xf32>
        tpu.vector_store %arg11[%swap3A_136, %swap3A_137], %swap3A_140 {strides = array<i32>} : memref<80x128xf32, #tpu.memory_space<vmem>>, vector<1x16xf32>,
        %get3A_141 = arith.index_cast %scan3A_100 : i32 to index
        %get3A_142 = arith.constant 48 : index
        %get3A_143 = tpu.vector_load %arg11[%get3A_141, %get3A_142] {strides = array<i32>} : memref<80x128xf32, #tpu.memory_space<vmem>>, vector<1x16xf32>,
        %get3A_144 = vector.shape_cast %get3A_143 : vector<1x16xf32> to vector<16xf32>
        %get3A_145 = arith.index_cast %scan3A_100 : i32 to index
        %get3A_146 = arith.constant 48 : index
        %get3A_147 = tpu.vector_load %arg12[%get3A_145, %get3A_146] {strides = array<i32>} : memref<80x128xf32, #tpu.memory_space<vmem>>, vector<1x16xf32>,
        %get3A_148 = vector.shape_cast %get3A_147 : vector<1x16xf32> to vector<16xf32>
        %add3A_149 = arith.addf %get3A_144, %get3A_148 : vector<16xf32>
        %swap3A_150 = arith.index_cast %scan3A_100 : i32 to index
        %swap3A_151 = arith.constant 48 : index
        %swap3A_152 = tpu.vector_load %arg11[%swap3A_150, %swap3A_151] {strides = array<i32>} : memref<80x128xf32, #tpu.memory_space<vmem>>, vector<1x16xf32>,
        %swap3A_153 = vector.shape_cast %swap3A_152 : vector<1x16xf32> to vector<16xf32>
        %swap3A_154 = vector.shape_cast %add3A_149 : vector<16xf32> to vector<1x16xf32>
        tpu.vector_store %arg11[%swap3A_150, %swap3A_151], %swap3A_154 {strides = array<i32>} : memref<80x128xf32, #tpu.memory_space<vmem>>, vector<1x16xf32>,
        %get3A_155 = arith.index_cast %scan3A_100 : i32 to index
        %get3A_156 = arith.constant 64 : index
        %get3A_157 = tpu.vector_load %arg11[%get3A_155, %get3A_156] {strides = array<i32>} : memref<80x128xf32, #tpu.memory_space<vmem>>, vector<1x16xf32>,
        %get3A_158 = vector.shape_cast %get3A_157 : vector<1x16xf32> to vector<16xf32>
        %get3A_159 = arith.index_cast %scan3A_100 : i32 to index
        %get3A_160 = arith.constant 64 : index
        %get3A_161 = tpu.vector_load %arg12[%get3A_159, %get3A_160] {strides = array<i32>} : memref<80x128xf32, #tpu.memory_space<vmem>>, vector<1x16xf32>,
        %get3A_162 = vector.shape_cast %get3A_161 : vector<1x16xf32> to vector<16xf32>
        %add3A_163 = arith.addf %get3A_158, %get3A_162 : vector<16xf32>
        %swap3A_164 = arith.index_cast %scan3A_100 : i32 to index
        %swap3A_165 = arith.constant 64 : index
        %swap3A_166 = tpu.vector_load %arg11[%swap3A_164, %swap3A_165] {strides = array<i32>} : memref<80x128xf32, #tpu.memory_space<vmem>>, vector<1x16xf32>,
        %swap3A_167 = vector.shape_cast %swap3A_166 : vector<1x16xf32> to vector<16xf32>
        %swap3A_168 = vector.shape_cast %add3A_163 : vector<16xf32> to vector<1x16xf32>
        tpu.vector_store %arg11[%swap3A_164, %swap3A_165], %swap3A_168 {strides = array<i32>} : memref<80x128xf32, #tpu.memory_space<vmem>>, vector<1x16xf32>,
        %get3A_169 = arith.index_cast %scan3A_100 : i32 to index
        %get3A_170 = arith.constant 80 : index
        %get3A_171 = tpu.vector_load %arg11[%get3A_169, %get3A_170] {strides = array<i32>} : memref<80x128xf32, #tpu.memory_space<vmem>>, vector<1x16xf32>,
        %get3A_172 = vector.shape_cast %get3A_171 : vector<1x16xf32> to vector<16xf32>
        %get3A_173 = arith.index_cast %scan3A_100 : i32 to index
        %get3A_174 = arith.constant 80 : index
        %get3A_175 = tpu.vector_load %arg12[%get3A_173, %get3A_174] {strides = array<i32>} : memref<80x128xf32, #tpu.memory_space<vmem>>, vector<1x16xf32>,
        %get3A_176 = vector.shape_cast %get3A_175 : vector<1x16xf32> to vector<16xf32>
        %add3A_177 = arith.addf %get3A_172, %get3A_176 : vector<16xf32>
        %swap3A_178 = arith.index_cast %scan3A_100 : i32 to index
        %swap3A_179 = arith.constant 80 : index
        %swap3A_180 = tpu.vector_load %arg11[%swap3A_178, %swap3A_179] {strides = array<i32>} : memref<80x128xf32, #tpu.memory_space<vmem>>, vector<1x16xf32>,
        %swap3A_181 = vector.shape_cast %swap3A_180 : vector<1x16xf32> to vector<16xf32>
        %swap3A_182 = vector.shape_cast %add3A_177 : vector<16xf32> to vector<1x16xf32>
        tpu.vector_store %arg11[%swap3A_178, %swap3A_179], %swap3A_182 {strides = array<i32>} : memref<80x128xf32, #tpu.memory_space<vmem>>, vector<1x16xf32>,
        %get3A_183 = arith.index_cast %scan3A_100 : i32 to index
        %get3A_184 = arith.constant 96 : index
        %get3A_185 = tpu.vector_load %arg11[%get3A_183, %get3A_184] {strides = array<i32>} : memref<80x128xf32, #tpu.memory_space<vmem>>, vector<1x16xf32>,
        %get3A_186 = vector.shape_cast %get3A_185 : vector<1x16xf32> to vector<16xf32>
        %get3A_187 = arith.index_cast %scan3A_100 : i32 to index
        %get3A_188 = arith.constant 96 : index
        %get3A_189 = tpu.vector_load %arg12[%get3A_187, %get3A_188] {strides = array<i32>} : memref<80x128xf32, #tpu.memory_space<vmem>>, vector<1x16xf32>,
        %get3A_190 = vector.shape_cast %get3A_189 : vector<1x16xf32> to vector<16xf32>
        %add3A_191 = arith.addf %get3A_186, %get3A_190 : vector<16xf32>
        %swap3A_192 = arith.index_cast %scan3A_100 : i32 to index
        %swap3A_193 = arith.constant 96 : index
        %swap3A_194 = tpu.vector_load %arg11[%swap3A_192, %swap3A_193] {strides = array<i32>} : memref<80x128xf32, #tpu.memory_space<vmem>>, vector<1x16xf32>,
        %swap3A_195 = vector.shape_cast %swap3A_194 : vector<1x16xf32> to vector<16xf32>
        %swap3A_196 = vector.shape_cast %add3A_191 : vector<16xf32> to vector<1x16xf32>
        tpu.vector_store %arg11[%swap3A_192, %swap3A_193], %swap3A_196 {strides = array<i32>} : memref<80x128xf32, #tpu.memory_space<vmem>>, vector<1x16xf32>,
        %get3A_197 = arith.index_cast %scan3A_100 : i32 to index
        %get3A_198 = arith.constant 112 : index
        %get3A_199 = tpu.vector_load %arg11[%get3A_197, %get3A_198] {strides = array<i32>} : memref<80x128xf32, #tpu.memory_space<vmem>>, vector<1x16xf32>,
        %get3A_200 = vector.shape_cast %get3A_199 : vector<1x16xf32> to vector<16xf32>
        %get3A_201 = arith.index_cast %scan3A_100 : i32 to index
        %get3A_202 = arith.constant 112 : index
        %get3A_203 = tpu.vector_load %arg12[%get3A_201, %get3A_202] {strides = array<i32>} : memref<80x128xf32, #tpu.memory_space<vmem>>, vector<1x16xf32>,
        %get3A_204 = vector.shape_cast %get3A_203 : vector<1x16xf32> to vector<16xf32>
        %add3A_205 = arith.addf %get3A_200, %get3A_204 : vector<16xf32>
        %swap3A_206 = arith.index_cast %scan3A_100 : i32 to index
        %swap3A_207 = arith.constant 112 : index
        %swap3A_208 = tpu.vector_load %arg11[%swap3A_206, %swap3A_207] {strides = array<i32>} : memref<80x128xf32, #tpu.memory_space<vmem>>, vector<1x16xf32>,
        %swap3A_209 = vector.shape_cast %swap3A_208 : vector<1x16xf32> to vector<16xf32>
        %swap3A_210 = vector.shape_cast %add3A_205 : vector<16xf32> to vector<1x16xf32>
        tpu.vector_store %arg11[%swap3A_206, %swap3A_207], %swap3A_210 {strides = array<i32>} : memref<80x128xf32, #tpu.memory_space<vmem>>, vector<1x16xf32>,
      }
      %scan3A_89 = arith.constant 80 : i32
      %mul3A_90 = arith.constant 80 : i32
      %mul3A_91 = arith.muli %add3A_83, %mul3A_90 : i32
      %add3A_92 = arith.addi %mul3A_6, %mul3A_91 : i32
      "tpu.region"() ({
        %run_scoped3A = tpu.sem_alloc : memref<!tpu.dma_semaphore, #tpu.memory_space<semaphore_mem>>
        %dma_start3A_100 = arith.constant 0 : i32
        %dma_start3A_101 = tpu.memref_slice %arg6[%add3A_92, %dma_start3A_100] : memref<122880x128xf32, #tpu.memory_space<hbm>> -> memref<80x128xf32, #tpu.memory_space<hbm>>
        %dma_start3A_102 = arith.constant 0 : i32
        %dma_start3A_103 = tpu.memref_slice %arg6[%add3A_92, %dma_start3A_102] : memref<122880x128xf32, #tpu.memory_space<hbm>> -> memref<80x128xf32, #tpu.memory_space<hbm>>
        tpu.enqueue_dma source(%arg11 : memref<80x128xf32, #tpu.memory_space<vmem>>) target(%dma_start3A_103 : memref<80x128xf32, #tpu.memory_space<hbm>>) target_semaphore(%run_scoped3A : memref<!tpu.dma_semaphore, #tpu.memory_space<semaphore_mem>>)
        %dma_wait3A_104 = arith.constant 0 : i32
        %dma_wait3A_105 = tpu.memref_slice %arg6[%add3A_92, %dma_wait3A_104] : memref<122880x128xf32, #tpu.memory_space<hbm>> -> memref<80x128xf32, #tpu.memory_space<hbm>>
        %dma_wait3A_106 = arith.constant 0 : i32
        %dma_wait3A_107 = tpu.memref_slice %arg6[%add3A_92, %dma_wait3A_106] : memref<122880x128xf32, #tpu.memory_space<hbm>> -> memref<80x128xf32, #tpu.memory_space<hbm>>
        tpu.wait_dma2 semaphore(%run_scoped3A : memref<!tpu.dma_semaphore, #tpu.memory_space<semaphore_mem>>) src(%arg11 : memref<80x128xf32, #tpu.memory_space<vmem>>) dst(%dma_wait3A_107 : memref<80x128xf32, #tpu.memory_space<hbm>>)
        tpu.yield
      }) : () -> ()
      %add3A_93 = arith.constant 3 : i32
      %add3A_94 = arith.addi %mul3A_41, %add3A_93 : i32
      %lt3A_95 = arith.constant 48 : i32
      %lt3A_96 = arith.cmpi slt, %add3A_94, %lt3A_95 : i32
      %convert_element_type3A_97 = arith.extui %lt3A_96 : i1 to i32
      %cond3A_98 = arith.constant 0 : i32
      %cond3A_99 = arith.cmpi ne, %convert_element_type3A_97, %cond3A_98 : i32
      scf.if %cond3A_99 {
        %add3A_100 = arith.constant 3 : i32
        %add3A_101 = arith.addi %mul3A_41, %add3A_100 : i32
        %dma_start3A_102 = arith.constant 0 : i32
        %dma_start3A_103 = tpu.memref_slice %arg7[%add3A_101, %dma_start3A_102] : memref<48x80xi32, #tpu.memory_space<vmem>> -> memref<1x80xi32, #tpu.memory_space<vmem>>
        %dma_start3A_104 = tpu.memref_squeeze %dma_start3A_103 : memref<1x80xi32, #tpu.memory_space<vmem>> -> memref<80xi32, #tpu.memory_space<vmem>>
        %dma_start3A_105 = arith.constant 0 : i32
        %dma_start3A_106 = arith.constant 0 : i32
        %dma_start3A_107 = tpu.memref_slice %arg2[%dma_start3A_105, %dma_start3A_106] : memref<10000x128xf32, #tpu.memory_space<hbm>> -> memref<10000x128xf32, #tpu.memory_space<hbm>>
        tpu.enqueue_indirect_dma source(%dma_start3A_107 : memref<10000x128xf32, #tpu.memory_space<hbm>>) target(%arg11 : memref<80x128xf32, #tpu.memory_space<vmem>>) offsets(%dma_start3A_104 : memref<80xi32, #tpu.memory_space<vmem>>) semaphore(%arg14 : memref<!tpu.dma_semaphore, #tpu.memory_space<semaphore_mem>>)
        %dma_start3A_108 = arith.constant 0 : i32
        %dma_start3A_109 = tpu.memref_slice %arg8[%add3A_101, %dma_start3A_108] : memref<48x80xi32, #tpu.memory_space<vmem>> -> memref<1x80xi32, #tpu.memory_space<vmem>>
        %dma_start3A_110 = tpu.memref_squeeze %dma_start3A_109 : memref<1x80xi32, #tpu.memory_space<vmem>> -> memref<80xi32, #tpu.memory_space<vmem>>
        %dma_start3A_111 = arith.constant 0 : i32
        %dma_start3A_112 = arith.constant 0 : i32
        %dma_start3A_113 = tpu.memref_slice %arg3[%dma_start3A_111, %dma_start3A_112] : memref<10000x128xf32, #tpu.memory_space<hbm>> -> memref<10000x128xf32, #tpu.memory_space<hbm>>
        tpu.enqueue_indirect_dma source(%dma_start3A_113 : memref<10000x128xf32, #tpu.memory_space<hbm>>) target(%arg12 : memref<80x128xf32, #tpu.memory_space<vmem>>) offsets(%dma_start3A_110 : memref<80xi32, #tpu.memory_space<vmem>>) semaphore(%arg14 : memref<!tpu.dma_semaphore, #tpu.memory_space<semaphore_mem>>)
      } else {
      }
    }
    %scan3A_38 = arith.constant 24 : i32
    return
  }
}

#map = affine_map<(d0, d1) -> (0, 0)>
module attributes {stable_mosaic.version = 14 : i64} {
  func.func @body(%arg0: i32, %arg1: i32, %arg2: memref<10000x128xf32, #tpu.memory_space<hbm>>, %arg3: memref<10000x128xf32, #tpu.memory_space<hbm>>, %arg4: memref<4000x80xi32, #tpu.memory_space<hbm>>, %arg5: memref<4000x80xi32, #tpu.memory_space<hbm>>, %arg6: memref<197120x128xf32, #tpu.memory_space<hbm>>, %arg7: memref<77x80xi32, #tpu.memory_space<vmem>>, %arg8: memref<77x80xi32, #tpu.memory_space<vmem>>, %arg9: memref<80x128xf32, #tpu.memory_space<vmem>>, %arg10: memref<80x128xf32, #tpu.memory_space<vmem>>, %arg11: memref<80x128xf32, #tpu.memory_space<vmem>>, %arg12: memref<80x128xf32, #tpu.memory_space<vmem>>, %arg13: memref<!tpu.dma_semaphore, #tpu.memory_space<semaphore_mem>>, %arg14: memref<!tpu.dma_semaphore, #tpu.memory_space<semaphore_mem>>) attributes {dimension_semantics = [#tpu.dimension_semantics<core_parallel>, #tpu.dimension_semantics<subcore_parallel>], iteration_bounds = array<i64: 2, 16>, scalar_prefetch = 0 : i64, scratch_operands = 8 : i64, tpu.core_type = #tpu.core_type<sc_vector_subcore>, window_params = [{transform_indices = #map}, {transform_indices = #map}, {transform_indices = #map}, {transform_indices = #map}, {transform_indices = #map}]} {
    %mul3A = arith.constant 2 : i32
    %mul3A_0 = arith.muli %arg1, %mul3A : i32
    %add3A = arith.addi %mul3A_0, %arg0 : i32
    %mul3A_1 = arith.constant 77 : i32
    %mul3A_2 = arith.muli %add3A, %mul3A_1 : i32
    %add3A_3 = arith.constant 0 : i32
    %add3A_4 = arith.addi %add3A_3, %mul3A_2 : i32
    "tpu.region"() ({
      %run_scoped3A = tpu.sem_alloc : memref<!tpu.dma_semaphore, #tpu.memory_space<semaphore_mem>>
      %dma_start3A_60 = arith.constant 0 : i32
      %dma_start3A_61 = tpu.memref_slice %arg4[%add3A_4, %dma_start3A_60] : memref<4000x80xi32, #tpu.memory_space<hbm>> -> memref<77x80xi32, #tpu.memory_space<hbm>>
      %dma_start3A_62 = arith.constant 0 : i32
      %dma_start3A_63 = tpu.memref_slice %arg4[%add3A_4, %dma_start3A_62] : memref<4000x80xi32, #tpu.memory_space<hbm>> -> memref<77x80xi32, #tpu.memory_space<hbm>>
      tpu.enqueue_dma source(%dma_start3A_63 : memref<77x80xi32, #tpu.memory_space<hbm>>) target(%arg7 : memref<77x80xi32, #tpu.memory_space<vmem>>) target_semaphore(%run_scoped3A : memref<!tpu.dma_semaphore, #tpu.memory_space<semaphore_mem>>)
      %dma_wait3A_64 = arith.constant 0 : i32
      %dma_wait3A_65 = tpu.memref_slice %arg4[%add3A_4, %dma_wait3A_64] : memref<4000x80xi32, #tpu.memory_space<hbm>> -> memref<77x80xi32, #tpu.memory_space<hbm>>
      %dma_wait3A_66 = arith.constant 0 : i32
      %dma_wait3A_67 = tpu.memref_slice %arg4[%add3A_4, %dma_wait3A_66] : memref<4000x80xi32, #tpu.memory_space<hbm>> -> memref<77x80xi32, #tpu.memory_space<hbm>>
      tpu.wait_dma2 semaphore(%run_scoped3A : memref<!tpu.dma_semaphore, #tpu.memory_space<semaphore_mem>>) src(%dma_wait3A_67 : memref<77x80xi32, #tpu.memory_space<hbm>>) dst(%arg7 : memref<77x80xi32, #tpu.memory_space<vmem>>)
      tpu.yield
    }) : () -> ()
    "tpu.region"() ({
      %run_scoped3A = tpu.sem_alloc : memref<!tpu.dma_semaphore, #tpu.memory_space<semaphore_mem>>
      %dma_start3A_60 = arith.constant 0 : i32
      %dma_start3A_61 = tpu.memref_slice %arg5[%add3A_4, %dma_start3A_60] : memref<4000x80xi32, #tpu.memory_space<hbm>> -> memref<77x80xi32, #tpu.memory_space<hbm>>
      %dma_start3A_62 = arith.constant 0 : i32
      %dma_start3A_63 = tpu.memref_slice %arg5[%add3A_4, %dma_start3A_62] : memref<4000x80xi32, #tpu.memory_space<hbm>> -> memref<77x80xi32, #tpu.memory_space<hbm>>
      tpu.enqueue_dma source(%dma_start3A_63 : memref<77x80xi32, #tpu.memory_space<hbm>>) target(%arg8 : memref<77x80xi32, #tpu.memory_space<vmem>>) target_semaphore(%run_scoped3A : memref<!tpu.dma_semaphore, #tpu.memory_space<semaphore_mem>>)
      %dma_wait3A_64 = arith.constant 0 : i32
      %dma_wait3A_65 = tpu.memref_slice %arg5[%add3A_4, %dma_wait3A_64] : memref<4000x80xi32, #tpu.memory_space<hbm>> -> memref<77x80xi32, #tpu.memory_space<hbm>>
      %dma_wait3A_66 = arith.constant 0 : i32
      %dma_wait3A_67 = tpu.memref_slice %arg5[%add3A_4, %dma_wait3A_66] : memref<4000x80xi32, #tpu.memory_space<hbm>> -> memref<77x80xi32, #tpu.memory_space<hbm>>
      tpu.wait_dma2 semaphore(%run_scoped3A : memref<!tpu.dma_semaphore, #tpu.memory_space<semaphore_mem>>) src(%dma_wait3A_67 : memref<77x80xi32, #tpu.memory_space<hbm>>) dst(%arg8 : memref<77x80xi32, #tpu.memory_space<vmem>>)
      tpu.yield
    }) : () -> ()
    %mul3A_5 = arith.constant 6160 : i32
    %mul3A_6 = arith.muli %add3A, %mul3A_5 : i32
    %dma_start3A = arith.constant 0 : i32
    %dma_start3A_7 = arith.constant 0 : i32
    %dma_start3A_8 = tpu.memref_slice %arg7[%dma_start3A, %dma_start3A_7] : memref<77x80xi32, #tpu.memory_space<vmem>> -> memref<1x80xi32, #tpu.memory_space<vmem>>
    %dma_start3A_9 = tpu.memref_squeeze %dma_start3A_8 : memref<1x80xi32, #tpu.memory_space<vmem>> -> memref<80xi32, #tpu.memory_space<vmem>>
    %dma_start3A_10 = arith.constant 0 : i32
    %dma_start3A_11 = arith.constant 0 : i32
    %dma_start3A_12 = tpu.memref_slice %arg2[%dma_start3A_10, %dma_start3A_11] : memref<10000x128xf32, #tpu.memory_space<hbm>> -> memref<10000x128xf32, #tpu.memory_space<hbm>>
    tpu.enqueue_indirect_dma source(%dma_start3A_12 : memref<10000x128xf32, #tpu.memory_space<hbm>>) target(%arg9 : memref<80x128xf32, #tpu.memory_space<vmem>>) offsets(%dma_start3A_9 : memref<80xi32, #tpu.memory_space<vmem>>) semaphore(%arg13 : memref<!tpu.dma_semaphore, #tpu.memory_space<semaphore_mem>>)
    %dma_start3A_13 = arith.constant 0 : i32
    %dma_start3A_14 = arith.constant 0 : i32
    %dma_start3A_15 = tpu.memref_slice %arg8[%dma_start3A_13, %dma_start3A_14] : memref<77x80xi32, #tpu.memory_space<vmem>> -> memref<1x80xi32, #tpu.memory_space<vmem>>
    %dma_start3A_16 = tpu.memref_squeeze %dma_start3A_15 : memref<1x80xi32, #tpu.memory_space<vmem>> -> memref<80xi32, #tpu.memory_space<vmem>>
    %dma_start3A_17 = arith.constant 0 : i32
    %dma_start3A_18 = arith.constant 0 : i32
    %dma_start3A_19 = tpu.memref_slice %arg3[%dma_start3A_17, %dma_start3A_18] : memref<10000x128xf32, #tpu.memory_space<hbm>> -> memref<10000x128xf32, #tpu.memory_space<hbm>>
    tpu.enqueue_indirect_dma source(%dma_start3A_19 : memref<10000x128xf32, #tpu.memory_space<hbm>>) target(%arg10 : memref<80x128xf32, #tpu.memory_space<vmem>>) offsets(%dma_start3A_16 : memref<80xi32, #tpu.memory_space<vmem>>) semaphore(%arg13 : memref<!tpu.dma_semaphore, #tpu.memory_space<semaphore_mem>>)
    %dma_start3A_20 = arith.constant 1 : i32
    %dma_start3A_21 = arith.constant 0 : i32
    %dma_start3A_22 = tpu.memref_slice %arg7[%dma_start3A_20, %dma_start3A_21] : memref<77x80xi32, #tpu.memory_space<vmem>> -> memref<1x80xi32, #tpu.memory_space<vmem>>
    %dma_start3A_23 = tpu.memref_squeeze %dma_start3A_22 : memref<1x80xi32, #tpu.memory_space<vmem>> -> memref<80xi32, #tpu.memory_space<vmem>>
    %dma_start3A_24 = arith.constant 0 : i32
    %dma_start3A_25 = arith.constant 0 : i32
    %dma_start3A_26 = tpu.memref_slice %arg2[%dma_start3A_24, %dma_start3A_25] : memref<10000x128xf32, #tpu.memory_space<hbm>> -> memref<10000x128xf32, #tpu.memory_space<hbm>>
    tpu.enqueue_indirect_dma source(%dma_start3A_26 : memref<10000x128xf32, #tpu.memory_space<hbm>>) target(%arg11 : memref<80x128xf32, #tpu.memory_space<vmem>>) offsets(%dma_start3A_23 : memref<80xi32, #tpu.memory_space<vmem>>) semaphore(%arg14 : memref<!tpu.dma_semaphore, #tpu.memory_space<semaphore_mem>>)
    %dma_start3A_27 = arith.constant 1 : i32
    %dma_start3A_28 = arith.constant 0 : i32
    %dma_start3A_29 = tpu.memref_slice %arg8[%dma_start3A_27, %dma_start3A_28] : memref<77x80xi32, #tpu.memory_space<vmem>> -> memref<1x80xi32, #tpu.memory_space<vmem>>
    %dma_start3A_30 = tpu.memref_squeeze %dma_start3A_29 : memref<1x80xi32, #tpu.memory_space<vmem>> -> memref<80xi32, #tpu.memory_space<vmem>>
    %dma_start3A_31 = arith.constant 0 : i32
    %dma_start3A_32 = arith.constant 0 : i32
    %dma_start3A_33 = tpu.memref_slice %arg3[%dma_start3A_31, %dma_start3A_32] : memref<10000x128xf32, #tpu.memory_space<hbm>> -> memref<10000x128xf32, #tpu.memory_space<hbm>>
    tpu.enqueue_indirect_dma source(%dma_start3A_33 : memref<10000x128xf32, #tpu.memory_space<hbm>>) target(%arg12 : memref<80x128xf32, #tpu.memory_space<vmem>>) offsets(%dma_start3A_30 : memref<80xi32, #tpu.memory_space<vmem>>) semaphore(%arg14 : memref<!tpu.dma_semaphore, #tpu.memory_space<semaphore_mem>>)
    %scan3A = arith.constant 0 : i32
    %scan3A_34 = arith.constant 0 : i32
    %scan3A_35 = arith.constant 38 : i32
    %scan3A_36 = arith.addi %scan3A_34, %scan3A_35 : i32
    %scan3A_37 = arith.constant 1 : i32
    scf.for %scan3A_60 = %scan3A_34 to %scan3A_36 step %scan3A_37  : i32 {
      %mul3A_61 = arith.constant 2 : i32
      %mul3A_62 = arith.muli %mul3A_61, %scan3A_60 : i32
      %dma_wait3A_63 = arith.constant 0 : i32
      %dma_wait3A_64 = arith.constant 0 : i32
      %dma_wait3A_65 = tpu.memref_slice %arg7[%dma_wait3A_63, %dma_wait3A_64] : memref<77x80xi32, #tpu.memory_space<vmem>> -> memref<1x80xi32, #tpu.memory_space<vmem>>
      %dma_wait3A_66 = tpu.memref_squeeze %dma_wait3A_65 : memref<1x80xi32, #tpu.memory_space<vmem>> -> memref<80xi32, #tpu.memory_space<vmem>>
      %dma_wait3A_67 = arith.constant 0 : i32
      %dma_wait3A_68 = arith.constant 0 : i32
      %dma_wait3A_69 = tpu.memref_slice %arg2[%dma_wait3A_67, %dma_wait3A_68] : memref<10000x128xf32, #tpu.memory_space<hbm>> -> memref<10000x128xf32, #tpu.memory_space<hbm>>
      tpu.wait_indirect_dma semaphore(%arg13 : memref<!tpu.dma_semaphore, #tpu.memory_space<semaphore_mem>>) src(%dma_wait3A_69 : memref<10000x128xf32, #tpu.memory_space<hbm>>) dst(%arg9 : memref<80x128xf32, #tpu.memory_space<vmem>>)
      %dma_wait3A_70 = arith.constant 0 : i32
      %dma_wait3A_71 = arith.constant 0 : i32
      %dma_wait3A_72 = tpu.memref_slice %arg8[%dma_wait3A_70, %dma_wait3A_71] : memref<77x80xi32, #tpu.memory_space<vmem>> -> memref<1x80xi32, #tpu.memory_space<vmem>>
      %dma_wait3A_73 = tpu.memref_squeeze %dma_wait3A_72 : memref<1x80xi32, #tpu.memory_space<vmem>> -> memref<80xi32, #tpu.memory_space<vmem>>
      %dma_wait3A_74 = arith.constant 0 : i32
      %dma_wait3A_75 = arith.constant 0 : i32
      %dma_wait3A_76 = tpu.memref_slice %arg3[%dma_wait3A_74, %dma_wait3A_75] : memref<10000x128xf32, #tpu.memory_space<hbm>> -> memref<10000x128xf32, #tpu.memory_space<hbm>>
      tpu.wait_indirect_dma semaphore(%arg13 : memref<!tpu.dma_semaphore, #tpu.memory_space<semaphore_mem>>) src(%dma_wait3A_76 : memref<10000x128xf32, #tpu.memory_space<hbm>>) dst(%arg10 : memref<80x128xf32, #tpu.memory_space<vmem>>)
      %scan3A_77 = arith.constant 0 : i32
      %scan3A_78 = arith.constant 0 : i32
      %scan3A_79 = arith.constant 80 : i32
      %scan3A_80 = arith.addi %scan3A_78, %scan3A_79 : i32
      %scan3A_81 = arith.constant 1 : i32
      scf.for %scan3A_122 = %scan3A_78 to %scan3A_80 step %scan3A_81  : i32 {
        %get3A = arith.index_cast %scan3A_122 : i32 to index
        %get3A_123 = arith.constant 0 : index
        %get3A_124 = tpu.vector_load %arg9[%get3A, %get3A_123] {strides = array<i32>} : memref<80x128xf32, #tpu.memory_space<vmem>>, vector<1x16xf32>,
        %get3A_125 = vector.shape_cast %get3A_124 : vector<1x16xf32> to vector<16xf32>
        %get3A_126 = arith.index_cast %scan3A_122 : i32 to index
        %get3A_127 = arith.constant 0 : index
        %get3A_128 = tpu.vector_load %arg10[%get3A_126, %get3A_127] {strides = array<i32>} : memref<80x128xf32, #tpu.memory_space<vmem>>, vector<1x16xf32>,
        %get3A_129 = vector.shape_cast %get3A_128 : vector<1x16xf32> to vector<16xf32>
        %add3A_130 = arith.addf %get3A_125, %get3A_129 : vector<16xf32>
        %swap3A = arith.index_cast %scan3A_122 : i32 to index
        %swap3A_131 = arith.constant 0 : index
        %swap3A_132 = tpu.vector_load %arg9[%swap3A, %swap3A_131] {strides = array<i32>} : memref<80x128xf32, #tpu.memory_space<vmem>>, vector<1x16xf32>,
        %swap3A_133 = vector.shape_cast %swap3A_132 : vector<1x16xf32> to vector<16xf32>
        %swap3A_134 = vector.shape_cast %add3A_130 : vector<16xf32> to vector<1x16xf32>
        tpu.vector_store %arg9[%swap3A, %swap3A_131], %swap3A_134 {strides = array<i32>} : memref<80x128xf32, #tpu.memory_space<vmem>>, vector<1x16xf32>,
        %get3A_135 = arith.index_cast %scan3A_122 : i32 to index
        %get3A_136 = arith.constant 16 : index
        %get3A_137 = tpu.vector_load %arg9[%get3A_135, %get3A_136] {strides = array<i32>} : memref<80x128xf32, #tpu.memory_space<vmem>>, vector<1x16xf32>,
        %get3A_138 = vector.shape_cast %get3A_137 : vector<1x16xf32> to vector<16xf32>
        %get3A_139 = arith.index_cast %scan3A_122 : i32 to index
        %get3A_140 = arith.constant 16 : index
        %get3A_141 = tpu.vector_load %arg10[%get3A_139, %get3A_140] {strides = array<i32>} : memref<80x128xf32, #tpu.memory_space<vmem>>, vector<1x16xf32>,
        %get3A_142 = vector.shape_cast %get3A_141 : vector<1x16xf32> to vector<16xf32>
        %add3A_143 = arith.addf %get3A_138, %get3A_142 : vector<16xf32>
        %swap3A_144 = arith.index_cast %scan3A_122 : i32 to index
        %swap3A_145 = arith.constant 16 : index
        %swap3A_146 = tpu.vector_load %arg9[%swap3A_144, %swap3A_145] {strides = array<i32>} : memref<80x128xf32, #tpu.memory_space<vmem>>, vector<1x16xf32>,
        %swap3A_147 = vector.shape_cast %swap3A_146 : vector<1x16xf32> to vector<16xf32>
        %swap3A_148 = vector.shape_cast %add3A_143 : vector<16xf32> to vector<1x16xf32>
        tpu.vector_store %arg9[%swap3A_144, %swap3A_145], %swap3A_148 {strides = array<i32>} : memref<80x128xf32, #tpu.memory_space<vmem>>, vector<1x16xf32>,
        %get3A_149 = arith.index_cast %scan3A_122 : i32 to index
        %get3A_150 = arith.constant 32 : index
        %get3A_151 = tpu.vector_load %arg9[%get3A_149, %get3A_150] {strides = array<i32>} : memref<80x128xf32, #tpu.memory_space<vmem>>, vector<1x16xf32>,
        %get3A_152 = vector.shape_cast %get3A_151 : vector<1x16xf32> to vector<16xf32>
        %get3A_153 = arith.index_cast %scan3A_122 : i32 to index
        %get3A_154 = arith.constant 32 : index
        %get3A_155 = tpu.vector_load %arg10[%get3A_153, %get3A_154] {strides = array<i32>} : memref<80x128xf32, #tpu.memory_space<vmem>>, vector<1x16xf32>,
        %get3A_156 = vector.shape_cast %get3A_155 : vector<1x16xf32> to vector<16xf32>
        %add3A_157 = arith.addf %get3A_152, %get3A_156 : vector<16xf32>
        %swap3A_158 = arith.index_cast %scan3A_122 : i32 to index
        %swap3A_159 = arith.constant 32 : index
        %swap3A_160 = tpu.vector_load %arg9[%swap3A_158, %swap3A_159] {strides = array<i32>} : memref<80x128xf32, #tpu.memory_space<vmem>>, vector<1x16xf32>,
        %swap3A_161 = vector.shape_cast %swap3A_160 : vector<1x16xf32> to vector<16xf32>
        %swap3A_162 = vector.shape_cast %add3A_157 : vector<16xf32> to vector<1x16xf32>
        tpu.vector_store %arg9[%swap3A_158, %swap3A_159], %swap3A_162 {strides = array<i32>} : memref<80x128xf32, #tpu.memory_space<vmem>>, vector<1x16xf32>,
        %get3A_163 = arith.index_cast %scan3A_122 : i32 to index
        %get3A_164 = arith.constant 48 : index
        %get3A_165 = tpu.vector_load %arg9[%get3A_163, %get3A_164] {strides = array<i32>} : memref<80x128xf32, #tpu.memory_space<vmem>>, vector<1x16xf32>,
        %get3A_166 = vector.shape_cast %get3A_165 : vector<1x16xf32> to vector<16xf32>
        %get3A_167 = arith.index_cast %scan3A_122 : i32 to index
        %get3A_168 = arith.constant 48 : index
        %get3A_169 = tpu.vector_load %arg10[%get3A_167, %get3A_168] {strides = array<i32>} : memref<80x128xf32, #tpu.memory_space<vmem>>, vector<1x16xf32>,
        %get3A_170 = vector.shape_cast %get3A_169 : vector<1x16xf32> to vector<16xf32>
        %add3A_171 = arith.addf %get3A_166, %get3A_170 : vector<16xf32>
        %swap3A_172 = arith.index_cast %scan3A_122 : i32 to index
        %swap3A_173 = arith.constant 48 : index
        %swap3A_174 = tpu.vector_load %arg9[%swap3A_172, %swap3A_173] {strides = array<i32>} : memref<80x128xf32, #tpu.memory_space<vmem>>, vector<1x16xf32>,
        %swap3A_175 = vector.shape_cast %swap3A_174 : vector<1x16xf32> to vector<16xf32>
        %swap3A_176 = vector.shape_cast %add3A_171 : vector<16xf32> to vector<1x16xf32>
        tpu.vector_store %arg9[%swap3A_172, %swap3A_173], %swap3A_176 {strides = array<i32>} : memref<80x128xf32, #tpu.memory_space<vmem>>, vector<1x16xf32>,
        %get3A_177 = arith.index_cast %scan3A_122 : i32 to index
        %get3A_178 = arith.constant 64 : index
        %get3A_179 = tpu.vector_load %arg9[%get3A_177, %get3A_178] {strides = array<i32>} : memref<80x128xf32, #tpu.memory_space<vmem>>, vector<1x16xf32>,
        %get3A_180 = vector.shape_cast %get3A_179 : vector<1x16xf32> to vector<16xf32>
        %get3A_181 = arith.index_cast %scan3A_122 : i32 to index
        %get3A_182 = arith.constant 64 : index
        %get3A_183 = tpu.vector_load %arg10[%get3A_181, %get3A_182] {strides = array<i32>} : memref<80x128xf32, #tpu.memory_space<vmem>>, vector<1x16xf32>,
        %get3A_184 = vector.shape_cast %get3A_183 : vector<1x16xf32> to vector<16xf32>
        %add3A_185 = arith.addf %get3A_180, %get3A_184 : vector<16xf32>
        %swap3A_186 = arith.index_cast %scan3A_122 : i32 to index
        %swap3A_187 = arith.constant 64 : index
        %swap3A_188 = tpu.vector_load %arg9[%swap3A_186, %swap3A_187] {strides = array<i32>} : memref<80x128xf32, #tpu.memory_space<vmem>>, vector<1x16xf32>,
        %swap3A_189 = vector.shape_cast %swap3A_188 : vector<1x16xf32> to vector<16xf32>
        %swap3A_190 = vector.shape_cast %add3A_185 : vector<16xf32> to vector<1x16xf32>
        tpu.vector_store %arg9[%swap3A_186, %swap3A_187], %swap3A_190 {strides = array<i32>} : memref<80x128xf32, #tpu.memory_space<vmem>>, vector<1x16xf32>,
        %get3A_191 = arith.index_cast %scan3A_122 : i32 to index
        %get3A_192 = arith.constant 80 : index
        %get3A_193 = tpu.vector_load %arg9[%get3A_191, %get3A_192] {strides = array<i32>} : memref<80x128xf32, #tpu.memory_space<vmem>>, vector<1x16xf32>,
        %get3A_194 = vector.shape_cast %get3A_193 : vector<1x16xf32> to vector<16xf32>
        %get3A_195 = arith.index_cast %scan3A_122 : i32 to index
        %get3A_196 = arith.constant 80 : index
        %get3A_197 = tpu.vector_load %arg10[%get3A_195, %get3A_196] {strides = array<i32>} : memref<80x128xf32, #tpu.memory_space<vmem>>, vector<1x16xf32>,
        %get3A_198 = vector.shape_cast %get3A_197 : vector<1x16xf32> to vector<16xf32>
        %add3A_199 = arith.addf %get3A_194, %get3A_198 : vector<16xf32>
        %swap3A_200 = arith.index_cast %scan3A_122 : i32 to index
        %swap3A_201 = arith.constant 80 : index
        %swap3A_202 = tpu.vector_load %arg9[%swap3A_200, %swap3A_201] {strides = array<i32>} : memref<80x128xf32, #tpu.memory_space<vmem>>, vector<1x16xf32>,
        %swap3A_203 = vector.shape_cast %swap3A_202 : vector<1x16xf32> to vector<16xf32>
        %swap3A_204 = vector.shape_cast %add3A_199 : vector<16xf32> to vector<1x16xf32>
        tpu.vector_store %arg9[%swap3A_200, %swap3A_201], %swap3A_204 {strides = array<i32>} : memref<80x128xf32, #tpu.memory_space<vmem>>, vector<1x16xf32>,
        %get3A_205 = arith.index_cast %scan3A_122 : i32 to index
        %get3A_206 = arith.constant 96 : index
        %get3A_207 = tpu.vector_load %arg9[%get3A_205, %get3A_206] {strides = array<i32>} : memref<80x128xf32, #tpu.memory_space<vmem>>, vector<1x16xf32>,
        %get3A_208 = vector.shape_cast %get3A_207 : vector<1x16xf32> to vector<16xf32>
        %get3A_209 = arith.index_cast %scan3A_122 : i32 to index
        %get3A_210 = arith.constant 96 : index
        %get3A_211 = tpu.vector_load %arg10[%get3A_209, %get3A_210] {strides = array<i32>} : memref<80x128xf32, #tpu.memory_space<vmem>>, vector<1x16xf32>,
        %get3A_212 = vector.shape_cast %get3A_211 : vector<1x16xf32> to vector<16xf32>
        %add3A_213 = arith.addf %get3A_208, %get3A_212 : vector<16xf32>
        %swap3A_214 = arith.index_cast %scan3A_122 : i32 to index
        %swap3A_215 = arith.constant 96 : index
        %swap3A_216 = tpu.vector_load %arg9[%swap3A_214, %swap3A_215] {strides = array<i32>} : memref<80x128xf32, #tpu.memory_space<vmem>>, vector<1x16xf32>,
        %swap3A_217 = vector.shape_cast %swap3A_216 : vector<1x16xf32> to vector<16xf32>
        %swap3A_218 = vector.shape_cast %add3A_213 : vector<16xf32> to vector<1x16xf32>
        tpu.vector_store %arg9[%swap3A_214, %swap3A_215], %swap3A_218 {strides = array<i32>} : memref<80x128xf32, #tpu.memory_space<vmem>>, vector<1x16xf32>,
        %get3A_219 = arith.index_cast %scan3A_122 : i32 to index
        %get3A_220 = arith.constant 112 : index
        %get3A_221 = tpu.vector_load %arg9[%get3A_219, %get3A_220] {strides = array<i32>} : memref<80x128xf32, #tpu.memory_space<vmem>>, vector<1x16xf32>,
        %get3A_222 = vector.shape_cast %get3A_221 : vector<1x16xf32> to vector<16xf32>
        %get3A_223 = arith.index_cast %scan3A_122 : i32 to index
        %get3A_224 = arith.constant 112 : index
        %get3A_225 = tpu.vector_load %arg10[%get3A_223, %get3A_224] {strides = array<i32>} : memref<80x128xf32, #tpu.memory_space<vmem>>, vector<1x16xf32>,
        %get3A_226 = vector.shape_cast %get3A_225 : vector<1x16xf32> to vector<16xf32>
        %add3A_227 = arith.addf %get3A_222, %get3A_226 : vector<16xf32>
        %swap3A_228 = arith.index_cast %scan3A_122 : i32 to index
        %swap3A_229 = arith.constant 112 : index
        %swap3A_230 = tpu.vector_load %arg9[%swap3A_228, %swap3A_229] {strides = array<i32>} : memref<80x128xf32, #tpu.memory_space<vmem>>, vector<1x16xf32>,
        %swap3A_231 = vector.shape_cast %swap3A_230 : vector<1x16xf32> to vector<16xf32>
        %swap3A_232 = vector.shape_cast %add3A_227 : vector<16xf32> to vector<1x16xf32>
        tpu.vector_store %arg9[%swap3A_228, %swap3A_229], %swap3A_232 {strides = array<i32>} : memref<80x128xf32, #tpu.memory_space<vmem>>, vector<1x16xf32>,
      }
      %scan3A_82 = arith.constant 80 : i32
      %mul3A_83 = arith.constant 80 : i32
      %mul3A_84 = arith.muli %mul3A_62, %mul3A_83 : i32
      %add3A_85 = arith.addi %mul3A_6, %mul3A_84 : i32
      "tpu.region"() ({
        %run_scoped3A = tpu.sem_alloc : memref<!tpu.dma_semaphore, #tpu.memory_space<semaphore_mem>>
        %dma_start3A_122 = arith.constant 0 : i32
        %dma_start3A_123 = tpu.memref_slice %arg6[%add3A_85, %dma_start3A_122] : memref<197120x128xf32, #tpu.memory_space<hbm>> -> memref<80x128xf32, #tpu.memory_space<hbm>>
        %dma_start3A_124 = arith.constant 0 : i32
        %dma_start3A_125 = tpu.memref_slice %arg6[%add3A_85, %dma_start3A_124] : memref<197120x128xf32, #tpu.memory_space<hbm>> -> memref<80x128xf32, #tpu.memory_space<hbm>>
        tpu.enqueue_dma source(%arg9 : memref<80x128xf32, #tpu.memory_space<vmem>>) target(%dma_start3A_125 : memref<80x128xf32, #tpu.memory_space<hbm>>) target_semaphore(%run_scoped3A : memref<!tpu.dma_semaphore, #tpu.memory_space<semaphore_mem>>)
        %dma_wait3A_126 = arith.constant 0 : i32
        %dma_wait3A_127 = tpu.memref_slice %arg6[%add3A_85, %dma_wait3A_126] : memref<197120x128xf32, #tpu.memory_space<hbm>> -> memref<80x128xf32, #tpu.memory_space<hbm>>
        %dma_wait3A_128 = arith.constant 0 : i32
        %dma_wait3A_129 = tpu.memref_slice %arg6[%add3A_85, %dma_wait3A_128] : memref<197120x128xf32, #tpu.memory_space<hbm>> -> memref<80x128xf32, #tpu.memory_space<hbm>>
        tpu.wait_dma2 semaphore(%run_scoped3A : memref<!tpu.dma_semaphore, #tpu.memory_space<semaphore_mem>>) src(%arg9 : memref<80x128xf32, #tpu.memory_space<vmem>>) dst(%dma_wait3A_129 : memref<80x128xf32, #tpu.memory_space<hbm>>)
        tpu.yield
      }) : () -> ()
      %add3A_86 = arith.constant 2 : i32
      %add3A_87 = arith.addi %mul3A_62, %add3A_86 : i32
      %lt3A = arith.constant 77 : i32
      %lt3A_88 = arith.cmpi slt, %add3A_87, %lt3A : i32
      %convert_element_type3A = arith.extui %lt3A_88 : i1 to i32
      %cond3A = arith.constant 0 : i32
      %cond3A_89 = arith.cmpi ne, %convert_element_type3A, %cond3A : i32
      scf.if %cond3A_89 {
        %add3A_122 = arith.constant 2 : i32
        %add3A_123 = arith.addi %mul3A_62, %add3A_122 : i32
        %dma_start3A_124 = arith.constant 0 : i32
        %dma_start3A_125 = tpu.memref_slice %arg7[%add3A_123, %dma_start3A_124] : memref<77x80xi32, #tpu.memory_space<vmem>> -> memref<1x80xi32, #tpu.memory_space<vmem>>
        %dma_start3A_126 = tpu.memref_squeeze %dma_start3A_125 : memref<1x80xi32, #tpu.memory_space<vmem>> -> memref<80xi32, #tpu.memory_space<vmem>>
        %dma_start3A_127 = arith.constant 0 : i32
        %dma_start3A_128 = arith.constant 0 : i32
        %dma_start3A_129 = tpu.memref_slice %arg2[%dma_start3A_127, %dma_start3A_128] : memref<10000x128xf32, #tpu.memory_space<hbm>> -> memref<10000x128xf32, #tpu.memory_space<hbm>>
        tpu.enqueue_indirect_dma source(%dma_start3A_129 : memref<10000x128xf32, #tpu.memory_space<hbm>>) target(%arg9 : memref<80x128xf32, #tpu.memory_space<vmem>>) offsets(%dma_start3A_126 : memref<80xi32, #tpu.memory_space<vmem>>) semaphore(%arg13 : memref<!tpu.dma_semaphore, #tpu.memory_space<semaphore_mem>>)
        %dma_start3A_130 = arith.constant 0 : i32
        %dma_start3A_131 = tpu.memref_slice %arg8[%add3A_123, %dma_start3A_130] : memref<77x80xi32, #tpu.memory_space<vmem>> -> memref<1x80xi32, #tpu.memory_space<vmem>>
        %dma_start3A_132 = tpu.memref_squeeze %dma_start3A_131 : memref<1x80xi32, #tpu.memory_space<vmem>> -> memref<80xi32, #tpu.memory_space<vmem>>
        %dma_start3A_133 = arith.constant 0 : i32
        %dma_start3A_134 = arith.constant 0 : i32
        %dma_start3A_135 = tpu.memref_slice %arg3[%dma_start3A_133, %dma_start3A_134] : memref<10000x128xf32, #tpu.memory_space<hbm>> -> memref<10000x128xf32, #tpu.memory_space<hbm>>
        tpu.enqueue_indirect_dma source(%dma_start3A_135 : memref<10000x128xf32, #tpu.memory_space<hbm>>) target(%arg10 : memref<80x128xf32, #tpu.memory_space<vmem>>) offsets(%dma_start3A_132 : memref<80xi32, #tpu.memory_space<vmem>>) semaphore(%arg13 : memref<!tpu.dma_semaphore, #tpu.memory_space<semaphore_mem>>)
      } else {
      }
      %dma_wait3A_90 = arith.constant 0 : i32
      %dma_wait3A_91 = arith.constant 0 : i32
      %dma_wait3A_92 = tpu.memref_slice %arg7[%dma_wait3A_90, %dma_wait3A_91] : memref<77x80xi32, #tpu.memory_space<vmem>> -> memref<1x80xi32, #tpu.memory_space<vmem>>
      %dma_wait3A_93 = tpu.memref_squeeze %dma_wait3A_92 : memref<1x80xi32, #tpu.memory_space<vmem>> -> memref<80xi32, #tpu.memory_space<vmem>>
      %dma_wait3A_94 = arith.constant 0 : i32
      %dma_wait3A_95 = arith.constant 0 : i32
      %dma_wait3A_96 = tpu.memref_slice %arg2[%dma_wait3A_94, %dma_wait3A_95] : memref<10000x128xf32, #tpu.memory_space<hbm>> -> memref<10000x128xf32, #tpu.memory_space<hbm>>
      tpu.wait_indirect_dma semaphore(%arg14 : memref<!tpu.dma_semaphore, #tpu.memory_space<semaphore_mem>>) src(%dma_wait3A_96 : memref<10000x128xf32, #tpu.memory_space<hbm>>) dst(%arg11 : memref<80x128xf32, #tpu.memory_space<vmem>>)
      %dma_wait3A_97 = arith.constant 0 : i32
      %dma_wait3A_98 = arith.constant 0 : i32
      %dma_wait3A_99 = tpu.memref_slice %arg8[%dma_wait3A_97, %dma_wait3A_98] : memref<77x80xi32, #tpu.memory_space<vmem>> -> memref<1x80xi32, #tpu.memory_space<vmem>>
      %dma_wait3A_100 = tpu.memref_squeeze %dma_wait3A_99 : memref<1x80xi32, #tpu.memory_space<vmem>> -> memref<80xi32, #tpu.memory_space<vmem>>
      %dma_wait3A_101 = arith.constant 0 : i32
      %dma_wait3A_102 = arith.constant 0 : i32
      %dma_wait3A_103 = tpu.memref_slice %arg3[%dma_wait3A_101, %dma_wait3A_102] : memref<10000x128xf32, #tpu.memory_space<hbm>> -> memref<10000x128xf32, #tpu.memory_space<hbm>>
      tpu.wait_indirect_dma semaphore(%arg14 : memref<!tpu.dma_semaphore, #tpu.memory_space<semaphore_mem>>) src(%dma_wait3A_103 : memref<10000x128xf32, #tpu.memory_space<hbm>>) dst(%arg12 : memref<80x128xf32, #tpu.memory_space<vmem>>)
      %add3A_104 = arith.constant 1 : i32
      %add3A_105 = arith.addi %mul3A_62, %add3A_104 : i32
      %scan3A_106 = arith.constant 0 : i32
      %scan3A_107 = arith.constant 0 : i32
      %scan3A_108 = arith.constant 80 : i32
      %scan3A_109 = arith.addi %scan3A_107, %scan3A_108 : i32
      %scan3A_110 = arith.constant 1 : i32
      scf.for %scan3A_122 = %scan3A_107 to %scan3A_109 step %scan3A_110  : i32 {
        %get3A = arith.index_cast %scan3A_122 : i32 to index
        %get3A_123 = arith.constant 0 : index
        %get3A_124 = tpu.vector_load %arg11[%get3A, %get3A_123] {strides = array<i32>} : memref<80x128xf32, #tpu.memory_space<vmem>>, vector<1x16xf32>,
        %get3A_125 = vector.shape_cast %get3A_124 : vector<1x16xf32> to vector<16xf32>
        %get3A_126 = arith.index_cast %scan3A_122 : i32 to index
        %get3A_127 = arith.constant 0 : index
        %get3A_128 = tpu.vector_load %arg12[%get3A_126, %get3A_127] {strides = array<i32>} : memref<80x128xf32, #tpu.memory_space<vmem>>, vector<1x16xf32>,
        %get3A_129 = vector.shape_cast %get3A_128 : vector<1x16xf32> to vector<16xf32>
        %add3A_130 = arith.addf %get3A_125, %get3A_129 : vector<16xf32>
        %swap3A = arith.index_cast %scan3A_122 : i32 to index
        %swap3A_131 = arith.constant 0 : index
        %swap3A_132 = tpu.vector_load %arg11[%swap3A, %swap3A_131] {strides = array<i32>} : memref<80x128xf32, #tpu.memory_space<vmem>>, vector<1x16xf32>,
        %swap3A_133 = vector.shape_cast %swap3A_132 : vector<1x16xf32> to vector<16xf32>
        %swap3A_134 = vector.shape_cast %add3A_130 : vector<16xf32> to vector<1x16xf32>
        tpu.vector_store %arg11[%swap3A, %swap3A_131], %swap3A_134 {strides = array<i32>} : memref<80x128xf32, #tpu.memory_space<vmem>>, vector<1x16xf32>,
        %get3A_135 = arith.index_cast %scan3A_122 : i32 to index
        %get3A_136 = arith.constant 16 : index
        %get3A_137 = tpu.vector_load %arg11[%get3A_135, %get3A_136] {strides = array<i32>} : memref<80x128xf32, #tpu.memory_space<vmem>>, vector<1x16xf32>,
        %get3A_138 = vector.shape_cast %get3A_137 : vector<1x16xf32> to vector<16xf32>
        %get3A_139 = arith.index_cast %scan3A_122 : i32 to index
        %get3A_140 = arith.constant 16 : index
        %get3A_141 = tpu.vector_load %arg12[%get3A_139, %get3A_140] {strides = array<i32>} : memref<80x128xf32, #tpu.memory_space<vmem>>, vector<1x16xf32>,
        %get3A_142 = vector.shape_cast %get3A_141 : vector<1x16xf32> to vector<16xf32>
        %add3A_143 = arith.addf %get3A_138, %get3A_142 : vector<16xf32>
        %swap3A_144 = arith.index_cast %scan3A_122 : i32 to index
        %swap3A_145 = arith.constant 16 : index
        %swap3A_146 = tpu.vector_load %arg11[%swap3A_144, %swap3A_145] {strides = array<i32>} : memref<80x128xf32, #tpu.memory_space<vmem>>, vector<1x16xf32>,
        %swap3A_147 = vector.shape_cast %swap3A_146 : vector<1x16xf32> to vector<16xf32>
        %swap3A_148 = vector.shape_cast %add3A_143 : vector<16xf32> to vector<1x16xf32>
        tpu.vector_store %arg11[%swap3A_144, %swap3A_145], %swap3A_148 {strides = array<i32>} : memref<80x128xf32, #tpu.memory_space<vmem>>, vector<1x16xf32>,
        %get3A_149 = arith.index_cast %scan3A_122 : i32 to index
        %get3A_150 = arith.constant 32 : index
        %get3A_151 = tpu.vector_load %arg11[%get3A_149, %get3A_150] {strides = array<i32>} : memref<80x128xf32, #tpu.memory_space<vmem>>, vector<1x16xf32>,
        %get3A_152 = vector.shape_cast %get3A_151 : vector<1x16xf32> to vector<16xf32>
        %get3A_153 = arith.index_cast %scan3A_122 : i32 to index
        %get3A_154 = arith.constant 32 : index
        %get3A_155 = tpu.vector_load %arg12[%get3A_153, %get3A_154] {strides = array<i32>} : memref<80x128xf32, #tpu.memory_space<vmem>>, vector<1x16xf32>,
        %get3A_156 = vector.shape_cast %get3A_155 : vector<1x16xf32> to vector<16xf32>
        %add3A_157 = arith.addf %get3A_152, %get3A_156 : vector<16xf32>
        %swap3A_158 = arith.index_cast %scan3A_122 : i32 to index
        %swap3A_159 = arith.constant 32 : index
        %swap3A_160 = tpu.vector_load %arg11[%swap3A_158, %swap3A_159] {strides = array<i32>} : memref<80x128xf32, #tpu.memory_space<vmem>>, vector<1x16xf32>,
        %swap3A_161 = vector.shape_cast %swap3A_160 : vector<1x16xf32> to vector<16xf32>
        %swap3A_162 = vector.shape_cast %add3A_157 : vector<16xf32> to vector<1x16xf32>
        tpu.vector_store %arg11[%swap3A_158, %swap3A_159], %swap3A_162 {strides = array<i32>} : memref<80x128xf32, #tpu.memory_space<vmem>>, vector<1x16xf32>,
        %get3A_163 = arith.index_cast %scan3A_122 : i32 to index
        %get3A_164 = arith.constant 48 : index
        %get3A_165 = tpu.vector_load %arg11[%get3A_163, %get3A_164] {strides = array<i32>} : memref<80x128xf32, #tpu.memory_space<vmem>>, vector<1x16xf32>,
        %get3A_166 = vector.shape_cast %get3A_165 : vector<1x16xf32> to vector<16xf32>
        %get3A_167 = arith.index_cast %scan3A_122 : i32 to index
        %get3A_168 = arith.constant 48 : index
        %get3A_169 = tpu.vector_load %arg12[%get3A_167, %get3A_168] {strides = array<i32>} : memref<80x128xf32, #tpu.memory_space<vmem>>, vector<1x16xf32>,
        %get3A_170 = vector.shape_cast %get3A_169 : vector<1x16xf32> to vector<16xf32>
        %add3A_171 = arith.addf %get3A_166, %get3A_170 : vector<16xf32>
        %swap3A_172 = arith.index_cast %scan3A_122 : i32 to index
        %swap3A_173 = arith.constant 48 : index
        %swap3A_174 = tpu.vector_load %arg11[%swap3A_172, %swap3A_173] {strides = array<i32>} : memref<80x128xf32, #tpu.memory_space<vmem>>, vector<1x16xf32>,
        %swap3A_175 = vector.shape_cast %swap3A_174 : vector<1x16xf32> to vector<16xf32>
        %swap3A_176 = vector.shape_cast %add3A_171 : vector<16xf32> to vector<1x16xf32>
        tpu.vector_store %arg11[%swap3A_172, %swap3A_173], %swap3A_176 {strides = array<i32>} : memref<80x128xf32, #tpu.memory_space<vmem>>, vector<1x16xf32>,
        %get3A_177 = arith.index_cast %scan3A_122 : i32 to index
        %get3A_178 = arith.constant 64 : index
        %get3A_179 = tpu.vector_load %arg11[%get3A_177, %get3A_178] {strides = array<i32>} : memref<80x128xf32, #tpu.memory_space<vmem>>, vector<1x16xf32>,
        %get3A_180 = vector.shape_cast %get3A_179 : vector<1x16xf32> to vector<16xf32>
        %get3A_181 = arith.index_cast %scan3A_122 : i32 to index
        %get3A_182 = arith.constant 64 : index
        %get3A_183 = tpu.vector_load %arg12[%get3A_181, %get3A_182] {strides = array<i32>} : memref<80x128xf32, #tpu.memory_space<vmem>>, vector<1x16xf32>,
        %get3A_184 = vector.shape_cast %get3A_183 : vector<1x16xf32> to vector<16xf32>
        %add3A_185 = arith.addf %get3A_180, %get3A_184 : vector<16xf32>
        %swap3A_186 = arith.index_cast %scan3A_122 : i32 to index
        %swap3A_187 = arith.constant 64 : index
        %swap3A_188 = tpu.vector_load %arg11[%swap3A_186, %swap3A_187] {strides = array<i32>} : memref<80x128xf32, #tpu.memory_space<vmem>>, vector<1x16xf32>,
        %swap3A_189 = vector.shape_cast %swap3A_188 : vector<1x16xf32> to vector<16xf32>
        %swap3A_190 = vector.shape_cast %add3A_185 : vector<16xf32> to vector<1x16xf32>
        tpu.vector_store %arg11[%swap3A_186, %swap3A_187], %swap3A_190 {strides = array<i32>} : memref<80x128xf32, #tpu.memory_space<vmem>>, vector<1x16xf32>,
        %get3A_191 = arith.index_cast %scan3A_122 : i32 to index
        %get3A_192 = arith.constant 80 : index
        %get3A_193 = tpu.vector_load %arg11[%get3A_191, %get3A_192] {strides = array<i32>} : memref<80x128xf32, #tpu.memory_space<vmem>>, vector<1x16xf32>,
        %get3A_194 = vector.shape_cast %get3A_193 : vector<1x16xf32> to vector<16xf32>
        %get3A_195 = arith.index_cast %scan3A_122 : i32 to index
        %get3A_196 = arith.constant 80 : index
        %get3A_197 = tpu.vector_load %arg12[%get3A_195, %get3A_196] {strides = array<i32>} : memref<80x128xf32, #tpu.memory_space<vmem>>, vector<1x16xf32>,
        %get3A_198 = vector.shape_cast %get3A_197 : vector<1x16xf32> to vector<16xf32>
        %add3A_199 = arith.addf %get3A_194, %get3A_198 : vector<16xf32>
        %swap3A_200 = arith.index_cast %scan3A_122 : i32 to index
        %swap3A_201 = arith.constant 80 : index
        %swap3A_202 = tpu.vector_load %arg11[%swap3A_200, %swap3A_201] {strides = array<i32>} : memref<80x128xf32, #tpu.memory_space<vmem>>, vector<1x16xf32>,
        %swap3A_203 = vector.shape_cast %swap3A_202 : vector<1x16xf32> to vector<16xf32>
        %swap3A_204 = vector.shape_cast %add3A_199 : vector<16xf32> to vector<1x16xf32>
        tpu.vector_store %arg11[%swap3A_200, %swap3A_201], %swap3A_204 {strides = array<i32>} : memref<80x128xf32, #tpu.memory_space<vmem>>, vector<1x16xf32>,
        %get3A_205 = arith.index_cast %scan3A_122 : i32 to index
        %get3A_206 = arith.constant 96 : index
        %get3A_207 = tpu.vector_load %arg11[%get3A_205, %get3A_206] {strides = array<i32>} : memref<80x128xf32, #tpu.memory_space<vmem>>, vector<1x16xf32>,
        %get3A_208 = vector.shape_cast %get3A_207 : vector<1x16xf32> to vector<16xf32>
        %get3A_209 = arith.index_cast %scan3A_122 : i32 to index
        %get3A_210 = arith.constant 96 : index
        %get3A_211 = tpu.vector_load %arg12[%get3A_209, %get3A_210] {strides = array<i32>} : memref<80x128xf32, #tpu.memory_space<vmem>>, vector<1x16xf32>,
        %get3A_212 = vector.shape_cast %get3A_211 : vector<1x16xf32> to vector<16xf32>
        %add3A_213 = arith.addf %get3A_208, %get3A_212 : vector<16xf32>
        %swap3A_214 = arith.index_cast %scan3A_122 : i32 to index
        %swap3A_215 = arith.constant 96 : index
        %swap3A_216 = tpu.vector_load %arg11[%swap3A_214, %swap3A_215] {strides = array<i32>} : memref<80x128xf32, #tpu.memory_space<vmem>>, vector<1x16xf32>,
        %swap3A_217 = vector.shape_cast %swap3A_216 : vector<1x16xf32> to vector<16xf32>
        %swap3A_218 = vector.shape_cast %add3A_213 : vector<16xf32> to vector<1x16xf32>
        tpu.vector_store %arg11[%swap3A_214, %swap3A_215], %swap3A_218 {strides = array<i32>} : memref<80x128xf32, #tpu.memory_space<vmem>>, vector<1x16xf32>,
        %get3A_219 = arith.index_cast %scan3A_122 : i32 to index
        %get3A_220 = arith.constant 112 : index
        %get3A_221 = tpu.vector_load %arg11[%get3A_219, %get3A_220] {strides = array<i32>} : memref<80x128xf32, #tpu.memory_space<vmem>>, vector<1x16xf32>,
        %get3A_222 = vector.shape_cast %get3A_221 : vector<1x16xf32> to vector<16xf32>
        %get3A_223 = arith.index_cast %scan3A_122 : i32 to index
        %get3A_224 = arith.constant 112 : index
        %get3A_225 = tpu.vector_load %arg12[%get3A_223, %get3A_224] {strides = array<i32>} : memref<80x128xf32, #tpu.memory_space<vmem>>, vector<1x16xf32>,
        %get3A_226 = vector.shape_cast %get3A_225 : vector<1x16xf32> to vector<16xf32>
        %add3A_227 = arith.addf %get3A_222, %get3A_226 : vector<16xf32>
        %swap3A_228 = arith.index_cast %scan3A_122 : i32 to index
        %swap3A_229 = arith.constant 112 : index
        %swap3A_230 = tpu.vector_load %arg11[%swap3A_228, %swap3A_229] {strides = array<i32>} : memref<80x128xf32, #tpu.memory_space<vmem>>, vector<1x16xf32>,
        %swap3A_231 = vector.shape_cast %swap3A_230 : vector<1x16xf32> to vector<16xf32>
        %swap3A_232 = vector.shape_cast %add3A_227 : vector<16xf32> to vector<1x16xf32>
        tpu.vector_store %arg11[%swap3A_228, %swap3A_229], %swap3A_232 {strides = array<i32>} : memref<80x128xf32, #tpu.memory_space<vmem>>, vector<1x16xf32>,
      }
      %scan3A_111 = arith.constant 80 : i32
      %mul3A_112 = arith.constant 80 : i32
      %mul3A_113 = arith.muli %add3A_105, %mul3A_112 : i32
      %add3A_114 = arith.addi %mul3A_6, %mul3A_113 : i32
      "tpu.region"() ({
        %run_scoped3A = tpu.sem_alloc : memref<!tpu.dma_semaphore, #tpu.memory_space<semaphore_mem>>
        %dma_start3A_122 = arith.constant 0 : i32
        %dma_start3A_123 = tpu.memref_slice %arg6[%add3A_114, %dma_start3A_122] : memref<197120x128xf32, #tpu.memory_space<hbm>> -> memref<80x128xf32, #tpu.memory_space<hbm>>
        %dma_start3A_124 = arith.constant 0 : i32
        %dma_start3A_125 = tpu.memref_slice %arg6[%add3A_114, %dma_start3A_124] : memref<197120x128xf32, #tpu.memory_space<hbm>> -> memref<80x128xf32, #tpu.memory_space<hbm>>
        tpu.enqueue_dma source(%arg11 : memref<80x128xf32, #tpu.memory_space<vmem>>) target(%dma_start3A_125 : memref<80x128xf32, #tpu.memory_space<hbm>>) target_semaphore(%run_scoped3A : memref<!tpu.dma_semaphore, #tpu.memory_space<semaphore_mem>>)
        %dma_wait3A_126 = arith.constant 0 : i32
        %dma_wait3A_127 = tpu.memref_slice %arg6[%add3A_114, %dma_wait3A_126] : memref<197120x128xf32, #tpu.memory_space<hbm>> -> memref<80x128xf32, #tpu.memory_space<hbm>>
        %dma_wait3A_128 = arith.constant 0 : i32
        %dma_wait3A_129 = tpu.memref_slice %arg6[%add3A_114, %dma_wait3A_128] : memref<197120x128xf32, #tpu.memory_space<hbm>> -> memref<80x128xf32, #tpu.memory_space<hbm>>
        tpu.wait_dma2 semaphore(%run_scoped3A : memref<!tpu.dma_semaphore, #tpu.memory_space<semaphore_mem>>) src(%arg11 : memref<80x128xf32, #tpu.memory_space<vmem>>) dst(%dma_wait3A_129 : memref<80x128xf32, #tpu.memory_space<hbm>>)
        tpu.yield
      }) : () -> ()
      %add3A_115 = arith.constant 3 : i32
      %add3A_116 = arith.addi %mul3A_62, %add3A_115 : i32
      %lt3A_117 = arith.constant 77 : i32
      %lt3A_118 = arith.cmpi slt, %add3A_116, %lt3A_117 : i32
      %convert_element_type3A_119 = arith.extui %lt3A_118 : i1 to i32
      %cond3A_120 = arith.constant 0 : i32
      %cond3A_121 = arith.cmpi ne, %convert_element_type3A_119, %cond3A_120 : i32
      scf.if %cond3A_121 {
        %add3A_122 = arith.constant 3 : i32
        %add3A_123 = arith.addi %mul3A_62, %add3A_122 : i32
        %dma_start3A_124 = arith.constant 0 : i32
        %dma_start3A_125 = tpu.memref_slice %arg7[%add3A_123, %dma_start3A_124] : memref<77x80xi32, #tpu.memory_space<vmem>> -> memref<1x80xi32, #tpu.memory_space<vmem>>
        %dma_start3A_126 = tpu.memref_squeeze %dma_start3A_125 : memref<1x80xi32, #tpu.memory_space<vmem>> -> memref<80xi32, #tpu.memory_space<vmem>>
        %dma_start3A_127 = arith.constant 0 : i32
        %dma_start3A_128 = arith.constant 0 : i32
        %dma_start3A_129 = tpu.memref_slice %arg2[%dma_start3A_127, %dma_start3A_128] : memref<10000x128xf32, #tpu.memory_space<hbm>> -> memref<10000x128xf32, #tpu.memory_space<hbm>>
        tpu.enqueue_indirect_dma source(%dma_start3A_129 : memref<10000x128xf32, #tpu.memory_space<hbm>>) target(%arg11 : memref<80x128xf32, #tpu.memory_space<vmem>>) offsets(%dma_start3A_126 : memref<80xi32, #tpu.memory_space<vmem>>) semaphore(%arg14 : memref<!tpu.dma_semaphore, #tpu.memory_space<semaphore_mem>>)
        %dma_start3A_130 = arith.constant 0 : i32
        %dma_start3A_131 = tpu.memref_slice %arg8[%add3A_123, %dma_start3A_130] : memref<77x80xi32, #tpu.memory_space<vmem>> -> memref<1x80xi32, #tpu.memory_space<vmem>>
        %dma_start3A_132 = tpu.memref_squeeze %dma_start3A_131 : memref<1x80xi32, #tpu.memory_space<vmem>> -> memref<80xi32, #tpu.memory_space<vmem>>
        %dma_start3A_133 = arith.constant 0 : i32
        %dma_start3A_134 = arith.constant 0 : i32
        %dma_start3A_135 = tpu.memref_slice %arg3[%dma_start3A_133, %dma_start3A_134] : memref<10000x128xf32, #tpu.memory_space<hbm>> -> memref<10000x128xf32, #tpu.memory_space<hbm>>
        tpu.enqueue_indirect_dma source(%dma_start3A_135 : memref<10000x128xf32, #tpu.memory_space<hbm>>) target(%arg12 : memref<80x128xf32, #tpu.memory_space<vmem>>) offsets(%dma_start3A_132 : memref<80xi32, #tpu.memory_space<vmem>>) semaphore(%arg14 : memref<!tpu.dma_semaphore, #tpu.memory_space<semaphore_mem>>)
      } else {
      }
    }
    %scan3A_38 = arith.constant 38 : i32
    %dma_wait3A = arith.constant 0 : i32
    %dma_wait3A_39 = arith.constant 0 : i32
    %dma_wait3A_40 = tpu.memref_slice %arg7[%dma_wait3A, %dma_wait3A_39] : memref<77x80xi32, #tpu.memory_space<vmem>> -> memref<1x80xi32, #tpu.memory_space<vmem>>
    %dma_wait3A_41 = tpu.memref_squeeze %dma_wait3A_40 : memref<1x80xi32, #tpu.memory_space<vmem>> -> memref<80xi32, #tpu.memory_space<vmem>>
    %dma_wait3A_42 = arith.constant 0 : i32
    %dma_wait3A_43 = arith.constant 0 : i32
    %dma_wait3A_44 = tpu.memref_slice %arg2[%dma_wait3A_42, %dma_wait3A_43] : memref<10000x128xf32, #tpu.memory_space<hbm>> -> memref<10000x128xf32, #tpu.memory_space<hbm>>
    tpu.wait_indirect_dma semaphore(%arg13 : memref<!tpu.dma_semaphore, #tpu.memory_space<semaphore_mem>>) src(%dma_wait3A_44 : memref<10000x128xf32, #tpu.memory_space<hbm>>) dst(%arg9 : memref<80x128xf32, #tpu.memory_space<vmem>>)
    %dma_wait3A_45 = arith.constant 0 : i32
    %dma_wait3A_46 = arith.constant 0 : i32
    %dma_wait3A_47 = tpu.memref_slice %arg8[%dma_wait3A_45, %dma_wait3A_46] : memref<77x80xi32, #tpu.memory_space<vmem>> -> memref<1x80xi32, #tpu.memory_space<vmem>>
    %dma_wait3A_48 = tpu.memref_squeeze %dma_wait3A_47 : memref<1x80xi32, #tpu.memory_space<vmem>> -> memref<80xi32, #tpu.memory_space<vmem>>
    %dma_wait3A_49 = arith.constant 0 : i32
    %dma_wait3A_50 = arith.constant 0 : i32
    %dma_wait3A_51 = tpu.memref_slice %arg3[%dma_wait3A_49, %dma_wait3A_50] : memref<10000x128xf32, #tpu.memory_space<hbm>> -> memref<10000x128xf32, #tpu.memory_space<hbm>>
    tpu.wait_indirect_dma semaphore(%arg13 : memref<!tpu.dma_semaphore, #tpu.memory_space<semaphore_mem>>) src(%dma_wait3A_51 : memref<10000x128xf32, #tpu.memory_space<hbm>>) dst(%arg10 : memref<80x128xf32, #tpu.memory_space<vmem>>)
    %scan3A_52 = arith.constant 0 : i32
    %scan3A_53 = arith.constant 0 : i32
    %scan3A_54 = arith.constant 80 : i32
    %scan3A_55 = arith.addi %scan3A_53, %scan3A_54 : i32
    %scan3A_56 = arith.constant 1 : i32
    scf.for %scan3A_60 = %scan3A_53 to %scan3A_55 step %scan3A_56  : i32 {
      %get3A = arith.index_cast %scan3A_60 : i32 to index
      %get3A_61 = arith.constant 0 : index
      %get3A_62 = tpu.vector_load %arg9[%get3A, %get3A_61] {strides = array<i32>} : memref<80x128xf32, #tpu.memory_space<vmem>>, vector<1x16xf32>,
      %get3A_63 = vector.shape_cast %get3A_62 : vector<1x16xf32> to vector<16xf32>
      %get3A_64 = arith.index_cast %scan3A_60 : i32 to index
      %get3A_65 = arith.constant 0 : index
      %get3A_66 = tpu.vector_load %arg10[%get3A_64, %get3A_65] {strides = array<i32>} : memref<80x128xf32, #tpu.memory_space<vmem>>, vector<1x16xf32>,
      %get3A_67 = vector.shape_cast %get3A_66 : vector<1x16xf32> to vector<16xf32>
      %add3A_68 = arith.addf %get3A_63, %get3A_67 : vector<16xf32>
      %swap3A = arith.index_cast %scan3A_60 : i32 to index
      %swap3A_69 = arith.constant 0 : index
      %swap3A_70 = tpu.vector_load %arg9[%swap3A, %swap3A_69] {strides = array<i32>} : memref<80x128xf32, #tpu.memory_space<vmem>>, vector<1x16xf32>,
      %swap3A_71 = vector.shape_cast %swap3A_70 : vector<1x16xf32> to vector<16xf32>
      %swap3A_72 = vector.shape_cast %add3A_68 : vector<16xf32> to vector<1x16xf32>
      tpu.vector_store %arg9[%swap3A, %swap3A_69], %swap3A_72 {strides = array<i32>} : memref<80x128xf32, #tpu.memory_space<vmem>>, vector<1x16xf32>,
      %get3A_73 = arith.index_cast %scan3A_60 : i32 to index
      %get3A_74 = arith.constant 16 : index
      %get3A_75 = tpu.vector_load %arg9[%get3A_73, %get3A_74] {strides = array<i32>} : memref<80x128xf32, #tpu.memory_space<vmem>>, vector<1x16xf32>,
      %get3A_76 = vector.shape_cast %get3A_75 : vector<1x16xf32> to vector<16xf32>
      %get3A_77 = arith.index_cast %scan3A_60 : i32 to index
      %get3A_78 = arith.constant 16 : index
      %get3A_79 = tpu.vector_load %arg10[%get3A_77, %get3A_78] {strides = array<i32>} : memref<80x128xf32, #tpu.memory_space<vmem>>, vector<1x16xf32>,
      %get3A_80 = vector.shape_cast %get3A_79 : vector<1x16xf32> to vector<16xf32>
      %add3A_81 = arith.addf %get3A_76, %get3A_80 : vector<16xf32>
      %swap3A_82 = arith.index_cast %scan3A_60 : i32 to index
      %swap3A_83 = arith.constant 16 : index
      %swap3A_84 = tpu.vector_load %arg9[%swap3A_82, %swap3A_83] {strides = array<i32>} : memref<80x128xf32, #tpu.memory_space<vmem>>, vector<1x16xf32>,
      %swap3A_85 = vector.shape_cast %swap3A_84 : vector<1x16xf32> to vector<16xf32>
      %swap3A_86 = vector.shape_cast %add3A_81 : vector<16xf32> to vector<1x16xf32>
      tpu.vector_store %arg9[%swap3A_82, %swap3A_83], %swap3A_86 {strides = array<i32>} : memref<80x128xf32, #tpu.memory_space<vmem>>, vector<1x16xf32>,
      %get3A_87 = arith.index_cast %scan3A_60 : i32 to index
      %get3A_88 = arith.constant 32 : index
      %get3A_89 = tpu.vector_load %arg9[%get3A_87, %get3A_88] {strides = array<i32>} : memref<80x128xf32, #tpu.memory_space<vmem>>, vector<1x16xf32>,
      %get3A_90 = vector.shape_cast %get3A_89 : vector<1x16xf32> to vector<16xf32>
      %get3A_91 = arith.index_cast %scan3A_60 : i32 to index
      %get3A_92 = arith.constant 32 : index
      %get3A_93 = tpu.vector_load %arg10[%get3A_91, %get3A_92] {strides = array<i32>} : memref<80x128xf32, #tpu.memory_space<vmem>>, vector<1x16xf32>,
      %get3A_94 = vector.shape_cast %get3A_93 : vector<1x16xf32> to vector<16xf32>
      %add3A_95 = arith.addf %get3A_90, %get3A_94 : vector<16xf32>
      %swap3A_96 = arith.index_cast %scan3A_60 : i32 to index
      %swap3A_97 = arith.constant 32 : index
      %swap3A_98 = tpu.vector_load %arg9[%swap3A_96, %swap3A_97] {strides = array<i32>} : memref<80x128xf32, #tpu.memory_space<vmem>>, vector<1x16xf32>,
      %swap3A_99 = vector.shape_cast %swap3A_98 : vector<1x16xf32> to vector<16xf32>
      %swap3A_100 = vector.shape_cast %add3A_95 : vector<16xf32> to vector<1x16xf32>
      tpu.vector_store %arg9[%swap3A_96, %swap3A_97], %swap3A_100 {strides = array<i32>} : memref<80x128xf32, #tpu.memory_space<vmem>>, vector<1x16xf32>,
      %get3A_101 = arith.index_cast %scan3A_60 : i32 to index
      %get3A_102 = arith.constant 48 : index
      %get3A_103 = tpu.vector_load %arg9[%get3A_101, %get3A_102] {strides = array<i32>} : memref<80x128xf32, #tpu.memory_space<vmem>>, vector<1x16xf32>,
      %get3A_104 = vector.shape_cast %get3A_103 : vector<1x16xf32> to vector<16xf32>
      %get3A_105 = arith.index_cast %scan3A_60 : i32 to index
      %get3A_106 = arith.constant 48 : index
      %get3A_107 = tpu.vector_load %arg10[%get3A_105, %get3A_106] {strides = array<i32>} : memref<80x128xf32, #tpu.memory_space<vmem>>, vector<1x16xf32>,
      %get3A_108 = vector.shape_cast %get3A_107 : vector<1x16xf32> to vector<16xf32>
      %add3A_109 = arith.addf %get3A_104, %get3A_108 : vector<16xf32>
      %swap3A_110 = arith.index_cast %scan3A_60 : i32 to index
      %swap3A_111 = arith.constant 48 : index
      %swap3A_112 = tpu.vector_load %arg9[%swap3A_110, %swap3A_111] {strides = array<i32>} : memref<80x128xf32, #tpu.memory_space<vmem>>, vector<1x16xf32>,
      %swap3A_113 = vector.shape_cast %swap3A_112 : vector<1x16xf32> to vector<16xf32>
      %swap3A_114 = vector.shape_cast %add3A_109 : vector<16xf32> to vector<1x16xf32>
      tpu.vector_store %arg9[%swap3A_110, %swap3A_111], %swap3A_114 {strides = array<i32>} : memref<80x128xf32, #tpu.memory_space<vmem>>, vector<1x16xf32>,
      %get3A_115 = arith.index_cast %scan3A_60 : i32 to index
      %get3A_116 = arith.constant 64 : index
      %get3A_117 = tpu.vector_load %arg9[%get3A_115, %get3A_116] {strides = array<i32>} : memref<80x128xf32, #tpu.memory_space<vmem>>, vector<1x16xf32>,
      %get3A_118 = vector.shape_cast %get3A_117 : vector<1x16xf32> to vector<16xf32>
      %get3A_119 = arith.index_cast %scan3A_60 : i32 to index
      %get3A_120 = arith.constant 64 : index
      %get3A_121 = tpu.vector_load %arg10[%get3A_119, %get3A_120] {strides = array<i32>} : memref<80x128xf32, #tpu.memory_space<vmem>>, vector<1x16xf32>,
      %get3A_122 = vector.shape_cast %get3A_121 : vector<1x16xf32> to vector<16xf32>
      %add3A_123 = arith.addf %get3A_118, %get3A_122 : vector<16xf32>
      %swap3A_124 = arith.index_cast %scan3A_60 : i32 to index
      %swap3A_125 = arith.constant 64 : index
      %swap3A_126 = tpu.vector_load %arg9[%swap3A_124, %swap3A_125] {strides = array<i32>} : memref<80x128xf32, #tpu.memory_space<vmem>>, vector<1x16xf32>,
      %swap3A_127 = vector.shape_cast %swap3A_126 : vector<1x16xf32> to vector<16xf32>
      %swap3A_128 = vector.shape_cast %add3A_123 : vector<16xf32> to vector<1x16xf32>
      tpu.vector_store %arg9[%swap3A_124, %swap3A_125], %swap3A_128 {strides = array<i32>} : memref<80x128xf32, #tpu.memory_space<vmem>>, vector<1x16xf32>,
      %get3A_129 = arith.index_cast %scan3A_60 : i32 to index
      %get3A_130 = arith.constant 80 : index
      %get3A_131 = tpu.vector_load %arg9[%get3A_129, %get3A_130] {strides = array<i32>} : memref<80x128xf32, #tpu.memory_space<vmem>>, vector<1x16xf32>,
      %get3A_132 = vector.shape_cast %get3A_131 : vector<1x16xf32> to vector<16xf32>
      %get3A_133 = arith.index_cast %scan3A_60 : i32 to index
      %get3A_134 = arith.constant 80 : index
      %get3A_135 = tpu.vector_load %arg10[%get3A_133, %get3A_134] {strides = array<i32>} : memref<80x128xf32, #tpu.memory_space<vmem>>, vector<1x16xf32>,
      %get3A_136 = vector.shape_cast %get3A_135 : vector<1x16xf32> to vector<16xf32>
      %add3A_137 = arith.addf %get3A_132, %get3A_136 : vector<16xf32>
      %swap3A_138 = arith.index_cast %scan3A_60 : i32 to index
      %swap3A_139 = arith.constant 80 : index
      %swap3A_140 = tpu.vector_load %arg9[%swap3A_138, %swap3A_139] {strides = array<i32>} : memref<80x128xf32, #tpu.memory_space<vmem>>, vector<1x16xf32>,
      %swap3A_141 = vector.shape_cast %swap3A_140 : vector<1x16xf32> to vector<16xf32>
      %swap3A_142 = vector.shape_cast %add3A_137 : vector<16xf32> to vector<1x16xf32>
      tpu.vector_store %arg9[%swap3A_138, %swap3A_139], %swap3A_142 {strides = array<i32>} : memref<80x128xf32, #tpu.memory_space<vmem>>, vector<1x16xf32>,
      %get3A_143 = arith.index_cast %scan3A_60 : i32 to index
      %get3A_144 = arith.constant 96 : index
      %get3A_145 = tpu.vector_load %arg9[%get3A_143, %get3A_144] {strides = array<i32>} : memref<80x128xf32, #tpu.memory_space<vmem>>, vector<1x16xf32>,
      %get3A_146 = vector.shape_cast %get3A_145 : vector<1x16xf32> to vector<16xf32>
      %get3A_147 = arith.index_cast %scan3A_60 : i32 to index
      %get3A_148 = arith.constant 96 : index
      %get3A_149 = tpu.vector_load %arg10[%get3A_147, %get3A_148] {strides = array<i32>} : memref<80x128xf32, #tpu.memory_space<vmem>>, vector<1x16xf32>,
      %get3A_150 = vector.shape_cast %get3A_149 : vector<1x16xf32> to vector<16xf32>
      %add3A_151 = arith.addf %get3A_146, %get3A_150 : vector<16xf32>
      %swap3A_152 = arith.index_cast %scan3A_60 : i32 to index
      %swap3A_153 = arith.constant 96 : index
      %swap3A_154 = tpu.vector_load %arg9[%swap3A_152, %swap3A_153] {strides = array<i32>} : memref<80x128xf32, #tpu.memory_space<vmem>>, vector<1x16xf32>,
      %swap3A_155 = vector.shape_cast %swap3A_154 : vector<1x16xf32> to vector<16xf32>
      %swap3A_156 = vector.shape_cast %add3A_151 : vector<16xf32> to vector<1x16xf32>
      tpu.vector_store %arg9[%swap3A_152, %swap3A_153], %swap3A_156 {strides = array<i32>} : memref<80x128xf32, #tpu.memory_space<vmem>>, vector<1x16xf32>,
      %get3A_157 = arith.index_cast %scan3A_60 : i32 to index
      %get3A_158 = arith.constant 112 : index
      %get3A_159 = tpu.vector_load %arg9[%get3A_157, %get3A_158] {strides = array<i32>} : memref<80x128xf32, #tpu.memory_space<vmem>>, vector<1x16xf32>,
      %get3A_160 = vector.shape_cast %get3A_159 : vector<1x16xf32> to vector<16xf32>
      %get3A_161 = arith.index_cast %scan3A_60 : i32 to index
      %get3A_162 = arith.constant 112 : index
      %get3A_163 = tpu.vector_load %arg10[%get3A_161, %get3A_162] {strides = array<i32>} : memref<80x128xf32, #tpu.memory_space<vmem>>, vector<1x16xf32>,
      %get3A_164 = vector.shape_cast %get3A_163 : vector<1x16xf32> to vector<16xf32>
      %add3A_165 = arith.addf %get3A_160, %get3A_164 : vector<16xf32>
      %swap3A_166 = arith.index_cast %scan3A_60 : i32 to index
      %swap3A_167 = arith.constant 112 : index
      %swap3A_168 = tpu.vector_load %arg9[%swap3A_166, %swap3A_167] {strides = array<i32>} : memref<80x128xf32, #tpu.memory_space<vmem>>, vector<1x16xf32>,
      %swap3A_169 = vector.shape_cast %swap3A_168 : vector<1x16xf32> to vector<16xf32>
      %swap3A_170 = vector.shape_cast %add3A_165 : vector<16xf32> to vector<1x16xf32>
      tpu.vector_store %arg9[%swap3A_166, %swap3A_167], %swap3A_170 {strides = array<i32>} : memref<80x128xf32, #tpu.memory_space<vmem>>, vector<1x16xf32>,
    }
    %scan3A_57 = arith.constant 80 : i32
    %add3A_58 = arith.constant 6080 : i32
    %add3A_59 = arith.addi %mul3A_6, %add3A_58 : i32
    "tpu.region"() ({
      %run_scoped3A = tpu.sem_alloc : memref<!tpu.dma_semaphore, #tpu.memory_space<semaphore_mem>>
      %dma_start3A_60 = arith.constant 0 : i32
      %dma_start3A_61 = tpu.memref_slice %arg6[%add3A_59, %dma_start3A_60] : memref<197120x128xf32, #tpu.memory_space<hbm>> -> memref<80x128xf32, #tpu.memory_space<hbm>>
      %dma_start3A_62 = arith.constant 0 : i32
      %dma_start3A_63 = tpu.memref_slice %arg6[%add3A_59, %dma_start3A_62] : memref<197120x128xf32, #tpu.memory_space<hbm>> -> memref<80x128xf32, #tpu.memory_space<hbm>>
      tpu.enqueue_dma source(%arg9 : memref<80x128xf32, #tpu.memory_space<vmem>>) target(%dma_start3A_63 : memref<80x128xf32, #tpu.memory_space<hbm>>) target_semaphore(%run_scoped3A : memref<!tpu.dma_semaphore, #tpu.memory_space<semaphore_mem>>)
      %dma_wait3A_64 = arith.constant 0 : i32
      %dma_wait3A_65 = tpu.memref_slice %arg6[%add3A_59, %dma_wait3A_64] : memref<197120x128xf32, #tpu.memory_space<hbm>> -> memref<80x128xf32, #tpu.memory_space<hbm>>
      %dma_wait3A_66 = arith.constant 0 : i32
      %dma_wait3A_67 = tpu.memref_slice %arg6[%add3A_59, %dma_wait3A_66] : memref<197120x128xf32, #tpu.memory_space<hbm>> -> memref<80x128xf32, #tpu.memory_space<hbm>>
      tpu.wait_dma2 semaphore(%run_scoped3A : memref<!tpu.dma_semaphore, #tpu.memory_space<semaphore_mem>>) src(%arg9 : memref<80x128xf32, #tpu.memory_space<vmem>>) dst(%dma_wait3A_67 : memref<80x128xf32, #tpu.memory_space<hbm>>)
      tpu.yield
    }) : () -> ()
    return
  }
}

module attributes {stable_mosaic.version = 14 : i64} {
  func.func @_project_body(%arg0: i32, %arg1: memref<2000x128xf32, #tpu.memory_space<vmem>>, %arg2: memref<128x128xf32, #tpu.memory_space<vmem>>, %arg3: memref<128x128xf32, #tpu.memory_space<vmem>>, %arg4: memref<2000x128xf32, #tpu.memory_space<vmem>>, %arg5: memref<2000x128xf32, #tpu.memory_space<vmem>>) attributes {dimension_semantics = [#tpu.dimension_semantics<arbitrary>], iteration_bounds = array<i64: 5>, scalar_prefetch = 0 : i64, scratch_operands = 0 : i64, tpu.core_type = #tpu.core_type<tc>, window_params = [{transform_indices = @transform_0, window_bounds = array<i64: 2000, 128>}, {pipeline_mode = #tpu.pipeline_mode<synchronous>, transform_indices = @transform_1, window_bounds = array<i64: 128, 128>}, {pipeline_mode = #tpu.pipeline_mode<synchronous>, transform_indices = @transform_2, window_bounds = array<i64: 128, 128>}, {transform_indices = @transform_3, window_bounds = array<i64: 2000, 128>}, {transform_indices = @transform_4, window_bounds = array<i64: 2000, 128>}]} {
    %get3A = arith.constant 0 : index
    %get3A_0 = arith.constant 0 : index
    %get3A_1 = vector.load %arg1[%get3A, %get3A_0] : memref<2000x128xf32, #tpu.memory_space<vmem>>, vector<2000x128xf32>
    %get3A_2 = arith.constant 0 : index
    %get3A_3 = arith.constant 0 : index
    %get3A_4 = vector.load %arg2[%get3A_2, %get3A_3] : memref<128x128xf32, #tpu.memory_space<vmem>>, vector<128x128xf32>
    %dot_general3A = arith.constant dense<0.000000e+00> : vector<2000x128xf32>
    %dot_general3A_5 = tpu.matmul %get3A_1, %get3A_4, %dot_general3A {dimension_numbers = #tpu.dot_dimension_numbers<[1], [0], [0], [1], [0, 0, 1, 1], [], []>, transpose_lhs_hint = false} : vector<2000x128xf32>, vector<128x128xf32>, vector<2000x128xf32> -> vector<2000x128xf32>
    %swap3A = arith.constant 0 : index
    %swap3A_6 = arith.constant 0 : index
    %swap3A_7 = vector.load %arg4[%swap3A, %swap3A_6] : memref<2000x128xf32, #tpu.memory_space<vmem>>, vector<2000x128xf32>
    tpu.vector_store %arg4[%swap3A, %swap3A_6], %dot_general3A_5 {strides = array<i32>} : memref<2000x128xf32, #tpu.memory_space<vmem>>, vector<2000x128xf32>,
    %get3A_8 = arith.constant 0 : index
    %get3A_9 = arith.constant 0 : index
    %get3A_10 = vector.load %arg3[%get3A_8, %get3A_9] : memref<128x128xf32, #tpu.memory_space<vmem>>, vector<128x128xf32>
    %dot_general3A_11 = arith.constant dense<0.000000e+00> : vector<2000x128xf32>
    %dot_general3A_12 = tpu.matmul %get3A_1, %get3A_10, %dot_general3A_11 {dimension_numbers = #tpu.dot_dimension_numbers<[1], [0], [0], [1], [0, 0, 1, 1], [], []>, transpose_lhs_hint = false} : vector<2000x128xf32>, vector<128x128xf32>, vector<2000x128xf32> -> vector<2000x128xf32>
    %swap3A_13 = arith.constant 0 : index
    %swap3A_14 = arith.constant 0 : index
    %swap3A_15 = vector.load %arg5[%swap3A_13, %swap3A_14] : memref<2000x128xf32, #tpu.memory_space<vmem>>, vector<2000x128xf32>
    tpu.vector_store %arg5[%swap3A_13, %swap3A_14], %dot_general3A_12 {strides = array<i32>} : memref<2000x128xf32, #tpu.memory_space<vmem>>, vector<2000x128xf32>,
    return
  }
  func.func @transform_0(%arg0: i32) -> (i32, i32) {
    %c0_i32 = arith.constant 0 : i32
    %c0_i32_0 = arith.constant 0 : i32
    return %arg0, %c0_i32 : i32, i32
  }
  func.func @transform_1(%arg0: i32) -> (i32, i32) {
    %c0_i32 = arith.constant 0 : i32
    %c0_i32_0 = arith.constant 0 : i32
    %c0_i32_1 = arith.constant 0 : i32
    return %c0_i32, %c0_i32_0 : i32, i32
  }
  func.func @transform_2(%arg0: i32) -> (i32, i32) {
    %c0_i32 = arith.constant 0 : i32
    %c0_i32_0 = arith.constant 0 : i32
    %c0_i32_1 = arith.constant 0 : i32
    return %c0_i32, %c0_i32_0 : i32, i32
  }
  func.func @transform_3(%arg0: i32) -> (i32, i32) {
    %c0_i32 = arith.constant 0 : i32
    %c0_i32_0 = arith.constant 0 : i32
    return %arg0, %c0_i32 : i32, i32
  }
  func.func @transform_4(%arg0: i32) -> (i32, i32) {
    %c0_i32 = arith.constant 0 : i32
    %c0_i32_0 = arith.constant 0 : i32
    return %arg0, %c0_i32 : i32, i32
  }
}

module attributes {stable_mosaic.version = 14 : i64} {
  func.func @_edge_body(%arg0: i32, %arg1: memref<2560x128xf32, #tpu.memory_space<vmem>>, %arg2: memref<16x2560xf32, #tpu.memory_space<vmem>>, %arg3: memref<16x128xf32, #tpu.memory_space<vmem>>, %arg4: memref<1x128xf32, #tpu.memory_space<vmem>>, %arg5: memref<128x80xf32, #tpu.memory_space<vmem>>, %arg6: memref<1x80xf32, #tpu.memory_space<vmem>>, %arg7: memref<80x80xf32, #tpu.memory_space<vmem>>, %arg8: memref<1x80xf32, #tpu.memory_space<vmem>>, %arg9: memref<80x128xf32, #tpu.memory_space<vmem>>, %arg10: memref<1x128xf32, #tpu.memory_space<vmem>>, %arg11: memref<2560x128xf32, #tpu.memory_space<vmem>>) attributes {dimension_semantics = [#tpu.dimension_semantics<arbitrary>], iteration_bounds = array<i64: 48>, scalar_prefetch = 0 : i64, scratch_operands = 0 : i64, tpu.core_type = #tpu.core_type<tc>, window_params = [{transform_indices = @transform_0, window_bounds = array<i64: 2560, 128>}, {transform_indices = @transform_1, window_bounds = array<i64: 16, 2560>}, {pipeline_mode = #tpu.pipeline_mode<synchronous>, transform_indices = @transform_2, window_bounds = array<i64: 16, 128>}, {pipeline_mode = #tpu.pipeline_mode<synchronous>, transform_indices = @transform_3, window_bounds = array<i64: 1, 128>}, {pipeline_mode = #tpu.pipeline_mode<synchronous>, transform_indices = @transform_4, window_bounds = array<i64: 128, 80>}, {pipeline_mode = #tpu.pipeline_mode<synchronous>, transform_indices = @transform_5, window_bounds = array<i64: 1, 80>}, {pipeline_mode = #tpu.pipeline_mode<synchronous>, transform_indices = @transform_6, window_bounds = array<i64: 80, 80>}, {pipeline_mode = #tpu.pipeline_mode<synchronous>, transform_indices = @transform_7, window_bounds = array<i64: 1, 80>}, {pipeline_mode = #tpu.pipeline_mode<synchronous>, transform_indices = @transform_8, window_bounds = array<i64: 80, 128>}, {pipeline_mode = #tpu.pipeline_mode<synchronous>, transform_indices = @transform_9, window_bounds = array<i64: 1, 128>}, {transform_indices = @transform_10, window_bounds = array<i64: 2560, 128>}]} {
    %get3A = arith.constant 0 : index
    %get3A_0 = arith.constant 0 : index
    %get3A_1 = vector.load %arg1[%get3A, %get3A_0] : memref<2560x128xf32, #tpu.memory_space<vmem>>, vector<2560x128xf32>
    %get3A_2 = arith.constant 0 : index
    %get3A_3 = arith.constant 0 : index
    %get3A_4 = vector.load %arg2[%get3A_2, %get3A_3] : memref<16x2560xf32, #tpu.memory_space<vmem>>, vector<16x2560xf32>
    %get3A_5 = arith.constant 0 : index
    %get3A_6 = arith.constant 0 : index
    %get3A_7 = vector.load %arg3[%get3A_5, %get3A_6] : memref<16x128xf32, #tpu.memory_space<vmem>>, vector<16x128xf32>
    %dot_general3A = arith.constant dense<0.000000e+00> : vector<2560x128xf32>
    %dot_general3A_8 = tpu.matmul %get3A_4, %get3A_7, %dot_general3A {dimension_numbers = #tpu.dot_dimension_numbers<[0], [0], [1], [1], [0, 1, 1, 1], [], []>, transpose_lhs_hint = false} : vector<16x2560xf32>, vector<16x128xf32>, vector<2560x128xf32> -> vector<2560x128xf32>
    %add3A = arith.addf %get3A_1, %dot_general3A_8 : vector<2560x128xf32>
    %get3A_9 = arith.constant 0 : index
    %get3A_10 = arith.constant 0 : index
    %get3A_11 = vector.load %arg4[%get3A_9, %get3A_10] : memref<1x128xf32, #tpu.memory_space<vmem>>, vector<1x128xf32>
    %add3A_12 = vector.broadcast %get3A_11 : vector<1x128xf32> to vector<2560x128xf32>
    %add3A_13 = arith.addf %add3A, %add3A_12 : vector<2560x128xf32>
    %max3A = arith.constant 0.000000e+00 : f32
    %max3A_14 = vector.broadcast %max3A : f32 to vector<2560x128xf32>
    %max3A_15 = arith.maximumf %add3A_13, %max3A_14 : vector<2560x128xf32>
    %get3A_16 = arith.constant 0 : index
    %get3A_17 = arith.constant 0 : index
    %get3A_18 = vector.load %arg5[%get3A_16, %get3A_17] : memref<128x80xf32, #tpu.memory_space<vmem>>, vector<128x80xf32>
    %dot_general3A_19 = arith.constant dense<0.000000e+00> : vector<2560x80xf32>
    %dot_general3A_20 = tpu.matmul %max3A_15, %get3A_18, %dot_general3A_19 {dimension_numbers = #tpu.dot_dimension_numbers<[1], [0], [0], [1], [0, 0, 1, 1], [], []>, transpose_lhs_hint = false} : vector<2560x128xf32>, vector<128x80xf32>, vector<2560x80xf32> -> vector<2560x80xf32>
    %get3A_21 = arith.constant 0 : index
    %get3A_22 = arith.constant 0 : index
    %get3A_23 = vector.load %arg6[%get3A_21, %get3A_22] : memref<1x80xf32, #tpu.memory_space<vmem>>, vector<1x80xf32>
    %add3A_24 = vector.broadcast %get3A_23 : vector<1x80xf32> to vector<2560x80xf32>
    %add3A_25 = arith.addf %dot_general3A_20, %add3A_24 : vector<2560x80xf32>
    %max3A_26 = arith.constant 0.000000e+00 : f32
    %max3A_27 = vector.broadcast %max3A_26 : f32 to vector<2560x80xf32>
    %max3A_28 = arith.maximumf %add3A_25, %max3A_27 : vector<2560x80xf32>
    %get3A_29 = arith.constant 0 : index
    %get3A_30 = arith.constant 0 : index
    %get3A_31 = vector.load %arg7[%get3A_29, %get3A_30] : memref<80x80xf32, #tpu.memory_space<vmem>>, vector<80x80xf32>
    %dot_general3A_32 = arith.constant dense<0.000000e+00> : vector<2560x80xf32>
    %dot_general3A_33 = tpu.matmul %max3A_28, %get3A_31, %dot_general3A_32 {dimension_numbers = #tpu.dot_dimension_numbers<[1], [0], [0], [1], [0, 0, 1, 1], [], []>, transpose_lhs_hint = false} : vector<2560x80xf32>, vector<80x80xf32>, vector<2560x80xf32> -> vector<2560x80xf32>
    %get3A_34 = arith.constant 0 : index
    %get3A_35 = arith.constant 0 : index
    %get3A_36 = vector.load %arg8[%get3A_34, %get3A_35] : memref<1x80xf32, #tpu.memory_space<vmem>>, vector<1x80xf32>
    %add3A_37 = vector.broadcast %get3A_36 : vector<1x80xf32> to vector<2560x80xf32>
    %add3A_38 = arith.addf %dot_general3A_33, %add3A_37 : vector<2560x80xf32>
    %max3A_39 = arith.constant 0.000000e+00 : f32
    %max3A_40 = vector.broadcast %max3A_39 : f32 to vector<2560x80xf32>
    %max3A_41 = arith.maximumf %add3A_38, %max3A_40 : vector<2560x80xf32>
    %get3A_42 = arith.constant 0 : index
    %get3A_43 = arith.constant 0 : index
    %get3A_44 = vector.load %arg9[%get3A_42, %get3A_43] : memref<80x128xf32, #tpu.memory_space<vmem>>, vector<80x128xf32>
    %dot_general3A_45 = arith.constant dense<0.000000e+00> : vector<2560x128xf32>
    %dot_general3A_46 = tpu.matmul %max3A_41, %get3A_44, %dot_general3A_45 {dimension_numbers = #tpu.dot_dimension_numbers<[1], [0], [0], [1], [0, 0, 1, 1], [], []>, transpose_lhs_hint = false} : vector<2560x80xf32>, vector<80x128xf32>, vector<2560x128xf32> -> vector<2560x128xf32>
    %get3A_47 = arith.constant 0 : index
    %get3A_48 = arith.constant 0 : index
    %get3A_49 = vector.load %arg10[%get3A_47, %get3A_48] : memref<1x128xf32, #tpu.memory_space<vmem>>, vector<1x128xf32>
    %add3A_50 = vector.broadcast %get3A_49 : vector<1x128xf32> to vector<2560x128xf32>
    %add3A_51 = arith.addf %dot_general3A_46, %add3A_50 : vector<2560x128xf32>
    %swap3A = arith.constant 0 : index
    %swap3A_52 = arith.constant 0 : index
    %swap3A_53 = vector.load %arg11[%swap3A, %swap3A_52] : memref<2560x128xf32, #tpu.memory_space<vmem>>, vector<2560x128xf32>
    tpu.vector_store %arg11[%swap3A, %swap3A_52], %add3A_51 {strides = array<i32>} : memref<2560x128xf32, #tpu.memory_space<vmem>>, vector<2560x128xf32>,
    return
  }
  func.func @transform_0(%arg0: i32) -> (i32, i32) {
    %c0_i32 = arith.constant 0 : i32
    %c0_i32_0 = arith.constant 0 : i32
    return %arg0, %c0_i32 : i32, i32
  }
  func.func @transform_1(%arg0: i32) -> (i32, i32) {
    %c0_i32 = arith.constant 0 : i32
    %c0_i32_0 = arith.constant 0 : i32
    return %c0_i32, %arg0 : i32, i32
  }
  func.func @transform_2(%arg0: i32) -> (i32, i32) {
    %c0_i32 = arith.constant 0 : i32
    %c0_i32_0 = arith.constant 0 : i32
    %c0_i32_1 = arith.constant 0 : i32
    return %c0_i32, %c0_i32_0 : i32, i32
  }
  func.func @transform_3(%arg0: i32) -> (i32, i32) {
    %c0_i32 = arith.constant 0 : i32
    %c0_i32_0 = arith.constant 0 : i32
    %c0_i32_1 = arith.constant 0 : i32
    return %c0_i32, %c0_i32_0 : i32, i32
  }
  func.func @transform_4(%arg0: i32) -> (i32, i32) {
    %c0_i32 = arith.constant 0 : i32
    %c0_i32_0 = arith.constant 0 : i32
    %c0_i32_1 = arith.constant 0 : i32
    return %c0_i32, %c0_i32_0 : i32, i32
  }
  func.func @transform_5(%arg0: i32) -> (i32, i32) {
    %c0_i32 = arith.constant 0 : i32
    %c0_i32_0 = arith.constant 0 : i32
    %c0_i32_1 = arith.constant 0 : i32
    return %c0_i32, %c0_i32_0 : i32, i32
  }
  func.func @transform_6(%arg0: i32) -> (i32, i32) {
    %c0_i32 = arith.constant 0 : i32
    %c0_i32_0 = arith.constant 0 : i32
    %c0_i32_1 = arith.constant 0 : i32
    return %c0_i32, %c0_i32_0 : i32, i32
  }
  func.func @transform_7(%arg0: i32) -> (i32, i32) {
    %c0_i32 = arith.constant 0 : i32
    %c0_i32_0 = arith.constant 0 : i32
    %c0_i32_1 = arith.constant 0 : i32
    return %c0_i32, %c0_i32_0 : i32, i32
  }
  func.func @transform_8(%arg0: i32) -> (i32, i32) {
    %c0_i32 = arith.constant 0 : i32
    %c0_i32_0 = arith.constant 0 : i32
    %c0_i32_1 = arith.constant 0 : i32
    return %c0_i32, %c0_i32_0 : i32, i32
  }
  func.func @transform_9(%arg0: i32) -> (i32, i32) {
    %c0_i32 = arith.constant 0 : i32
    %c0_i32_0 = arith.constant 0 : i32
    %c0_i32_1 = arith.constant 0 : i32
    return %c0_i32, %c0_i32_0 : i32, i32
  }
  func.func @transform_10(%arg0: i32) -> (i32, i32) {
    %c0_i32 = arith.constant 0 : i32
    %c0_i32_0 = arith.constant 0 : i32
    return %arg0, %c0_i32 : i32, i32
  }
}

module attributes {stable_mosaic.version = 14 : i64} {
  func.func @_edge_body(%arg0: i32, %arg1: memref<2560x128xf32, #tpu.memory_space<vmem>>, %arg2: memref<16x2560xf32, #tpu.memory_space<vmem>>, %arg3: memref<16x128xf32, #tpu.memory_space<vmem>>, %arg4: memref<1x128xf32, #tpu.memory_space<vmem>>, %arg5: memref<128x80xf32, #tpu.memory_space<vmem>>, %arg6: memref<1x80xf32, #tpu.memory_space<vmem>>, %arg7: memref<80x80xf32, #tpu.memory_space<vmem>>, %arg8: memref<1x80xf32, #tpu.memory_space<vmem>>, %arg9: memref<80x128xf32, #tpu.memory_space<vmem>>, %arg10: memref<1x128xf32, #tpu.memory_space<vmem>>, %arg11: memref<2560x128xf32, #tpu.memory_space<vmem>>) attributes {dimension_semantics = [#tpu.dimension_semantics<arbitrary>], iteration_bounds = array<i64: 77>, scalar_prefetch = 0 : i64, scratch_operands = 0 : i64, tpu.core_type = #tpu.core_type<tc>, window_params = [{transform_indices = @transform_0, window_bounds = array<i64: 2560, 128>}, {transform_indices = @transform_1, window_bounds = array<i64: 16, 2560>}, {pipeline_mode = #tpu.pipeline_mode<synchronous>, transform_indices = @transform_2, window_bounds = array<i64: 16, 128>}, {pipeline_mode = #tpu.pipeline_mode<synchronous>, transform_indices = @transform_3, window_bounds = array<i64: 1, 128>}, {pipeline_mode = #tpu.pipeline_mode<synchronous>, transform_indices = @transform_4, window_bounds = array<i64: 128, 80>}, {pipeline_mode = #tpu.pipeline_mode<synchronous>, transform_indices = @transform_5, window_bounds = array<i64: 1, 80>}, {pipeline_mode = #tpu.pipeline_mode<synchronous>, transform_indices = @transform_6, window_bounds = array<i64: 80, 80>}, {pipeline_mode = #tpu.pipeline_mode<synchronous>, transform_indices = @transform_7, window_bounds = array<i64: 1, 80>}, {pipeline_mode = #tpu.pipeline_mode<synchronous>, transform_indices = @transform_8, window_bounds = array<i64: 80, 128>}, {pipeline_mode = #tpu.pipeline_mode<synchronous>, transform_indices = @transform_9, window_bounds = array<i64: 1, 128>}, {transform_indices = @transform_10, window_bounds = array<i64: 2560, 128>}]} {
    %get3A = arith.constant 0 : index
    %get3A_0 = arith.constant 0 : index
    %get3A_1 = vector.load %arg1[%get3A, %get3A_0] : memref<2560x128xf32, #tpu.memory_space<vmem>>, vector<2560x128xf32>
    %get3A_2 = arith.constant 0 : index
    %get3A_3 = arith.constant 0 : index
    %get3A_4 = vector.load %arg2[%get3A_2, %get3A_3] : memref<16x2560xf32, #tpu.memory_space<vmem>>, vector<16x2560xf32>
    %get3A_5 = arith.constant 0 : index
    %get3A_6 = arith.constant 0 : index
    %get3A_7 = vector.load %arg3[%get3A_5, %get3A_6] : memref<16x128xf32, #tpu.memory_space<vmem>>, vector<16x128xf32>
    %dot_general3A = arith.constant dense<0.000000e+00> : vector<2560x128xf32>
    %dot_general3A_8 = tpu.matmul %get3A_4, %get3A_7, %dot_general3A {dimension_numbers = #tpu.dot_dimension_numbers<[0], [0], [1], [1], [0, 1, 1, 1], [], []>, transpose_lhs_hint = false} : vector<16x2560xf32>, vector<16x128xf32>, vector<2560x128xf32> -> vector<2560x128xf32>
    %add3A = arith.addf %get3A_1, %dot_general3A_8 : vector<2560x128xf32>
    %get3A_9 = arith.constant 0 : index
    %get3A_10 = arith.constant 0 : index
    %get3A_11 = vector.load %arg4[%get3A_9, %get3A_10] : memref<1x128xf32, #tpu.memory_space<vmem>>, vector<1x128xf32>
    %add3A_12 = vector.broadcast %get3A_11 : vector<1x128xf32> to vector<2560x128xf32>
    %add3A_13 = arith.addf %add3A, %add3A_12 : vector<2560x128xf32>
    %max3A = arith.constant 0.000000e+00 : f32
    %max3A_14 = vector.broadcast %max3A : f32 to vector<2560x128xf32>
    %max3A_15 = arith.maximumf %add3A_13, %max3A_14 : vector<2560x128xf32>
    %get3A_16 = arith.constant 0 : index
    %get3A_17 = arith.constant 0 : index
    %get3A_18 = vector.load %arg5[%get3A_16, %get3A_17] : memref<128x80xf32, #tpu.memory_space<vmem>>, vector<128x80xf32>
    %dot_general3A_19 = arith.constant dense<0.000000e+00> : vector<2560x80xf32>
    %dot_general3A_20 = tpu.matmul %max3A_15, %get3A_18, %dot_general3A_19 {dimension_numbers = #tpu.dot_dimension_numbers<[1], [0], [0], [1], [0, 0, 1, 1], [], []>, transpose_lhs_hint = false} : vector<2560x128xf32>, vector<128x80xf32>, vector<2560x80xf32> -> vector<2560x80xf32>
    %get3A_21 = arith.constant 0 : index
    %get3A_22 = arith.constant 0 : index
    %get3A_23 = vector.load %arg6[%get3A_21, %get3A_22] : memref<1x80xf32, #tpu.memory_space<vmem>>, vector<1x80xf32>
    %add3A_24 = vector.broadcast %get3A_23 : vector<1x80xf32> to vector<2560x80xf32>
    %add3A_25 = arith.addf %dot_general3A_20, %add3A_24 : vector<2560x80xf32>
    %max3A_26 = arith.constant 0.000000e+00 : f32
    %max3A_27 = vector.broadcast %max3A_26 : f32 to vector<2560x80xf32>
    %max3A_28 = arith.maximumf %add3A_25, %max3A_27 : vector<2560x80xf32>
    %get3A_29 = arith.constant 0 : index
    %get3A_30 = arith.constant 0 : index
    %get3A_31 = vector.load %arg7[%get3A_29, %get3A_30] : memref<80x80xf32, #tpu.memory_space<vmem>>, vector<80x80xf32>
    %dot_general3A_32 = arith.constant dense<0.000000e+00> : vector<2560x80xf32>
    %dot_general3A_33 = tpu.matmul %max3A_28, %get3A_31, %dot_general3A_32 {dimension_numbers = #tpu.dot_dimension_numbers<[1], [0], [0], [1], [0, 0, 1, 1], [], []>, transpose_lhs_hint = false} : vector<2560x80xf32>, vector<80x80xf32>, vector<2560x80xf32> -> vector<2560x80xf32>
    %get3A_34 = arith.constant 0 : index
    %get3A_35 = arith.constant 0 : index
    %get3A_36 = vector.load %arg8[%get3A_34, %get3A_35] : memref<1x80xf32, #tpu.memory_space<vmem>>, vector<1x80xf32>
    %add3A_37 = vector.broadcast %get3A_36 : vector<1x80xf32> to vector<2560x80xf32>
    %add3A_38 = arith.addf %dot_general3A_33, %add3A_37 : vector<2560x80xf32>
    %max3A_39 = arith.constant 0.000000e+00 : f32
    %max3A_40 = vector.broadcast %max3A_39 : f32 to vector<2560x80xf32>
    %max3A_41 = arith.maximumf %add3A_38, %max3A_40 : vector<2560x80xf32>
    %get3A_42 = arith.constant 0 : index
    %get3A_43 = arith.constant 0 : index
    %get3A_44 = vector.load %arg9[%get3A_42, %get3A_43] : memref<80x128xf32, #tpu.memory_space<vmem>>, vector<80x128xf32>
    %dot_general3A_45 = arith.constant dense<0.000000e+00> : vector<2560x128xf32>
    %dot_general3A_46 = tpu.matmul %max3A_41, %get3A_44, %dot_general3A_45 {dimension_numbers = #tpu.dot_dimension_numbers<[1], [0], [0], [1], [0, 0, 1, 1], [], []>, transpose_lhs_hint = false} : vector<2560x80xf32>, vector<80x128xf32>, vector<2560x128xf32> -> vector<2560x128xf32>
    %get3A_47 = arith.constant 0 : index
    %get3A_48 = arith.constant 0 : index
    %get3A_49 = vector.load %arg10[%get3A_47, %get3A_48] : memref<1x128xf32, #tpu.memory_space<vmem>>, vector<1x128xf32>
    %add3A_50 = vector.broadcast %get3A_49 : vector<1x128xf32> to vector<2560x128xf32>
    %add3A_51 = arith.addf %dot_general3A_46, %add3A_50 : vector<2560x128xf32>
    %swap3A = arith.constant 0 : index
    %swap3A_52 = arith.constant 0 : index
    %swap3A_53 = vector.load %arg11[%swap3A, %swap3A_52] : memref<2560x128xf32, #tpu.memory_space<vmem>>, vector<2560x128xf32>
    tpu.vector_store %arg11[%swap3A, %swap3A_52], %add3A_51 {strides = array<i32>} : memref<2560x128xf32, #tpu.memory_space<vmem>>, vector<2560x128xf32>,
    return
  }
  func.func @transform_0(%arg0: i32) -> (i32, i32) {
    %c0_i32 = arith.constant 0 : i32
    %c0_i32_0 = arith.constant 0 : i32
    return %arg0, %c0_i32 : i32, i32
  }
  func.func @transform_1(%arg0: i32) -> (i32, i32) {
    %c0_i32 = arith.constant 0 : i32
    %c0_i32_0 = arith.constant 0 : i32
    return %c0_i32, %arg0 : i32, i32
  }
  func.func @transform_2(%arg0: i32) -> (i32, i32) {
    %c0_i32 = arith.constant 0 : i32
    %c0_i32_0 = arith.constant 0 : i32
    %c0_i32_1 = arith.constant 0 : i32
    return %c0_i32, %c0_i32_0 : i32, i32
  }
  func.func @transform_3(%arg0: i32) -> (i32, i32) {
    %c0_i32 = arith.constant 0 : i32
    %c0_i32_0 = arith.constant 0 : i32
    %c0_i32_1 = arith.constant 0 : i32
    return %c0_i32, %c0_i32_0 : i32, i32
  }
  func.func @transform_4(%arg0: i32) -> (i32, i32) {
    %c0_i32 = arith.constant 0 : i32
    %c0_i32_0 = arith.constant 0 : i32
    %c0_i32_1 = arith.constant 0 : i32
    return %c0_i32, %c0_i32_0 : i32, i32
  }
  func.func @transform_5(%arg0: i32) -> (i32, i32) {
    %c0_i32 = arith.constant 0 : i32
    %c0_i32_0 = arith.constant 0 : i32
    %c0_i32_1 = arith.constant 0 : i32
    return %c0_i32, %c0_i32_0 : i32, i32
  }
  func.func @transform_6(%arg0: i32) -> (i32, i32) {
    %c0_i32 = arith.constant 0 : i32
    %c0_i32_0 = arith.constant 0 : i32
    %c0_i32_1 = arith.constant 0 : i32
    return %c0_i32, %c0_i32_0 : i32, i32
  }
  func.func @transform_7(%arg0: i32) -> (i32, i32) {
    %c0_i32 = arith.constant 0 : i32
    %c0_i32_0 = arith.constant 0 : i32
    %c0_i32_1 = arith.constant 0 : i32
    return %c0_i32, %c0_i32_0 : i32, i32
  }
  func.func @transform_8(%arg0: i32) -> (i32, i32) {
    %c0_i32 = arith.constant 0 : i32
    %c0_i32_0 = arith.constant 0 : i32
    %c0_i32_1 = arith.constant 0 : i32
    return %c0_i32, %c0_i32_0 : i32, i32
  }
  func.func @transform_9(%arg0: i32) -> (i32, i32) {
    %c0_i32 = arith.constant 0 : i32
    %c0_i32_0 = arith.constant 0 : i32
    %c0_i32_1 = arith.constant 0 : i32
    return %c0_i32, %c0_i32_0 : i32, i32
  }
  func.func @transform_10(%arg0: i32) -> (i32, i32) {
    %c0_i32 = arith.constant 0 : i32
    %c0_i32_0 = arith.constant 0 : i32
    return %arg0, %c0_i32 : i32, i32
  }
}

module attributes {stable_mosaic.version = 14 : i64} {
  func.func @_node_fused_body(%arg0: i32, %arg1: memref<2000x128xf32, #tpu.memory_space<vmem>>, %arg2: memref<2x2000x16xf32, #tpu.memory_space<vmem>>, %arg3: memref<128x80xf32, #tpu.memory_space<vmem>>, %arg4: memref<16x80xf32, #tpu.memory_space<vmem>>, %arg5: memref<1x80xf32, #tpu.memory_space<vmem>>, %arg6: memref<80x80xf32, #tpu.memory_space<vmem>>, %arg7: memref<1x80xf32, #tpu.memory_space<vmem>>, %arg8: memref<80x80xf32, #tpu.memory_space<vmem>>, %arg9: memref<1x80xf32, #tpu.memory_space<vmem>>, %arg10: memref<80x128xf32, #tpu.memory_space<vmem>>, %arg11: memref<1x128xf32, #tpu.memory_space<vmem>>, %arg12: memref<128x128xf32, #tpu.memory_space<vmem>>, %arg13: memref<128x128xf32, #tpu.memory_space<vmem>>, %arg14: memref<2000x128xf32, #tpu.memory_space<vmem>>, %arg15: memref<2000x128xf32, #tpu.memory_space<vmem>>) attributes {dimension_semantics = [#tpu.dimension_semantics<arbitrary>], iteration_bounds = array<i64: 5>, scalar_prefetch = 0 : i64, scratch_operands = 0 : i64, tpu.core_type = #tpu.core_type<tc>, window_params = [{transform_indices = @transform_0, window_bounds = array<i64: 2000, 128>}, {transform_indices = @transform_1, window_bounds = array<i64: 2, 2000, 16>}, {pipeline_mode = #tpu.pipeline_mode<synchronous>, transform_indices = @transform_2, window_bounds = array<i64: 128, 80>}, {pipeline_mode = #tpu.pipeline_mode<synchronous>, transform_indices = @transform_3, window_bounds = array<i64: 16, 80>}, {pipeline_mode = #tpu.pipeline_mode<synchronous>, transform_indices = @transform_4, window_bounds = array<i64: 1, 80>}, {pipeline_mode = #tpu.pipeline_mode<synchronous>, transform_indices = @transform_5, window_bounds = array<i64: 80, 80>}, {pipeline_mode = #tpu.pipeline_mode<synchronous>, transform_indices = @transform_6, window_bounds = array<i64: 1, 80>}, {pipeline_mode = #tpu.pipeline_mode<synchronous>, transform_indices = @transform_7, window_bounds = array<i64: 80, 80>}, {pipeline_mode = #tpu.pipeline_mode<synchronous>, transform_indices = @transform_8, window_bounds = array<i64: 1, 80>}, {pipeline_mode = #tpu.pipeline_mode<synchronous>, transform_indices = @transform_9, window_bounds = array<i64: 80, 128>}, {pipeline_mode = #tpu.pipeline_mode<synchronous>, transform_indices = @transform_10, window_bounds = array<i64: 1, 128>}, {pipeline_mode = #tpu.pipeline_mode<synchronous>, transform_indices = @transform_11, window_bounds = array<i64: 128, 128>}, {pipeline_mode = #tpu.pipeline_mode<synchronous>, transform_indices = @transform_12, window_bounds = array<i64: 128, 128>}, {transform_indices = @transform_13, window_bounds = array<i64: 2000, 128>}, {transform_indices = @transform_14, window_bounds = array<i64: 2000, 128>}]} {
    %get3A = arith.constant 0 : index
    %get3A_0 = arith.constant 0 : index
    %get3A_1 = arith.constant 0 : index
    %get3A_2 = vector.load %arg2[%get3A, %get3A_0, %get3A_1] : memref<2x2000x16xf32, #tpu.memory_space<vmem>>, vector<1x2000x16xf32>
    %get3A_3 = vector.shape_cast %get3A_2 : vector<1x2000x16xf32> to vector<2000x16xf32>
    %get3A_4 = arith.constant 1 : index
    %get3A_5 = arith.constant 0 : index
    %get3A_6 = arith.constant 0 : index
    %get3A_7 = vector.load %arg2[%get3A_4, %get3A_5, %get3A_6] : memref<2x2000x16xf32, #tpu.memory_space<vmem>>, vector<1x2000x16xf32>
    %get3A_8 = vector.shape_cast %get3A_7 : vector<1x2000x16xf32> to vector<2000x16xf32>
    %add3A = arith.addf %get3A_3, %get3A_8 : vector<2000x16xf32>
    %get3A_9 = arith.constant 0 : index
    %get3A_10 = arith.constant 0 : index
    %get3A_11 = vector.load %arg1[%get3A_9, %get3A_10] : memref<2000x128xf32, #tpu.memory_space<vmem>>, vector<2000x128xf32>
    %get3A_12 = arith.constant 0 : index
    %get3A_13 = arith.constant 0 : index
    %get3A_14 = vector.load %arg3[%get3A_12, %get3A_13] : memref<128x80xf32, #tpu.memory_space<vmem>>, vector<128x80xf32>
    %dot_general3A = arith.constant dense<0.000000e+00> : vector<2000x80xf32>
    %dot_general3A_15 = tpu.matmul %get3A_11, %get3A_14, %dot_general3A {dimension_numbers = #tpu.dot_dimension_numbers<[1], [0], [0], [1], [0, 0, 1, 1], [], []>, transpose_lhs_hint = false} : vector<2000x128xf32>, vector<128x80xf32>, vector<2000x80xf32> -> vector<2000x80xf32>
    %get3A_16 = arith.constant 0 : index
    %get3A_17 = arith.constant 0 : index
    %get3A_18 = vector.load %arg4[%get3A_16, %get3A_17] : memref<16x80xf32, #tpu.memory_space<vmem>>, vector<16x80xf32>
    %dot_general3A_19 = arith.constant dense<0.000000e+00> : vector<2000x80xf32>
    %dot_general3A_20 = tpu.matmul %add3A, %get3A_18, %dot_general3A_19 {dimension_numbers = #tpu.dot_dimension_numbers<[1], [0], [0], [1], [0, 0, 1, 1], [], []>, transpose_lhs_hint = false} : vector<2000x16xf32>, vector<16x80xf32>, vector<2000x80xf32> -> vector<2000x80xf32>
    %add3A_21 = arith.addf %dot_general3A_15, %dot_general3A_20 : vector<2000x80xf32>
    %get3A_22 = arith.constant 0 : index
    %get3A_23 = arith.constant 0 : index
    %get3A_24 = vector.load %arg5[%get3A_22, %get3A_23] : memref<1x80xf32, #tpu.memory_space<vmem>>, vector<1x80xf32>
    %add3A_25 = vector.broadcast %get3A_24 : vector<1x80xf32> to vector<2000x80xf32>
    %add3A_26 = arith.addf %add3A_21, %add3A_25 : vector<2000x80xf32>
    %max3A = arith.constant 0.000000e+00 : f32
    %max3A_27 = vector.broadcast %max3A : f32 to vector<2000x80xf32>
    %max3A_28 = arith.maximumf %add3A_26, %max3A_27 : vector<2000x80xf32>
    %get3A_29 = arith.constant 0 : index
    %get3A_30 = arith.constant 0 : index
    %get3A_31 = vector.load %arg6[%get3A_29, %get3A_30] : memref<80x80xf32, #tpu.memory_space<vmem>>, vector<80x80xf32>
    %dot_general3A_32 = arith.constant dense<0.000000e+00> : vector<2000x80xf32>
    %dot_general3A_33 = tpu.matmul %max3A_28, %get3A_31, %dot_general3A_32 {dimension_numbers = #tpu.dot_dimension_numbers<[1], [0], [0], [1], [0, 0, 1, 1], [], []>, transpose_lhs_hint = false} : vector<2000x80xf32>, vector<80x80xf32>, vector<2000x80xf32> -> vector<2000x80xf32>
    %get3A_34 = arith.constant 0 : index
    %get3A_35 = arith.constant 0 : index
    %get3A_36 = vector.load %arg7[%get3A_34, %get3A_35] : memref<1x80xf32, #tpu.memory_space<vmem>>, vector<1x80xf32>
    %add3A_37 = vector.broadcast %get3A_36 : vector<1x80xf32> to vector<2000x80xf32>
    %add3A_38 = arith.addf %dot_general3A_33, %add3A_37 : vector<2000x80xf32>
    %max3A_39 = arith.constant 0.000000e+00 : f32
    %max3A_40 = vector.broadcast %max3A_39 : f32 to vector<2000x80xf32>
    %max3A_41 = arith.maximumf %add3A_38, %max3A_40 : vector<2000x80xf32>
    %get3A_42 = arith.constant 0 : index
    %get3A_43 = arith.constant 0 : index
    %get3A_44 = vector.load %arg8[%get3A_42, %get3A_43] : memref<80x80xf32, #tpu.memory_space<vmem>>, vector<80x80xf32>
    %dot_general3A_45 = arith.constant dense<0.000000e+00> : vector<2000x80xf32>
    %dot_general3A_46 = tpu.matmul %max3A_41, %get3A_44, %dot_general3A_45 {dimension_numbers = #tpu.dot_dimension_numbers<[1], [0], [0], [1], [0, 0, 1, 1], [], []>, transpose_lhs_hint = false} : vector<2000x80xf32>, vector<80x80xf32>, vector<2000x80xf32> -> vector<2000x80xf32>
    %get3A_47 = arith.constant 0 : index
    %get3A_48 = arith.constant 0 : index
    %get3A_49 = vector.load %arg9[%get3A_47, %get3A_48] : memref<1x80xf32, #tpu.memory_space<vmem>>, vector<1x80xf32>
    %add3A_50 = vector.broadcast %get3A_49 : vector<1x80xf32> to vector<2000x80xf32>
    %add3A_51 = arith.addf %dot_general3A_46, %add3A_50 : vector<2000x80xf32>
    %max3A_52 = arith.constant 0.000000e+00 : f32
    %max3A_53 = vector.broadcast %max3A_52 : f32 to vector<2000x80xf32>
    %max3A_54 = arith.maximumf %add3A_51, %max3A_53 : vector<2000x80xf32>
    %get3A_55 = arith.constant 0 : index
    %get3A_56 = arith.constant 0 : index
    %get3A_57 = vector.load %arg10[%get3A_55, %get3A_56] : memref<80x128xf32, #tpu.memory_space<vmem>>, vector<80x128xf32>
    %dot_general3A_58 = arith.constant dense<0.000000e+00> : vector<2000x128xf32>
    %dot_general3A_59 = tpu.matmul %max3A_54, %get3A_57, %dot_general3A_58 {dimension_numbers = #tpu.dot_dimension_numbers<[1], [0], [0], [1], [0, 0, 1, 1], [], []>, transpose_lhs_hint = false} : vector<2000x80xf32>, vector<80x128xf32>, vector<2000x128xf32> -> vector<2000x128xf32>
    %get3A_60 = arith.constant 0 : index
    %get3A_61 = arith.constant 0 : index
    %get3A_62 = vector.load %arg11[%get3A_60, %get3A_61] : memref<1x128xf32, #tpu.memory_space<vmem>>, vector<1x128xf32>
    %add3A_63 = vector.broadcast %get3A_62 : vector<1x128xf32> to vector<2000x128xf32>
    %add3A_64 = arith.addf %dot_general3A_59, %add3A_63 : vector<2000x128xf32>
    %get3A_65 = arith.constant 0 : index
    %get3A_66 = arith.constant 0 : index
    %get3A_67 = vector.load %arg12[%get3A_65, %get3A_66] : memref<128x128xf32, #tpu.memory_space<vmem>>, vector<128x128xf32>
    %dot_general3A_68 = arith.constant dense<0.000000e+00> : vector<2000x128xf32>
    %dot_general3A_69 = tpu.matmul %add3A_64, %get3A_67, %dot_general3A_68 {dimension_numbers = #tpu.dot_dimension_numbers<[1], [0], [0], [1], [0, 0, 1, 1], [], []>, transpose_lhs_hint = false} : vector<2000x128xf32>, vector<128x128xf32>, vector<2000x128xf32> -> vector<2000x128xf32>
    %swap3A = arith.constant 0 : index
    %swap3A_70 = arith.constant 0 : index
    %swap3A_71 = vector.load %arg14[%swap3A, %swap3A_70] : memref<2000x128xf32, #tpu.memory_space<vmem>>, vector<2000x128xf32>
    tpu.vector_store %arg14[%swap3A, %swap3A_70], %dot_general3A_69 {strides = array<i32>} : memref<2000x128xf32, #tpu.memory_space<vmem>>, vector<2000x128xf32>,
    %get3A_72 = arith.constant 0 : index
    %get3A_73 = arith.constant 0 : index
    %get3A_74 = vector.load %arg13[%get3A_72, %get3A_73] : memref<128x128xf32, #tpu.memory_space<vmem>>, vector<128x128xf32>
    %dot_general3A_75 = arith.constant dense<0.000000e+00> : vector<2000x128xf32>
    %dot_general3A_76 = tpu.matmul %add3A_64, %get3A_74, %dot_general3A_75 {dimension_numbers = #tpu.dot_dimension_numbers<[1], [0], [0], [1], [0, 0, 1, 1], [], []>, transpose_lhs_hint = false} : vector<2000x128xf32>, vector<128x128xf32>, vector<2000x128xf32> -> vector<2000x128xf32>
    %swap3A_77 = arith.constant 0 : index
    %swap3A_78 = arith.constant 0 : index
    %swap3A_79 = vector.load %arg15[%swap3A_77, %swap3A_78] : memref<2000x128xf32, #tpu.memory_space<vmem>>, vector<2000x128xf32>
    tpu.vector_store %arg15[%swap3A_77, %swap3A_78], %dot_general3A_76 {strides = array<i32>} : memref<2000x128xf32, #tpu.memory_space<vmem>>, vector<2000x128xf32>,
    return
  }
  func.func @transform_0(%arg0: i32) -> (i32, i32) {
    %c0_i32 = arith.constant 0 : i32
    %c0_i32_0 = arith.constant 0 : i32
    return %arg0, %c0_i32 : i32, i32
  }
  func.func @transform_1(%arg0: i32) -> (i32, i32, i32) {
    %c0_i32 = arith.constant 0 : i32
    %c0_i32_0 = arith.constant 0 : i32
    %c0_i32_1 = arith.constant 0 : i32
    return %c0_i32, %arg0, %c0_i32_0 : i32, i32, i32
  }
  func.func @transform_2(%arg0: i32) -> (i32, i32) {
    %c0_i32 = arith.constant 0 : i32
    %c0_i32_0 = arith.constant 0 : i32
    %c0_i32_1 = arith.constant 0 : i32
    return %c0_i32, %c0_i32_0 : i32, i32
  }
  func.func @transform_3(%arg0: i32) -> (i32, i32) {
    %c0_i32 = arith.constant 0 : i32
    %c0_i32_0 = arith.constant 0 : i32
    %c0_i32_1 = arith.constant 0 : i32
    return %c0_i32, %c0_i32_0 : i32, i32
  }
  func.func @transform_4(%arg0: i32) -> (i32, i32) {
    %c0_i32 = arith.constant 0 : i32
    %c0_i32_0 = arith.constant 0 : i32
    %c0_i32_1 = arith.constant 0 : i32
    return %c0_i32, %c0_i32_0 : i32, i32
  }
  func.func @transform_5(%arg0: i32) -> (i32, i32) {
    %c0_i32 = arith.constant 0 : i32
    %c0_i32_0 = arith.constant 0 : i32
    %c0_i32_1 = arith.constant 0 : i32
    return %c0_i32, %c0_i32_0 : i32, i32
  }
  func.func @transform_6(%arg0: i32) -> (i32, i32) {
    %c0_i32 = arith.constant 0 : i32
    %c0_i32_0 = arith.constant 0 : i32
    %c0_i32_1 = arith.constant 0 : i32
    return %c0_i32, %c0_i32_0 : i32, i32
  }
  func.func @transform_7(%arg0: i32) -> (i32, i32) {
    %c0_i32 = arith.constant 0 : i32
    %c0_i32_0 = arith.constant 0 : i32
    %c0_i32_1 = arith.constant 0 : i32
    return %c0_i32, %c0_i32_0 : i32, i32
  }
  func.func @transform_8(%arg0: i32) -> (i32, i32) {
    %c0_i32 = arith.constant 0 : i32
    %c0_i32_0 = arith.constant 0 : i32
    %c0_i32_1 = arith.constant 0 : i32
    return %c0_i32, %c0_i32_0 : i32, i32
  }
  func.func @transform_9(%arg0: i32) -> (i32, i32) {
    %c0_i32 = arith.constant 0 : i32
    %c0_i32_0 = arith.constant 0 : i32
    %c0_i32_1 = arith.constant 0 : i32
    return %c0_i32, %c0_i32_0 : i32, i32
  }
  func.func @transform_10(%arg0: i32) -> (i32, i32) {
    %c0_i32 = arith.constant 0 : i32
    %c0_i32_0 = arith.constant 0 : i32
    %c0_i32_1 = arith.constant 0 : i32
    return %c0_i32, %c0_i32_0 : i32, i32
  }
  func.func @transform_11(%arg0: i32) -> (i32, i32) {
    %c0_i32 = arith.constant 0 : i32
    %c0_i32_0 = arith.constant 0 : i32
    %c0_i32_1 = arith.constant 0 : i32
    return %c0_i32, %c0_i32_0 : i32, i32
  }
  func.func @transform_12(%arg0: i32) -> (i32, i32) {
    %c0_i32 = arith.constant 0 : i32
    %c0_i32_0 = arith.constant 0 : i32
    %c0_i32_1 = arith.constant 0 : i32
    return %c0_i32, %c0_i32_0 : i32, i32
  }
  func.func @transform_13(%arg0: i32) -> (i32, i32) {
    %c0_i32 = arith.constant 0 : i32
    %c0_i32_0 = arith.constant 0 : i32
    return %arg0, %c0_i32 : i32, i32
  }
  func.func @transform_14(%arg0: i32) -> (i32, i32) {
    %c0_i32 = arith.constant 0 : i32
    %c0_i32_0 = arith.constant 0 : i32
    return %arg0, %c0_i32 : i32, i32
  }
}

module attributes {stable_mosaic.version = 14 : i64} {
  func.func @_edge_final_body(%arg0: i32, %arg1: memref<2560x128xf32, #tpu.memory_space<vmem>>, %arg2: memref<2560x128xf32, #tpu.memory_space<vmem>>, %arg3: memref<16x2560xf32, #tpu.memory_space<vmem>>, %arg4: memref<128x128xf32, #tpu.memory_space<vmem>>, %arg5: memref<1x128xf32, #tpu.memory_space<vmem>>, %arg6: memref<128x80xf32, #tpu.memory_space<vmem>>, %arg7: memref<1x80xf32, #tpu.memory_space<vmem>>, %arg8: memref<80x80xf32, #tpu.memory_space<vmem>>, %arg9: memref<1x80xf32, #tpu.memory_space<vmem>>, %arg10: memref<80x16xf32, #tpu.memory_space<vmem>>, %arg11: memref<1x16xf32, #tpu.memory_space<vmem>>, %arg12: memref<16x80xf32, #tpu.memory_space<vmem>>, %arg13: memref<128x80xf32, #tpu.memory_space<vmem>>, %arg14: memref<16x80xf32, #tpu.memory_space<vmem>>, %arg15: memref<1x80xf32, #tpu.memory_space<vmem>>, %arg16: memref<80x80xf32, #tpu.memory_space<vmem>>, %arg17: memref<1x80xf32, #tpu.memory_space<vmem>>, %arg18: memref<80x80xf32, #tpu.memory_space<vmem>>, %arg19: memref<1x80xf32, #tpu.memory_space<vmem>>, %arg20: memref<80x1xf32, #tpu.memory_space<vmem>>, %arg21: memref<1x1xf32, #tpu.memory_space<vmem>>, %arg22: memref<2560x1xf32, #tpu.memory_space<vmem>>) attributes {dimension_semantics = [#tpu.dimension_semantics<arbitrary>], iteration_bounds = array<i64: 48>, scalar_prefetch = 0 : i64, scratch_operands = 0 : i64, tpu.core_type = #tpu.core_type<tc>, window_params = [{transform_indices = @transform_0, window_bounds = array<i64: 2560, 128>}, {transform_indices = @transform_1, window_bounds = array<i64: 2560, 128>}, {transform_indices = @transform_2, window_bounds = array<i64: 16, 2560>}, {pipeline_mode = #tpu.pipeline_mode<synchronous>, transform_indices = @transform_3, window_bounds = array<i64: 128, 128>}, {pipeline_mode = #tpu.pipeline_mode<synchronous>, transform_indices = @transform_4, window_bounds = array<i64: 1, 128>}, {pipeline_mode = #tpu.pipeline_mode<synchronous>, transform_indices = @transform_5, window_bounds = array<i64: 128, 80>}, {pipeline_mode = #tpu.pipeline_mode<synchronous>, transform_indices = @transform_6, window_bounds = array<i64: 1, 80>}, {pipeline_mode = #tpu.pipeline_mode<synchronous>, transform_indices = @transform_7, window_bounds = array<i64: 80, 80>}, {pipeline_mode = #tpu.pipeline_mode<synchronous>, transform_indices = @transform_8, window_bounds = array<i64: 1, 80>}, {pipeline_mode = #tpu.pipeline_mode<synchronous>, transform_indices = @transform_9, window_bounds = array<i64: 80, 16>}, {pipeline_mode = #tpu.pipeline_mode<synchronous>, transform_indices = @transform_10, window_bounds = array<i64: 1, 16>}, {pipeline_mode = #tpu.pipeline_mode<synchronous>, transform_indices = @transform_11, window_bounds = array<i64: 16, 80>}, {pipeline_mode = #tpu.pipeline_mode<synchronous>, transform_indices = @transform_12, window_bounds = array<i64: 128, 80>}, {pipeline_mode = #tpu.pipeline_mode<synchronous>, transform_indices = @transform_13, window_bounds = array<i64: 16, 80>}, {pipeline_mode = #tpu.pipeline_mode<synchronous>, transform_indices = @transform_14, window_bounds = array<i64: 1, 80>}, {pipeline_mode = #tpu.pipeline_mode<synchronous>, transform_indices = @transform_15, window_bounds = array<i64: 80, 80>}, {pipeline_mode = #tpu.pipeline_mode<synchronous>, transform_indices = @transform_16, window_bounds = array<i64: 1, 80>}, {pipeline_mode = #tpu.pipeline_mode<synchronous>, transform_indices = @transform_17, window_bounds = array<i64: 80, 80>}, {pipeline_mode = #tpu.pipeline_mode<synchronous>, transform_indices = @transform_18, window_bounds = array<i64: 1, 80>}, {pipeline_mode = #tpu.pipeline_mode<synchronous>, transform_indices = @transform_19, window_bounds = array<i64: 80, 1>}, {pipeline_mode = #tpu.pipeline_mode<synchronous>, transform_indices = @transform_20, window_bounds = array<i64: 1, 1>}, {transform_indices = @transform_21, window_bounds = array<i64: 2560, 1>}]} {
    %get3A = arith.constant 0 : index
    %get3A_0 = arith.constant 0 : index
    %get3A_1 = vector.load %arg2[%get3A, %get3A_0] : memref<2560x128xf32, #tpu.memory_space<vmem>>, vector<2560x128xf32>
    %get3A_2 = arith.constant 0 : index
    %get3A_3 = arith.constant 0 : index
    %get3A_4 = vector.load %arg1[%get3A_2, %get3A_3] : memref<2560x128xf32, #tpu.memory_space<vmem>>, vector<2560x128xf32>
    %get3A_5 = arith.constant 0 : index
    %get3A_6 = arith.constant 0 : index
    %get3A_7 = vector.load %arg4[%get3A_5, %get3A_6] : memref<128x128xf32, #tpu.memory_space<vmem>>, vector<128x128xf32>
    %dot_general3A = arith.constant dense<0.000000e+00> : vector<2560x128xf32>
    %dot_general3A_8 = tpu.matmul %get3A_1, %get3A_7, %dot_general3A {dimension_numbers = #tpu.dot_dimension_numbers<[1], [0], [0], [1], [0, 0, 1, 1], [], []>, transpose_lhs_hint = false} : vector<2560x128xf32>, vector<128x128xf32>, vector<2560x128xf32> -> vector<2560x128xf32>
    %add3A = arith.addf %get3A_4, %dot_general3A_8 : vector<2560x128xf32>
    %get3A_9 = arith.constant 0 : index
    %get3A_10 = arith.constant 0 : index
    %get3A_11 = vector.load %arg5[%get3A_9, %get3A_10] : memref<1x128xf32, #tpu.memory_space<vmem>>, vector<1x128xf32>
    %add3A_12 = vector.broadcast %get3A_11 : vector<1x128xf32> to vector<2560x128xf32>
    %add3A_13 = arith.addf %add3A, %add3A_12 : vector<2560x128xf32>
    %max3A = arith.constant 0.000000e+00 : f32
    %max3A_14 = vector.broadcast %max3A : f32 to vector<2560x128xf32>
    %max3A_15 = arith.maximumf %add3A_13, %max3A_14 : vector<2560x128xf32>
    %get3A_16 = arith.constant 0 : index
    %get3A_17 = arith.constant 0 : index
    %get3A_18 = vector.load %arg6[%get3A_16, %get3A_17] : memref<128x80xf32, #tpu.memory_space<vmem>>, vector<128x80xf32>
    %dot_general3A_19 = arith.constant dense<0.000000e+00> : vector<2560x80xf32>
    %dot_general3A_20 = tpu.matmul %max3A_15, %get3A_18, %dot_general3A_19 {dimension_numbers = #tpu.dot_dimension_numbers<[1], [0], [0], [1], [0, 0, 1, 1], [], []>, transpose_lhs_hint = false} : vector<2560x128xf32>, vector<128x80xf32>, vector<2560x80xf32> -> vector<2560x80xf32>
    %get3A_21 = arith.constant 0 : index
    %get3A_22 = arith.constant 0 : index
    %get3A_23 = vector.load %arg7[%get3A_21, %get3A_22] : memref<1x80xf32, #tpu.memory_space<vmem>>, vector<1x80xf32>
    %add3A_24 = vector.broadcast %get3A_23 : vector<1x80xf32> to vector<2560x80xf32>
    %add3A_25 = arith.addf %dot_general3A_20, %add3A_24 : vector<2560x80xf32>
    %max3A_26 = arith.constant 0.000000e+00 : f32
    %max3A_27 = vector.broadcast %max3A_26 : f32 to vector<2560x80xf32>
    %max3A_28 = arith.maximumf %add3A_25, %max3A_27 : vector<2560x80xf32>
    %get3A_29 = arith.constant 0 : index
    %get3A_30 = arith.constant 0 : index
    %get3A_31 = vector.load %arg8[%get3A_29, %get3A_30] : memref<80x80xf32, #tpu.memory_space<vmem>>, vector<80x80xf32>
    %dot_general3A_32 = arith.constant dense<0.000000e+00> : vector<2560x80xf32>
    %dot_general3A_33 = tpu.matmul %max3A_28, %get3A_31, %dot_general3A_32 {dimension_numbers = #tpu.dot_dimension_numbers<[1], [0], [0], [1], [0, 0, 1, 1], [], []>, transpose_lhs_hint = false} : vector<2560x80xf32>, vector<80x80xf32>, vector<2560x80xf32> -> vector<2560x80xf32>
    %get3A_34 = arith.constant 0 : index
    %get3A_35 = arith.constant 0 : index
    %get3A_36 = vector.load %arg9[%get3A_34, %get3A_35] : memref<1x80xf32, #tpu.memory_space<vmem>>, vector<1x80xf32>
    %add3A_37 = vector.broadcast %get3A_36 : vector<1x80xf32> to vector<2560x80xf32>
    %add3A_38 = arith.addf %dot_general3A_33, %add3A_37 : vector<2560x80xf32>
    %max3A_39 = arith.constant 0.000000e+00 : f32
    %max3A_40 = vector.broadcast %max3A_39 : f32 to vector<2560x80xf32>
    %max3A_41 = arith.maximumf %add3A_38, %max3A_40 : vector<2560x80xf32>
    %get3A_42 = arith.constant 0 : index
    %get3A_43 = arith.constant 0 : index
    %get3A_44 = vector.load %arg10[%get3A_42, %get3A_43] : memref<80x16xf32, #tpu.memory_space<vmem>>, vector<80x16xf32>
    %dot_general3A_45 = arith.constant dense<0.000000e+00> : vector<2560x16xf32>
    %dot_general3A_46 = tpu.matmul %max3A_41, %get3A_44, %dot_general3A_45 {dimension_numbers = #tpu.dot_dimension_numbers<[1], [0], [0], [1], [0, 0, 1, 1], [], []>, transpose_lhs_hint = false} : vector<2560x80xf32>, vector<80x16xf32>, vector<2560x16xf32> -> vector<2560x16xf32>
    %get3A_47 = arith.constant 0 : index
    %get3A_48 = arith.constant 0 : index
    %get3A_49 = vector.load %arg11[%get3A_47, %get3A_48] : memref<1x16xf32, #tpu.memory_space<vmem>>, vector<1x16xf32>
    %add3A_50 = vector.broadcast %get3A_49 : vector<1x16xf32> to vector<2560x16xf32>
    %add3A_51 = arith.addf %dot_general3A_46, %add3A_50 : vector<2560x16xf32>
    %get3A_52 = arith.constant 0 : index
    %get3A_53 = arith.constant 0 : index
    %get3A_54 = vector.load %arg3[%get3A_52, %get3A_53] : memref<16x2560xf32, #tpu.memory_space<vmem>>, vector<16x2560xf32>
    %get3A_55 = arith.constant 0 : index
    %get3A_56 = arith.constant 0 : index
    %get3A_57 = vector.load %arg12[%get3A_55, %get3A_56] : memref<16x80xf32, #tpu.memory_space<vmem>>, vector<16x80xf32>
    %dot_general3A_58 = arith.constant dense<0.000000e+00> : vector<2560x80xf32>
    %dot_general3A_59 = tpu.matmul %get3A_54, %get3A_57, %dot_general3A_58 {dimension_numbers = #tpu.dot_dimension_numbers<[0], [0], [1], [1], [0, 1, 1, 1], [], []>, transpose_lhs_hint = false} : vector<16x2560xf32>, vector<16x80xf32>, vector<2560x80xf32> -> vector<2560x80xf32>
    %get3A_60 = arith.constant 0 : index
    %get3A_61 = arith.constant 0 : index
    %get3A_62 = vector.load %arg13[%get3A_60, %get3A_61] : memref<128x80xf32, #tpu.memory_space<vmem>>, vector<128x80xf32>
    %dot_general3A_63 = arith.constant dense<0.000000e+00> : vector<2560x80xf32>
    %dot_general3A_64 = tpu.matmul %get3A_1, %get3A_62, %dot_general3A_63 {dimension_numbers = #tpu.dot_dimension_numbers<[1], [0], [0], [1], [0, 0, 1, 1], [], []>, transpose_lhs_hint = false} : vector<2560x128xf32>, vector<128x80xf32>, vector<2560x80xf32> -> vector<2560x80xf32>
    %add3A_65 = arith.addf %dot_general3A_59, %dot_general3A_64 : vector<2560x80xf32>
    %get3A_66 = arith.constant 0 : index
    %get3A_67 = arith.constant 0 : index
    %get3A_68 = vector.load %arg14[%get3A_66, %get3A_67] : memref<16x80xf32, #tpu.memory_space<vmem>>, vector<16x80xf32>
    %dot_general3A_69 = arith.constant dense<0.000000e+00> : vector<2560x80xf32>
    %dot_general3A_70 = tpu.matmul %add3A_51, %get3A_68, %dot_general3A_69 {dimension_numbers = #tpu.dot_dimension_numbers<[1], [0], [0], [1], [0, 0, 1, 1], [], []>, transpose_lhs_hint = false} : vector<2560x16xf32>, vector<16x80xf32>, vector<2560x80xf32> -> vector<2560x80xf32>
    %add3A_71 = arith.addf %add3A_65, %dot_general3A_70 : vector<2560x80xf32>
    %get3A_72 = arith.constant 0 : index
    %get3A_73 = arith.constant 0 : index
    %get3A_74 = vector.load %arg15[%get3A_72, %get3A_73] : memref<1x80xf32, #tpu.memory_space<vmem>>, vector<1x80xf32>
    %add3A_75 = vector.broadcast %get3A_74 : vector<1x80xf32> to vector<2560x80xf32>
    %add3A_76 = arith.addf %add3A_71, %add3A_75 : vector<2560x80xf32>
    %max3A_77 = arith.constant 0.000000e+00 : f32
    %max3A_78 = vector.broadcast %max3A_77 : f32 to vector<2560x80xf32>
    %max3A_79 = arith.maximumf %add3A_76, %max3A_78 : vector<2560x80xf32>
    %get3A_80 = arith.constant 0 : index
    %get3A_81 = arith.constant 0 : index
    %get3A_82 = vector.load %arg16[%get3A_80, %get3A_81] : memref<80x80xf32, #tpu.memory_space<vmem>>, vector<80x80xf32>
    %dot_general3A_83 = arith.constant dense<0.000000e+00> : vector<2560x80xf32>
    %dot_general3A_84 = tpu.matmul %max3A_79, %get3A_82, %dot_general3A_83 {dimension_numbers = #tpu.dot_dimension_numbers<[1], [0], [0], [1], [0, 0, 1, 1], [], []>, transpose_lhs_hint = false} : vector<2560x80xf32>, vector<80x80xf32>, vector<2560x80xf32> -> vector<2560x80xf32>
    %get3A_85 = arith.constant 0 : index
    %get3A_86 = arith.constant 0 : index
    %get3A_87 = vector.load %arg17[%get3A_85, %get3A_86] : memref<1x80xf32, #tpu.memory_space<vmem>>, vector<1x80xf32>
    %add3A_88 = vector.broadcast %get3A_87 : vector<1x80xf32> to vector<2560x80xf32>
    %add3A_89 = arith.addf %dot_general3A_84, %add3A_88 : vector<2560x80xf32>
    %max3A_90 = arith.constant 0.000000e+00 : f32
    %max3A_91 = vector.broadcast %max3A_90 : f32 to vector<2560x80xf32>
    %max3A_92 = arith.maximumf %add3A_89, %max3A_91 : vector<2560x80xf32>
    %get3A_93 = arith.constant 0 : index
    %get3A_94 = arith.constant 0 : index
    %get3A_95 = vector.load %arg18[%get3A_93, %get3A_94] : memref<80x80xf32, #tpu.memory_space<vmem>>, vector<80x80xf32>
    %dot_general3A_96 = arith.constant dense<0.000000e+00> : vector<2560x80xf32>
    %dot_general3A_97 = tpu.matmul %max3A_92, %get3A_95, %dot_general3A_96 {dimension_numbers = #tpu.dot_dimension_numbers<[1], [0], [0], [1], [0, 0, 1, 1], [], []>, transpose_lhs_hint = false} : vector<2560x80xf32>, vector<80x80xf32>, vector<2560x80xf32> -> vector<2560x80xf32>
    %get3A_98 = arith.constant 0 : index
    %get3A_99 = arith.constant 0 : index
    %get3A_100 = vector.load %arg19[%get3A_98, %get3A_99] : memref<1x80xf32, #tpu.memory_space<vmem>>, vector<1x80xf32>
    %add3A_101 = vector.broadcast %get3A_100 : vector<1x80xf32> to vector<2560x80xf32>
    %add3A_102 = arith.addf %dot_general3A_97, %add3A_101 : vector<2560x80xf32>
    %max3A_103 = arith.constant 0.000000e+00 : f32
    %max3A_104 = vector.broadcast %max3A_103 : f32 to vector<2560x80xf32>
    %max3A_105 = arith.maximumf %add3A_102, %max3A_104 : vector<2560x80xf32>
    %get3A_106 = arith.constant 0 : index
    %get3A_107 = arith.constant 0 : index
    %get3A_108 = vector.load %arg20[%get3A_106, %get3A_107] : memref<80x1xf32, #tpu.memory_space<vmem>>, vector<80x1xf32>
    %dot_general3A_109 = arith.constant dense<0.000000e+00> : vector<2560x1xf32>
    %dot_general3A_110 = tpu.matmul %max3A_105, %get3A_108, %dot_general3A_109 {dimension_numbers = #tpu.dot_dimension_numbers<[1], [0], [0], [1], [0, 0, 1, 1], [], []>, transpose_lhs_hint = false} : vector<2560x80xf32>, vector<80x1xf32>, vector<2560x1xf32> -> vector<2560x1xf32>
    %get3A_111 = arith.constant 0 : index
    %get3A_112 = arith.constant 0 : index
    %get3A_113 = vector.load %arg21[%get3A_111, %get3A_112] : memref<1x1xf32, #tpu.memory_space<vmem>>, vector<1x1xf32>
    %add3A_114 = vector.broadcast %get3A_113 : vector<1x1xf32> to vector<2560x1xf32>
    %add3A_115 = arith.addf %dot_general3A_110, %add3A_114 : vector<2560x1xf32>
    %logistic3A = arith.negf %add3A_115 : vector<2560x1xf32>
    %logistic3A_116 = math.exp %logistic3A : vector<2560x1xf32>
    %logistic3A_117 = arith.constant 1.000000e+00 : f32
    %logistic3A_118 = vector.broadcast %logistic3A_117 : f32 to vector<2560x1xf32>
    %logistic3A_119 = arith.addf %logistic3A_118, %logistic3A_116 : vector<2560x1xf32>
    %logistic3A_120 = arith.divf %logistic3A_118, %logistic3A_119 : vector<2560x1xf32>
    %swap3A = arith.constant 0 : index
    %swap3A_121 = arith.constant 0 : index
    %swap3A_122 = vector.load %arg22[%swap3A, %swap3A_121] : memref<2560x1xf32, #tpu.memory_space<vmem>>, vector<2560x1xf32>
    tpu.vector_store %arg22[%swap3A, %swap3A_121], %logistic3A_120 {strides = array<i32>} : memref<2560x1xf32, #tpu.memory_space<vmem>>, vector<2560x1xf32>,
    return
  }
  func.func @transform_0(%arg0: i32) -> (i32, i32) {
    %c0_i32 = arith.constant 0 : i32
    %c0_i32_0 = arith.constant 0 : i32
    return %arg0, %c0_i32 : i32, i32
  }
  func.func @transform_1(%arg0: i32) -> (i32, i32) {
    %c0_i32 = arith.constant 0 : i32
    %c0_i32_0 = arith.constant 0 : i32
    return %arg0, %c0_i32 : i32, i32
  }
  func.func @transform_2(%arg0: i32) -> (i32, i32) {
    %c0_i32 = arith.constant 0 : i32
    %c0_i32_0 = arith.constant 0 : i32
    return %c0_i32, %arg0 : i32, i32
  }
  func.func @transform_3(%arg0: i32) -> (i32, i32) {
    %c0_i32 = arith.constant 0 : i32
    %c0_i32_0 = arith.constant 0 : i32
    %c0_i32_1 = arith.constant 0 : i32
    return %c0_i32, %c0_i32_0 : i32, i32
  }
  func.func @transform_4(%arg0: i32) -> (i32, i32) {
    %c0_i32 = arith.constant 0 : i32
    %c0_i32_0 = arith.constant 0 : i32
    %c0_i32_1 = arith.constant 0 : i32
    return %c0_i32, %c0_i32_0 : i32, i32
  }
  func.func @transform_5(%arg0: i32) -> (i32, i32) {
    %c0_i32 = arith.constant 0 : i32
    %c0_i32_0 = arith.constant 0 : i32
    %c0_i32_1 = arith.constant 0 : i32
    return %c0_i32, %c0_i32_0 : i32, i32
  }
  func.func @transform_6(%arg0: i32) -> (i32, i32) {
    %c0_i32 = arith.constant 0 : i32
    %c0_i32_0 = arith.constant 0 : i32
    %c0_i32_1 = arith.constant 0 : i32
    return %c0_i32, %c0_i32_0 : i32, i32
  }
  func.func @transform_7(%arg0: i32) -> (i32, i32) {
    %c0_i32 = arith.constant 0 : i32
    %c0_i32_0 = arith.constant 0 : i32
    %c0_i32_1 = arith.constant 0 : i32
    return %c0_i32, %c0_i32_0 : i32, i32
  }
  func.func @transform_8(%arg0: i32) -> (i32, i32) {
    %c0_i32 = arith.constant 0 : i32
    %c0_i32_0 = arith.constant 0 : i32
    %c0_i32_1 = arith.constant 0 : i32
    return %c0_i32, %c0_i32_0 : i32, i32
  }
  func.func @transform_9(%arg0: i32) -> (i32, i32) {
    %c0_i32 = arith.constant 0 : i32
    %c0_i32_0 = arith.constant 0 : i32
    %c0_i32_1 = arith.constant 0 : i32
    return %c0_i32, %c0_i32_0 : i32, i32
  }
  func.func @transform_10(%arg0: i32) -> (i32, i32) {
    %c0_i32 = arith.constant 0 : i32
    %c0_i32_0 = arith.constant 0 : i32
    %c0_i32_1 = arith.constant 0 : i32
    return %c0_i32, %c0_i32_0 : i32, i32
  }
  func.func @transform_11(%arg0: i32) -> (i32, i32) {
    %c0_i32 = arith.constant 0 : i32
    %c0_i32_0 = arith.constant 0 : i32
    %c0_i32_1 = arith.constant 0 : i32
    return %c0_i32, %c0_i32_0 : i32, i32
  }
  func.func @transform_12(%arg0: i32) -> (i32, i32) {
    %c0_i32 = arith.constant 0 : i32
    %c0_i32_0 = arith.constant 0 : i32
    %c0_i32_1 = arith.constant 0 : i32
    return %c0_i32, %c0_i32_0 : i32, i32
  }
  func.func @transform_13(%arg0: i32) -> (i32, i32) {
    %c0_i32 = arith.constant 0 : i32
    %c0_i32_0 = arith.constant 0 : i32
    %c0_i32_1 = arith.constant 0 : i32
    return %c0_i32, %c0_i32_0 : i32, i32
  }
  func.func @transform_14(%arg0: i32) -> (i32, i32) {
    %c0_i32 = arith.constant 0 : i32
    %c0_i32_0 = arith.constant 0 : i32
    %c0_i32_1 = arith.constant 0 : i32
    return %c0_i32, %c0_i32_0 : i32, i32
  }
  func.func @transform_15(%arg0: i32) -> (i32, i32) {
    %c0_i32 = arith.constant 0 : i32
    %c0_i32_0 = arith.constant 0 : i32
    %c0_i32_1 = arith.constant 0 : i32
    return %c0_i32, %c0_i32_0 : i32, i32
  }
  func.func @transform_16(%arg0: i32) -> (i32, i32) {
    %c0_i32 = arith.constant 0 : i32
    %c0_i32_0 = arith.constant 0 : i32
    %c0_i32_1 = arith.constant 0 : i32
    return %c0_i32, %c0_i32_0 : i32, i32
  }
  func.func @transform_17(%arg0: i32) -> (i32, i32) {
    %c0_i32 = arith.constant 0 : i32
    %c0_i32_0 = arith.constant 0 : i32
    %c0_i32_1 = arith.constant 0 : i32
    return %c0_i32, %c0_i32_0 : i32, i32
  }
  func.func @transform_18(%arg0: i32) -> (i32, i32) {
    %c0_i32 = arith.constant 0 : i32
    %c0_i32_0 = arith.constant 0 : i32
    %c0_i32_1 = arith.constant 0 : i32
    return %c0_i32, %c0_i32_0 : i32, i32
  }
  func.func @transform_19(%arg0: i32) -> (i32, i32) {
    %c0_i32 = arith.constant 0 : i32
    %c0_i32_0 = arith.constant 0 : i32
    %c0_i32_1 = arith.constant 0 : i32
    return %c0_i32, %c0_i32_0 : i32, i32
  }
  func.func @transform_20(%arg0: i32) -> (i32, i32) {
    %c0_i32 = arith.constant 0 : i32
    %c0_i32_0 = arith.constant 0 : i32
    %c0_i32_1 = arith.constant 0 : i32
    return %c0_i32, %c0_i32_0 : i32, i32
  }
  func.func @transform_21(%arg0: i32) -> (i32, i32) {
    %c0_i32 = arith.constant 0 : i32
    %c0_i32_0 = arith.constant 0 : i32
    return %arg0, %c0_i32 : i32, i32
  }
}

module attributes {stable_mosaic.version = 14 : i64} {
  func.func @_edge_final_body(%arg0: i32, %arg1: memref<2560x128xf32, #tpu.memory_space<vmem>>, %arg2: memref<2560x128xf32, #tpu.memory_space<vmem>>, %arg3: memref<16x2560xf32, #tpu.memory_space<vmem>>, %arg4: memref<128x128xf32, #tpu.memory_space<vmem>>, %arg5: memref<1x128xf32, #tpu.memory_space<vmem>>, %arg6: memref<128x80xf32, #tpu.memory_space<vmem>>, %arg7: memref<1x80xf32, #tpu.memory_space<vmem>>, %arg8: memref<80x80xf32, #tpu.memory_space<vmem>>, %arg9: memref<1x80xf32, #tpu.memory_space<vmem>>, %arg10: memref<80x16xf32, #tpu.memory_space<vmem>>, %arg11: memref<1x16xf32, #tpu.memory_space<vmem>>, %arg12: memref<16x80xf32, #tpu.memory_space<vmem>>, %arg13: memref<128x80xf32, #tpu.memory_space<vmem>>, %arg14: memref<16x80xf32, #tpu.memory_space<vmem>>, %arg15: memref<1x80xf32, #tpu.memory_space<vmem>>, %arg16: memref<80x80xf32, #tpu.memory_space<vmem>>, %arg17: memref<1x80xf32, #tpu.memory_space<vmem>>, %arg18: memref<80x80xf32, #tpu.memory_space<vmem>>, %arg19: memref<1x80xf32, #tpu.memory_space<vmem>>, %arg20: memref<80x1xf32, #tpu.memory_space<vmem>>, %arg21: memref<1x1xf32, #tpu.memory_space<vmem>>, %arg22: memref<2560x1xf32, #tpu.memory_space<vmem>>) attributes {dimension_semantics = [#tpu.dimension_semantics<arbitrary>], iteration_bounds = array<i64: 77>, scalar_prefetch = 0 : i64, scratch_operands = 0 : i64, tpu.core_type = #tpu.core_type<tc>, window_params = [{transform_indices = @transform_0, window_bounds = array<i64: 2560, 128>}, {transform_indices = @transform_1, window_bounds = array<i64: 2560, 128>}, {transform_indices = @transform_2, window_bounds = array<i64: 16, 2560>}, {pipeline_mode = #tpu.pipeline_mode<synchronous>, transform_indices = @transform_3, window_bounds = array<i64: 128, 128>}, {pipeline_mode = #tpu.pipeline_mode<synchronous>, transform_indices = @transform_4, window_bounds = array<i64: 1, 128>}, {pipeline_mode = #tpu.pipeline_mode<synchronous>, transform_indices = @transform_5, window_bounds = array<i64: 128, 80>}, {pipeline_mode = #tpu.pipeline_mode<synchronous>, transform_indices = @transform_6, window_bounds = array<i64: 1, 80>}, {pipeline_mode = #tpu.pipeline_mode<synchronous>, transform_indices = @transform_7, window_bounds = array<i64: 80, 80>}, {pipeline_mode = #tpu.pipeline_mode<synchronous>, transform_indices = @transform_8, window_bounds = array<i64: 1, 80>}, {pipeline_mode = #tpu.pipeline_mode<synchronous>, transform_indices = @transform_9, window_bounds = array<i64: 80, 16>}, {pipeline_mode = #tpu.pipeline_mode<synchronous>, transform_indices = @transform_10, window_bounds = array<i64: 1, 16>}, {pipeline_mode = #tpu.pipeline_mode<synchronous>, transform_indices = @transform_11, window_bounds = array<i64: 16, 80>}, {pipeline_mode = #tpu.pipeline_mode<synchronous>, transform_indices = @transform_12, window_bounds = array<i64: 128, 80>}, {pipeline_mode = #tpu.pipeline_mode<synchronous>, transform_indices = @transform_13, window_bounds = array<i64: 16, 80>}, {pipeline_mode = #tpu.pipeline_mode<synchronous>, transform_indices = @transform_14, window_bounds = array<i64: 1, 80>}, {pipeline_mode = #tpu.pipeline_mode<synchronous>, transform_indices = @transform_15, window_bounds = array<i64: 80, 80>}, {pipeline_mode = #tpu.pipeline_mode<synchronous>, transform_indices = @transform_16, window_bounds = array<i64: 1, 80>}, {pipeline_mode = #tpu.pipeline_mode<synchronous>, transform_indices = @transform_17, window_bounds = array<i64: 80, 80>}, {pipeline_mode = #tpu.pipeline_mode<synchronous>, transform_indices = @transform_18, window_bounds = array<i64: 1, 80>}, {pipeline_mode = #tpu.pipeline_mode<synchronous>, transform_indices = @transform_19, window_bounds = array<i64: 80, 1>}, {pipeline_mode = #tpu.pipeline_mode<synchronous>, transform_indices = @transform_20, window_bounds = array<i64: 1, 1>}, {transform_indices = @transform_21, window_bounds = array<i64: 2560, 1>}]} {
    %get3A = arith.constant 0 : index
    %get3A_0 = arith.constant 0 : index
    %get3A_1 = vector.load %arg2[%get3A, %get3A_0] : memref<2560x128xf32, #tpu.memory_space<vmem>>, vector<2560x128xf32>
    %get3A_2 = arith.constant 0 : index
    %get3A_3 = arith.constant 0 : index
    %get3A_4 = vector.load %arg1[%get3A_2, %get3A_3] : memref<2560x128xf32, #tpu.memory_space<vmem>>, vector<2560x128xf32>
    %get3A_5 = arith.constant 0 : index
    %get3A_6 = arith.constant 0 : index
    %get3A_7 = vector.load %arg4[%get3A_5, %get3A_6] : memref<128x128xf32, #tpu.memory_space<vmem>>, vector<128x128xf32>
    %dot_general3A = arith.constant dense<0.000000e+00> : vector<2560x128xf32>
    %dot_general3A_8 = tpu.matmul %get3A_1, %get3A_7, %dot_general3A {dimension_numbers = #tpu.dot_dimension_numbers<[1], [0], [0], [1], [0, 0, 1, 1], [], []>, transpose_lhs_hint = false} : vector<2560x128xf32>, vector<128x128xf32>, vector<2560x128xf32> -> vector<2560x128xf32>
    %add3A = arith.addf %get3A_4, %dot_general3A_8 : vector<2560x128xf32>
    %get3A_9 = arith.constant 0 : index
    %get3A_10 = arith.constant 0 : index
    %get3A_11 = vector.load %arg5[%get3A_9, %get3A_10] : memref<1x128xf32, #tpu.memory_space<vmem>>, vector<1x128xf32>
    %add3A_12 = vector.broadcast %get3A_11 : vector<1x128xf32> to vector<2560x128xf32>
    %add3A_13 = arith.addf %add3A, %add3A_12 : vector<2560x128xf32>
    %max3A = arith.constant 0.000000e+00 : f32
    %max3A_14 = vector.broadcast %max3A : f32 to vector<2560x128xf32>
    %max3A_15 = arith.maximumf %add3A_13, %max3A_14 : vector<2560x128xf32>
    %get3A_16 = arith.constant 0 : index
    %get3A_17 = arith.constant 0 : index
    %get3A_18 = vector.load %arg6[%get3A_16, %get3A_17] : memref<128x80xf32, #tpu.memory_space<vmem>>, vector<128x80xf32>
    %dot_general3A_19 = arith.constant dense<0.000000e+00> : vector<2560x80xf32>
    %dot_general3A_20 = tpu.matmul %max3A_15, %get3A_18, %dot_general3A_19 {dimension_numbers = #tpu.dot_dimension_numbers<[1], [0], [0], [1], [0, 0, 1, 1], [], []>, transpose_lhs_hint = false} : vector<2560x128xf32>, vector<128x80xf32>, vector<2560x80xf32> -> vector<2560x80xf32>
    %get3A_21 = arith.constant 0 : index
    %get3A_22 = arith.constant 0 : index
    %get3A_23 = vector.load %arg7[%get3A_21, %get3A_22] : memref<1x80xf32, #tpu.memory_space<vmem>>, vector<1x80xf32>
    %add3A_24 = vector.broadcast %get3A_23 : vector<1x80xf32> to vector<2560x80xf32>
    %add3A_25 = arith.addf %dot_general3A_20, %add3A_24 : vector<2560x80xf32>
    %max3A_26 = arith.constant 0.000000e+00 : f32
    %max3A_27 = vector.broadcast %max3A_26 : f32 to vector<2560x80xf32>
    %max3A_28 = arith.maximumf %add3A_25, %max3A_27 : vector<2560x80xf32>
    %get3A_29 = arith.constant 0 : index
    %get3A_30 = arith.constant 0 : index
    %get3A_31 = vector.load %arg8[%get3A_29, %get3A_30] : memref<80x80xf32, #tpu.memory_space<vmem>>, vector<80x80xf32>
    %dot_general3A_32 = arith.constant dense<0.000000e+00> : vector<2560x80xf32>
    %dot_general3A_33 = tpu.matmul %max3A_28, %get3A_31, %dot_general3A_32 {dimension_numbers = #tpu.dot_dimension_numbers<[1], [0], [0], [1], [0, 0, 1, 1], [], []>, transpose_lhs_hint = false} : vector<2560x80xf32>, vector<80x80xf32>, vector<2560x80xf32> -> vector<2560x80xf32>
    %get3A_34 = arith.constant 0 : index
    %get3A_35 = arith.constant 0 : index
    %get3A_36 = vector.load %arg9[%get3A_34, %get3A_35] : memref<1x80xf32, #tpu.memory_space<vmem>>, vector<1x80xf32>
    %add3A_37 = vector.broadcast %get3A_36 : vector<1x80xf32> to vector<2560x80xf32>
    %add3A_38 = arith.addf %dot_general3A_33, %add3A_37 : vector<2560x80xf32>
    %max3A_39 = arith.constant 0.000000e+00 : f32
    %max3A_40 = vector.broadcast %max3A_39 : f32 to vector<2560x80xf32>
    %max3A_41 = arith.maximumf %add3A_38, %max3A_40 : vector<2560x80xf32>
    %get3A_42 = arith.constant 0 : index
    %get3A_43 = arith.constant 0 : index
    %get3A_44 = vector.load %arg10[%get3A_42, %get3A_43] : memref<80x16xf32, #tpu.memory_space<vmem>>, vector<80x16xf32>
    %dot_general3A_45 = arith.constant dense<0.000000e+00> : vector<2560x16xf32>
    %dot_general3A_46 = tpu.matmul %max3A_41, %get3A_44, %dot_general3A_45 {dimension_numbers = #tpu.dot_dimension_numbers<[1], [0], [0], [1], [0, 0, 1, 1], [], []>, transpose_lhs_hint = false} : vector<2560x80xf32>, vector<80x16xf32>, vector<2560x16xf32> -> vector<2560x16xf32>
    %get3A_47 = arith.constant 0 : index
    %get3A_48 = arith.constant 0 : index
    %get3A_49 = vector.load %arg11[%get3A_47, %get3A_48] : memref<1x16xf32, #tpu.memory_space<vmem>>, vector<1x16xf32>
    %add3A_50 = vector.broadcast %get3A_49 : vector<1x16xf32> to vector<2560x16xf32>
    %add3A_51 = arith.addf %dot_general3A_46, %add3A_50 : vector<2560x16xf32>
    %get3A_52 = arith.constant 0 : index
    %get3A_53 = arith.constant 0 : index
    %get3A_54 = vector.load %arg3[%get3A_52, %get3A_53] : memref<16x2560xf32, #tpu.memory_space<vmem>>, vector<16x2560xf32>
    %get3A_55 = arith.constant 0 : index
    %get3A_56 = arith.constant 0 : index
    %get3A_57 = vector.load %arg12[%get3A_55, %get3A_56] : memref<16x80xf32, #tpu.memory_space<vmem>>, vector<16x80xf32>
    %dot_general3A_58 = arith.constant dense<0.000000e+00> : vector<2560x80xf32>
    %dot_general3A_59 = tpu.matmul %get3A_54, %get3A_57, %dot_general3A_58 {dimension_numbers = #tpu.dot_dimension_numbers<[0], [0], [1], [1], [0, 1, 1, 1], [], []>, transpose_lhs_hint = false} : vector<16x2560xf32>, vector<16x80xf32>, vector<2560x80xf32> -> vector<2560x80xf32>
    %get3A_60 = arith.constant 0 : index
    %get3A_61 = arith.constant 0 : index
    %get3A_62 = vector.load %arg13[%get3A_60, %get3A_61] : memref<128x80xf32, #tpu.memory_space<vmem>>, vector<128x80xf32>
    %dot_general3A_63 = arith.constant dense<0.000000e+00> : vector<2560x80xf32>
    %dot_general3A_64 = tpu.matmul %get3A_1, %get3A_62, %dot_general3A_63 {dimension_numbers = #tpu.dot_dimension_numbers<[1], [0], [0], [1], [0, 0, 1, 1], [], []>, transpose_lhs_hint = false} : vector<2560x128xf32>, vector<128x80xf32>, vector<2560x80xf32> -> vector<2560x80xf32>
    %add3A_65 = arith.addf %dot_general3A_59, %dot_general3A_64 : vector<2560x80xf32>
    %get3A_66 = arith.constant 0 : index
    %get3A_67 = arith.constant 0 : index
    %get3A_68 = vector.load %arg14[%get3A_66, %get3A_67] : memref<16x80xf32, #tpu.memory_space<vmem>>, vector<16x80xf32>
    %dot_general3A_69 = arith.constant dense<0.000000e+00> : vector<2560x80xf32>
    %dot_general3A_70 = tpu.matmul %add3A_51, %get3A_68, %dot_general3A_69 {dimension_numbers = #tpu.dot_dimension_numbers<[1], [0], [0], [1], [0, 0, 1, 1], [], []>, transpose_lhs_hint = false} : vector<2560x16xf32>, vector<16x80xf32>, vector<2560x80xf32> -> vector<2560x80xf32>
    %add3A_71 = arith.addf %add3A_65, %dot_general3A_70 : vector<2560x80xf32>
    %get3A_72 = arith.constant 0 : index
    %get3A_73 = arith.constant 0 : index
    %get3A_74 = vector.load %arg15[%get3A_72, %get3A_73] : memref<1x80xf32, #tpu.memory_space<vmem>>, vector<1x80xf32>
    %add3A_75 = vector.broadcast %get3A_74 : vector<1x80xf32> to vector<2560x80xf32>
    %add3A_76 = arith.addf %add3A_71, %add3A_75 : vector<2560x80xf32>
    %max3A_77 = arith.constant 0.000000e+00 : f32
    %max3A_78 = vector.broadcast %max3A_77 : f32 to vector<2560x80xf32>
    %max3A_79 = arith.maximumf %add3A_76, %max3A_78 : vector<2560x80xf32>
    %get3A_80 = arith.constant 0 : index
    %get3A_81 = arith.constant 0 : index
    %get3A_82 = vector.load %arg16[%get3A_80, %get3A_81] : memref<80x80xf32, #tpu.memory_space<vmem>>, vector<80x80xf32>
    %dot_general3A_83 = arith.constant dense<0.000000e+00> : vector<2560x80xf32>
    %dot_general3A_84 = tpu.matmul %max3A_79, %get3A_82, %dot_general3A_83 {dimension_numbers = #tpu.dot_dimension_numbers<[1], [0], [0], [1], [0, 0, 1, 1], [], []>, transpose_lhs_hint = false} : vector<2560x80xf32>, vector<80x80xf32>, vector<2560x80xf32> -> vector<2560x80xf32>
    %get3A_85 = arith.constant 0 : index
    %get3A_86 = arith.constant 0 : index
    %get3A_87 = vector.load %arg17[%get3A_85, %get3A_86] : memref<1x80xf32, #tpu.memory_space<vmem>>, vector<1x80xf32>
    %add3A_88 = vector.broadcast %get3A_87 : vector<1x80xf32> to vector<2560x80xf32>
    %add3A_89 = arith.addf %dot_general3A_84, %add3A_88 : vector<2560x80xf32>
    %max3A_90 = arith.constant 0.000000e+00 : f32
    %max3A_91 = vector.broadcast %max3A_90 : f32 to vector<2560x80xf32>
    %max3A_92 = arith.maximumf %add3A_89, %max3A_91 : vector<2560x80xf32>
    %get3A_93 = arith.constant 0 : index
    %get3A_94 = arith.constant 0 : index
    %get3A_95 = vector.load %arg18[%get3A_93, %get3A_94] : memref<80x80xf32, #tpu.memory_space<vmem>>, vector<80x80xf32>
    %dot_general3A_96 = arith.constant dense<0.000000e+00> : vector<2560x80xf32>
    %dot_general3A_97 = tpu.matmul %max3A_92, %get3A_95, %dot_general3A_96 {dimension_numbers = #tpu.dot_dimension_numbers<[1], [0], [0], [1], [0, 0, 1, 1], [], []>, transpose_lhs_hint = false} : vector<2560x80xf32>, vector<80x80xf32>, vector<2560x80xf32> -> vector<2560x80xf32>
    %get3A_98 = arith.constant 0 : index
    %get3A_99 = arith.constant 0 : index
    %get3A_100 = vector.load %arg19[%get3A_98, %get3A_99] : memref<1x80xf32, #tpu.memory_space<vmem>>, vector<1x80xf32>
    %add3A_101 = vector.broadcast %get3A_100 : vector<1x80xf32> to vector<2560x80xf32>
    %add3A_102 = arith.addf %dot_general3A_97, %add3A_101 : vector<2560x80xf32>
    %max3A_103 = arith.constant 0.000000e+00 : f32
    %max3A_104 = vector.broadcast %max3A_103 : f32 to vector<2560x80xf32>
    %max3A_105 = arith.maximumf %add3A_102, %max3A_104 : vector<2560x80xf32>
    %get3A_106 = arith.constant 0 : index
    %get3A_107 = arith.constant 0 : index
    %get3A_108 = vector.load %arg20[%get3A_106, %get3A_107] : memref<80x1xf32, #tpu.memory_space<vmem>>, vector<80x1xf32>
    %dot_general3A_109 = arith.constant dense<0.000000e+00> : vector<2560x1xf32>
    %dot_general3A_110 = tpu.matmul %max3A_105, %get3A_108, %dot_general3A_109 {dimension_numbers = #tpu.dot_dimension_numbers<[1], [0], [0], [1], [0, 0, 1, 1], [], []>, transpose_lhs_hint = false} : vector<2560x80xf32>, vector<80x1xf32>, vector<2560x1xf32> -> vector<2560x1xf32>
    %get3A_111 = arith.constant 0 : index
    %get3A_112 = arith.constant 0 : index
    %get3A_113 = vector.load %arg21[%get3A_111, %get3A_112] : memref<1x1xf32, #tpu.memory_space<vmem>>, vector<1x1xf32>
    %add3A_114 = vector.broadcast %get3A_113 : vector<1x1xf32> to vector<2560x1xf32>
    %add3A_115 = arith.addf %dot_general3A_110, %add3A_114 : vector<2560x1xf32>
    %logistic3A = arith.negf %add3A_115 : vector<2560x1xf32>
    %logistic3A_116 = math.exp %logistic3A : vector<2560x1xf32>
    %logistic3A_117 = arith.constant 1.000000e+00 : f32
    %logistic3A_118 = vector.broadcast %logistic3A_117 : f32 to vector<2560x1xf32>
    %logistic3A_119 = arith.addf %logistic3A_118, %logistic3A_116 : vector<2560x1xf32>
    %logistic3A_120 = arith.divf %logistic3A_118, %logistic3A_119 : vector<2560x1xf32>
    %swap3A = arith.constant 0 : index
    %swap3A_121 = arith.constant 0 : index
    %swap3A_122 = vector.load %arg22[%swap3A, %swap3A_121] : memref<2560x1xf32, #tpu.memory_space<vmem>>, vector<2560x1xf32>
    tpu.vector_store %arg22[%swap3A, %swap3A_121], %logistic3A_120 {strides = array<i32>} : memref<2560x1xf32, #tpu.memory_space<vmem>>, vector<2560x1xf32>,
    return
  }
  func.func @transform_0(%arg0: i32) -> (i32, i32) {
    %c0_i32 = arith.constant 0 : i32
    %c0_i32_0 = arith.constant 0 : i32
    return %arg0, %c0_i32 : i32, i32
  }
  func.func @transform_1(%arg0: i32) -> (i32, i32) {
    %c0_i32 = arith.constant 0 : i32
    %c0_i32_0 = arith.constant 0 : i32
    return %arg0, %c0_i32 : i32, i32
  }
  func.func @transform_2(%arg0: i32) -> (i32, i32) {
    %c0_i32 = arith.constant 0 : i32
    %c0_i32_0 = arith.constant 0 : i32
    return %c0_i32, %arg0 : i32, i32
  }
  func.func @transform_3(%arg0: i32) -> (i32, i32) {
    %c0_i32 = arith.constant 0 : i32
    %c0_i32_0 = arith.constant 0 : i32
    %c0_i32_1 = arith.constant 0 : i32
    return %c0_i32, %c0_i32_0 : i32, i32
  }
  func.func @transform_4(%arg0: i32) -> (i32, i32) {
    %c0_i32 = arith.constant 0 : i32
    %c0_i32_0 = arith.constant 0 : i32
    %c0_i32_1 = arith.constant 0 : i32
    return %c0_i32, %c0_i32_0 : i32, i32
  }
  func.func @transform_5(%arg0: i32) -> (i32, i32) {
    %c0_i32 = arith.constant 0 : i32
    %c0_i32_0 = arith.constant 0 : i32
    %c0_i32_1 = arith.constant 0 : i32
    return %c0_i32, %c0_i32_0 : i32, i32
  }
  func.func @transform_6(%arg0: i32) -> (i32, i32) {
    %c0_i32 = arith.constant 0 : i32
    %c0_i32_0 = arith.constant 0 : i32
    %c0_i32_1 = arith.constant 0 : i32
    return %c0_i32, %c0_i32_0 : i32, i32
  }
  func.func @transform_7(%arg0: i32) -> (i32, i32) {
    %c0_i32 = arith.constant 0 : i32
    %c0_i32_0 = arith.constant 0 : i32
    %c0_i32_1 = arith.constant 0 : i32
    return %c0_i32, %c0_i32_0 : i32, i32
  }
  func.func @transform_8(%arg0: i32) -> (i32, i32) {
    %c0_i32 = arith.constant 0 : i32
    %c0_i32_0 = arith.constant 0 : i32
    %c0_i32_1 = arith.constant 0 : i32
    return %c0_i32, %c0_i32_0 : i32, i32
  }
  func.func @transform_9(%arg0: i32) -> (i32, i32) {
    %c0_i32 = arith.constant 0 : i32
    %c0_i32_0 = arith.constant 0 : i32
    %c0_i32_1 = arith.constant 0 : i32
    return %c0_i32, %c0_i32_0 : i32, i32
  }
  func.func @transform_10(%arg0: i32) -> (i32, i32) {
    %c0_i32 = arith.constant 0 : i32
    %c0_i32_0 = arith.constant 0 : i32
    %c0_i32_1 = arith.constant 0 : i32
    return %c0_i32, %c0_i32_0 : i32, i32
  }
  func.func @transform_11(%arg0: i32) -> (i32, i32) {
    %c0_i32 = arith.constant 0 : i32
    %c0_i32_0 = arith.constant 0 : i32
    %c0_i32_1 = arith.constant 0 : i32
    return %c0_i32, %c0_i32_0 : i32, i32
  }
  func.func @transform_12(%arg0: i32) -> (i32, i32) {
    %c0_i32 = arith.constant 0 : i32
    %c0_i32_0 = arith.constant 0 : i32
    %c0_i32_1 = arith.constant 0 : i32
    return %c0_i32, %c0_i32_0 : i32, i32
  }
  func.func @transform_13(%arg0: i32) -> (i32, i32) {
    %c0_i32 = arith.constant 0 : i32
    %c0_i32_0 = arith.constant 0 : i32
    %c0_i32_1 = arith.constant 0 : i32
    return %c0_i32, %c0_i32_0 : i32, i32
  }
  func.func @transform_14(%arg0: i32) -> (i32, i32) {
    %c0_i32 = arith.constant 0 : i32
    %c0_i32_0 = arith.constant 0 : i32
    %c0_i32_1 = arith.constant 0 : i32
    return %c0_i32, %c0_i32_0 : i32, i32
  }
  func.func @transform_15(%arg0: i32) -> (i32, i32) {
    %c0_i32 = arith.constant 0 : i32
    %c0_i32_0 = arith.constant 0 : i32
    %c0_i32_1 = arith.constant 0 : i32
    return %c0_i32, %c0_i32_0 : i32, i32
  }
  func.func @transform_16(%arg0: i32) -> (i32, i32) {
    %c0_i32 = arith.constant 0 : i32
    %c0_i32_0 = arith.constant 0 : i32
    %c0_i32_1 = arith.constant 0 : i32
    return %c0_i32, %c0_i32_0 : i32, i32
  }
  func.func @transform_17(%arg0: i32) -> (i32, i32) {
    %c0_i32 = arith.constant 0 : i32
    %c0_i32_0 = arith.constant 0 : i32
    %c0_i32_1 = arith.constant 0 : i32
    return %c0_i32, %c0_i32_0 : i32, i32
  }
  func.func @transform_18(%arg0: i32) -> (i32, i32) {
    %c0_i32 = arith.constant 0 : i32
    %c0_i32_0 = arith.constant 0 : i32
    %c0_i32_1 = arith.constant 0 : i32
    return %c0_i32, %c0_i32_0 : i32, i32
  }
  func.func @transform_19(%arg0: i32) -> (i32, i32) {
    %c0_i32 = arith.constant 0 : i32
    %c0_i32_0 = arith.constant 0 : i32
    %c0_i32_1 = arith.constant 0 : i32
    return %c0_i32, %c0_i32_0 : i32, i32
  }
  func.func @transform_20(%arg0: i32) -> (i32, i32) {
    %c0_i32 = arith.constant 0 : i32
    %c0_i32_0 = arith.constant 0 : i32
    %c0_i32_1 = arith.constant 0 : i32
    return %c0_i32, %c0_i32_0 : i32, i32
  }
  func.func @transform_21(%arg0: i32) -> (i32, i32) {
    %c0_i32 = arith.constant 0 : i32
    %c0_i32_0 = arith.constant 0 : i32
    return %arg0, %c0_i32 : i32, i32
  }
}

</mosaic_0001>

<sc_bundles>
// kernel: kernel.13.cloned.1.call-start
scs
__scs_entry_jumppad:
0x0: {  	(pc) =	sbr.rel $0x88, $3  }
0x1: {  	(tag) =	ssettag $0x0;
	lr =	simm.s32 $0x1  }
0x2: {  	[smem:$0x3F7E] =	sst lr;
	_ =	strace $0xD0000000  }
0x3: {  	_ = 	snop  }
0x4: {  	_ = 	snop  }
0x5: {  	_ = 	snop  }
0x6: {  	_ = 	snop  }
0x7: {  	_ = 	snop  }
__scs_overlays_trampoline_lowered:
0x8: {  	[smem:$0x3F8D] =	sst s0  }
0x9: {  	[smem:$0x3F8E] =	sst s1  }
0xa: {  	[smem:$0x3F8F] =	sst s2  }
0xb: {  	[smem:$0x3F90] =	sst s3  }
0xc: {  	[smem:$0x3F91] =	sst s4  }
0xd: {  	[smem:$0x3F92] =	sst s5  }
0xe: {  	[smem:$0x3F93] =	sst s6  }
0xf: {  	[smem:$0x3F94] =	sst s7  }
0x10: {  	[smem:$0x3F95] =	sst s8  }
0x11: {  	[smem:$0x3F96] =	sst s9;
	s0 =	simm.s32 @!p0 $0x0  }
0x12: {  	s1 =	sld [smem:$0x3F7C];
	s0 =	simm.s32 @p0 $0x1  }
0x13: {  	[smem:$0x3F97] =	sst s0;
	s0 =	simm.s32 @!p1 $0x0  }
0x14: {  	s2 =	sld [smem:$0x3F7B];
	s0 =	simm.s32 @p1 $0x1  }
0x15: {  	[smem:$0x3F98] =	sst s0;
	s0 =	simm.s32 @!p2 $0x0  }
0x16: {  	s3 =	sld [smem:$0x3FDB];
	s0 =	simm.s32 @p2 $0x1  }
0x17: {  	s4 =	simm.s32 $0x1BF5;
	[smem:$0x3F9A] =	sst s0  }
0x18: {  	s0 =	sld [smem:$0x3F7D];
	_ =	swait.ge [sflag:s4], $0x0  }
0x19: {  	s7 =	sld [smem:$0x3F7E]  }
0x1a: {  	s8 =	sadd.s32 $0xFFFFE003, lr  }
0x1b: {  	s9 =	sadd.s32 $0xFFFFFEF7, lr;
	s5 =	simm.s32 $0xFFFFFFFF;
	p2 =	slt.u32 s8, $0xFFFFF086  }
0x1c: {  	p1 =	slt.u32 s9, $0xF7A;
	s5 =	simm.s32 @!p2 $0x0  }
0x1d: {  	s5 =	simm.s32 @p1 $0x1;
	p0 =	seq.s32 s7, s2  }
0x1e: {  	s7 =	smul.u32 @!p0 $0xF7A, s2;
	p2 =	seq.s32 @!p0 s5, $0x0  }
0x1f: {  	s9 =	smul.u32 $0xF7A, s1;
	s8 =	simm.s32 @!p0 $0x1BF5;
	p2 =	por !p2, p0  }
0x20: {  	[sflag:s8] =	ssyncset.s32 @!p0 $0xFFFFF086;
	s6 =	sadd.s32 @!p0 s3, s7;
	s7 =	simm.s32 @!p0 $0x108  }
0x21: {  	s3 =	sadd.s32 s3, s9;
	s6 =	sadd.s32 @!p0 $0x88, s6;
	s7 =	simm.s32 @p2 $0x1082  }
0x22: {  	[simem:s7], [sflag:s8] =	dma.local @!p0 [hbm:s6], $0xF7A  }
0x23: {  	s9 =	sor.u32 $0xD0000000, s2;
	s6 =	simm.s32 $0x108;
	_ =	swait.ge @!p0 [sflag:s8], $0x0  }
0x24: {  	s3 =	sadd.s32 $0x88, s3;
	s6 =	simm.s32 @!p1 $0x1082;
	[sflag:s4] =	ssyncset.s32 $0xFFFFF086  }
0x25: {  	[simem:s6], [sflag:s4] =	dma.local [hbm:s3], $0xF7A  }
0x26: {  	[smem:$0x3F7E] =	sst s1;
	(tag) =	ssettag s2;
	_ =	strace s9  }
0x27: {  	s1 =	sld [smem:$0x3F8E]  }
0x28: {  	s2 =	sld [smem:$0x3F8F]  }
0x29: {  	s4 =	sld [smem:$0x3F91]  }
0x2a: {  	p0 =	seq.s32 s5, $0x0;
	s5 =	sld [smem:$0x3F92]  }
0x2b: {  	s6 =	sld [smem:$0x3F93]  }
0x2c: {  	s7 =	sld [smem:$0x3F94]  }
0x2d: {  	s3 =	simm.s32 $0x108;
	s8 =	sld [smem:$0x3F95]  }
0x2e: {  	s3 =	simm.s32 @!p0 $0x1082;
	s9 =	sld [smem:$0x3F96]  }
0x2f: {  	lr =	sadd.s32 s0, s3;
	s0 =	sld [smem:$0x3F8D]  }
0x30: {  	s3 =	sld [smem:$0x3F90]  }
0x31: {  	[smem:$0x3F99] =	sst s10  }
0x32: {  	s10 =	sld [smem:$0x3F97];
	_ =	sdelay $0x3  }
0x33: {  	p0 =	seq.s32 s10, $0x1;
	s10 =	sld [smem:$0x3F99];
	_ =	sdelay $0x3  }
0x34: {  	[smem:$0x3F99] =	sst s10  }
0x35: {  	s10 =	sld [smem:$0x3F98];
	_ =	sdelay $0x3  }
0x36: {  	p1 =	seq.s32 s10, $0x1;
	s10 =	sld [smem:$0x3F99];
	_ =	sdelay $0x3  }
0x37: {  	[smem:$0x3F99] =	sst s10  }
0x38: {  	s10 =	sld [smem:$0x3F9A]  }
0x39: {  	_ = 	snop;
	(pc) =	sbr.ind lr, $3  }
0x3a: {  	_ = 	snop  }
0x3b: {  	_ = 	snop  }
0x3c: {  	p2 =	seq.s32 s10, $0x1;
	s10 =	sld [smem:$0x3F99]  }
0x3d: {  	_ =	shalt  }
0x3e: {  	_ =	shalt  }
0x3f: {  	_ =	shalt  }
0x40: {  	_ =	shalt  }
0x41: {  	_ =	shalt  }
0x42: {  	_ =	shalt  }
0x43: {  	_ =	shalt  }
0x44: {  	_ =	shalt  }
0x45: {  	_ =	shalt  }
0x46: {  	_ =	shalt  }
0x47: {  	_ =	shalt  }
0x48: {  	_ =	shalt  }
0x49: {  	_ =	shalt  }
0x4a: {  	_ =	shalt  }
0x4b: {  	_ =	shalt  }
0x4c: {  	_ =	shalt  }
0x4d: {  	_ =	shalt  }
0x4e: {  	_ =	shalt  }
0x4f: {  	_ =	shalt  }
0x50: {  	_ =	shalt  }
0x51: {  	_ =	shalt  }
0x52: {  	_ =	shalt  }
0x53: {  	_ =	shalt  }
0x54: {  	_ =	shalt  }
0x55: {  	_ =	shalt  }
0x56: {  	_ =	shalt  }
0x57: {  	_ =	shalt  }
0x58: {  	_ =	shalt  }
0x59: {  	_ =	shalt  }
0x5a: {  	_ =	shalt  }
0x5b: {  	_ =	shalt  }
0x5c: {  	_ =	shalt  }
0x5d: {  	_ =	shalt  }
0x5e: {  	_ =	shalt  }
0x5f: {  	_ =	shalt  }
0x60: {  	_ =	shalt  }
0x61: {  	_ =	shalt  }
0x62: {  	_ =	shalt  }
0x63: {  	_ =	shalt  }
0x64: {  	_ =	shalt  }
0x65: {  	_ =	shalt  }
0x66: {  	_ =	shalt  }
0x67: {  	_ =	shalt  }
0x68: {  	_ =	shalt  }
0x69: {  	_ =	shalt  }
0x6a: {  	_ =	shalt  }
0x6b: {  	_ =	shalt  }
0x6c: {  	_ =	shalt  }
0x6d: {  	_ =	shalt  }
0x6e: {  	_ =	shalt  }
0x6f: {  	_ =	shalt  }
0x70: {  	_ =	shalt  }
0x71: {  	_ =	shalt  }
0x72: {  	_ =	shalt  }
0x73: {  	_ =	shalt  }
0x74: {  	_ =	shalt  }
0x75: {  	_ =	shalt  }
0x76: {  	_ =	shalt  }
0x77: {  	_ =	shalt  }
0x78: {  	_ =	shalt  }
0x79: {  	_ =	shalt  }
0x7a: {  	_ =	shalt  }
0x7b: {  	_ =	shalt  }
0x7c: {  	_ =	shalt  }
0x7d: {  	_ =	shalt  }
0x7e: {  	_ =	shalt  }
0x7f: {  	_ =	shalt  }
0x80: {  	_ =	shalt  }
0x81: {  	_ =	shalt  }
0x82: {  	_ =	shalt  }
0x83: {  	_ =	shalt  }
0x84: {  	_ =	shalt  }
0x85: {  	_ =	shalt  }
0x86: {  	_ =	shalt  }
0x87: {  	_ =	shalt  }
.Lfunc_end0:
.L_simem_size_0:
called_computation_lowered:
.L_overlay_start_0:
0x88: {  	s2 =	sld [smem:$0x3FD9]  }
0x89: {  	s3 =	sld [smem:$0x3FFE];
	_ =	sdelay $0x1  }
0x8a: {  	s1 =	srdreg.scid  }
0x8b: {  	s0 =	sand.u32 $0x1, s1  }
0x8c: {  	s17 =	sshll.u32 s0, $0xA;
	s2 =	sadd.s32 s3, s2  }
0x8d: {  	s2 =	sadd.s32 s2, s17  }
0x8e: {  	[smem:$0x3FA5] =	sst s2  }
0x8f: {  	_ = 	snop  }
0x90: {  	(tm) =	ssettm $0x1  }
0x91: {  	s18 =	sld [smem:$0x3FFB];
	_ =	sdelay $0x3  }
0x92: {  	_ =	strace s18  }
0x93: {  	s2 =	sld [smem:$0x3FFC];
	_ =	sdelay $0x3  }
0x94: {  	_ =	strace s2  }
0x95: {  	s2 =	sld [smem:$0x3FFD];
	_ =	sdelay $0x3  }
0x96: {  	_ =	strace s2  }
0x97: {  	_ =	strace $0x8FFFFFFF  }
0x98: {  	s19 =	sld [smem:$0x3FDB];
	_ =	sdelay $0x1  }
0x99: {  	s20 =	simm.s32 $_scs_section_size  }
0x9a: {  	s4 =	simm.s32 $_size__tile_overlayer_lowered;
	s5 =	simm.s32 $_tile_overlayer_lowered  }
0x9b: {  	s6 =	simm.s32 $0x1BFF;
	s21 =	sshll.u32 s5, $0x1;
	s3 =	sadd.s32 s20, s19  }
0x9c: {  	s22 =	simm.s32 $0x0;
	s4 =	sshll.u32 s4, $0x1;
	s5 =	sadd.s32 s21, s3  }
0x9d: {  	[timem:s22], [sflag:s6] =	dma.local [hbm:s5], s4  }
0x9e: {  	_ =	swait.ge [sflag:s6], s4  }
0x9f: {  	s4 =	ssub.s32 $0x0, s4;
	[sflag:s6] =	ssyncset.done $0x0  }
0xa0: {  	[sflag:s6] =	ssyncadd.s32 s4;
	_ =	sdelay $0x1  }
0xa1: {  	s23 =	simm.s32 $0x1B8B  }
0xa2: {  	_ =	swait.ge [sflag:s23], $0x1  }
0xa3: {  	[sflag:s23] =	ssyncset.done $0x0  }
0xa4: {  	[sflag:s23] =	ssyncadd.s32 $0xFFFFFFFF  }
0xa5: {  	s4 =	sld [smem:$0x0]  }
0xa6: {  	s5 =	sand.u32 $0xFFFFFFFE, s1  }
0xa7: {  	p0 =	sne.s32 s1, s5  }
0xa8: {  	s5 =	sshll.u32 @p0 s5, $0xE  }
0xa9: {  	s5 =	sadd.s32 @p0 $0x11B8D, s5;
	s6 =	sshll.u32 @p0 s4, $0x11  }
0xaa: {  	s5 =	sor.u32 @p0 s6, s5  }
0xab: {  	[sflag:s5] =	ssyncadd.remote.s32 @p0 $0x1;
	_ =	sdelay $0x1  }
0xac: {  	s5 =	simm.s32 @p0 $0x1B8D  }
0xad: {  	_ =	swait.eq @p0 [sflag:s5], $0x1  }
0xae: {  	[sflag:s5] =	ssyncadd.s32 @p0 $0xFFFFFFFF  }
0xaf: {  	s6 =	sshll.u32 @!p0 s1, $0xE  }
0xb0: {  	s6 =	sor.u32 @!p0 $0x4000, s6;
	s5 =	simm.s32 @!p0 $0x1B8D  }
0xb1: {  	s4 =	sshll.u32 @!p0 s4, $0x11;
	s6 =	sadd.s32 @!p0 $0x11B8D, s6;
	_ =	swait.eq @!p0 [sflag:s5], $0x1  }
0xb2: {  	s4 =	sor.u32 @!p0 s4, s6;
	[sflag:s5] =	ssyncadd.s32 @!p0 $0xFFFFFFFF  }
0xb3: {  	s25 =	simm.s32 $0x1B8E;
	s24 =	sld [smem:$0x3FFE];
	[sflag:s4] =	ssyncadd.remote.s32 @!p0 $0x1  }
0xb4: {  	s26 =	simm.s32 $execute0_lowered;
	[smem:$0x3FD2] =	sst s25  }
0xb5: {  	s5 =	sshll.u32 s26, $0x1;
	_ =	strace $0x80000049;
	[dreg:$0x1] =	wrdreg $0xFFFFFFFF  }
0xb6: {  	s28 =	simm.s32 $_size_execute0_lowered;
	s3 =	sadd.s32 s3, s5;
	[dreg:$0x0] =	wrdreg $0x0  }
0xb7: {  	s5 =	sshll.u32 s28, $0x1;
	[dreg:$0x2] =	wrdreg s3  }
0xb8: {  	[dreg:$0x3] =	wrdreg s5  }
0xb9: {  	[dreg:$0x4] =	wrdreg $0xC0  }
0xba: {  	_ =	task [dreg:s22], $0x5FFFF  }
0xbb: {  	[dreg:$0x1] =	wrdreg $0xFFFFFFFF  }
0xbc: {  	[dreg:$0x0] =	wrdreg $0x60  }
0xbd: {  	[dreg:$0x2] =	wrdreg s24  }
0xbe: {  	[dreg:$0x3] =	wrdreg $0x9  }
0xbf: {  	_ =	task.clear_ibuf [dreg:s22], $0x4FFFF;
	_ =	strace $0x90000049  }
0xc0: {  	s29 =	simm.s32 $0x9;
	_ =	strace $0x8000004B  }
0xc1: {  	_ =	swait.ge [sflag:s29], $0x1  }
0xc2: {  	[sflag:s29] =	ssyncadd.s32 $0xFFFFFFFF  }
0xc3: {  	_ =	strace $0x9000004B  }
0xc4: {  	_ =	sfence  }
0xc5: {  	s30 =	sld [smem:$0x0];
	_ =	sdelay $0x2  }
0xc6: {  	s31 =	sshll.u32 s1, $0xD;
	s1 =	sshrl.u32 s1, $0x2  }
0xc7: {  	s4 =	sand.u32 $0x4000, s31;
	s1 =	sadd.s32 s1, s30  }
0xc8: {  	s0 =	sor.u32 s4, s0;
	s1 =	sshll.u32 s1, $0x11  }
0xc9: {  	s0 =	sor.u32 s1, s0  }
0xca: {  	s0 =	sadd.s32 $0x8F2B, s0  }
0xcb: {  	[sflag:s0] =	ssyncadd.remote.s32 $0x1  }
0xcc: {  	_ =	sfence.sel $0xFFFF  }
0xcd: {  	[dreg:$0x0] =	wrdreg $0xFFFFFFFF;
	(pc) =	sbr.abs _section_cstart, $3  }
0xce: {  	[dreg:$0x1] =	wrdreg $0xFFFFFFFF  }
0xcf: {  	_ =	task.clear_ibuf [dreg:s22], $0x2FFFF;
	_ =	strace $0x9FFFFFFF  }
0xd0: {  	(tm) =	ssettm $0x7FFFFFFF  }
0xd1: {  	_ =	shalt  }
tec
execute0_lowered:
.L_overlay_start_1:
0x0: {  	(tag) =	ssettag $0x1  }
0x1: {  	s5 =	rddreg [dreg:$0x0]  }
0x2: {  	s0 =	rddreg [dreg:$0x1]  }
0x3: {  	s3 =	srdreg.scid;
	s1 =	stileid.u32;
	s2 =	simm.s32 $0x0  }
0x4: {  	s12 =	simm.s32 $0x3;
	s13 =	simm.s32 $0x1810;
	s14 =	simm.s32 $0x50  }
0x5: {  	s15 =	simm.s32 $0x3020;
	s16 =	simm.s32 $0x5820;
	s17 =	simm.s32 $0x8020  }
0x6: {  	s18 =	simm.s32 $0x1860;
	s19 =	simm.s32 $0xA820;
	s20 =	simm.s32 $0x1  }
0x7: {  	s21 =	simm.s32 $0x2;
	s6 =	sand.u32 $0x1, s3;
	s30 =	sshll.u32 s1, $0x1  }
0x8: {  	s22 =	simm.s32 $0x0;
	[smem:$0x7FF] =	sst s2;
	s7 =	sor.u32 s6, s30  }
0x9: {  	s3 =	sadd.s32 $0x1BE00, s5;
	s10 =	ssub.s32 $0x2, s6;
	s8 =	smul.u32 $0x302, s7  }
0xa: {  	s4 =	sadd.s32 $0x43000, s5;
	s9 =	smul.u32 $0xC0800, s7;
	s11 =	sshrl.u32 s10, $0x1  }
0xb: {  	_ =	strace $0x8000004A;
	s6 =	smul.u32 $0x1810, s7;
	s11 =	ssub.s32 s10, s11  }
0xc: {  	s8 =	sadd.s32 s8, s5;
	s5 =	sadd.s32 $0x24A200, s5;
	s9 =	sshrl.u32 s9, $0x3  }
0xd: {  	s11 =	smax.u32 s11, $0x1;
	s7 =	sadd.s32 $0x12000, s8;
	s31 =	sadd.s32 s5, s9  }
0xe: {  	s8 =	sadd.s32 $0x8200, s8;
	s9 =	sadd.s32 $0x50, s6;
	s10 =	sadd.s32 $0x17C00, s31  }
.LBB2_1:
0xf: {  	[tilespmem:s2], [sflag:$0x3] =	stream.linear.gather [hbm4b:s7+s2], $0x1810, $0x38;
	[tilespmem:$0xD020] =	vst v63  }
0x10: {  	_ =	swait.ge [sflag:s12], $0x1810  }
0x11: {  	[sflag:s12] =	ssyncset.done $0x0  }
0x12: {  	[sflag:s12] =	ssyncadd.s32 $0xFFFFE7F0  }
0x13: {  	[tilespmem:s13], [sflag:$0x3] =	stream.linear.gather [hbm4b:s8+s2], $0x1810, $0x38;
	[tilespmem:$0xD020] =	vst v63  }
0x14: {  	_ =	swait.ge [sflag:s12], $0x1810  }
0x15: {  	[sflag:s12] =	ssyncset.done $0x0  }
0x16: {  	[sflag:s12] =	ssyncadd.s32 $0xFFFFE7F0  }
0x17: {  	[tilespmem:s15], [sflag:$0x1] =	stream.indirect.gather [hbm4b:s3+s14], $0x80, s2, s14, $0xb8;
	[tilespmem:$0xD020] =	vst v63  }
0x18: {  	_ = 	snop  }
0x19: {  	[tilespmem:s16], [sflag:$0x1] =	stream.indirect.gather [hbm4b:s4+s14], $0x80, s13, s14, $0xb8;
	[tilespmem:$0xD020] =	vst v63  }
0x1a: {  	_ = 	snop  }
0x1b: {  	[tilespmem:s17], [sflag:$0x2] =	stream.indirect.gather [hbm4b:s3+s14], $0x80, s14, s14, $0xb8;
	[tilespmem:$0xD020] =	vst v63  }
0x1c: {  	s23 =	simm.s32 $0x0  }
0x1d: {  	[tilespmem:s19], [sflag:$0x2] =	stream.indirect.gather [hbm4b:s4+s14], $0x80, s18, s14, $0xb8;
	[tilespmem:$0xD020] =	vst v63  }
.LBB2_2:
0x1e: {  	_ =	swait.ge [sflag:s20], $0x2800  }
0x1f: {  	[sflag:s20] =	ssyncset.done $0x0  }
0x20: {  	[sflag:s20] =	ssyncadd.s32 $0xFFFFD800  }
0x21: {  	_ =	swait.ge [sflag:s20], $0x2800  }
0x22: {  	[sflag:s20] =	ssyncset.done $0x0  }
0x23: {  	s25 =	simm.s32 $0x0;
	[sflag:s20] =	ssyncadd.s32 $0xFFFFD800  }
0x24: {  	v6 =	vld [tilespmem:s25+$0x5820]  }
0x25: {  	v11 =	vld [tilespmem:s25+$0x5830]  }
0x26: {  	v5 =	vld [tilespmem:s25+$0x5840]  }
0x27: {  	v4 =	vld [tilespmem:s25+$0x5850]  }
0x28: {  	v3 =	vld [tilespmem:s25+$0x5860]  }
0x29: {  	v2 =	vld [tilespmem:s25+$0x5870]  }
0x2a: {  	v1 =	vld [tilespmem:s25+$0x5880]  }
0x2b: {  	v0 =	vld [tilespmem:s25+$0x5890]  }
0x2c: {  	v12 =	vld [tilespmem:s25+$0x3020]  }
0x2d: {  	v13 =	vld [tilespmem:s25+$0x3030]  }
0x2e: {  	v10 =	vld [tilespmem:s25+$0x3040]  }
0x2f: {  	v9 =	vld [tilespmem:s25+$0x3050]  }
0x30: {  	v8 =	vld [tilespmem:s25+$0x3060]  }
0x31: {  	v7 =	vld [tilespmem:s25+$0x3070];
	v12 =	vadd.f32 v6, v12  }
0x32: {  	s24 =	simm.s32 $0x200;
	v11 =	vadd.f32 v11, v13;
	v6 =	vld [tilespmem:s25+$0x3080]  }
.LBB2_3:
0x33: {  	s26 =	sshra.s32 s24, $0x2;
	p0 =	sne.s32 s24, $0x9E00;
	[tilespmem:s25+$0x3020] =	vst v12;
	v5 =	vadd.f32 v5, v10;
	v10 =	vld [tilespmem:s25+$0x3090]  }
0x34: {  	v12 =	vld [tilespmem:s26+$0x5820];
	[tilespmem:s25+$0x3030] =	vst v11;
	v4 =	vadd.f32 v4, v9  }
0x35: {  	v11 =	vld [tilespmem:s26+$0x5830];
	[tilespmem:s25+$0x3040] =	vst v5;
	v3 =	vadd.f32 v3, v8  }
0x36: {  	v5 =	vld [tilespmem:s26+$0x5840];
	[tilespmem:s25+$0x3050] =	vst v4;
	v2 =	vadd.f32 v2, v7  }
0x37: {  	v4 =	vld [tilespmem:s26+$0x5850];
	[tilespmem:s25+$0x3060] =	vst v3;
	v1 =	vadd.f32 v1, v6  }
0x38: {  	v3 =	vld [tilespmem:s26+$0x5860];
	[tilespmem:s25+$0x3070] =	vst v2;
	v0 =	vadd.f32 v0, v10  }
0x39: {  	v2 =	vld [tilespmem:s26+$0x5870];
	[tilespmem:s25+$0x3080] =	vst v1  }
0x3a: {  	v1 =	vld [tilespmem:s26+$0x5880];
	[tilespmem:s25+$0x3090] =	vst v0;
	s25 =	smov.u32 s26  }
0x3b: {  	v0 =	vld [tilespmem:s25+$0x5890]  }
0x3c: {  	v6 =	vld [tilespmem:s25+$0x3020]  }
0x3d: {  	v13 =	vld [tilespmem:s25+$0x3030]  }
.Ltmp0:
0x3e: {  	v10 =	vld [tilespmem:s25+$0x3040];
	(pc) =	sbr.rel @p0 .LBB2_3-.Ltmp0, $4  }
0x3f: {  	v9 =	vld [tilespmem:s25+$0x3050]  }
0x40: {  	v8 =	vld [tilespmem:s25+$0x3060]  }
0x41: {  	v12 =	vadd.f32 v12, v6;
	v7 =	vld [tilespmem:s25+$0x3070]  }
0x42: {  	s24 =	sadd.s32 $0x200, s24;
	v11 =	vadd.f32 v11, v13;
	v6 =	vld [tilespmem:s25+$0x3080]  }
0x43: {  	[tilespmem:s25+$0x3020] =	vst v12;
	v5 =	vadd.f32 v5, v10;
	v10 =	vld [tilespmem:s25+$0x3090]  }
0x44: {  	[tilespmem:s25+$0x3030] =	vst v11;
	v4 =	vadd.f32 v4, v9  }
0x45: {  	[tilespmem:s25+$0x3040] =	vst v5;
	v3 =	vadd.f32 v3, v8  }
0x46: {  	s24 =	smul.u32 $0xA0, s23;
	[tilespmem:s25+$0x3050] =	vst v4;
	v2 =	vadd.f32 v2, v7  }
0x47: {  	[tilespmem:s25+$0x3060] =	vst v3;
	v1 =	vadd.f32 v1, v6  }
0x48: {  	s26 =	sadd.s32 s6, s24;
	[tilespmem:s25+$0x3070] =	vst v2;
	v0 =	vadd.f32 v0, v10  }
0x49: {  	s26 =	sshll.u32 s26, $0x4;
	[tilespmem:s25+$0x3080] =	vst v1  }
0x4a: {  	s29 =	simm.s32 $0x0;
	s28 =	sadd.s32 s5, s26;
	[tilespmem:s25+$0x3090] =	vst v0  }
0x4b: {  	[hbm4b:s28+s29] =	stream.linear.scatter [tilespmem:s15], [sflag:$0x3], $0x2800, $0x38;
	[tilespmem:$0xD020] =	vst v63  }
0x4c: {  	_ =	swait.ge [sflag:s12], $0x2800  }
0x4d: {  	[sflag:s12] =	ssyncset.done $0x0  }
0x4e: {  	s30 =	sadd.s32 $0xA0, s24;
	[sflag:s12] =	ssyncadd.s32 $0xFFFFD800  }
0x4f: {  	[tilespmem:s15], [sflag:$0x1] =	stream.indirect.gather [hbm4b:s3+s14], $0x80, s30, s14, $0xb8;
	[tilespmem:$0xD020] =	vst v63  }
0x50: {  	s31 =	sadd.s32 $0x18B0, s24  }
0x51: {  	[tilespmem:s16], [sflag:$0x1] =	stream.indirect.gather [hbm4b:s4+s14], $0x80, s31, s14, $0xb8;
	[tilespmem:$0xD020] =	vst v63  }
0x52: {  	_ =	swait.ge [sflag:s21], $0x2800  }
0x53: {  	[sflag:s21] =	ssyncset.done $0x0  }
0x54: {  	[sflag:s21] =	ssyncadd.s32 $0xFFFFD800  }
0x55: {  	_ =	swait.ge [sflag:s21], $0x2800  }
0x56: {  	[sflag:s21] =	ssyncset.done $0x0  }
0x57: {  	s25 =	simm.s32 $0x0;
	[sflag:s21] =	ssyncadd.s32 $0xFFFFD800  }
0x58: {  	v7 =	vld [tilespmem:s25+$0xA820]  }
0x59: {  	v11 =	vld [tilespmem:s25+$0xA830]  }
0x5a: {  	v5 =	vld [tilespmem:s25+$0xA840]  }
0x5b: {  	v4 =	vld [tilespmem:s25+$0xA850]  }
0x5c: {  	v3 =	vld [tilespmem:s25+$0xA860]  }
0x5d: {  	v2 =	vld [tilespmem:s25+$0xA870]  }
0x5e: {  	v1 =	vld [tilespmem:s25+$0xA880]  }
0x5f: {  	v0 =	vld [tilespmem:s25+$0xA890]  }
0x60: {  	v12 =	vld [tilespmem:s25+$0x8020]  }
0x61: {  	v13 =	vld [tilespmem:s25+$0x8030]  }
0x62: {  	v10 =	vld [tilespmem:s25+$0x8040]  }
0x63: {  	v9 =	vld [tilespmem:s25+$0x8050]  }
0x64: {  	v8 =	vld [tilespmem:s25+$0x8060]  }
0x65: {  	v6 =	vld [tilespmem:s25+$0x8070];
	v12 =	vadd.f32 v7, v12  }
0x66: {  	s26 =	simm.s32 $0x200;
	v11 =	vadd.f32 v11, v13;
	v7 =	vld [tilespmem:s25+$0x8080]  }
.LBB2_5:
0x67: {  	s28 =	sshra.s32 s26, $0x2;
	p0 =	sne.s32 s26, $0x9E00;
	[tilespmem:s25+$0x8020] =	vst v12;
	v5 =	vadd.f32 v5, v10;
	v10 =	vld [tilespmem:s25+$0x8090]  }
0x68: {  	v12 =	vld [tilespmem:s28+$0xA820];
	[tilespmem:s25+$0x8030] =	vst v11;
	v4 =	vadd.f32 v4, v9  }
0x69: {  	v11 =	vld [tilespmem:s28+$0xA830];
	[tilespmem:s25+$0x8040] =	vst v5;
	v3 =	vadd.f32 v3, v8  }
0x6a: {  	v5 =	vld [tilespmem:s28+$0xA840];
	[tilespmem:s25+$0x8050] =	vst v4;
	v2 =	vadd.f32 v2, v6  }
0x6b: {  	v4 =	vld [tilespmem:s28+$0xA850];
	[tilespmem:s25+$0x8060] =	vst v3;
	v1 =	vadd.f32 v1, v7  }
0x6c: {  	v3 =	vld [tilespmem:s28+$0xA860];
	[tilespmem:s25+$0x8070] =	vst v2;
	v0 =	vadd.f32 v0, v10  }
0x6d: {  	v2 =	vld [tilespmem:s28+$0xA870];
	[tilespmem:s25+$0x8080] =	vst v1  }
0x6e: {  	v1 =	vld [tilespmem:s28+$0xA880];
	[tilespmem:s25+$0x8090] =	vst v0;
	s25 =	smov.u32 s28  }
0x6f: {  	v0 =	vld [tilespmem:s25+$0xA890]  }
0x70: {  	v6 =	vld [tilespmem:s25+$0x8020]  }
0x71: {  	v7 =	vld [tilespmem:s25+$0x8030]  }
.Ltmp1:
0x72: {  	v10 =	vld [tilespmem:s25+$0x8040];
	(pc) =	sbr.rel @p0 .LBB2_5-.Ltmp1, $4  }
0x73: {  	v9 =	vld [tilespmem:s25+$0x8050]  }
0x74: {  	v8 =	vld [tilespmem:s25+$0x8060]  }
0x75: {  	v12 =	vadd.f32 v12, v6;
	v6 =	vld [tilespmem:s25+$0x8070]  }
0x76: {  	s26 =	sadd.s32 $0x200, s26;
	v11 =	vadd.f32 v11, v7;
	v7 =	vld [tilespmem:s25+$0x8080]  }
0x77: {  	[tilespmem:s25+$0x8020] =	vst v12;
	v5 =	vadd.f32 v5, v10;
	v63 =	vld [tilespmem:s25+$0x8090]  }
0x78: {  	[tilespmem:s25+$0x8030] =	vst v11;
	v4 =	vadd.f32 v4, v9  }
0x79: {  	[tilespmem:s25+$0x8040] =	vst v5;
	v3 =	vadd.f32 v3, v8  }
0x7a: {  	[tilespmem:s25+$0x8050] =	vst v4;
	v2 =	vadd.f32 v2, v6  }
0x7b: {  	s26 =	sadd.s32 s24, s9;
	[tilespmem:s25+$0x8060] =	vst v3;
	v1 =	vadd.f32 v1, v7  }
0x7c: {  	s26 =	sshll.u32 s26, $0x4;
	[tilespmem:s25+$0x8070] =	vst v2;
	v0 =	vadd.f32 v0, v63  }
0x7d: {  	p0 =	seq.s32 s23, $0x25;
	s26 =	sand.u32 $0x1FFFFF00, s26;
	[tilespmem:s25+$0x8080] =	vst v1  }
.Ltmp2:
0x7e: {  	s31 =	sadd.s32 s5, s26;
	[tilespmem:s25+$0x8090] =	vst v0;
	(pc) =	sbr.rel @p0 .LBB2_8-.Ltmp2, $4  }
0x7f: {  	[hbm4b:s31+s2] =	stream.linear.scatter [tilespmem:s17], [sflag:$0x3], $0x2800, $0x38;
	[tilespmem:$0xD020] =	vst v63  }
0x80: {  	_ =	swait.ge [sflag:s12], $0x2800  }
0x81: {  	[sflag:s12] =	ssyncset.done $0x0  }
0x82: {  	[sflag:s12] =	ssyncadd.s32 $0xFFFFD800  }
.Ltmp3:
0x83: {  	(pc) =	sbr.rel .LBB2_2-.Ltmp3, $4  }
0x84: {  	s25 =	sadd.s32 $0xF0, s24  }
0x85: {  	[tilespmem:s17], [sflag:$0x2] =	stream.indirect.gather [hbm4b:s3+s14], $0x80, s25, s14, $0xb8;
	[tilespmem:$0xD020] =	vst v63  }
0x86: {  	s31 =	sadd.s32 $0x1900, s24;
	s23 =	sadd.s32 $0x1, s23  }
0x87: {  	[tilespmem:s19], [sflag:$0x2] =	stream.indirect.gather [hbm4b:s4+s14], $0x80, s31, s14, $0xb8;
	[tilespmem:$0xD020] =	vst v63  }
.LBB2_8:
0x88: {  	_ =	swait.ge [sflag:s20], $0x2800  }
0x89: {  	[sflag:s20] =	ssyncset.done $0x0  }
0x8a: {  	[sflag:s20] =	ssyncadd.s32 $0xFFFFD800  }
0x8b: {  	_ =	swait.ge [sflag:s20], $0x2800  }
0x8c: {  	[sflag:s20] =	ssyncset.done $0x0  }
0x8d: {  	s23 =	simm.s32 $0x0;
	[sflag:s20] =	ssyncadd.s32 $0xFFFFD800  }
0x8e: {  	v7 =	vld [tilespmem:s23+$0x5820]  }
0x8f: {  	v11 =	vld [tilespmem:s23+$0x5830]  }
0x90: {  	v5 =	vld [tilespmem:s23+$0x5840]  }
0x91: {  	v4 =	vld [tilespmem:s23+$0x5850]  }
0x92: {  	v3 =	vld [tilespmem:s23+$0x5860]  }
0x93: {  	v2 =	vld [tilespmem:s23+$0x5870]  }
0x94: {  	v1 =	vld [tilespmem:s23+$0x5880]  }
0x95: {  	v0 =	vld [tilespmem:s23+$0x5890]  }
0x96: {  	v12 =	vld [tilespmem:s23+$0x3020]  }
0x97: {  	v13 =	vld [tilespmem:s23+$0x3030]  }
0x98: {  	v10 =	vld [tilespmem:s23+$0x3040]  }
0x99: {  	v9 =	vld [tilespmem:s23+$0x3050]  }
0x9a: {  	v8 =	vld [tilespmem:s23+$0x3060]  }
0x9b: {  	v6 =	vld [tilespmem:s23+$0x3070];
	v12 =	vadd.f32 v7, v12  }
0x9c: {  	s24 =	simm.s32 $0x200;
	v11 =	vadd.f32 v11, v13;
	v7 =	vld [tilespmem:s23+$0x3080]  }
.LBB2_9:
0x9d: {  	s25 =	sshra.s32 s24, $0x2;
	p0 =	sne.s32 s24, $0x9E00;
	[tilespmem:s23+$0x3020] =	vst v12;
	v5 =	vadd.f32 v5, v10;
	v10 =	vld [tilespmem:s23+$0x3090]  }
0x9e: {  	v12 =	vld [tilespmem:s25+$0x5820];
	[tilespmem:s23+$0x3030] =	vst v11;
	v4 =	vadd.f32 v4, v9  }
0x9f: {  	v11 =	vld [tilespmem:s25+$0x5830];
	[tilespmem:s23+$0x3040] =	vst v5;
	v3 =	vadd.f32 v3, v8  }
0xa0: {  	v5 =	vld [tilespmem:s25+$0x5840];
	[tilespmem:s23+$0x3050] =	vst v4;
	v2 =	vadd.f32 v2, v6  }
0xa1: {  	v4 =	vld [tilespmem:s25+$0x5850];
	[tilespmem:s23+$0x3060] =	vst v3;
	v1 =	vadd.f32 v1, v7  }
0xa2: {  	v3 =	vld [tilespmem:s25+$0x5860];
	[tilespmem:s23+$0x3070] =	vst v2;
	v0 =	vadd.f32 v0, v10  }
0xa3: {  	v2 =	vld [tilespmem:s25+$0x5870];
	[tilespmem:s23+$0x3080] =	vst v1  }
0xa4: {  	v1 =	vld [tilespmem:s25+$0x5880];
	[tilespmem:s23+$0x3090] =	vst v0;
	s23 =	smov.u32 s25  }
0xa5: {  	v0 =	vld [tilespmem:s23+$0x5890]  }
0xa6: {  	v6 =	vld [tilespmem:s23+$0x3020]  }
0xa7: {  	v7 =	vld [tilespmem:s23+$0x3030]  }
.Ltmp4:
0xa8: {  	v10 =	vld [tilespmem:s23+$0x3040];
	(pc) =	sbr.rel @p0 .LBB2_9-.Ltmp4, $4  }
0xa9: {  	v9 =	vld [tilespmem:s23+$0x3050]  }
0xaa: {  	v8 =	vld [tilespmem:s23+$0x3060]  }
0xab: {  	v12 =	vadd.f32 v12, v6;
	v6 =	vld [tilespmem:s23+$0x3070]  }
0xac: {  	s24 =	sadd.s32 $0x200, s24;
	v11 =	vadd.f32 v11, v7;
	v7 =	vld [tilespmem:s23+$0x3080]  }
0xad: {  	[tilespmem:s23+$0x3020] =	vst v12;
	v5 =	vadd.f32 v5, v10;
	v63 =	vld [tilespmem:s23+$0x3090]  }
0xae: {  	[tilespmem:s23+$0x3030] =	vst v11;
	v4 =	vadd.f32 v4, v9  }
0xaf: {  	[tilespmem:s23+$0x3040] =	vst v5;
	v3 =	vadd.f32 v3, v8  }
0xb0: {  	[tilespmem:s23+$0x3050] =	vst v4;
	v2 =	vadd.f32 v2, v6  }
0xb1: {  	[tilespmem:s23+$0x3060] =	vst v3;
	v1 =	vadd.f32 v1, v7  }
0xb2: {  	s22 =	sadd.s32 $0x1, s22;
	[tilespmem:s23+$0x3070] =	vst v2;
	v0 =	vadd.f32 v0, v63  }
0xb3: {  	p0 =	sne.s32 s22, s11;
	[tilespmem:s23+$0x3080] =	vst v1  }
.Ltmp5:
0xb4: {  	[tilespmem:s23+$0x3090] =	vst v0;
	(pc) =	sbr.rel @p0 .LBB2_1-.Ltmp5, $4  }
0xb5: {  	[hbm4b:s10+s2] =	stream.linear.scatter [tilespmem:s15], [sflag:$0x3], $0x2800, $0x38;
	[tilespmem:$0xD020] =	vst v63  }
0xb6: {  	_ =	swait.ge [sflag:s12], $0x2800  }
0xb7: {  	[sflag:s12] =	ssyncset.done $0x0  }
0xb8: {  	[sflag:s12] =	ssyncadd.s32 $0xFFFFD800  }
0xb9: {  	_ =	sfence.sel $0x180000  }
0xba: {  	[bflag:$0x0] =	sbarrier.arrive $0xFFFF  }
0xbb: {  	p0 =	sne.s32 s1, $0x0;
	_ =	strace $0x9000004A  }
0xbc: {  	s0 =	sadd.s32 @!p0 $0x100000, s0;
	[bflag:$0x2] =	sbarrier.arrive $0xFFFF  }
0xbd: {  	[sflag:s0] =	ssyncadd.tile.s32 @!p0 $0x1;
	_ =	shalt  }
.Lfunc_end2:
_tile_overlayer_lowered:
.L_overlay_start_2:
0xbe: {  	(tag) =	ssettag $0x2  }
0xbf: {  	s0 =	rddreg [dreg:$0x0];
	s2 =	stileid.u32  }
0xc0: {  	s1 =	rddreg [dreg:$0x1];
	p0 =	sne.s32 s2, $0x0  }
0xc1: {  	s3 =	rddreg [dreg:$0x2];
	[bflag:$0x3] =	sbarrier.arrive $0xFFFF;
	s2 =	simm.s32 @!p0 $0x1C03  }
0xc2: {  	[timem:s3], [sflag:s2] =	dma.local @!p0 [hbm:s0], s1  }
0xc3: {  	s0 =	simm.s32 @!p0 $0x3  }
0xc4: {  	_ =	swait.ge @!p0 [sflag:s0], s1  }
0xc5: {  	s1 =	ssub.s32 @!p0 $0x0, s1;
	[sflag:s0] =	ssyncset.done @!p0 $0x0  }
0xc6: {  	[sflag:s0] =	ssyncadd.s32 @!p0 s1  }
0xc7: {  	[bflag:$0x3] =	sbarrier.arrive $0xFFFF  }
0xc8: {  	_ =	shalt  }

// kernel: kernel.16.cloned.1.call-start
scs
__scs_entry_jumppad:
0x0: {  	(pc) =	sbr.rel $0x88, $3  }
0x1: {  	(tag) =	ssettag $0x0;
	lr =	simm.s32 $0x1  }
0x2: {  	[smem:$0x3F7E] =	sst lr;
	_ =	strace $0xD0000000  }
0x3: {  	_ = 	snop  }
0x4: {  	_ = 	snop  }
0x5: {  	_ = 	snop  }
0x6: {  	_ = 	snop  }
0x7: {  	_ = 	snop  }
__scs_overlays_trampoline_lowered:
0x8: {  	[smem:$0x3F8D] =	sst s0  }
0x9: {  	[smem:$0x3F8E] =	sst s1  }
0xa: {  	[smem:$0x3F8F] =	sst s2  }
0xb: {  	[smem:$0x3F90] =	sst s3  }
0xc: {  	[smem:$0x3F91] =	sst s4  }
0xd: {  	[smem:$0x3F92] =	sst s5  }
0xe: {  	[smem:$0x3F93] =	sst s6  }
0xf: {  	[smem:$0x3F94] =	sst s7  }
0x10: {  	[smem:$0x3F95] =	sst s8  }
0x11: {  	[smem:$0x3F96] =	sst s9;
	s0 =	simm.s32 @!p0 $0x0  }
0x12: {  	s1 =	sld [smem:$0x3F7C];
	s0 =	simm.s32 @p0 $0x1  }
0x13: {  	[smem:$0x3F97] =	sst s0;
	s0 =	simm.s32 @!p1 $0x0  }
0x14: {  	s2 =	sld [smem:$0x3F7B];
	s0 =	simm.s32 @p1 $0x1  }
0x15: {  	[smem:$0x3F98] =	sst s0;
	s0 =	simm.s32 @!p2 $0x0  }
0x16: {  	s3 =	sld [smem:$0x3FDB];
	s0 =	simm.s32 @p2 $0x1  }
0x17: {  	s4 =	simm.s32 $0x1BF5;
	[smem:$0x3F9A] =	sst s0  }
0x18: {  	s0 =	sld [smem:$0x3F7D];
	_ =	swait.ge [sflag:s4], $0x0  }
0x19: {  	s7 =	sld [smem:$0x3F7E]  }
0x1a: {  	s8 =	sadd.s32 $0xFFFFE003, lr  }
0x1b: {  	s9 =	sadd.s32 $0xFFFFFEF7, lr;
	s5 =	simm.s32 $0xFFFFFFFF;
	p2 =	slt.u32 s8, $0xFFFFF086  }
0x1c: {  	p1 =	slt.u32 s9, $0xF7A;
	s5 =	simm.s32 @!p2 $0x0  }
0x1d: {  	s5 =	simm.s32 @p1 $0x1;
	p0 =	seq.s32 s7, s2  }
0x1e: {  	s7 =	smul.u32 @!p0 $0xF7A, s2;
	p2 =	seq.s32 @!p0 s5, $0x0  }
0x1f: {  	s9 =	smul.u32 $0xF7A, s1;
	s8 =	simm.s32 @!p0 $0x1BF5;
	p2 =	por !p2, p0  }
0x20: {  	[sflag:s8] =	ssyncset.s32 @!p0 $0xFFFFF086;
	s6 =	sadd.s32 @!p0 s3, s7;
	s7 =	simm.s32 @!p0 $0x108  }
0x21: {  	s3 =	sadd.s32 s3, s9;
	s6 =	sadd.s32 @!p0 $0x88, s6;
	s7 =	simm.s32 @p2 $0x1082  }
0x22: {  	[simem:s7], [sflag:s8] =	dma.local @!p0 [hbm:s6], $0xF7A  }
0x23: {  	s9 =	sor.u32 $0xD0000000, s2;
	s6 =	simm.s32 $0x108;
	_ =	swait.ge @!p0 [sflag:s8], $0x0  }
0x24: {  	s3 =	sadd.s32 $0x88, s3;
	s6 =	simm.s32 @!p1 $0x1082;
	[sflag:s4] =	ssyncset.s32 $0xFFFFF086  }
0x25: {  	[simem:s6], [sflag:s4] =	dma.local [hbm:s3], $0xF7A  }
0x26: {  	[smem:$0x3F7E] =	sst s1;
	(tag) =	ssettag s2;
	_ =	strace s9  }
0x27: {  	s1 =	sld [smem:$0x3F8E]  }
0x28: {  	s2 =	sld [smem:$0x3F8F]  }
0x29: {  	s4 =	sld [smem:$0x3F91]  }
0x2a: {  	p0 =	seq.s32 s5, $0x0;
	s5 =	sld [smem:$0x3F92]  }
0x2b: {  	s6 =	sld [smem:$0x3F93]  }
0x2c: {  	s7 =	sld [smem:$0x3F94]  }
0x2d: {  	s3 =	simm.s32 $0x108;
	s8 =	sld [smem:$0x3F95]  }
0x2e: {  	s3 =	simm.s32 @!p0 $0x1082;
	s9 =	sld [smem:$0x3F96]  }
0x2f: {  	lr =	sadd.s32 s0, s3;
	s0 =	sld [smem:$0x3F8D]  }
0x30: {  	s3 =	sld [smem:$0x3F90]  }
0x31: {  	[smem:$0x3F99] =	sst s10  }
0x32: {  	s10 =	sld [smem:$0x3F97];
	_ =	sdelay $0x3  }
0x33: {  	p0 =	seq.s32 s10, $0x1;
	s10 =	sld [smem:$0x3F99];
	_ =	sdelay $0x3  }
0x34: {  	[smem:$0x3F99] =	sst s10  }
0x35: {  	s10 =	sld [smem:$0x3F98];
	_ =	sdelay $0x3  }
0x36: {  	p1 =	seq.s32 s10, $0x1;
	s10 =	sld [smem:$0x3F99];
	_ =	sdelay $0x3  }
0x37: {  	[smem:$0x3F99] =	sst s10  }
0x38: {  	s10 =	sld [smem:$0x3F9A]  }
0x39: {  	_ = 	snop;
	(pc) =	sbr.ind lr, $3  }
0x3a: {  	_ = 	snop  }
0x3b: {  	_ = 	snop  }
0x3c: {  	p2 =	seq.s32 s10, $0x1;
	s10 =	sld [smem:$0x3F99]  }
0x3d: {  	_ =	shalt  }
0x3e: {  	_ =	shalt  }
0x3f: {  	_ =	shalt  }
0x40: {  	_ =	shalt  }
0x41: {  	_ =	shalt  }
0x42: {  	_ =	shalt  }
0x43: {  	_ =	shalt  }
0x44: {  	_ =	shalt  }
0x45: {  	_ =	shalt  }
0x46: {  	_ =	shalt  }
0x47: {  	_ =	shalt  }
0x48: {  	_ =	shalt  }
0x49: {  	_ =	shalt  }
0x4a: {  	_ =	shalt  }
0x4b: {  	_ =	shalt  }
0x4c: {  	_ =	shalt  }
0x4d: {  	_ =	shalt  }
0x4e: {  	_ =	shalt  }
0x4f: {  	_ =	shalt  }
0x50: {  	_ =	shalt  }
0x51: {  	_ =	shalt  }
0x52: {  	_ =	shalt  }
0x53: {  	_ =	shalt  }
0x54: {  	_ =	shalt  }
0x55: {  	_ =	shalt  }
0x56: {  	_ =	shalt  }
0x57: {  	_ =	shalt  }
0x58: {  	_ =	shalt  }
0x59: {  	_ =	shalt  }
0x5a: {  	_ =	shalt  }
0x5b: {  	_ =	shalt  }
0x5c: {  	_ =	shalt  }
0x5d: {  	_ =	shalt  }
0x5e: {  	_ =	shalt  }
0x5f: {  	_ =	shalt  }
0x60: {  	_ =	shalt  }
0x61: {  	_ =	shalt  }
0x62: {  	_ =	shalt  }
0x63: {  	_ =	shalt  }
0x64: {  	_ =	shalt  }
0x65: {  	_ =	shalt  }
0x66: {  	_ =	shalt  }
0x67: {  	_ =	shalt  }
0x68: {  	_ =	shalt  }
0x69: {  	_ =	shalt  }
0x6a: {  	_ =	shalt  }
0x6b: {  	_ =	shalt  }
0x6c: {  	_ =	shalt  }
0x6d: {  	_ =	shalt  }
0x6e: {  	_ =	shalt  }
0x6f: {  	_ =	shalt  }
0x70: {  	_ =	shalt  }
0x71: {  	_ =	shalt  }
0x72: {  	_ =	shalt  }
0x73: {  	_ =	shalt  }
0x74: {  	_ =	shalt  }
0x75: {  	_ =	shalt  }
0x76: {  	_ =	shalt  }
0x77: {  	_ =	shalt  }
0x78: {  	_ =	shalt  }
0x79: {  	_ =	shalt  }
0x7a: {  	_ =	shalt  }
0x7b: {  	_ =	shalt  }
0x7c: {  	_ =	shalt  }
0x7d: {  	_ =	shalt  }
0x7e: {  	_ =	shalt  }
0x7f: {  	_ =	shalt  }
0x80: {  	_ =	shalt  }
0x81: {  	_ =	shalt  }
0x82: {  	_ =	shalt  }
0x83: {  	_ =	shalt  }
0x84: {  	_ =	shalt  }
0x85: {  	_ =	shalt  }
0x86: {  	_ =	shalt  }
0x87: {  	_ =	shalt  }
.Lfunc_end0:
.L_simem_size_0:
called_computation.1_lowered:
.L_overlay_start_0:
0x88: {  	s2 =	sld [smem:$0x3FD9]  }
0x89: {  	s3 =	sld [smem:$0x3FFE];
	_ =	sdelay $0x1  }
0x8a: {  	s1 =	srdreg.scid  }
0x8b: {  	s0 =	sand.u32 $0x1, s1  }
0x8c: {  	s16 =	sshll.u32 s0, $0xA;
	s2 =	sadd.s32 s3, s2  }
0x8d: {  	s2 =	sadd.s32 s2, s16  }
0x8e: {  	[smem:$0x3FA5] =	sst s2  }
0x8f: {  	_ = 	snop  }
0x90: {  	(tm) =	ssettm $0x1  }
0x91: {  	s17 =	sld [smem:$0x3FFB];
	_ =	sdelay $0x3  }
0x92: {  	_ =	strace s17  }
0x93: {  	s2 =	sld [smem:$0x3FFC];
	_ =	sdelay $0x3  }
0x94: {  	_ =	strace s2  }
0x95: {  	s2 =	sld [smem:$0x3FFD];
	_ =	sdelay $0x3  }
0x96: {  	_ =	strace s2  }
0x97: {  	_ =	strace $0x8FFFFFFF  }
0x98: {  	s18 =	sld [smem:$0x3FDB];
	_ =	sdelay $0x1  }
0x99: {  	s19 =	simm.s32 $_scs_section_size  }
0x9a: {  	s4 =	simm.s32 $_size__tile_overlayer_lowered;
	s5 =	simm.s32 $_tile_overlayer_lowered  }
0x9b: {  	s22 =	simm.s32 $0x1BFF;
	s21 =	sshll.u32 s5, $0x1;
	s2 =	sadd.s32 s19, s18  }
0x9c: {  	s6 =	simm.s32 $0x0;
	s20 =	sshll.u32 s4, $0x1;
	s4 =	sadd.s32 s21, s2  }
0x9d: {  	[timem:s6], [sflag:s22] =	dma.local [hbm:s4], s20  }
0x9e: {  	_ =	swait.ge [sflag:s22], s20  }
0x9f: {  	s3 =	ssub.s32 $0x0, s20;
	[sflag:s22] =	ssyncset.done $0x0  }
0xa0: {  	[sflag:s22] =	ssyncadd.s32 s3;
	_ =	sdelay $0x1  }
0xa1: {  	s23 =	simm.s32 $0x1B8B  }
0xa2: {  	_ =	swait.ge [sflag:s23], $0x1  }
0xa3: {  	[sflag:s23] =	ssyncset.done $0x0  }
0xa4: {  	s25 =	simm.s32 $0x1B8E;
	s24 =	sld [smem:$0x3FFE];
	[sflag:s23] =	ssyncadd.s32 $0xFFFFFFFF  }
0xa5: {  	s26 =	simm.s32 $execute0_lowered;
	[smem:$0x3FD2] =	sst s25  }
0xa6: {  	s4 =	sshll.u32 s26, $0x1;
	_ =	strace $0x80000046;
	[dreg:$0x1] =	wrdreg $0xFFFFFFFF  }
0xa7: {  	s28 =	simm.s32 $_size_execute0_lowered;
	s2 =	sadd.s32 s2, s4;
	[dreg:$0x0] =	wrdreg $0x0  }
0xa8: {  	s4 =	sshll.u32 s28, $0x1;
	[dreg:$0x2] =	wrdreg s2  }
0xa9: {  	[dreg:$0x3] =	wrdreg s4  }
0xaa: {  	[dreg:$0x4] =	wrdreg $0xC0  }
0xab: {  	_ =	task [dreg:s6], $0x5FFFF  }
0xac: {  	[dreg:$0x1] =	wrdreg $0xFFFFFFFF  }
0xad: {  	[dreg:$0x0] =	wrdreg $0x60  }
0xae: {  	[dreg:$0x2] =	wrdreg s24  }
0xaf: {  	[dreg:$0x3] =	wrdreg $0xA  }
0xb0: {  	_ =	task.clear_ibuf [dreg:s6], $0x4FFFF;
	_ =	strace $0x90000046  }
0xb1: {  	s29 =	simm.s32 $0xA;
	_ =	strace $0x80000048  }
0xb2: {  	_ =	swait.ge [sflag:s29], $0x1  }
0xb3: {  	[sflag:s29] =	ssyncadd.s32 $0xFFFFFFFF  }
0xb4: {  	_ =	strace $0x90000048  }
0xb5: {  	_ =	sfence  }
0xb6: {  	s30 =	sld [smem:$0x0];
	_ =	sdelay $0x2  }
0xb7: {  	s31 =	sshll.u32 s1, $0xD;
	s1 =	sshrl.u32 s1, $0x2  }
0xb8: {  	s3 =	sand.u32 $0x4000, s31;
	s1 =	sadd.s32 s1, s30  }
0xb9: {  	s0 =	sor.u32 s3, s0;
	s1 =	sshll.u32 s1, $0x11  }
0xba: {  	s0 =	sor.u32 s1, s0  }
0xbb: {  	s0 =	sadd.s32 $0x8F2B, s0  }
0xbc: {  	[sflag:s0] =	ssyncadd.remote.s32 $0x1  }
0xbd: {  	_ =	sfence.sel $0xFFFF  }
0xbe: {  	[dreg:$0x0] =	wrdreg $0xFFFFFFFF;
	(pc) =	sbr.abs _section_cstart, $3  }
0xbf: {  	[dreg:$0x1] =	wrdreg $0xFFFFFFFF  }
0xc0: {  	_ =	task.clear_ibuf [dreg:s6], $0x2FFFF;
	_ =	strace $0x9FFFFFFF  }
0xc1: {  	(tm) =	ssettm $0x7FFFFFFF  }
tec
execute0_lowered:
.L_overlay_start_1:
0x0: {  	(tag) =	ssettag $0x1  }
0x1: {  	s1 =	srdreg.scid;
	s0 =	stileid.u32  }
0x2: {  	s7 =	rddreg [dreg:$0x0];
	s2 =	simm.s32 $0x0;
	s12 =	simm.s32 $0xF00  }
0x3: {  	s13 =	simm.s32 $0x50;
	s14 =	simm.s32 $0x1E00;
	s15 =	simm.s32 $0x4600  }
0x4: {  	s16 =	simm.s32 $0x6E00;
	s17 =	simm.s32 $0xF50;
	s18 =	simm.s32 $0x9600  }
0x5: {  	s19 =	simm.s32 $0x1;
	s5 =	sand.u32 $0x1, s1;
	s3 =	sshll.u32 s0, $0x1  }
0x6: {  	s20 =	simm.s32 $0x2;
	s1 =	rddreg [dreg:$0x1];
	s3 =	sor.u32 s5, s3  }
0x7: {  	s21 =	simm.s32 $0x0;
	[smem:$0x7FF] =	sst s2;
	s3 =	smul.u32 $0xF00, s3  }
.Ltmp0:
0x8: {  	s4 =	sadd.s32 $0x1BE00, s7;
	s8 =	ssub.s32 $0x2, s5;
	(pc) =	sbr.rel .LBB2_1-.Ltmp0, $4  }
0x9: {  	s6 =	sadd.s32 $0x6A200, s7;
	_ =	strace $0x80000047;
	s9 =	sshrl.u32 s8, $0x1  }
0xa: {  	s5 =	sadd.s32 $0x43000, s7;
	s11 =	ssub.s32 s8, s9;
	s10 =	sshrl.u32 s3, $0x3  }
0xb: {  	s9 =	sor.u32 $0x50, s3;
	s31 =	sadd.s32 s7, s10;
	s10 =	smax.u32 s11, $0x1  }
0xc: {  	s11 =	simm.s32 $0x3;
	s7 =	sadd.s32 $0x18040, s31;
	s8 =	sadd.s32 $0xE240, s31  }
.LBB2_8:
0xd: {  	s21 =	sadd.s32 $0x1, s21  }
0xe: {  	p0 =	sne.s32 s21, s10  }
.Ltmp1:
0xf: {  	_ = 	snop;
	(pc) =	sbr.rel @!p0 .LBB2_9-.Ltmp1, $1  }
0x10: {  	_ =	sdelay $0x3  }
.LBB2_1:
0x11: {  	[tilespmem:s2], [sflag:$0x3] =	stream.linear.gather [hbm4b:s7+s2], $0xF00, $0x38;
	[tilespmem:$0xBE00] =	vst v63  }
0x12: {  	_ =	swait.ge [sflag:s11], $0xF00  }
0x13: {  	[sflag:s11] =	ssyncset.done $0x0  }
0x14: {  	[sflag:s11] =	ssyncadd.s32 $0xFFFFF100  }
0x15: {  	[tilespmem:s12], [sflag:$0x3] =	stream.linear.gather [hbm4b:s8+s2], $0xF00, $0x38;
	[tilespmem:$0xBE00] =	vst v63  }
0x16: {  	_ =	swait.ge [sflag:s11], $0xF00  }
0x17: {  	[sflag:s11] =	ssyncset.done $0x0  }
0x18: {  	[sflag:s11] =	ssyncadd.s32 $0xFFFFF100  }
0x19: {  	[tilespmem:s14], [sflag:$0x1] =	stream.indirect.gather [hbm4b:s4+s13], $0x80, s2, s13, $0xb8;
	[tilespmem:$0xBE00] =	vst v63  }
0x1a: {  	_ = 	snop  }
0x1b: {  	[tilespmem:s15], [sflag:$0x1] =	stream.indirect.gather [hbm4b:s5+s13], $0x80, s12, s13, $0xb8;
	[tilespmem:$0xBE00] =	vst v63  }
0x1c: {  	_ = 	snop  }
0x1d: {  	[tilespmem:s16], [sflag:$0x2] =	stream.indirect.gather [hbm4b:s4+s13], $0x80, s13, s13, $0xb8;
	[tilespmem:$0xBE00] =	vst v63  }
0x1e: {  	s22 =	simm.s32 $0x0  }
0x1f: {  	[tilespmem:s18], [sflag:$0x2] =	stream.indirect.gather [hbm4b:s5+s13], $0x80, s17, s13, $0xb8;
	[tilespmem:$0xBE00] =	vst v63  }
.LBB2_2:
0x20: {  	_ =	swait.ge [sflag:s19], $0x2800  }
0x21: {  	[sflag:s19] =	ssyncset.done $0x0  }
0x22: {  	[sflag:s19] =	ssyncadd.s32 $0xFFFFD800  }
0x23: {  	_ =	swait.ge [sflag:s19], $0x2800  }
0x24: {  	[sflag:s19] =	ssyncset.done $0x0  }
0x25: {  	s24 =	simm.s32 $0x0;
	[sflag:s19] =	ssyncadd.s32 $0xFFFFD800  }
0x26: {  	v6 =	vld [tilespmem:s24+$0x4600]  }
0x27: {  	v11 =	vld [tilespmem:s24+$0x4610]  }
0x28: {  	v5 =	vld [tilespmem:s24+$0x4620]  }
0x29: {  	v4 =	vld [tilespmem:s24+$0x4630]  }
0x2a: {  	v3 =	vld [tilespmem:s24+$0x4640]  }
0x2b: {  	v2 =	vld [tilespmem:s24+$0x4650]  }
0x2c: {  	v1 =	vld [tilespmem:s24+$0x4660]  }
0x2d: {  	v0 =	vld [tilespmem:s24+$0x4670]  }
0x2e: {  	v12 =	vld [tilespmem:s24+$0x1E00]  }
0x2f: {  	v13 =	vld [tilespmem:s24+$0x1E10]  }
0x30: {  	v10 =	vld [tilespmem:s24+$0x1E20]  }
0x31: {  	v9 =	vld [tilespmem:s24+$0x1E30]  }
0x32: {  	v8 =	vld [tilespmem:s24+$0x1E40]  }
0x33: {  	v7 =	vld [tilespmem:s24+$0x1E50];
	v12 =	vadd.f32 v6, v12  }
0x34: {  	s23 =	simm.s32 $0x200;
	v11 =	vadd.f32 v11, v13;
	v6 =	vld [tilespmem:s24+$0x1E60]  }
.LBB2_3:
0x35: {  	s25 =	sshra.s32 s23, $0x2;
	p0 =	sne.s32 s23, $0x9E00;
	[tilespmem:s24+$0x1E00] =	vst v12;
	v5 =	vadd.f32 v5, v10;
	v10 =	vld [tilespmem:s24+$0x1E70]  }
0x36: {  	v12 =	vld [tilespmem:s25+$0x4600];
	[tilespmem:s24+$0x1E10] =	vst v11;
	v4 =	vadd.f32 v4, v9  }
0x37: {  	v11 =	vld [tilespmem:s25+$0x4610];
	[tilespmem:s24+$0x1E20] =	vst v5;
	v3 =	vadd.f32 v3, v8  }
0x38: {  	v5 =	vld [tilespmem:s25+$0x4620];
	[tilespmem:s24+$0x1E30] =	vst v4;
	v2 =	vadd.f32 v2, v7  }
0x39: {  	v4 =	vld [tilespmem:s25+$0x4630];
	[tilespmem:s24+$0x1E40] =	vst v3;
	v1 =	vadd.f32 v1, v6  }
0x3a: {  	v3 =	vld [tilespmem:s25+$0x4640];
	[tilespmem:s24+$0x1E50] =	vst v2;
	v0 =	vadd.f32 v0, v10  }
0x3b: {  	v2 =	vld [tilespmem:s25+$0x4650];
	[tilespmem:s24+$0x1E60] =	vst v1  }
0x3c: {  	v1 =	vld [tilespmem:s25+$0x4660];
	[tilespmem:s24+$0x1E70] =	vst v0;
	s24 =	smov.u32 s25  }
0x3d: {  	v0 =	vld [tilespmem:s24+$0x4670]  }
0x3e: {  	v6 =	vld [tilespmem:s24+$0x1E00]  }
0x3f: {  	v13 =	vld [tilespmem:s24+$0x1E10]  }
.Ltmp2:
0x40: {  	v10 =	vld [tilespmem:s24+$0x1E20];
	(pc) =	sbr.rel @p0 .LBB2_3-.Ltmp2, $4  }
0x41: {  	v9 =	vld [tilespmem:s24+$0x1E30]  }
0x42: {  	v8 =	vld [tilespmem:s24+$0x1E40]  }
0x43: {  	v12 =	vadd.f32 v12, v6;
	v7 =	vld [tilespmem:s24+$0x1E50]  }
0x44: {  	s23 =	sadd.s32 $0x200, s23;
	v11 =	vadd.f32 v11, v13;
	v6 =	vld [tilespmem:s24+$0x1E60]  }
0x45: {  	[tilespmem:s24+$0x1E00] =	vst v12;
	v5 =	vadd.f32 v5, v10;
	v10 =	vld [tilespmem:s24+$0x1E70]  }
0x46: {  	[tilespmem:s24+$0x1E10] =	vst v11;
	v4 =	vadd.f32 v4, v9  }
0x47: {  	[tilespmem:s24+$0x1E20] =	vst v5;
	v3 =	vadd.f32 v3, v8  }
0x48: {  	s23 =	smul.u32 $0xA0, s22;
	[tilespmem:s24+$0x1E30] =	vst v4;
	v2 =	vadd.f32 v2, v7  }
0x49: {  	[tilespmem:s24+$0x1E40] =	vst v3;
	v1 =	vadd.f32 v1, v6  }
0x4a: {  	s25 =	sadd.s32 s3, s23;
	[tilespmem:s24+$0x1E50] =	vst v2;
	v0 =	vadd.f32 v0, v10  }
0x4b: {  	s25 =	sshll.u32 s25, $0x4;
	[tilespmem:s24+$0x1E60] =	vst v1  }
0x4c: {  	s31 =	sadd.s32 s6, s25;
	[tilespmem:s24+$0x1E70] =	vst v0  }
0x4d: {  	[hbm4b:s31+s2] =	stream.linear.scatter [tilespmem:s14], [sflag:$0x3], $0x2800, $0x38;
	[tilespmem:$0xBE00] =	vst v63  }
0x4e: {  	p0 =	seq.s32 s22, $0x17;
	_ =	swait.ge [sflag:s11], $0x2800  }
0x4f: {  	s26 =	simm.s32 @!p0 $0x1E00;
	[sflag:s11] =	ssyncset.done $0x0  }
0x50: {  	s25 =	simm.s32 @!p0 $0x50;
	s24 =	sadd.s32 @!p0 $0xA0, s23;
	[sflag:s11] =	ssyncadd.s32 $0xFFFFD800  }
0x51: {  	[tilespmem:s26], [sflag:$0x1] =	stream.indirect.gather @!p0 [hbm4b:s4+s25], $0x80, s24, s25, $0xb8;
	[tilespmem:$0xBE00] =	vst v63  }
0x52: {  	s24 =	sadd.s32 @!p0 $0xFA0, s23;
	s26 =	simm.s32 @!p0 $0x4600  }
0x53: {  	[tilespmem:s26], [sflag:$0x1] =	stream.indirect.gather @!p0 [hbm4b:s5+s25], $0x80, s24, s25, $0xb8;
	[tilespmem:$0xBE00] =	vst v63  }
0x54: {  	_ =	swait.ge [sflag:s20], $0x2800  }
0x55: {  	[sflag:s20] =	ssyncset.done $0x0  }
0x56: {  	[sflag:s20] =	ssyncadd.s32 $0xFFFFD800  }
0x57: {  	_ =	swait.ge [sflag:s20], $0x2800  }
0x58: {  	[sflag:s20] =	ssyncset.done $0x0  }
0x59: {  	s24 =	simm.s32 $0x0;
	[sflag:s20] =	ssyncadd.s32 $0xFFFFD800  }
0x5a: {  	v7 =	vld [tilespmem:s24+$0x9600]  }
0x5b: {  	v11 =	vld [tilespmem:s24+$0x9610]  }
0x5c: {  	v5 =	vld [tilespmem:s24+$0x9620]  }
0x5d: {  	v4 =	vld [tilespmem:s24+$0x9630]  }
0x5e: {  	v3 =	vld [tilespmem:s24+$0x9640]  }
0x5f: {  	v2 =	vld [tilespmem:s24+$0x9650]  }
0x60: {  	v1 =	vld [tilespmem:s24+$0x9660]  }
0x61: {  	v0 =	vld [tilespmem:s24+$0x9670]  }
0x62: {  	v12 =	vld [tilespmem:s24+$0x6E00]  }
0x63: {  	v13 =	vld [tilespmem:s24+$0x6E10]  }
0x64: {  	v10 =	vld [tilespmem:s24+$0x6E20]  }
0x65: {  	v9 =	vld [tilespmem:s24+$0x6E30]  }
0x66: {  	v8 =	vld [tilespmem:s24+$0x6E40]  }
0x67: {  	v6 =	vld [tilespmem:s24+$0x6E50];
	v12 =	vadd.f32 v7, v12  }
0x68: {  	s25 =	simm.s32 $0x200;
	v11 =	vadd.f32 v11, v13;
	v7 =	vld [tilespmem:s24+$0x6E60]  }
.LBB2_5:
0x69: {  	s26 =	sshra.s32 s25, $0x2;
	p1 =	sne.s32 s25, $0x9E00;
	[tilespmem:s24+$0x6E00] =	vst v12;
	v5 =	vadd.f32 v5, v10;
	v10 =	vld [tilespmem:s24+$0x6E70]  }
0x6a: {  	v12 =	vld [tilespmem:s26+$0x9600];
	[tilespmem:s24+$0x6E10] =	vst v11;
	v4 =	vadd.f32 v4, v9  }
0x6b: {  	v11 =	vld [tilespmem:s26+$0x9610];
	[tilespmem:s24+$0x6E20] =	vst v5;
	v3 =	vadd.f32 v3, v8  }
0x6c: {  	v5 =	vld [tilespmem:s26+$0x9620];
	[tilespmem:s24+$0x6E30] =	vst v4;
	v2 =	vadd.f32 v2, v6  }
0x6d: {  	v4 =	vld [tilespmem:s26+$0x9630];
	[tilespmem:s24+$0x6E40] =	vst v3;
	v1 =	vadd.f32 v1, v7  }
0x6e: {  	v3 =	vld [tilespmem:s26+$0x9640];
	[tilespmem:s24+$0x6E50] =	vst v2;
	v0 =	vadd.f32 v0, v10  }
0x6f: {  	v2 =	vld [tilespmem:s26+$0x9650];
	[tilespmem:s24+$0x6E60] =	vst v1  }
0x70: {  	v1 =	vld [tilespmem:s26+$0x9660];
	[tilespmem:s24+$0x6E70] =	vst v0;
	s24 =	smov.u32 s26  }
0x71: {  	v0 =	vld [tilespmem:s24+$0x9670]  }
0x72: {  	v6 =	vld [tilespmem:s24+$0x6E00]  }
0x73: {  	v7 =	vld [tilespmem:s24+$0x6E10]  }
.Ltmp3:
0x74: {  	v10 =	vld [tilespmem:s24+$0x6E20];
	(pc) =	sbr.rel @p1 .LBB2_5-.Ltmp3, $4  }
0x75: {  	v9 =	vld [tilespmem:s24+$0x6E30]  }
0x76: {  	v8 =	vld [tilespmem:s24+$0x6E40]  }
0x77: {  	v12 =	vadd.f32 v12, v6;
	v6 =	vld [tilespmem:s24+$0x6E50]  }
0x78: {  	s25 =	sadd.s32 $0x200, s25;
	v11 =	vadd.f32 v11, v7;
	v7 =	vld [tilespmem:s24+$0x6E60]  }
0x79: {  	[tilespmem:s24+$0x6E00] =	vst v12;
	v5 =	vadd.f32 v5, v10;
	v63 =	vld [tilespmem:s24+$0x6E70]  }
0x7a: {  	[tilespmem:s24+$0x6E10] =	vst v11;
	v4 =	vadd.f32 v4, v9  }
0x7b: {  	[tilespmem:s24+$0x6E20] =	vst v5;
	v3 =	vadd.f32 v3, v8  }
0x7c: {  	[tilespmem:s24+$0x6E30] =	vst v4;
	v2 =	vadd.f32 v2, v6  }
0x7d: {  	s25 =	sadd.s32 s23, s9;
	[tilespmem:s24+$0x6E40] =	vst v3;
	v1 =	vadd.f32 v1, v7  }
0x7e: {  	s25 =	sshll.u32 s25, $0x4;
	[tilespmem:s24+$0x6E50] =	vst v2;
	v0 =	vadd.f32 v0, v63  }
0x7f: {  	s25 =	sand.u32 $0x1FFFFF00, s25;
	[tilespmem:s24+$0x6E60] =	vst v1  }
.Ltmp4:
0x80: {  	s31 =	sadd.s32 s6, s25;
	[tilespmem:s24+$0x6E70] =	vst v0;
	(pc) =	sbr.rel @p0 .LBB2_8-.Ltmp4, $4  }
0x81: {  	[hbm4b:s31+s2] =	stream.linear.scatter [tilespmem:s16], [sflag:$0x3], $0x2800, $0x38;
	[tilespmem:$0xBE00] =	vst v63  }
0x82: {  	_ =	swait.ge [sflag:s11], $0x2800  }
0x83: {  	[sflag:s11] =	ssyncset.done $0x0  }
0x84: {  	[sflag:s11] =	ssyncadd.s32 $0xFFFFD800  }
.Ltmp5:
0x85: {  	(pc) =	sbr.rel .LBB2_2-.Ltmp5, $4  }
0x86: {  	s24 =	sadd.s32 $0xF0, s23  }
0x87: {  	[tilespmem:s16], [sflag:$0x2] =	stream.indirect.gather [hbm4b:s4+s13], $0x80, s24, s13, $0xb8;
	[tilespmem:$0xBE00] =	vst v63  }
0x88: {  	s31 =	sadd.s32 $0xFF0, s23;
	s22 =	sadd.s32 $0x1, s22  }
0x89: {  	[tilespmem:s18], [sflag:$0x2] =	stream.indirect.gather [hbm4b:s5+s13], $0x80, s31, s13, $0xb8;
	[tilespmem:$0xBE00] =	vst v63  }
.LBB2_9:
0x8a: {  	_ =	sfence.sel $0x180000  }
0x8b: {  	[bflag:$0x0] =	sbarrier.arrive $0xFFFF  }
0x8c: {  	p0 =	sne.s32 s0, $0x0;
	_ =	strace $0x90000047  }
0x8d: {  	s0 =	sadd.s32 @!p0 $0x100000, s1;
	[bflag:$0x2] =	sbarrier.arrive $0xFFFF  }
0x8e: {  	[sflag:s0] =	ssyncadd.tile.s32 @!p0 $0x1;
	_ =	shalt  }
.Lfunc_end2:
_tile_overlayer_lowered:
.L_overlay_start_2:
0x8f: {  	(tag) =	ssettag $0x2  }
0x90: {  	s0 =	rddreg [dreg:$0x0];
	s2 =	stileid.u32  }
0x91: {  	s1 =	rddreg [dreg:$0x1];
	p0 =	sne.s32 s2, $0x0  }
0x92: {  	s3 =	rddreg [dreg:$0x2];
	[bflag:$0x3] =	sbarrier.arrive $0xFFFF;
	s2 =	simm.s32 @!p0 $0x1C03  }
0x93: {  	[timem:s3], [sflag:s2] =	dma.local @!p0 [hbm:s0], s1  }
0x94: {  	s0 =	simm.s32 @!p0 $0x3  }
0x95: {  	_ =	swait.ge @!p0 [sflag:s0], s1  }
0x96: {  	s1 =	ssub.s32 @!p0 $0x0, s1;
	[sflag:s0] =	ssyncset.done @!p0 $0x0  }
0x97: {  	[sflag:s0] =	ssyncadd.s32 @!p0 s1  }
0x98: {  	[bflag:$0x3] =	sbarrier.arrive $0xFFFF  }
0x99: {  	_ =	shalt  }

// kernel: kernel.19.cloned.1.call-start
scs
__scs_entry_jumppad:
0x0: {  	(pc) =	sbr.rel $0x88, $3  }
0x1: {  	(tag) =	ssettag $0x0;
	lr =	simm.s32 $0x1  }
0x2: {  	[smem:$0x3F7E] =	sst lr;
	_ =	strace $0xD0000000  }
0x3: {  	_ = 	snop  }
0x4: {  	_ = 	snop  }
0x5: {  	_ = 	snop  }
0x6: {  	_ = 	snop  }
0x7: {  	_ = 	snop  }
__scs_overlays_trampoline_lowered:
0x8: {  	[smem:$0x3F8D] =	sst s0  }
0x9: {  	[smem:$0x3F8E] =	sst s1  }
0xa: {  	[smem:$0x3F8F] =	sst s2  }
0xb: {  	[smem:$0x3F90] =	sst s3  }
0xc: {  	[smem:$0x3F91] =	sst s4  }
0xd: {  	[smem:$0x3F92] =	sst s5  }
0xe: {  	[smem:$0x3F93] =	sst s6  }
0xf: {  	[smem:$0x3F94] =	sst s7  }
0x10: {  	[smem:$0x3F95] =	sst s8  }
0x11: {  	[smem:$0x3F96] =	sst s9;
	s0 =	simm.s32 @!p0 $0x0  }
0x12: {  	s1 =	sld [smem:$0x3F7C];
	s0 =	simm.s32 @p0 $0x1  }
0x13: {  	[smem:$0x3F97] =	sst s0;
	s0 =	simm.s32 @!p1 $0x0  }
0x14: {  	s2 =	sld [smem:$0x3F7B];
	s0 =	simm.s32 @p1 $0x1  }
0x15: {  	[smem:$0x3F98] =	sst s0;
	s0 =	simm.s32 @!p2 $0x0  }
0x16: {  	s3 =	sld [smem:$0x3FDB];
	s0 =	simm.s32 @p2 $0x1  }
0x17: {  	s4 =	simm.s32 $0x1BF5;
	[smem:$0x3F9A] =	sst s0  }
0x18: {  	s0 =	sld [smem:$0x3F7D];
	_ =	swait.ge [sflag:s4], $0x0  }
0x19: {  	s7 =	sld [smem:$0x3F7E]  }
0x1a: {  	s8 =	sadd.s32 $0xFFFFE003, lr  }
0x1b: {  	s9 =	sadd.s32 $0xFFFFFEF7, lr;
	s5 =	simm.s32 $0xFFFFFFFF;
	p2 =	slt.u32 s8, $0xFFFFF086  }
0x1c: {  	p1 =	slt.u32 s9, $0xF7A;
	s5 =	simm.s32 @!p2 $0x0  }
0x1d: {  	s5 =	simm.s32 @p1 $0x1;
	p0 =	seq.s32 s7, s2  }
0x1e: {  	s7 =	smul.u32 @!p0 $0xF7A, s2;
	p2 =	seq.s32 @!p0 s5, $0x0  }
0x1f: {  	s9 =	smul.u32 $0xF7A, s1;
	s8 =	simm.s32 @!p0 $0x1BF5;
	p2 =	por !p2, p0  }
0x20: {  	[sflag:s8] =	ssyncset.s32 @!p0 $0xFFFFF086;
	s6 =	sadd.s32 @!p0 s3, s7;
	s7 =	simm.s32 @!p0 $0x108  }
0x21: {  	s3 =	sadd.s32 s3, s9;
	s6 =	sadd.s32 @!p0 $0x88, s6;
	s7 =	simm.s32 @p2 $0x1082  }
0x22: {  	[simem:s7], [sflag:s8] =	dma.local @!p0 [hbm:s6], $0xF7A  }
0x23: {  	s9 =	sor.u32 $0xD0000000, s2;
	s6 =	simm.s32 $0x108;
	_ =	swait.ge @!p0 [sflag:s8], $0x0  }
0x24: {  	s3 =	sadd.s32 $0x88, s3;
	s6 =	simm.s32 @!p1 $0x1082;
	[sflag:s4] =	ssyncset.s32 $0xFFFFF086  }
0x25: {  	[simem:s6], [sflag:s4] =	dma.local [hbm:s3], $0xF7A  }
0x26: {  	[smem:$0x3F7E] =	sst s1;
	(tag) =	ssettag s2;
	_ =	strace s9  }
0x27: {  	s1 =	sld [smem:$0x3F8E]  }
0x28: {  	s2 =	sld [smem:$0x3F8F]  }
0x29: {  	s4 =	sld [smem:$0x3F91]  }
0x2a: {  	p0 =	seq.s32 s5, $0x0;
	s5 =	sld [smem:$0x3F92]  }
0x2b: {  	s6 =	sld [smem:$0x3F93]  }
0x2c: {  	s7 =	sld [smem:$0x3F94]  }
0x2d: {  	s3 =	simm.s32 $0x108;
	s8 =	sld [smem:$0x3F95]  }
0x2e: {  	s3 =	simm.s32 @!p0 $0x1082;
	s9 =	sld [smem:$0x3F96]  }
0x2f: {  	lr =	sadd.s32 s0, s3;
	s0 =	sld [smem:$0x3F8D]  }
0x30: {  	s3 =	sld [smem:$0x3F90]  }
0x31: {  	[smem:$0x3F99] =	sst s10  }
0x32: {  	s10 =	sld [smem:$0x3F97];
	_ =	sdelay $0x3  }
0x33: {  	p0 =	seq.s32 s10, $0x1;
	s10 =	sld [smem:$0x3F99];
	_ =	sdelay $0x3  }
0x34: {  	[smem:$0x3F99] =	sst s10  }
0x35: {  	s10 =	sld [smem:$0x3F98];
	_ =	sdelay $0x3  }
0x36: {  	p1 =	seq.s32 s10, $0x1;
	s10 =	sld [smem:$0x3F99];
	_ =	sdelay $0x3  }
0x37: {  	[smem:$0x3F99] =	sst s10  }
0x38: {  	s10 =	sld [smem:$0x3F9A]  }
0x39: {  	_ = 	snop;
	(pc) =	sbr.ind lr, $3  }
0x3a: {  	_ = 	snop  }
0x3b: {  	_ = 	snop  }
0x3c: {  	p2 =	seq.s32 s10, $0x1;
	s10 =	sld [smem:$0x3F99]  }
0x3d: {  	_ =	shalt  }
0x3e: {  	_ =	shalt  }
0x3f: {  	_ =	shalt  }
0x40: {  	_ =	shalt  }
0x41: {  	_ =	shalt  }
0x42: {  	_ =	shalt  }
0x43: {  	_ =	shalt  }
0x44: {  	_ =	shalt  }
0x45: {  	_ =	shalt  }
0x46: {  	_ =	shalt  }
0x47: {  	_ =	shalt  }
0x48: {  	_ =	shalt  }
0x49: {  	_ =	shalt  }
0x4a: {  	_ =	shalt  }
0x4b: {  	_ =	shalt  }
0x4c: {  	_ =	shalt  }
0x4d: {  	_ =	shalt  }
0x4e: {  	_ =	shalt  }
0x4f: {  	_ =	shalt  }
0x50: {  	_ =	shalt  }
0x51: {  	_ =	shalt  }
0x52: {  	_ =	shalt  }
0x53: {  	_ =	shalt  }
0x54: {  	_ =	shalt  }
0x55: {  	_ =	shalt  }
0x56: {  	_ =	shalt  }
0x57: {  	_ =	shalt  }
0x58: {  	_ =	shalt  }
0x59: {  	_ =	shalt  }
0x5a: {  	_ =	shalt  }
0x5b: {  	_ =	shalt  }
0x5c: {  	_ =	shalt  }
0x5d: {  	_ =	shalt  }
0x5e: {  	_ =	shalt  }
0x5f: {  	_ =	shalt  }
0x60: {  	_ =	shalt  }
0x61: {  	_ =	shalt  }
0x62: {  	_ =	shalt  }
0x63: {  	_ =	shalt  }
0x64: {  	_ =	shalt  }
0x65: {  	_ =	shalt  }
0x66: {  	_ =	shalt  }
0x67: {  	_ =	shalt  }
0x68: {  	_ =	shalt  }
0x69: {  	_ =	shalt  }
0x6a: {  	_ =	shalt  }
0x6b: {  	_ =	shalt  }
0x6c: {  	_ =	shalt  }
0x6d: {  	_ =	shalt  }
0x6e: {  	_ =	shalt  }
0x6f: {  	_ =	shalt  }
0x70: {  	_ =	shalt  }
0x71: {  	_ =	shalt  }
0x72: {  	_ =	shalt  }
0x73: {  	_ =	shalt  }
0x74: {  	_ =	shalt  }
0x75: {  	_ =	shalt  }
0x76: {  	_ =	shalt  }
0x77: {  	_ =	shalt  }
0x78: {  	_ =	shalt  }
0x79: {  	_ =	shalt  }
0x7a: {  	_ =	shalt  }
0x7b: {  	_ =	shalt  }
0x7c: {  	_ =	shalt  }
0x7d: {  	_ =	shalt  }
0x7e: {  	_ =	shalt  }
0x7f: {  	_ =	shalt  }
0x80: {  	_ =	shalt  }
0x81: {  	_ =	shalt  }
0x82: {  	_ =	shalt  }
0x83: {  	_ =	shalt  }
0x84: {  	_ =	shalt  }
0x85: {  	_ =	shalt  }
0x86: {  	_ =	shalt  }
0x87: {  	_ =	shalt  }
.Lfunc_end0:
.L_simem_size_0:
called_computation.2_lowered:
.L_overlay_start_0:
0x88: {  	s2 =	sld [smem:$0x3FD9]  }
0x89: {  	s3 =	sld [smem:$0x3FFE];
	_ =	sdelay $0x1  }
0x8a: {  	s1 =	srdreg.scid  }
0x8b: {  	s0 =	sand.u32 $0x1, s1  }
0x8c: {  	s17 =	sshll.u32 s0, $0xA;
	s2 =	sadd.s32 s3, s2  }
0x8d: {  	s2 =	sadd.s32 s2, s17  }
0x8e: {  	[smem:$0x3FA5] =	sst s2  }
0x8f: {  	_ = 	snop  }
0x90: {  	s2 =	sld [smem:$0x3FD0];
	(tm) =	ssettm $0x1  }
0x91: {  	s18 =	sld [smem:$0x3FFB];
	_ =	sdelay $0x3  }
0x92: {  	_ =	strace s18  }
0x93: {  	s3 =	sld [smem:$0x3FFC];
	_ =	sdelay $0x3  }
0x94: {  	_ =	strace s3  }
0x95: {  	s3 =	sld [smem:$0x3FFD];
	_ =	sdelay $0x3  }
0x96: {  	_ =	strace s3  }
0x97: {  	_ =	strace $0x8FFFFFFF  }
0x98: {  	s19 =	sld [smem:$0x3FDB];
	_ =	sdelay $0x1  }
0x99: {  	s4 =	simm.s32 $_scs_section_size  }
0x9a: {  	s5 =	simm.s32 $_size__tile_overlayer_lowered;
	s6 =	simm.s32 $_tile_overlayer_lowered  }
0x9b: {  	s22 =	simm.s32 $0x1BFF;
	s21 =	sshll.u32 s6, $0x1;
	s3 =	sadd.s32 s4, s19  }
0x9c: {  	s7 =	simm.s32 $0x0;
	s20 =	sshll.u32 s5, $0x1;
	s5 =	sadd.s32 s21, s3  }
0x9d: {  	[timem:s7], [sflag:s22] =	dma.local [hbm:s5], s20  }
0x9e: {  	_ =	swait.ge [sflag:s22], s20  }
0x9f: {  	s4 =	ssub.s32 $0x0, s20;
	[sflag:s22] =	ssyncset.done $0x0  }
0xa0: {  	[sflag:s22] =	ssyncadd.s32 s4;
	_ =	sdelay $0x1  }
0xa1: {  	s23 =	simm.s32 $0x1B8B  }
0xa2: {  	_ =	swait.ge [sflag:s23], $0x1  }
0xa3: {  	[sflag:s23] =	ssyncset.done $0x0  }
0xa4: {  	s25 =	simm.s32 $0x1B8E;
	s24 =	sld [smem:$0x3FFE];
	[sflag:s23] =	ssyncadd.s32 $0xFFFFFFFF  }
0xa5: {  	s26 =	simm.s32 $execute0_lowered;
	[smem:$0x3FD2] =	sst s25  }
0xa6: {  	s5 =	sshll.u32 s26, $0x1;
	_ =	strace $0x8000004C;
	[dreg:$0x1] =	wrdreg $0xFFFFFFFF  }
0xa7: {  	s28 =	simm.s32 $_size_execute0_lowered;
	s3 =	sadd.s32 s3, s5;
	[dreg:$0x0] =	wrdreg $0x0  }
0xa8: {  	s5 =	sshll.u32 s28, $0x1;
	[dreg:$0x2] =	wrdreg s3  }
0xa9: {  	[dreg:$0x3] =	wrdreg s5  }
0xaa: {  	[dreg:$0x4] =	wrdreg $0xC0  }
0xab: {  	_ =	task [dreg:s7], $0x5FFFF  }
0xac: {  	[dreg:$0x1] =	wrdreg $0xFFFFFFFF  }
0xad: {  	[dreg:$0x0] =	wrdreg $0x60  }
0xae: {  	[dreg:$0x2] =	wrdreg s24  }
0xaf: {  	[dreg:$0x3] =	wrdreg s2  }
0xb0: {  	[dreg:$0x4] =	wrdreg $0x31100  }
0xb1: {  	[dreg:$0x5] =	wrdreg $0x9  }
0xb2: {  	_ =	task.clear_ibuf [dreg:s7], $0x6FFFF;
	_ =	strace $0x9000004C  }
0xb3: {  	s29 =	simm.s32 $0x9;
	_ =	strace $0x8000004E  }
0xb4: {  	_ =	swait.ge [sflag:s29], $0x1  }
0xb5: {  	[sflag:s29] =	ssyncadd.s32 $0xFFFFFFFF  }
0xb6: {  	_ =	strace $0x9000004E  }
0xb7: {  	_ =	sfence  }
0xb8: {  	s30 =	sld [smem:$0x0];
	_ =	sdelay $0x2  }
0xb9: {  	s31 =	sshll.u32 s1, $0xD;
	s1 =	sshrl.u32 s1, $0x2  }
0xba: {  	s3 =	sand.u32 $0x4000, s31;
	s1 =	sadd.s32 s1, s30  }
0xbb: {  	s0 =	sor.u32 s3, s0;
	s1 =	sshll.u32 s1, $0x11  }
0xbc: {  	s0 =	sor.u32 s1, s0  }
0xbd: {  	s0 =	sadd.s32 $0x8F2B, s0  }
0xbe: {  	[sflag:s0] =	ssyncadd.remote.s32 $0x1  }
0xbf: {  	_ =	sfence.sel $0xFFFF  }
0xc0: {  	[dreg:$0x0] =	wrdreg $0xFFFFFFFF;
	(pc) =	sbr.abs _section_cstart, $3  }
0xc1: {  	[dreg:$0x1] =	wrdreg $0xFFFFFFFF  }
0xc2: {  	_ =	task.clear_ibuf [dreg:s7], $0x2FFFF;
	_ =	strace $0x9FFFFFFF  }
0xc3: {  	(tm) =	ssettm $0x7FFFFFFF  }
tec
execute0_lowered:
.L_overlay_start_1:
0x0: {  	(tag) =	ssettag $0x1  }
0x1: {  	s15 =	stileid.u32  }
0x2: {  	s1 =	srdreg.scid;
	s25 =	smul.u32 $0x3020, s15  }
0x3: {  	s0 =	rddreg [dreg:$0x0];
	s1 =	sand.u32 $0x1, s1;
	s14 =	smul.u32 $0x1E00, s15  }
0x4: {  	s2 =	rddreg [dreg:$0x2];
	s3 =	simm.s32 $0x0;
	s5 =	smul.u32 $0x4E20, s1  }
0x5: {  	s18 =	simm.s32 $0x3;
	s4 =	sshll.u32 s15, $0x1;
	s26 =	smul.u32 $0x1810, s1  }
0x6: {  	s6 =	sor.u32 s1, s4;
	s7 =	ssub.s32 $0x2, s1;
	s1 =	smul.u32 $0xF00, s1  }
0x7: {  	s31 =	simm.s32 $0x2670;
	s12 =	sadd.s32 $0x7C8600, s0;
	s4 =	smul.u32 $0x302, s6  }
0x8: {  	[smem:$0x7FF] =	sst s3;
	s16 =	sadd.s32 $0x5E8600, s0;
	s8 =	smul.u32 $0xF00, s6  }
0x9: {  	s9 =	sadd.s32 $0x12000, s0;
	p0 =	sne.s32 s15, $0x0;
	s11 =	smul.u32 $0x18100, s6  }
0xa: {  	_ =	strace $0x8000004D;
	s17 =	sshrl.u32 @!p0 s2, $0x3;
	s20 =	smul.u32 $0xC0800, s6  }
0xb: {  	s10 =	sshrl.u32 s7, $0x1;
	s22 =	smul.u32 $0xF000, s6;
	s0 =	sadd.s32 s5, s0  }
0xc: {  	s13 =	ssub.s32 s7, s10;
	s28 =	sadd.s32 s26, s25;
	s1 =	sadd.s32 s1, s14  }
0xd: {  	s25 =	simm.s32 $0x50;
	s26 =	simm.s32 $0x2;
	s4 =	sadd.s32 s9, s4  }
0xe: {  	s21 =	sshrl.u32 s8, $0x3;
	s24 =	sshrl.u32 s20, $0x3;
	s6 =	sadd.s32 s12, s11  }
0xf: {  	s8 =	sadd.s32 s16, s22;
	s10 =	sadd.s32 $0x1BE00, s0;
	s29 =	sshll.u32 s28, $0x4  }
0x10: {  	s11 =	smax.u32 s13, $0x1;
	s1 =	sshll.u32 s1, $0x4;
	s20 =	simm.s32 $0x10  }
0x11: {  	s22 =	simm.s32 $0x2710;
	s23 =	sadd.s32 s9, s21;
	s7 =	sadd.s32 s12, s24  }
0x12: {  	s9 =	sadd.s32 $0x500, s8;
	s0 =	sadd.s32 s12, s29;
	s12 =	sadd.s32 $0x17C00, s6  }
0x13: {  	s30 =	sadd.s32 s1, s16;
	s21 =	simm.s32 $0x80;
	s24 =	simm.s32 $0x1  }
0x14: {  	s1 =	simm.s32 $0x0;
	s5 =	sadd.s32 $0x6040, s23;
	s7 =	sadd.s32 $0x500, s7  }
0x15: {  	s13 =	sadd.s32 $0xF00, s0;
	s14 =	sadd.s32 $0xA00, s0;
	s15 =	sadd.s32 $0xF00, s30  }
0x16: {  	s16 =	sadd.s32 $0xA00, s30;
	s23 =	simm.s32 $0x2C10;
	s0 =	simm.s32 $0x26C0  }
.LBB2_1:
0x17: {  	s19 =	simm.s32 @!p0 $0x1C03;
	s28 =	rddreg [dreg:$0x1]  }
0x18: {  	[spmem:s17], [sflag:s19] =	dma.local @!p0 [hbm:s28], $0x4E20  }
0x19: {  	s19 =	simm.s32 @!p0 $0x3  }
0x1a: {  	_ =	swait.ge @!p0 [sflag:s19], $0x4E20  }
0x1b: {  	[sflag:s19] =	ssyncset.done @!p0 $0x0  }
0x1c: {  	[sflag:s19] =	ssyncadd.s32 @!p0 $0xFFFFB1E0  }
0x1d: {  	[bflag:$0x0] =	sbarrier.arrive $0xFFFF  }
0x1e: {  	[tilespmem:s3], [sflag:$0x3] =	stream.linear.gather [hbm4b:s4+s3], $0x1810, $0x38;
	[tilespmem:$0x5820] =	vst v63  }
0x1f: {  	_ =	swait.ge [sflag:s18], $0x1810  }
0x20: {  	[sflag:s18] =	ssyncset.done $0x0  }
0x21: {  	s30 =	simm.s32 $0x1810;
	[sflag:s18] =	ssyncadd.s32 $0xFFFFE7F0  }
0x22: {  	[tilespmem:s30], [sflag:$0x3] =	stream.linear.gather [hbm4b:s5+s3], $0xF00, $0x38;
	[tilespmem:$0x5820] =	vst v63  }
0x23: {  	_ =	swait.ge [sflag:s18], $0xF00  }
0x24: {  	[sflag:s18] =	ssyncset.done $0x0  }
0x25: {  	[sflag:s18] =	ssyncadd.s32 $0xFFFFF100  }
0x26: {  	[tilespmem:s22], [sflag:$0x1] =	stream.strided.gather [hbm4b:s6+s20], $0x500, s21, s20, $0x38;
	[tilespmem:$0x5820] =	vst v63  }
0x27: {  	_ = 	snop  }
0x28: {  	[tilespmem:s23], [sflag:$0x2] =	stream.strided.gather [hbm4b:s7+s20], $0x500, s21, s20, $0x38;
	[tilespmem:$0x5820] =	vst v63  }
0x29: {  	_ =	swait.ge [sflag:s24], $0x500  }
0x2a: {  	[sflag:s24] =	ssyncset.done $0x0  }
0x2b: {  	s30 =	simm.s32 $0x0;
	[sflag:s24] =	ssyncadd.s32 $0xFFFFFB00  }
0x2c: {  	[spmem:s2] =	stream.indirect.scatter.add.f32 [tilespmem:s22], [sflag:$0x3], $0x10, s30, s25, $0xb8;
	[tilespmem:$0x5820] =	vst v63  }
0x2d: {  	_ =	swait.ge [sflag:s18], $0x500  }
0x2e: {  	[sflag:s18] =	ssyncset.done $0x0  }
0x2f: {  	s30 =	sadd.s32 $0x0, s14;
	[sflag:s18] =	ssyncadd.s32 $0xFFFFFB00  }
0x30: {  	[tilespmem:s22], [sflag:$0x1] =	stream.strided.gather [hbm4b:s30+s20], $0x500, s21, s20, $0x38;
	[tilespmem:$0x5820] =	vst v63  }
0x31: {  	_ =	swait.ge [sflag:s26], $0x500  }
0x32: {  	[sflag:s26] =	ssyncset.done $0x0  }
0x33: {  	[sflag:s26] =	ssyncadd.s32 $0xFFFFFB00  }
0x34: {  	[spmem:s2] =	stream.indirect.scatter.add.f32 [tilespmem:s23], [sflag:$0x3], $0x10, s25, s25, $0xb8;
	[tilespmem:$0x5820] =	vst v63  }
0x35: {  	_ =	swait.ge [sflag:s18], $0x500  }
0x36: {  	s29 =	sadd.s32 $0x0, s13;
	[sflag:s18] =	ssyncset.done $0x0  }
0x37: {  	s28 =	simm.s32 $0xF0;
	s19 =	simm.s32 $0xA00;
	[sflag:s18] =	ssyncadd.s32 $0xFFFFFB00  }
.LBB2_2:
0x38: {  	[tilespmem:s23], [sflag:$0x2] =	stream.strided.gather [hbm4b:s29+s20], $0x500, s21, s20, $0x38;
	[tilespmem:$0x5820] =	vst v63  }
0x39: {  	s29 =	smov.u32 s19  }
0x3a: {  	p1 =	sne.s32 s19, $0x16800;
	s19 =	sadd.s32 $0xA00, s19;
	_ =	swait.ge [sflag:s24], $0x500  }
0x3b: {  	[sflag:s24] =	ssyncset.done $0x0  }
0x3c: {  	s30 =	sadd.s32 $0xFFFFFFB0, s28;
	[sflag:s24] =	ssyncadd.s32 $0xFFFFFB00  }
0x3d: {  	[spmem:s2] =	stream.indirect.scatter.add.f32 [tilespmem:s22], [sflag:$0x3], $0x10, s30, s25, $0xb8;
	[tilespmem:$0x5820] =	vst v63  }
0x3e: {  	_ =	swait.ge [sflag:s18], $0x500  }
0x3f: {  	[sflag:s18] =	ssyncset.done $0x0  }
0x40: {  	s30 =	sadd.s32 s29, s14;
	[sflag:s18] =	ssyncadd.s32 $0xFFFFFB00  }
0x41: {  	[tilespmem:s22], [sflag:$0x1] =	stream.strided.gather [hbm4b:s30+s20], $0x500, s21, s20, $0x38;
	[tilespmem:$0x5820] =	vst v63  }
0x42: {  	_ =	swait.ge [sflag:s26], $0x500  }
0x43: {  	[sflag:s26] =	ssyncset.done $0x0  }
.Ltmp0:
0x44: {  	[sflag:s26] =	ssyncadd.s32 $0xFFFFFB00;
	(pc) =	sbr.rel @p1 .LBB2_2-.Ltmp0, $4  }
0x45: {  	[spmem:s2] =	stream.indirect.scatter.add.f32 [tilespmem:s23], [sflag:$0x3], $0x10, s28, s25, $0xb8;
	[tilespmem:$0x5820] =	vst v63  }
0x46: {  	_ =	swait.ge [sflag:s18], $0x500  }
0x47: {  	[sflag:s18] =	ssyncset.done $0x0  }
0x48: {  	s29 =	sadd.s32 s29, s13;
	s28 =	sadd.s32 $0xA0, s28;
	[sflag:s18] =	ssyncadd.s32 $0xFFFFFB00  }
0x49: {  	[tilespmem:s23], [sflag:$0x2] =	stream.strided.gather [hbm4b:s29+s20], $0x500, s21, s20, $0x38;
	[tilespmem:$0x5820] =	vst v63  }
0x4a: {  	_ =	swait.ge [sflag:s24], $0x500  }
0x4b: {  	[sflag:s24] =	ssyncset.done $0x0  }
0x4c: {  	s19 =	simm.s32 $0x1720;
	[sflag:s24] =	ssyncadd.s32 $0xFFFFFB00  }
0x4d: {  	[spmem:s2] =	stream.indirect.scatter.add.f32 [tilespmem:s22], [sflag:$0x3], $0x10, s19, s25, $0xb8;
	[tilespmem:$0x5820] =	vst v63  }
0x4e: {  	_ =	swait.ge [sflag:s18], $0x500  }
0x4f: {  	[sflag:s18] =	ssyncset.done $0x0  }
0x50: {  	[sflag:s18] =	ssyncadd.s32 $0xFFFFFB00  }
0x51: {  	[tilespmem:s22], [sflag:$0x1] =	stream.strided.gather [hbm4b:s12+s20], $0x500, s21, s20, $0x38;
	[tilespmem:$0x5820] =	vst v63  }
0x52: {  	_ =	swait.ge [sflag:s26], $0x500  }
0x53: {  	[sflag:s26] =	ssyncset.done $0x0  }
0x54: {  	s30 =	simm.s32 $0x1770;
	[sflag:s26] =	ssyncadd.s32 $0xFFFFFB00  }
0x55: {  	[spmem:s2] =	stream.indirect.scatter.add.f32 [tilespmem:s23], [sflag:$0x3], $0x10, s30, s25, $0xb8;
	[tilespmem:$0x5820] =	vst v63  }
0x56: {  	_ =	swait.ge [sflag:s18], $0x500  }
0x57: {  	[sflag:s18] =	ssyncset.done $0x0  }
0x58: {  	[sflag:s18] =	ssyncadd.s32 $0xFFFFFB00  }
0x59: {  	_ =	swait.ge [sflag:s24], $0x500  }
0x5a: {  	[sflag:s24] =	ssyncset.done $0x0  }
0x5b: {  	s30 =	simm.s32 $0x17C0;
	[sflag:s24] =	ssyncadd.s32 $0xFFFFFB00  }
0x5c: {  	[spmem:s2] =	stream.indirect.scatter.add.f32 [tilespmem:s22], [sflag:$0x3], $0x10, s30, s25, $0xb8;
	[tilespmem:$0x5820] =	vst v63  }
0x5d: {  	_ =	swait.ge [sflag:s18], $0x500  }
0x5e: {  	[sflag:s18] =	ssyncset.done $0x0  }
0x5f: {  	[sflag:s18] =	ssyncadd.s32 $0xFFFFFB00  }
0x60: {  	[tilespmem:s22], [sflag:$0x1] =	stream.strided.gather [hbm4b:s8+s20], $0x500, s21, s20, $0x38;
	[tilespmem:$0x5820] =	vst v63  }
0x61: {  	_ = 	snop  }
0x62: {  	[tilespmem:s23], [sflag:$0x2] =	stream.strided.gather [hbm4b:s9+s20], $0x500, s21, s20, $0x38;
	[tilespmem:$0x5820] =	vst v63  }
0x63: {  	_ =	swait.ge [sflag:s24], $0x500  }
0x64: {  	[sflag:s24] =	ssyncset.done $0x0  }
0x65: {  	s30 =	simm.s32 $0x1810;
	[sflag:s24] =	ssyncadd.s32 $0xFFFFFB00  }
0x66: {  	[spmem:s2] =	stream.indirect.scatter.add.f32 [tilespmem:s22], [sflag:$0x3], $0x10, s30, s25, $0xb8;
	[tilespmem:$0x5820] =	vst v63  }
0x67: {  	_ =	swait.ge [sflag:s18], $0x500  }
0x68: {  	[sflag:s18] =	ssyncset.done $0x0  }
0x69: {  	s30 =	sadd.s32 $0x0, s16;
	[sflag:s18] =	ssyncadd.s32 $0xFFFFFB00  }
0x6a: {  	[tilespmem:s22], [sflag:$0x1] =	stream.strided.gather [hbm4b:s30+s20], $0x500, s21, s20, $0x38;
	[tilespmem:$0x5820] =	vst v63  }
0x6b: {  	_ =	swait.ge [sflag:s26], $0x500  }
0x6c: {  	[sflag:s26] =	ssyncset.done $0x0  }
0x6d: {  	s30 =	simm.s32 $0x1860;
	[sflag:s26] =	ssyncadd.s32 $0xFFFFFB00  }
0x6e: {  	[spmem:s2] =	stream.indirect.scatter.add.f32 [tilespmem:s23], [sflag:$0x3], $0x10, s30, s25, $0xb8;
	[tilespmem:$0x5820] =	vst v63  }
0x6f: {  	_ =	swait.ge [sflag:s18], $0x500  }
0x70: {  	s29 =	sadd.s32 $0x0, s15;
	[sflag:s18] =	ssyncset.done $0x0  }
0x71: {  	s28 =	simm.s32 $0x1900;
	s19 =	simm.s32 $0xA00;
	[sflag:s18] =	ssyncadd.s32 $0xFFFFFB00  }
.LBB2_4:
0x72: {  	[tilespmem:s23], [sflag:$0x2] =	stream.strided.gather [hbm4b:s29+s20], $0x500, s21, s20, $0x38;
	[tilespmem:$0x5820] =	vst v63  }
0x73: {  	s29 =	smov.u32 s19  }
0x74: {  	p1 =	sne.s32 s19, $0xDC00;
	s19 =	sadd.s32 $0xA00, s19;
	_ =	swait.ge [sflag:s24], $0x500  }
0x75: {  	[sflag:s24] =	ssyncset.done $0x0  }
0x76: {  	s30 =	sadd.s32 $0xFFFFFFB0, s28;
	[sflag:s24] =	ssyncadd.s32 $0xFFFFFB00  }
0x77: {  	[spmem:s2] =	stream.indirect.scatter.add.f32 [tilespmem:s22], [sflag:$0x3], $0x10, s30, s25, $0xb8;
	[tilespmem:$0x5820] =	vst v63  }
0x78: {  	_ =	swait.ge [sflag:s18], $0x500  }
0x79: {  	[sflag:s18] =	ssyncset.done $0x0  }
0x7a: {  	s30 =	sadd.s32 s29, s16;
	[sflag:s18] =	ssyncadd.s32 $0xFFFFFB00  }
0x7b: {  	[tilespmem:s22], [sflag:$0x1] =	stream.strided.gather [hbm4b:s30+s20], $0x500, s21, s20, $0x38;
	[tilespmem:$0x5820] =	vst v63  }
0x7c: {  	_ =	swait.ge [sflag:s26], $0x500  }
0x7d: {  	[sflag:s26] =	ssyncset.done $0x0  }
.Ltmp1:
0x7e: {  	[sflag:s26] =	ssyncadd.s32 $0xFFFFFB00;
	(pc) =	sbr.rel @p1 .LBB2_4-.Ltmp1, $4  }
0x7f: {  	[spmem:s2] =	stream.indirect.scatter.add.f32 [tilespmem:s23], [sflag:$0x3], $0x10, s28, s25, $0xb8;
	[tilespmem:$0x5820] =	vst v63  }
0x80: {  	_ =	swait.ge [sflag:s18], $0x500  }
0x81: {  	[sflag:s18] =	ssyncset.done $0x0  }
0x82: {  	s29 =	sadd.s32 s29, s15;
	s28 =	sadd.s32 $0xA0, s28;
	[sflag:s18] =	ssyncadd.s32 $0xFFFFFB00  }
0x83: {  	[tilespmem:s23], [sflag:$0x2] =	stream.strided.gather [hbm4b:s29+s20], $0x500, s21, s20, $0x38;
	[tilespmem:$0x5820] =	vst v63  }
0x84: {  	_ =	swait.ge [sflag:s24], $0x500  }
0x85: {  	[sflag:s24] =	ssyncset.done $0x0  }
0x86: {  	[sflag:s24] =	ssyncadd.s32 $0xFFFFFB00  }
0x87: {  	[spmem:s2] =	stream.indirect.scatter.add.f32 [tilespmem:s22], [sflag:$0x3], $0x10, s31, s25, $0xb8;
	[tilespmem:$0x5820] =	vst v63  }
0x88: {  	_ =	swait.ge [sflag:s18], $0x500  }
0x89: {  	[sflag:s18] =	ssyncset.done $0x0  }
0x8a: {  	[sflag:s18] =	ssyncadd.s32 $0xFFFFFB00  }
0x8b: {  	_ =	swait.ge [sflag:s26], $0x500  }
0x8c: {  	[sflag:s26] =	ssyncset.done $0x0  }
0x8d: {  	[sflag:s26] =	ssyncadd.s32 $0xFFFFFB00  }
0x8e: {  	[spmem:s2] =	stream.indirect.scatter.add.f32 [tilespmem:s23], [sflag:$0x3], $0x10, s0, s25, $0xb8;
	[tilespmem:$0x5820] =	vst v63  }
0x8f: {  	_ =	swait.ge [sflag:s18], $0x500  }
0x90: {  	[sflag:s18] =	ssyncset.done $0x0  }
0x91: {  	s1 =	sadd.s32 $0x1, s1;
	[sflag:s18] =	ssyncadd.s32 $0xFFFFFB00  }
0x92: {  	s19 =	simm.s32 @!p0 $0x1C03;
	p1 =	sne.s32 s1, s11;
	[bflag:$0x0] =	sbarrier.arrive $0xFFFF  }
0x93: {  	[hbm:s10], [sflag:s19] =	dma.local @!p0 [spmem:s17], $0x4E20  }
.Ltmp2:
0x94: {  	_ = 	snop;
	(pc) =	sbr.rel @p1 .LBB2_1-.Ltmp2, $4  }
0x95: {  	s19 =	simm.s32 @!p0 $0x3  }
0x96: {  	_ =	swait.ge @!p0 [sflag:s19], $0x4E20  }
0x97: {  	[sflag:s19] =	ssyncset.done @!p0 $0x0  }
0x98: {  	[sflag:s19] =	ssyncadd.s32 @!p0 $0xFFFFB1E0  }
0x99: {  	_ =	sfence.sel $0x180000  }
0x9a: {  	[bflag:$0x0] =	sbarrier.arrive $0xFFFF  }
0x9b: {  	_ =	strace $0x9000004D  }
0x9c: {  	[bflag:$0x2] =	sbarrier.arrive $0xFFFF  }
0x9d: {  	s0 =	rddreg [dreg:$0x3]  }
0x9e: {  	s0 =	sadd.s32 @!p0 $0x100000, s0  }
0x9f: {  	[sflag:s0] =	ssyncadd.tile.s32 @!p0 $0x1;
	_ =	shalt  }
.Lfunc_end2:
_tile_overlayer_lowered:
.L_overlay_start_2:
0xa0: {  	(tag) =	ssettag $0x2  }
0xa1: {  	s0 =	rddreg [dreg:$0x0];
	s2 =	stileid.u32  }
0xa2: {  	s1 =	rddreg [dreg:$0x1];
	p0 =	sne.s32 s2, $0x0  }
0xa3: {  	s3 =	rddreg [dreg:$0x2];
	[bflag:$0x3] =	sbarrier.arrive $0xFFFF;
	s2 =	simm.s32 @!p0 $0x1C03  }
0xa4: {  	[timem:s3], [sflag:s2] =	dma.local @!p0 [hbm:s0], s1  }
0xa5: {  	s0 =	simm.s32 @!p0 $0x3  }
0xa6: {  	_ =	swait.ge @!p0 [sflag:s0], s1  }
0xa7: {  	s1 =	ssub.s32 @!p0 $0x0, s1;
	[sflag:s0] =	ssyncset.done @!p0 $0x0  }
0xa8: {  	[sflag:s0] =	ssyncadd.s32 @!p0 s1  }
0xa9: {  	[bflag:$0x3] =	sbarrier.arrive $0xFFFF  }
0xaa: {  	_ =	shalt  }

// kernel: kernel.22.cloned.1.call-start
scs
__scs_entry_jumppad:
0x0: {  	(pc) =	sbr.rel $0x88, $3  }
0x1: {  	(tag) =	ssettag $0x0;
	lr =	simm.s32 $0x1  }
0x2: {  	[smem:$0x3F7E] =	sst lr;
	_ =	strace $0xD0000000  }
0x3: {  	_ = 	snop  }
0x4: {  	_ = 	snop  }
0x5: {  	_ = 	snop  }
0x6: {  	_ = 	snop  }
0x7: {  	_ = 	snop  }
__scs_overlays_trampoline_lowered:
0x8: {  	[smem:$0x3F8D] =	sst s0  }
0x9: {  	[smem:$0x3F8E] =	sst s1  }
0xa: {  	[smem:$0x3F8F] =	sst s2  }
0xb: {  	[smem:$0x3F90] =	sst s3  }
0xc: {  	[smem:$0x3F91] =	sst s4  }
0xd: {  	[smem:$0x3F92] =	sst s5  }
0xe: {  	[smem:$0x3F93] =	sst s6  }
0xf: {  	[smem:$0x3F94] =	sst s7  }
0x10: {  	[smem:$0x3F95] =	sst s8  }
0x11: {  	[smem:$0x3F96] =	sst s9;
	s0 =	simm.s32 @!p0 $0x0  }
0x12: {  	s1 =	sld [smem:$0x3F7C];
	s0 =	simm.s32 @p0 $0x1  }
0x13: {  	[smem:$0x3F97] =	sst s0;
	s0 =	simm.s32 @!p1 $0x0  }
0x14: {  	s2 =	sld [smem:$0x3F7B];
	s0 =	simm.s32 @p1 $0x1  }
0x15: {  	[smem:$0x3F98] =	sst s0;
	s0 =	simm.s32 @!p2 $0x0  }
0x16: {  	s3 =	sld [smem:$0x3FDB];
	s0 =	simm.s32 @p2 $0x1  }
0x17: {  	s4 =	simm.s32 $0x1BF5;
	[smem:$0x3F9A] =	sst s0  }
0x18: {  	s0 =	sld [smem:$0x3F7D];
	_ =	swait.ge [sflag:s4], $0x0  }
0x19: {  	s7 =	sld [smem:$0x3F7E]  }
0x1a: {  	s8 =	sadd.s32 $0xFFFFE003, lr  }
0x1b: {  	s9 =	sadd.s32 $0xFFFFFEF7, lr;
	s5 =	simm.s32 $0xFFFFFFFF;
	p2 =	slt.u32 s8, $0xFFFFF086  }
0x1c: {  	p1 =	slt.u32 s9, $0xF7A;
	s5 =	simm.s32 @!p2 $0x0  }
0x1d: {  	s5 =	simm.s32 @p1 $0x1;
	p0 =	seq.s32 s7, s2  }
0x1e: {  	s7 =	smul.u32 @!p0 $0xF7A, s2;
	p2 =	seq.s32 @!p0 s5, $0x0  }
0x1f: {  	s9 =	smul.u32 $0xF7A, s1;
	s8 =	simm.s32 @!p0 $0x1BF5;
	p2 =	por !p2, p0  }
0x20: {  	[sflag:s8] =	ssyncset.s32 @!p0 $0xFFFFF086;
	s6 =	sadd.s32 @!p0 s3, s7;
	s7 =	simm.s32 @!p0 $0x108  }
0x21: {  	s3 =	sadd.s32 s3, s9;
	s6 =	sadd.s32 @!p0 $0x88, s6;
	s7 =	simm.s32 @p2 $0x1082  }
0x22: {  	[simem:s7], [sflag:s8] =	dma.local @!p0 [hbm:s6], $0xF7A  }
0x23: {  	s9 =	sor.u32 $0xD0000000, s2;
	s6 =	simm.s32 $0x108;
	_ =	swait.ge @!p0 [sflag:s8], $0x0  }
0x24: {  	s3 =	sadd.s32 $0x88, s3;
	s6 =	simm.s32 @!p1 $0x1082;
	[sflag:s4] =	ssyncset.s32 $0xFFFFF086  }
0x25: {  	[simem:s6], [sflag:s4] =	dma.local [hbm:s3], $0xF7A  }
0x26: {  	[smem:$0x3F7E] =	sst s1;
	(tag) =	ssettag s2;
	_ =	strace s9  }
0x27: {  	s1 =	sld [smem:$0x3F8E]  }
0x28: {  	s2 =	sld [smem:$0x3F8F]  }
0x29: {  	s4 =	sld [smem:$0x3F91]  }
0x2a: {  	p0 =	seq.s32 s5, $0x0;
	s5 =	sld [smem:$0x3F92]  }
0x2b: {  	s6 =	sld [smem:$0x3F93]  }
0x2c: {  	s7 =	sld [smem:$0x3F94]  }
0x2d: {  	s3 =	simm.s32 $0x108;
	s8 =	sld [smem:$0x3F95]  }
0x2e: {  	s3 =	simm.s32 @!p0 $0x1082;
	s9 =	sld [smem:$0x3F96]  }
0x2f: {  	lr =	sadd.s32 s0, s3;
	s0 =	sld [smem:$0x3F8D]  }
0x30: {  	s3 =	sld [smem:$0x3F90]  }
0x31: {  	[smem:$0x3F99] =	sst s10  }
0x32: {  	s10 =	sld [smem:$0x3F97];
	_ =	sdelay $0x3  }
0x33: {  	p0 =	seq.s32 s10, $0x1;
	s10 =	sld [smem:$0x3F99];
	_ =	sdelay $0x3  }
0x34: {  	[smem:$0x3F99] =	sst s10  }
0x35: {  	s10 =	sld [smem:$0x3F98];
	_ =	sdelay $0x3  }
0x36: {  	p1 =	seq.s32 s10, $0x1;
	s10 =	sld [smem:$0x3F99];
	_ =	sdelay $0x3  }
0x37: {  	[smem:$0x3F99] =	sst s10  }
0x38: {  	s10 =	sld [smem:$0x3F9A]  }
0x39: {  	_ = 	snop;
	(pc) =	sbr.ind lr, $3  }
0x3a: {  	_ = 	snop  }
0x3b: {  	_ = 	snop  }
0x3c: {  	p2 =	seq.s32 s10, $0x1;
	s10 =	sld [smem:$0x3F99]  }
0x3d: {  	_ =	shalt  }
0x3e: {  	_ =	shalt  }
0x3f: {  	_ =	shalt  }
0x40: {  	_ =	shalt  }
0x41: {  	_ =	shalt  }
0x42: {  	_ =	shalt  }
0x43: {  	_ =	shalt  }
0x44: {  	_ =	shalt  }
0x45: {  	_ =	shalt  }
0x46: {  	_ =	shalt  }
0x47: {  	_ =	shalt  }
0x48: {  	_ =	shalt  }
0x49: {  	_ =	shalt  }
0x4a: {  	_ =	shalt  }
0x4b: {  	_ =	shalt  }
0x4c: {  	_ =	shalt  }
0x4d: {  	_ =	shalt  }
0x4e: {  	_ =	shalt  }
0x4f: {  	_ =	shalt  }
0x50: {  	_ =	shalt  }
0x51: {  	_ =	shalt  }
0x52: {  	_ =	shalt  }
0x53: {  	_ =	shalt  }
0x54: {  	_ =	shalt  }
0x55: {  	_ =	shalt  }
0x56: {  	_ =	shalt  }
0x57: {  	_ =	shalt  }
0x58: {  	_ =	shalt  }
0x59: {  	_ =	shalt  }
0x5a: {  	_ =	shalt  }
0x5b: {  	_ =	shalt  }
0x5c: {  	_ =	shalt  }
0x5d: {  	_ =	shalt  }
0x5e: {  	_ =	shalt  }
0x5f: {  	_ =	shalt  }
0x60: {  	_ =	shalt  }
0x61: {  	_ =	shalt  }
0x62: {  	_ =	shalt  }
0x63: {  	_ =	shalt  }
0x64: {  	_ =	shalt  }
0x65: {  	_ =	shalt  }
0x66: {  	_ =	shalt  }
0x67: {  	_ =	shalt  }
0x68: {  	_ =	shalt  }
0x69: {  	_ =	shalt  }
0x6a: {  	_ =	shalt  }
0x6b: {  	_ =	shalt  }
0x6c: {  	_ =	shalt  }
0x6d: {  	_ =	shalt  }
0x6e: {  	_ =	shalt  }
0x6f: {  	_ =	shalt  }
0x70: {  	_ =	shalt  }
0x71: {  	_ =	shalt  }
0x72: {  	_ =	shalt  }
0x73: {  	_ =	shalt  }
0x74: {  	_ =	shalt  }
0x75: {  	_ =	shalt  }
0x76: {  	_ =	shalt  }
0x77: {  	_ =	shalt  }
0x78: {  	_ =	shalt  }
0x79: {  	_ =	shalt  }
0x7a: {  	_ =	shalt  }
0x7b: {  	_ =	shalt  }
0x7c: {  	_ =	shalt  }
0x7d: {  	_ =	shalt  }
0x7e: {  	_ =	shalt  }
0x7f: {  	_ =	shalt  }
0x80: {  	_ =	shalt  }
0x81: {  	_ =	shalt  }
0x82: {  	_ =	shalt  }
0x83: {  	_ =	shalt  }
0x84: {  	_ =	shalt  }
0x85: {  	_ =	shalt  }
0x86: {  	_ =	shalt  }
0x87: {  	_ =	shalt  }
.Lfunc_end0:
.L_simem_size_0:
called_computation.3_lowered:
.L_overlay_start_0:
0x88: {  	s2 =	sld [smem:$0x3FD9]  }
0x89: {  	s3 =	sld [smem:$0x3FFE];
	_ =	sdelay $0x1  }
0x8a: {  	s1 =	srdreg.scid  }
0x8b: {  	s0 =	sand.u32 $0x1, s1  }
0x8c: {  	s17 =	sshll.u32 s0, $0xA;
	s2 =	sadd.s32 s3, s2  }
0x8d: {  	s2 =	sadd.s32 s2, s17  }
0x8e: {  	[smem:$0x3FA5] =	sst s2  }
0x8f: {  	_ = 	snop  }
0x90: {  	(tm) =	ssettm $0x1  }
0x91: {  	s18 =	sld [smem:$0x3FFB];
	_ =	sdelay $0x3  }
0x92: {  	_ =	strace s18  }
0x93: {  	s2 =	sld [smem:$0x3FFC];
	_ =	sdelay $0x3  }
0x94: {  	_ =	strace s2  }
0x95: {  	s2 =	sld [smem:$0x3FFD];
	_ =	sdelay $0x3  }
0x96: {  	_ =	strace s2  }
0x97: {  	_ =	strace $0x8FFFFFFF  }
0x98: {  	s19 =	sld [smem:$0x3FDB];
	_ =	sdelay $0x1  }
0x99: {  	s20 =	simm.s32 $_scs_section_size  }
0x9a: {  	s4 =	simm.s32 $_size__tile_overlayer_lowered;
	s5 =	simm.s32 $_tile_overlayer_lowered  }
0x9b: {  	s6 =	simm.s32 $0x1BFF;
	s21 =	sshll.u32 s5, $0x1;
	s3 =	sadd.s32 s20, s19  }
0x9c: {  	s22 =	simm.s32 $0x0;
	s4 =	sshll.u32 s4, $0x1;
	s5 =	sadd.s32 s21, s3  }
0x9d: {  	[timem:s22], [sflag:s6] =	dma.local [hbm:s5], s4  }
0x9e: {  	_ =	swait.ge [sflag:s6], s4  }
0x9f: {  	s4 =	ssub.s32 $0x0, s4;
	[sflag:s6] =	ssyncset.done $0x0  }
0xa0: {  	[sflag:s6] =	ssyncadd.s32 s4;
	_ =	sdelay $0x1  }
0xa1: {  	s23 =	simm.s32 $0x1B8B  }
0xa2: {  	_ =	swait.ge [sflag:s23], $0x1  }
0xa3: {  	[sflag:s23] =	ssyncset.done $0x0  }
0xa4: {  	[sflag:s23] =	ssyncadd.s32 $0xFFFFFFFF  }
0xa5: {  	s4 =	sld [smem:$0x0]  }
0xa6: {  	s5 =	sand.u32 $0xFFFFFFFE, s1  }
0xa7: {  	p0 =	sne.s32 s1, s5  }
0xa8: {  	s5 =	sshll.u32 @p0 s5, $0xE  }
0xa9: {  	s5 =	sadd.s32 @p0 $0x11B8D, s5;
	s6 =	sshll.u32 @p0 s4, $0x11  }
0xaa: {  	s5 =	sor.u32 @p0 s6, s5  }
0xab: {  	[sflag:s5] =	ssyncadd.remote.s32 @p0 $0x1;
	_ =	sdelay $0x1  }
0xac: {  	s5 =	simm.s32 @p0 $0x1B8D  }
0xad: {  	_ =	swait.eq @p0 [sflag:s5], $0x1  }
0xae: {  	[sflag:s5] =	ssyncadd.s32 @p0 $0xFFFFFFFF  }
0xaf: {  	s6 =	sshll.u32 @!p0 s1, $0xE  }
0xb0: {  	s6 =	sor.u32 @!p0 $0x4000, s6;
	s5 =	simm.s32 @!p0 $0x1B8D  }
0xb1: {  	s4 =	sshll.u32 @!p0 s4, $0x11;
	s6 =	sadd.s32 @!p0 $0x11B8D, s6;
	_ =	swait.eq @!p0 [sflag:s5], $0x1  }
0xb2: {  	s4 =	sor.u32 @!p0 s4, s6;
	[sflag:s5] =	ssyncadd.s32 @!p0 $0xFFFFFFFF  }
0xb3: {  	s25 =	simm.s32 $0x1B8E;
	s24 =	sld [smem:$0x3FFE];
	[sflag:s4] =	ssyncadd.remote.s32 @!p0 $0x1  }
0xb4: {  	s26 =	simm.s32 $execute0_lowered;
	[smem:$0x3FD2] =	sst s25  }
0xb5: {  	s5 =	sshll.u32 s26, $0x1;
	_ =	strace $0x80000052;
	[dreg:$0x1] =	wrdreg $0xFFFFFFFF  }
0xb6: {  	s28 =	simm.s32 $_size_execute0_lowered;
	s3 =	sadd.s32 s3, s5;
	[dreg:$0x0] =	wrdreg $0x0  }
0xb7: {  	s5 =	sshll.u32 s28, $0x1;
	[dreg:$0x2] =	wrdreg s3  }
0xb8: {  	[dreg:$0x3] =	wrdreg s5  }
0xb9: {  	[dreg:$0x4] =	wrdreg $0xC0  }
0xba: {  	_ =	task [dreg:s22], $0x5FFFF  }
0xbb: {  	[dreg:$0x1] =	wrdreg $0xFFFFFFFF  }
0xbc: {  	[dreg:$0x0] =	wrdreg $0x60  }
0xbd: {  	[dreg:$0x2] =	wrdreg s24  }
0xbe: {  	[dreg:$0x3] =	wrdreg $0x9  }
0xbf: {  	_ =	task.clear_ibuf [dreg:s22], $0x4FFFF;
	_ =	strace $0x90000052  }
0xc0: {  	s29 =	simm.s32 $0x9;
	_ =	strace $0x80000054  }
0xc1: {  	_ =	swait.ge [sflag:s29], $0x1  }
0xc2: {  	[sflag:s29] =	ssyncadd.s32 $0xFFFFFFFF  }
0xc3: {  	_ =	strace $0x90000054  }
0xc4: {  	_ =	sfence  }
0xc5: {  	s30 =	sld [smem:$0x0];
	_ =	sdelay $0x2  }
0xc6: {  	s31 =	sshll.u32 s1, $0xD;
	s1 =	sshrl.u32 s1, $0x2  }
0xc7: {  	s4 =	sand.u32 $0x4000, s31;
	s1 =	sadd.s32 s1, s30  }
0xc8: {  	s0 =	sor.u32 s4, s0;
	s1 =	sshll.u32 s1, $0x11  }
0xc9: {  	s0 =	sor.u32 s1, s0  }
0xca: {  	s0 =	sadd.s32 $0x8F2B, s0  }
0xcb: {  	[sflag:s0] =	ssyncadd.remote.s32 $0x1  }
0xcc: {  	_ =	sfence.sel $0xFFFF  }
0xcd: {  	[dreg:$0x0] =	wrdreg $0xFFFFFFFF;
	(pc) =	sbr.abs _section_cstart, $3  }
0xce: {  	[dreg:$0x1] =	wrdreg $0xFFFFFFFF  }
0xcf: {  	_ =	task.clear_ibuf [dreg:s22], $0x2FFFF;
	_ =	strace $0x9FFFFFFF  }
0xd0: {  	(tm) =	ssettm $0x7FFFFFFF  }
0xd1: {  	_ =	shalt  }
tec
execute0_lowered:
.L_overlay_start_1:
0x0: {  	(tag) =	ssettag $0x1  }
0x1: {  	s5 =	rddreg [dreg:$0x0]  }
0x2: {  	s0 =	rddreg [dreg:$0x1]  }
0x3: {  	s3 =	srdreg.scid;
	s1 =	stileid.u32;
	s2 =	simm.s32 $0x0  }
0x4: {  	s12 =	simm.s32 $0x3;
	s13 =	simm.s32 $0x1810;
	s14 =	simm.s32 $0x50  }
0x5: {  	s15 =	simm.s32 $0x3020;
	s16 =	simm.s32 $0x5820;
	s17 =	simm.s32 $0x8020  }
0x6: {  	s18 =	simm.s32 $0x1860;
	s19 =	simm.s32 $0xA820;
	s20 =	simm.s32 $0x1  }
0x7: {  	s21 =	simm.s32 $0x2;
	s6 =	sand.u32 $0x1, s3;
	s30 =	sshll.u32 s1, $0x1  }
0x8: {  	s22 =	simm.s32 $0x0;
	[smem:$0x7FF] =	sst s2;
	s7 =	sor.u32 s6, s30  }
0x9: {  	s3 =	sadd.s32 $0x1BE00, s5;
	s10 =	ssub.s32 $0x2, s6;
	s8 =	smul.u32 $0x302, s7  }
0xa: {  	s4 =	sadd.s32 $0x43000, s5;
	s9 =	smul.u32 $0xC0800, s7;
	s11 =	sshrl.u32 s10, $0x1  }
0xb: {  	_ =	strace $0x80000053;
	s6 =	smul.u32 $0x1810, s7;
	s11 =	ssub.s32 s10, s11  }
0xc: {  	s8 =	sadd.s32 s8, s5;
	s5 =	sadd.s32 $0x24A200, s5;
	s9 =	sshrl.u32 s9, $0x3  }
0xd: {  	s11 =	smax.u32 s11, $0x1;
	s7 =	sadd.s32 $0x12000, s8;
	s31 =	sadd.s32 s5, s9  }
0xe: {  	s8 =	sadd.s32 $0x8200, s8;
	s9 =	sadd.s32 $0x50, s6;
	s10 =	sadd.s32 $0x17C00, s31  }
.LBB2_1:
0xf: {  	[tilespmem:s2], [sflag:$0x3] =	stream.linear.gather [hbm4b:s7+s2], $0x1810, $0x38;
	[tilespmem:$0xD020] =	vst v63  }
0x10: {  	_ =	swait.ge [sflag:s12], $0x1810  }
0x11: {  	[sflag:s12] =	ssyncset.done $0x0  }
0x12: {  	[sflag:s12] =	ssyncadd.s32 $0xFFFFE7F0  }
0x13: {  	[tilespmem:s13], [sflag:$0x3] =	stream.linear.gather [hbm4b:s8+s2], $0x1810, $0x38;
	[tilespmem:$0xD020] =	vst v63  }
0x14: {  	_ =	swait.ge [sflag:s12], $0x1810  }
0x15: {  	[sflag:s12] =	ssyncset.done $0x0  }
0x16: {  	[sflag:s12] =	ssyncadd.s32 $0xFFFFE7F0  }
0x17: {  	[tilespmem:s15], [sflag:$0x1] =	stream.indirect.gather [hbm4b:s3+s14], $0x80, s2, s14, $0xb8;
	[tilespmem:$0xD020] =	vst v63  }
0x18: {  	_ = 	snop  }
0x19: {  	[tilespmem:s16], [sflag:$0x1] =	stream.indirect.gather [hbm4b:s4+s14], $0x80, s13, s14, $0xb8;
	[tilespmem:$0xD020] =	vst v63  }
0x1a: {  	_ = 	snop  }
0x1b: {  	[tilespmem:s17], [sflag:$0x2] =	stream.indirect.gather [hbm4b:s3+s14], $0x80, s14, s14, $0xb8;
	[tilespmem:$0xD020] =	vst v63  }
0x1c: {  	s23 =	simm.s32 $0x0  }
0x1d: {  	[tilespmem:s19], [sflag:$0x2] =	stream.indirect.gather [hbm4b:s4+s14], $0x80, s18, s14, $0xb8;
	[tilespmem:$0xD020] =	vst v63  }
.LBB2_2:
0x1e: {  	_ =	swait.ge [sflag:s20], $0x2800  }
0x1f: {  	[sflag:s20] =	ssyncset.done $0x0  }
0x20: {  	[sflag:s20] =	ssyncadd.s32 $0xFFFFD800  }
0x21: {  	_ =	swait.ge [sflag:s20], $0x2800  }
0x22: {  	[sflag:s20] =	ssyncset.done $0x0  }
0x23: {  	s25 =	simm.s32 $0x0;
	[sflag:s20] =	ssyncadd.s32 $0xFFFFD800  }
0x24: {  	v6 =	vld [tilespmem:s25+$0x5820]  }
0x25: {  	v11 =	vld [tilespmem:s25+$0x5830]  }
0x26: {  	v5 =	vld [tilespmem:s25+$0x5840]  }
0x27: {  	v4 =	vld [tilespmem:s25+$0x5850]  }
0x28: {  	v3 =	vld [tilespmem:s25+$0x5860]  }
0x29: {  	v2 =	vld [tilespmem:s25+$0x5870]  }
0x2a: {  	v1 =	vld [tilespmem:s25+$0x5880]  }
0x2b: {  	v0 =	vld [tilespmem:s25+$0x5890]  }
0x2c: {  	v12 =	vld [tilespmem:s25+$0x3020]  }
0x2d: {  	v13 =	vld [tilespmem:s25+$0x3030]  }
0x2e: {  	v10 =	vld [tilespmem:s25+$0x3040]  }
0x2f: {  	v9 =	vld [tilespmem:s25+$0x3050]  }
0x30: {  	v8 =	vld [tilespmem:s25+$0x3060]  }
0x31: {  	v7 =	vld [tilespmem:s25+$0x3070];
	v12 =	vadd.f32 v6, v12  }
0x32: {  	s24 =	simm.s32 $0x200;
	v11 =	vadd.f32 v11, v13;
	v6 =	vld [tilespmem:s25+$0x3080]  }
.LBB2_3:
0x33: {  	s26 =	sshra.s32 s24, $0x2;
	p0 =	sne.s32 s24, $0x9E00;
	[tilespmem:s25+$0x3020] =	vst v12;
	v5 =	vadd.f32 v5, v10;
	v10 =	vld [tilespmem:s25+$0x3090]  }
0x34: {  	v12 =	vld [tilespmem:s26+$0x5820];
	[tilespmem:s25+$0x3030] =	vst v11;
	v4 =	vadd.f32 v4, v9  }
0x35: {  	v11 =	vld [tilespmem:s26+$0x5830];
	[tilespmem:s25+$0x3040] =	vst v5;
	v3 =	vadd.f32 v3, v8  }
0x36: {  	v5 =	vld [tilespmem:s26+$0x5840];
	[tilespmem:s25+$0x3050] =	vst v4;
	v2 =	vadd.f32 v2, v7  }
0x37: {  	v4 =	vld [tilespmem:s26+$0x5850];
	[tilespmem:s25+$0x3060] =	vst v3;
	v1 =	vadd.f32 v1, v6  }
0x38: {  	v3 =	vld [tilespmem:s26+$0x5860];
	[tilespmem:s25+$0x3070] =	vst v2;
	v0 =	vadd.f32 v0, v10  }
0x39: {  	v2 =	vld [tilespmem:s26+$0x5870];
	[tilespmem:s25+$0x3080] =	vst v1  }
0x3a: {  	v1 =	vld [tilespmem:s26+$0x5880];
	[tilespmem:s25+$0x3090] =	vst v0;
	s25 =	smov.u32 s26  }
0x3b: {  	v0 =	vld [tilespmem:s25+$0x5890]  }
0x3c: {  	v6 =	vld [tilespmem:s25+$0x3020]  }
0x3d: {  	v13 =	vld [tilespmem:s25+$0x3030]  }
.Ltmp0:
0x3e: {  	v10 =	vld [tilespmem:s25+$0x3040];
	(pc) =	sbr.rel @p0 .LBB2_3-.Ltmp0, $4  }
0x3f: {  	v9 =	vld [tilespmem:s25+$0x3050]  }
0x40: {  	v8 =	vld [tilespmem:s25+$0x3060]  }
0x41: {  	v12 =	vadd.f32 v12, v6;
	v7 =	vld [tilespmem:s25+$0x3070]  }
0x42: {  	s24 =	sadd.s32 $0x200, s24;
	v11 =	vadd.f32 v11, v13;
	v6 =	vld [tilespmem:s25+$0x3080]  }
0x43: {  	[tilespmem:s25+$0x3020] =	vst v12;
	v5 =	vadd.f32 v5, v10;
	v10 =	vld [tilespmem:s25+$0x3090]  }
0x44: {  	[tilespmem:s25+$0x3030] =	vst v11;
	v4 =	vadd.f32 v4, v9  }
0x45: {  	[tilespmem:s25+$0x3040] =	vst v5;
	v3 =	vadd.f32 v3, v8  }
0x46: {  	s24 =	smul.u32 $0xA0, s23;
	[tilespmem:s25+$0x3050] =	vst v4;
	v2 =	vadd.f32 v2, v7  }
0x47: {  	[tilespmem:s25+$0x3060] =	vst v3;
	v1 =	vadd.f32 v1, v6  }
0x48: {  	s26 =	sadd.s32 s6, s24;
	[tilespmem:s25+$0x3070] =	vst v2;
	v0 =	vadd.f32 v0, v10  }
0x49: {  	s26 =	sshll.u32 s26, $0x4;
	[tilespmem:s25+$0x3080] =	vst v1  }
0x4a: {  	s29 =	simm.s32 $0x0;
	s28 =	sadd.s32 s5, s26;
	[tilespmem:s25+$0x3090] =	vst v0  }
0x4b: {  	[hbm4b:s28+s29] =	stream.linear.scatter [tilespmem:s15], [sflag:$0x3], $0x2800, $0x38;
	[tilespmem:$0xD020] =	vst v63  }
0x4c: {  	_ =	swait.ge [sflag:s12], $0x2800  }
0x4d: {  	[sflag:s12] =	ssyncset.done $0x0  }
0x4e: {  	s30 =	sadd.s32 $0xA0, s24;
	[sflag:s12] =	ssyncadd.s32 $0xFFFFD800  }
0x4f: {  	[tilespmem:s15], [sflag:$0x1] =	stream.indirect.gather [hbm4b:s3+s14], $0x80, s30, s14, $0xb8;
	[tilespmem:$0xD020] =	vst v63  }
0x50: {  	s31 =	sadd.s32 $0x18B0, s24  }
0x51: {  	[tilespmem:s16], [sflag:$0x1] =	stream.indirect.gather [hbm4b:s4+s14], $0x80, s31, s14, $0xb8;
	[tilespmem:$0xD020] =	vst v63  }
0x52: {  	_ =	swait.ge [sflag:s21], $0x2800  }
0x53: {  	[sflag:s21] =	ssyncset.done $0x0  }
0x54: {  	[sflag:s21] =	ssyncadd.s32 $0xFFFFD800  }
0x55: {  	_ =	swait.ge [sflag:s21], $0x2800  }
0x56: {  	[sflag:s21] =	ssyncset.done $0x0  }
0x57: {  	s25 =	simm.s32 $0x0;
	[sflag:s21] =	ssyncadd.s32 $0xFFFFD800  }
0x58: {  	v7 =	vld [tilespmem:s25+$0xA820]  }
0x59: {  	v11 =	vld [tilespmem:s25+$0xA830]  }
0x5a: {  	v5 =	vld [tilespmem:s25+$0xA840]  }
0x5b: {  	v4 =	vld [tilespmem:s25+$0xA850]  }
0x5c: {  	v3 =	vld [tilespmem:s25+$0xA860]  }
0x5d: {  	v2 =	vld [tilespmem:s25+$0xA870]  }
0x5e: {  	v1 =	vld [tilespmem:s25+$0xA880]  }
0x5f: {  	v0 =	vld [tilespmem:s25+$0xA890]  }
0x60: {  	v12 =	vld [tilespmem:s25+$0x8020]  }
0x61: {  	v13 =	vld [tilespmem:s25+$0x8030]  }
0x62: {  	v10 =	vld [tilespmem:s25+$0x8040]  }
0x63: {  	v9 =	vld [tilespmem:s25+$0x8050]  }
0x64: {  	v8 =	vld [tilespmem:s25+$0x8060]  }
0x65: {  	v6 =	vld [tilespmem:s25+$0x8070];
	v12 =	vadd.f32 v7, v12  }
0x66: {  	s26 =	simm.s32 $0x200;
	v11 =	vadd.f32 v11, v13;
	v7 =	vld [tilespmem:s25+$0x8080]  }
.LBB2_5:
0x67: {  	s28 =	sshra.s32 s26, $0x2;
	p0 =	sne.s32 s26, $0x9E00;
	[tilespmem:s25+$0x8020] =	vst v12;
	v5 =	vadd.f32 v5, v10;
	v10 =	vld [tilespmem:s25+$0x8090]  }
0x68: {  	v12 =	vld [tilespmem:s28+$0xA820];
	[tilespmem:s25+$0x8030] =	vst v11;
	v4 =	vadd.f32 v4, v9  }
0x69: {  	v11 =	vld [tilespmem:s28+$0xA830];
	[tilespmem:s25+$0x8040] =	vst v5;
	v3 =	vadd.f32 v3, v8  }
0x6a: {  	v5 =	vld [tilespmem:s28+$0xA840];
	[tilespmem:s25+$0x8050] =	vst v4;
	v2 =	vadd.f32 v2, v6  }
0x6b: {  	v4 =	vld [tilespmem:s28+$0xA850];
	[tilespmem:s25+$0x8060] =	vst v3;
	v1 =	vadd.f32 v1, v7  }
0x6c: {  	v3 =	vld [tilespmem:s28+$0xA860];
	[tilespmem:s25+$0x8070] =	vst v2;
	v0 =	vadd.f32 v0, v10  }
0x6d: {  	v2 =	vld [tilespmem:s28+$0xA870];
	[tilespmem:s25+$0x8080] =	vst v1  }
0x6e: {  	v1 =	vld [tilespmem:s28+$0xA880];
	[tilespmem:s25+$0x8090] =	vst v0;
	s25 =	smov.u32 s28  }
0x6f: {  	v0 =	vld [tilespmem:s25+$0xA890]  }
0x70: {  	v6 =	vld [tilespmem:s25+$0x8020]  }
0x71: {  	v7 =	vld [tilespmem:s25+$0x8030]  }
.Ltmp1:
0x72: {  	v10 =	vld [tilespmem:s25+$0x8040];
	(pc) =	sbr.rel @p0 .LBB2_5-.Ltmp1, $4  }
0x73: {  	v9 =	vld [tilespmem:s25+$0x8050]  }
0x74: {  	v8 =	vld [tilespmem:s25+$0x8060]  }
0x75: {  	v12 =	vadd.f32 v12, v6;
	v6 =	vld [tilespmem:s25+$0x8070]  }
0x76: {  	s26 =	sadd.s32 $0x200, s26;
	v11 =	vadd.f32 v11, v7;
	v7 =	vld [tilespmem:s25+$0x8080]  }
0x77: {  	[tilespmem:s25+$0x8020] =	vst v12;
	v5 =	vadd.f32 v5, v10;
	v63 =	vld [tilespmem:s25+$0x8090]  }
0x78: {  	[tilespmem:s25+$0x8030] =	vst v11;
	v4 =	vadd.f32 v4, v9  }
0x79: {  	[tilespmem:s25+$0x8040] =	vst v5;
	v3 =	vadd.f32 v3, v8  }
0x7a: {  	[tilespmem:s25+$0x8050] =	vst v4;
	v2 =	vadd.f32 v2, v6  }
0x7b: {  	s26 =	sadd.s32 s24, s9;
	[tilespmem:s25+$0x8060] =	vst v3;
	v1 =	vadd.f32 v1, v7  }
0x7c: {  	s26 =	sshll.u32 s26, $0x4;
	[tilespmem:s25+$0x8070] =	vst v2;
	v0 =	vadd.f32 v0, v63  }
0x7d: {  	p0 =	seq.s32 s23, $0x25;
	s26 =	sand.u32 $0x1FFFFF00, s26;
	[tilespmem:s25+$0x8080] =	vst v1  }
.Ltmp2:
0x7e: {  	s31 =	sadd.s32 s5, s26;
	[tilespmem:s25+$0x8090] =	vst v0;
	(pc) =	sbr.rel @p0 .LBB2_8-.Ltmp2, $4  }
0x7f: {  	[hbm4b:s31+s2] =	stream.linear.scatter [tilespmem:s17], [sflag:$0x3], $0x2800, $0x38;
	[tilespmem:$0xD020] =	vst v63  }
0x80: {  	_ =	swait.ge [sflag:s12], $0x2800  }
0x81: {  	[sflag:s12] =	ssyncset.done $0x0  }
0x82: {  	[sflag:s12] =	ssyncadd.s32 $0xFFFFD800  }
.Ltmp3:
0x83: {  	(pc) =	sbr.rel .LBB2_2-.Ltmp3, $4  }
0x84: {  	s25 =	sadd.s32 $0xF0, s24  }
0x85: {  	[tilespmem:s17], [sflag:$0x2] =	stream.indirect.gather [hbm4b:s3+s14], $0x80, s25, s14, $0xb8;
	[tilespmem:$0xD020] =	vst v63  }
0x86: {  	s31 =	sadd.s32 $0x1900, s24;
	s23 =	sadd.s32 $0x1, s23  }
0x87: {  	[tilespmem:s19], [sflag:$0x2] =	stream.indirect.gather [hbm4b:s4+s14], $0x80, s31, s14, $0xb8;
	[tilespmem:$0xD020] =	vst v63  }
.LBB2_8:
0x88: {  	_ =	swait.ge [sflag:s20], $0x2800  }
0x89: {  	[sflag:s20] =	ssyncset.done $0x0  }
0x8a: {  	[sflag:s20] =	ssyncadd.s32 $0xFFFFD800  }
0x8b: {  	_ =	swait.ge [sflag:s20], $0x2800  }
0x8c: {  	[sflag:s20] =	ssyncset.done $0x0  }
0x8d: {  	s23 =	simm.s32 $0x0;
	[sflag:s20] =	ssyncadd.s32 $0xFFFFD800  }
0x8e: {  	v7 =	vld [tilespmem:s23+$0x5820]  }
0x8f: {  	v11 =	vld [tilespmem:s23+$0x5830]  }
0x90: {  	v5 =	vld [tilespmem:s23+$0x5840]  }
0x91: {  	v4 =	vld [tilespmem:s23+$0x5850]  }
0x92: {  	v3 =	vld [tilespmem:s23+$0x5860]  }
0x93: {  	v2 =	vld [tilespmem:s23+$0x5870]  }
0x94: {  	v1 =	vld [tilespmem:s23+$0x5880]  }
0x95: {  	v0 =	vld [tilespmem:s23+$0x5890]  }
0x96: {  	v12 =	vld [tilespmem:s23+$0x3020]  }
0x97: {  	v13 =	vld [tilespmem:s23+$0x3030]  }
0x98: {  	v10 =	vld [tilespmem:s23+$0x3040]  }
0x99: {  	v9 =	vld [tilespmem:s23+$0x3050]  }
0x9a: {  	v8 =	vld [tilespmem:s23+$0x3060]  }
0x9b: {  	v6 =	vld [tilespmem:s23+$0x3070];
	v12 =	vadd.f32 v7, v12  }
0x9c: {  	s24 =	simm.s32 $0x200;
	v11 =	vadd.f32 v11, v13;
	v7 =	vld [tilespmem:s23+$0x3080]  }
.LBB2_9:
0x9d: {  	s25 =	sshra.s32 s24, $0x2;
	p0 =	sne.s32 s24, $0x9E00;
	[tilespmem:s23+$0x3020] =	vst v12;
	v5 =	vadd.f32 v5, v10;
	v10 =	vld [tilespmem:s23+$0x3090]  }
0x9e: {  	v12 =	vld [tilespmem:s25+$0x5820];
	[tilespmem:s23+$0x3030] =	vst v11;
	v4 =	vadd.f32 v4, v9  }
0x9f: {  	v11 =	vld [tilespmem:s25+$0x5830];
	[tilespmem:s23+$0x3040] =	vst v5;
	v3 =	vadd.f32 v3, v8  }
0xa0: {  	v5 =	vld [tilespmem:s25+$0x5840];
	[tilespmem:s23+$0x3050] =	vst v4;
	v2 =	vadd.f32 v2, v6  }
0xa1: {  	v4 =	vld [tilespmem:s25+$0x5850];
	[tilespmem:s23+$0x3060] =	vst v3;
	v1 =	vadd.f32 v1, v7  }
0xa2: {  	v3 =	vld [tilespmem:s25+$0x5860];
	[tilespmem:s23+$0x3070] =	vst v2;
	v0 =	vadd.f32 v0, v10  }
0xa3: {  	v2 =	vld [tilespmem:s25+$0x5870];
	[tilespmem:s23+$0x3080] =	vst v1  }
0xa4: {  	v1 =	vld [tilespmem:s25+$0x5880];
	[tilespmem:s23+$0x3090] =	vst v0;
	s23 =	smov.u32 s25  }
0xa5: {  	v0 =	vld [tilespmem:s23+$0x5890]  }
0xa6: {  	v6 =	vld [tilespmem:s23+$0x3020]  }
0xa7: {  	v7 =	vld [tilespmem:s23+$0x3030]  }
.Ltmp4:
0xa8: {  	v10 =	vld [tilespmem:s23+$0x3040];
	(pc) =	sbr.rel @p0 .LBB2_9-.Ltmp4, $4  }
0xa9: {  	v9 =	vld [tilespmem:s23+$0x3050]  }
0xaa: {  	v8 =	vld [tilespmem:s23+$0x3060]  }
0xab: {  	v12 =	vadd.f32 v12, v6;
	v6 =	vld [tilespmem:s23+$0x3070]  }
0xac: {  	s24 =	sadd.s32 $0x200, s24;
	v11 =	vadd.f32 v11, v7;
	v7 =	vld [tilespmem:s23+$0x3080]  }
0xad: {  	[tilespmem:s23+$0x3020] =	vst v12;
	v5 =	vadd.f32 v5, v10;
	v63 =	vld [tilespmem:s23+$0x3090]  }
0xae: {  	[tilespmem:s23+$0x3030] =	vst v11;
	v4 =	vadd.f32 v4, v9  }
0xaf: {  	[tilespmem:s23+$0x3040] =	vst v5;
	v3 =	vadd.f32 v3, v8  }
0xb0: {  	[tilespmem:s23+$0x3050] =	vst v4;
	v2 =	vadd.f32 v2, v6  }
0xb1: {  	[tilespmem:s23+$0x3060] =	vst v3;
	v1 =	vadd.f32 v1, v7  }
0xb2: {  	s22 =	sadd.s32 $0x1, s22;
	[tilespmem:s23+$0x3070] =	vst v2;
	v0 =	vadd.f32 v0, v63  }
0xb3: {  	p0 =	sne.s32 s22, s11;
	[tilespmem:s23+$0x3080] =	vst v1  }
.Ltmp5:
0xb4: {  	[tilespmem:s23+$0x3090] =	vst v0;
	(pc) =	sbr.rel @p0 .LBB2_1-.Ltmp5, $4  }
0xb5: {  	[hbm4b:s10+s2] =	stream.linear.scatter [tilespmem:s15], [sflag:$0x3], $0x2800, $0x38;
	[tilespmem:$0xD020] =	vst v63  }
0xb6: {  	_ =	swait.ge [sflag:s12], $0x2800  }
0xb7: {  	[sflag:s12] =	ssyncset.done $0x0  }
0xb8: {  	[sflag:s12] =	ssyncadd.s32 $0xFFFFD800  }
0xb9: {  	_ =	sfence.sel $0x180000  }
0xba: {  	[bflag:$0x0] =	sbarrier.arrive $0xFFFF  }
0xbb: {  	p0 =	sne.s32 s1, $0x0;
	_ =	strace $0x90000053  }
0xbc: {  	s0 =	sadd.s32 @!p0 $0x100000, s0;
	[bflag:$0x2] =	sbarrier.arrive $0xFFFF  }
0xbd: {  	[sflag:s0] =	ssyncadd.tile.s32 @!p0 $0x1;
	_ =	shalt  }
.Lfunc_end2:
_tile_overlayer_lowered:
.L_overlay_start_2:
0xbe: {  	(tag) =	ssettag $0x2  }
0xbf: {  	s0 =	rddreg [dreg:$0x0];
	s2 =	stileid.u32  }
0xc0: {  	s1 =	rddreg [dreg:$0x1];
	p0 =	sne.s32 s2, $0x0  }
0xc1: {  	s3 =	rddreg [dreg:$0x2];
	[bflag:$0x3] =	sbarrier.arrive $0xFFFF;
	s2 =	simm.s32 @!p0 $0x1C03  }
0xc2: {  	[timem:s3], [sflag:s2] =	dma.local @!p0 [hbm:s0], s1  }
0xc3: {  	s0 =	simm.s32 @!p0 $0x3  }
0xc4: {  	_ =	swait.ge @!p0 [sflag:s0], s1  }
0xc5: {  	s1 =	ssub.s32 @!p0 $0x0, s1;
	[sflag:s0] =	ssyncset.done @!p0 $0x0  }
0xc6: {  	[sflag:s0] =	ssyncadd.s32 @!p0 s1  }
0xc7: {  	[bflag:$0x3] =	sbarrier.arrive $0xFFFF  }
0xc8: {  	_ =	shalt  }

// kernel: kernel.25.cloned.1.call-start
scs
__scs_entry_jumppad:
0x0: {  	(pc) =	sbr.rel $0x88, $3  }
0x1: {  	(tag) =	ssettag $0x0;
	lr =	simm.s32 $0x1  }
0x2: {  	[smem:$0x3F7E] =	sst lr;
	_ =	strace $0xD0000000  }
0x3: {  	_ = 	snop  }
0x4: {  	_ = 	snop  }
0x5: {  	_ = 	snop  }
0x6: {  	_ = 	snop  }
0x7: {  	_ = 	snop  }
__scs_overlays_trampoline_lowered:
0x8: {  	[smem:$0x3F8D] =	sst s0  }
0x9: {  	[smem:$0x3F8E] =	sst s1  }
0xa: {  	[smem:$0x3F8F] =	sst s2  }
0xb: {  	[smem:$0x3F90] =	sst s3  }
0xc: {  	[smem:$0x3F91] =	sst s4  }
0xd: {  	[smem:$0x3F92] =	sst s5  }
0xe: {  	[smem:$0x3F93] =	sst s6  }
0xf: {  	[smem:$0x3F94] =	sst s7  }
0x10: {  	[smem:$0x3F95] =	sst s8  }
0x11: {  	[smem:$0x3F96] =	sst s9;
	s0 =	simm.s32 @!p0 $0x0  }
0x12: {  	s1 =	sld [smem:$0x3F7C];
	s0 =	simm.s32 @p0 $0x1  }
0x13: {  	[smem:$0x3F97] =	sst s0;
	s0 =	simm.s32 @!p1 $0x0  }
0x14: {  	s2 =	sld [smem:$0x3F7B];
	s0 =	simm.s32 @p1 $0x1  }
0x15: {  	[smem:$0x3F98] =	sst s0;
	s0 =	simm.s32 @!p2 $0x0  }
0x16: {  	s3 =	sld [smem:$0x3FDB];
	s0 =	simm.s32 @p2 $0x1  }
0x17: {  	s4 =	simm.s32 $0x1BF5;
	[smem:$0x3F9A] =	sst s0  }
0x18: {  	s0 =	sld [smem:$0x3F7D];
	_ =	swait.ge [sflag:s4], $0x0  }
0x19: {  	s7 =	sld [smem:$0x3F7E]  }
0x1a: {  	s8 =	sadd.s32 $0xFFFFE003, lr  }
0x1b: {  	s9 =	sadd.s32 $0xFFFFFEF7, lr;
	s5 =	simm.s32 $0xFFFFFFFF;
	p2 =	slt.u32 s8, $0xFFFFF086  }
0x1c: {  	p1 =	slt.u32 s9, $0xF7A;
	s5 =	simm.s32 @!p2 $0x0  }
0x1d: {  	s5 =	simm.s32 @p1 $0x1;
	p0 =	seq.s32 s7, s2  }
0x1e: {  	s7 =	smul.u32 @!p0 $0xF7A, s2;
	p2 =	seq.s32 @!p0 s5, $0x0  }
0x1f: {  	s9 =	smul.u32 $0xF7A, s1;
	s8 =	simm.s32 @!p0 $0x1BF5;
	p2 =	por !p2, p0  }
0x20: {  	[sflag:s8] =	ssyncset.s32 @!p0 $0xFFFFF086;
	s6 =	sadd.s32 @!p0 s3, s7;
	s7 =	simm.s32 @!p0 $0x108  }
0x21: {  	s3 =	sadd.s32 s3, s9;
	s6 =	sadd.s32 @!p0 $0x88, s6;
	s7 =	simm.s32 @p2 $0x1082  }
0x22: {  	[simem:s7], [sflag:s8] =	dma.local @!p0 [hbm:s6], $0xF7A  }
0x23: {  	s9 =	sor.u32 $0xD0000000, s2;
	s6 =	simm.s32 $0x108;
	_ =	swait.ge @!p0 [sflag:s8], $0x0  }
0x24: {  	s3 =	sadd.s32 $0x88, s3;
	s6 =	simm.s32 @!p1 $0x1082;
	[sflag:s4] =	ssyncset.s32 $0xFFFFF086  }
0x25: {  	[simem:s6], [sflag:s4] =	dma.local [hbm:s3], $0xF7A  }
0x26: {  	[smem:$0x3F7E] =	sst s1;
	(tag) =	ssettag s2;
	_ =	strace s9  }
0x27: {  	s1 =	sld [smem:$0x3F8E]  }
0x28: {  	s2 =	sld [smem:$0x3F8F]  }
0x29: {  	s4 =	sld [smem:$0x3F91]  }
0x2a: {  	p0 =	seq.s32 s5, $0x0;
	s5 =	sld [smem:$0x3F92]  }
0x2b: {  	s6 =	sld [smem:$0x3F93]  }
0x2c: {  	s7 =	sld [smem:$0x3F94]  }
0x2d: {  	s3 =	simm.s32 $0x108;
	s8 =	sld [smem:$0x3F95]  }
0x2e: {  	s3 =	simm.s32 @!p0 $0x1082;
	s9 =	sld [smem:$0x3F96]  }
0x2f: {  	lr =	sadd.s32 s0, s3;
	s0 =	sld [smem:$0x3F8D]  }
0x30: {  	s3 =	sld [smem:$0x3F90]  }
0x31: {  	[smem:$0x3F99] =	sst s10  }
0x32: {  	s10 =	sld [smem:$0x3F97];
	_ =	sdelay $0x3  }
0x33: {  	p0 =	seq.s32 s10, $0x1;
	s10 =	sld [smem:$0x3F99];
	_ =	sdelay $0x3  }
0x34: {  	[smem:$0x3F99] =	sst s10  }
0x35: {  	s10 =	sld [smem:$0x3F98];
	_ =	sdelay $0x3  }
0x36: {  	p1 =	seq.s32 s10, $0x1;
	s10 =	sld [smem:$0x3F99];
	_ =	sdelay $0x3  }
0x37: {  	[smem:$0x3F99] =	sst s10  }
0x38: {  	s10 =	sld [smem:$0x3F9A]  }
0x39: {  	_ = 	snop;
	(pc) =	sbr.ind lr, $3  }
0x3a: {  	_ = 	snop  }
0x3b: {  	_ = 	snop  }
0x3c: {  	p2 =	seq.s32 s10, $0x1;
	s10 =	sld [smem:$0x3F99]  }
0x3d: {  	_ =	shalt  }
0x3e: {  	_ =	shalt  }
0x3f: {  	_ =	shalt  }
0x40: {  	_ =	shalt  }
0x41: {  	_ =	shalt  }
0x42: {  	_ =	shalt  }
0x43: {  	_ =	shalt  }
0x44: {  	_ =	shalt  }
0x45: {  	_ =	shalt  }
0x46: {  	_ =	shalt  }
0x47: {  	_ =	shalt  }
0x48: {  	_ =	shalt  }
0x49: {  	_ =	shalt  }
0x4a: {  	_ =	shalt  }
0x4b: {  	_ =	shalt  }
0x4c: {  	_ =	shalt  }
0x4d: {  	_ =	shalt  }
0x4e: {  	_ =	shalt  }
0x4f: {  	_ =	shalt  }
0x50: {  	_ =	shalt  }
0x51: {  	_ =	shalt  }
0x52: {  	_ =	shalt  }
0x53: {  	_ =	shalt  }
0x54: {  	_ =	shalt  }
0x55: {  	_ =	shalt  }
0x56: {  	_ =	shalt  }
0x57: {  	_ =	shalt  }
0x58: {  	_ =	shalt  }
0x59: {  	_ =	shalt  }
0x5a: {  	_ =	shalt  }
0x5b: {  	_ =	shalt  }
0x5c: {  	_ =	shalt  }
0x5d: {  	_ =	shalt  }
0x5e: {  	_ =	shalt  }
0x5f: {  	_ =	shalt  }
0x60: {  	_ =	shalt  }
0x61: {  	_ =	shalt  }
0x62: {  	_ =	shalt  }
0x63: {  	_ =	shalt  }
0x64: {  	_ =	shalt  }
0x65: {  	_ =	shalt  }
0x66: {  	_ =	shalt  }
0x67: {  	_ =	shalt  }
0x68: {  	_ =	shalt  }
0x69: {  	_ =	shalt  }
0x6a: {  	_ =	shalt  }
0x6b: {  	_ =	shalt  }
0x6c: {  	_ =	shalt  }
0x6d: {  	_ =	shalt  }
0x6e: {  	_ =	shalt  }
0x6f: {  	_ =	shalt  }
0x70: {  	_ =	shalt  }
0x71: {  	_ =	shalt  }
0x72: {  	_ =	shalt  }
0x73: {  	_ =	shalt  }
0x74: {  	_ =	shalt  }
0x75: {  	_ =	shalt  }
0x76: {  	_ =	shalt  }
0x77: {  	_ =	shalt  }
0x78: {  	_ =	shalt  }
0x79: {  	_ =	shalt  }
0x7a: {  	_ =	shalt  }
0x7b: {  	_ =	shalt  }
0x7c: {  	_ =	shalt  }
0x7d: {  	_ =	shalt  }
0x7e: {  	_ =	shalt  }
0x7f: {  	_ =	shalt  }
0x80: {  	_ =	shalt  }
0x81: {  	_ =	shalt  }
0x82: {  	_ =	shalt  }
0x83: {  	_ =	shalt  }
0x84: {  	_ =	shalt  }
0x85: {  	_ =	shalt  }
0x86: {  	_ =	shalt  }
0x87: {  	_ =	shalt  }
.Lfunc_end0:
.L_simem_size_0:
called_computation.4_lowered:
.L_overlay_start_0:
0x88: {  	s2 =	sld [smem:$0x3FD9]  }
0x89: {  	s3 =	sld [smem:$0x3FFE];
	_ =	sdelay $0x1  }
0x8a: {  	s1 =	srdreg.scid  }
0x8b: {  	s0 =	sand.u32 $0x1, s1  }
0x8c: {  	s16 =	sshll.u32 s0, $0xA;
	s2 =	sadd.s32 s3, s2  }
0x8d: {  	s2 =	sadd.s32 s2, s16  }
0x8e: {  	[smem:$0x3FA5] =	sst s2  }
0x8f: {  	_ = 	snop  }
0x90: {  	(tm) =	ssettm $0x1  }
0x91: {  	s17 =	sld [smem:$0x3FFB];
	_ =	sdelay $0x3  }
0x92: {  	_ =	strace s17  }
0x93: {  	s2 =	sld [smem:$0x3FFC];
	_ =	sdelay $0x3  }
0x94: {  	_ =	strace s2  }
0x95: {  	s2 =	sld [smem:$0x3FFD];
	_ =	sdelay $0x3  }
0x96: {  	_ =	strace s2  }
0x97: {  	_ =	strace $0x8FFFFFFF  }
0x98: {  	s18 =	sld [smem:$0x3FDB];
	_ =	sdelay $0x1  }
0x99: {  	s19 =	simm.s32 $_scs_section_size  }
0x9a: {  	s4 =	simm.s32 $_size__tile_overlayer_lowered;
	s5 =	simm.s32 $_tile_overlayer_lowered  }
0x9b: {  	s22 =	simm.s32 $0x1BFF;
	s21 =	sshll.u32 s5, $0x1;
	s2 =	sadd.s32 s19, s18  }
0x9c: {  	s6 =	simm.s32 $0x0;
	s20 =	sshll.u32 s4, $0x1;
	s4 =	sadd.s32 s21, s2  }
0x9d: {  	[timem:s6], [sflag:s22] =	dma.local [hbm:s4], s20  }
0x9e: {  	_ =	swait.ge [sflag:s22], s20  }
0x9f: {  	s3 =	ssub.s32 $0x0, s20;
	[sflag:s22] =	ssyncset.done $0x0  }
0xa0: {  	[sflag:s22] =	ssyncadd.s32 s3;
	_ =	sdelay $0x1  }
0xa1: {  	s23 =	simm.s32 $0x1B8B  }
0xa2: {  	_ =	swait.ge [sflag:s23], $0x1  }
0xa3: {  	[sflag:s23] =	ssyncset.done $0x0  }
0xa4: {  	s25 =	simm.s32 $0x1B8E;
	s24 =	sld [smem:$0x3FFE];
	[sflag:s23] =	ssyncadd.s32 $0xFFFFFFFF  }
0xa5: {  	s26 =	simm.s32 $execute0_lowered;
	[smem:$0x3FD2] =	sst s25  }
0xa6: {  	s4 =	sshll.u32 s26, $0x1;
	_ =	strace $0x8000004F;
	[dreg:$0x1] =	wrdreg $0xFFFFFFFF  }
0xa7: {  	s28 =	simm.s32 $_size_execute0_lowered;
	s2 =	sadd.s32 s2, s4;
	[dreg:$0x0] =	wrdreg $0x0  }
0xa8: {  	s4 =	sshll.u32 s28, $0x1;
	[dreg:$0x2] =	wrdreg s2  }
0xa9: {  	[dreg:$0x3] =	wrdreg s4  }
0xaa: {  	[dreg:$0x4] =	wrdreg $0xC0  }
0xab: {  	_ =	task [dreg:s6], $0x5FFFF  }
0xac: {  	[dreg:$0x1] =	wrdreg $0xFFFFFFFF  }
0xad: {  	[dreg:$0x0] =	wrdreg $0x60  }
0xae: {  	[dreg:$0x2] =	wrdreg s24  }
0xaf: {  	[dreg:$0x3] =	wrdreg $0xA  }
0xb0: {  	_ =	task.clear_ibuf [dreg:s6], $0x4FFFF;
	_ =	strace $0x9000004F  }
0xb1: {  	s29 =	simm.s32 $0xA;
	_ =	strace $0x80000051  }
0xb2: {  	_ =	swait.ge [sflag:s29], $0x1  }
0xb3: {  	[sflag:s29] =	ssyncadd.s32 $0xFFFFFFFF  }
0xb4: {  	_ =	strace $0x90000051  }
0xb5: {  	_ =	sfence  }
0xb6: {  	s30 =	sld [smem:$0x0];
	_ =	sdelay $0x2  }
0xb7: {  	s31 =	sshll.u32 s1, $0xD;
	s1 =	sshrl.u32 s1, $0x2  }
0xb8: {  	s3 =	sand.u32 $0x4000, s31;
	s1 =	sadd.s32 s1, s30  }
0xb9: {  	s0 =	sor.u32 s3, s0;
	s1 =	sshll.u32 s1, $0x11  }
0xba: {  	s0 =	sor.u32 s1, s0  }
0xbb: {  	s0 =	sadd.s32 $0x8F2B, s0  }
0xbc: {  	[sflag:s0] =	ssyncadd.remote.s32 $0x1  }
0xbd: {  	_ =	sfence.sel $0xFFFF  }
0xbe: {  	[dreg:$0x0] =	wrdreg $0xFFFFFFFF;
	(pc) =	sbr.abs _section_cstart, $3  }
0xbf: {  	[dreg:$0x1] =	wrdreg $0xFFFFFFFF  }
0xc0: {  	_ =	task.clear_ibuf [dreg:s6], $0x2FFFF;
	_ =	strace $0x9FFFFFFF  }
0xc1: {  	(tm) =	ssettm $0x7FFFFFFF  }
tec
execute0_lowered:
.L_overlay_start_1:
0x0: {  	(tag) =	ssettag $0x1  }
0x1: {  	s1 =	srdreg.scid;
	s0 =	stileid.u32  }
0x2: {  	s7 =	rddreg [dreg:$0x0];
	s2 =	simm.s32 $0x0;
	s12 =	simm.s32 $0xF00  }
0x3: {  	s13 =	simm.s32 $0x50;
	s14 =	simm.s32 $0x1E00;
	s15 =	simm.s32 $0x4600  }
0x4: {  	s16 =	simm.s32 $0x6E00;
	s17 =	simm.s32 $0xF50;
	s18 =	simm.s32 $0x9600  }
0x5: {  	s19 =	simm.s32 $0x1;
	s5 =	sand.u32 $0x1, s1;
	s3 =	sshll.u32 s0, $0x1  }
0x6: {  	s20 =	simm.s32 $0x2;
	s1 =	rddreg [dreg:$0x1];
	s3 =	sor.u32 s5, s3  }
0x7: {  	s21 =	simm.s32 $0x0;
	[smem:$0x7FF] =	sst s2;
	s3 =	smul.u32 $0xF00, s3  }
.Ltmp0:
0x8: {  	s4 =	sadd.s32 $0x1BE00, s7;
	s8 =	ssub.s32 $0x2, s5;
	(pc) =	sbr.rel .LBB2_1-.Ltmp0, $4  }
0x9: {  	s6 =	sadd.s32 $0x6A200, s7;
	_ =	strace $0x80000050;
	s9 =	sshrl.u32 s8, $0x1  }
0xa: {  	s5 =	sadd.s32 $0x43000, s7;
	s11 =	ssub.s32 s8, s9;
	s10 =	sshrl.u32 s3, $0x3  }
0xb: {  	s9 =	sor.u32 $0x50, s3;
	s31 =	sadd.s32 s7, s10;
	s10 =	smax.u32 s11, $0x1  }
0xc: {  	s11 =	simm.s32 $0x3;
	s7 =	sadd.s32 $0x18040, s31;
	s8 =	sadd.s32 $0xE240, s31  }
.LBB2_8:
0xd: {  	s21 =	sadd.s32 $0x1, s21  }
0xe: {  	p0 =	sne.s32 s21, s10  }
.Ltmp1:
0xf: {  	_ = 	snop;
	(pc) =	sbr.rel @!p0 .LBB2_9-.Ltmp1, $1  }
0x10: {  	_ =	sdelay $0x3  }
.LBB2_1:
0x11: {  	[tilespmem:s2], [sflag:$0x3] =	stream.linear.gather [hbm4b:s7+s2], $0xF00, $0x38;
	[tilespmem:$0xBE00] =	vst v63  }
0x12: {  	_ =	swait.ge [sflag:s11], $0xF00  }
0x13: {  	[sflag:s11] =	ssyncset.done $0x0  }
0x14: {  	[sflag:s11] =	ssyncadd.s32 $0xFFFFF100  }
0x15: {  	[tilespmem:s12], [sflag:$0x3] =	stream.linear.gather [hbm4b:s8+s2], $0xF00, $0x38;
	[tilespmem:$0xBE00] =	vst v63  }
0x16: {  	_ =	swait.ge [sflag:s11], $0xF00  }
0x17: {  	[sflag:s11] =	ssyncset.done $0x0  }
0x18: {  	[sflag:s11] =	ssyncadd.s32 $0xFFFFF100  }
0x19: {  	[tilespmem:s14], [sflag:$0x1] =	stream.indirect.gather [hbm4b:s4+s13], $0x80, s2, s13, $0xb8;
	[tilespmem:$0xBE00] =	vst v63  }
0x1a: {  	_ = 	snop  }
0x1b: {  	[tilespmem:s15], [sflag:$0x1] =	stream.indirect.gather [hbm4b:s5+s13], $0x80, s12, s13, $0xb8;
	[tilespmem:$0xBE00] =	vst v63  }
0x1c: {  	_ = 	snop  }
0x1d: {  	[tilespmem:s16], [sflag:$0x2] =	stream.indirect.gather [hbm4b:s4+s13], $0x80, s13, s13, $0xb8;
	[tilespmem:$0xBE00] =	vst v63  }
0x1e: {  	s22 =	simm.s32 $0x0  }
0x1f: {  	[tilespmem:s18], [sflag:$0x2] =	stream.indirect.gather [hbm4b:s5+s13], $0x80, s17, s13, $0xb8;
	[tilespmem:$0xBE00] =	vst v63  }
.LBB2_2:
0x20: {  	_ =	swait.ge [sflag:s19], $0x2800  }
0x21: {  	[sflag:s19] =	ssyncset.done $0x0  }
0x22: {  	[sflag:s19] =	ssyncadd.s32 $0xFFFFD800  }
0x23: {  	_ =	swait.ge [sflag:s19], $0x2800  }
0x24: {  	[sflag:s19] =	ssyncset.done $0x0  }
0x25: {  	s24 =	simm.s32 $0x0;
	[sflag:s19] =	ssyncadd.s32 $0xFFFFD800  }
0x26: {  	v6 =	vld [tilespmem:s24+$0x4600]  }
0x27: {  	v11 =	vld [tilespmem:s24+$0x4610]  }
0x28: {  	v5 =	vld [tilespmem:s24+$0x4620]  }
0x29: {  	v4 =	vld [tilespmem:s24+$0x4630]  }
0x2a: {  	v3 =	vld [tilespmem:s24+$0x4640]  }
0x2b: {  	v2 =	vld [tilespmem:s24+$0x4650]  }
0x2c: {  	v1 =	vld [tilespmem:s24+$0x4660]  }
0x2d: {  	v0 =	vld [tilespmem:s24+$0x4670]  }
0x2e: {  	v12 =	vld [tilespmem:s24+$0x1E00]  }
0x2f: {  	v13 =	vld [tilespmem:s24+$0x1E10]  }
0x30: {  	v10 =	vld [tilespmem:s24+$0x1E20]  }
0x31: {  	v9 =	vld [tilespmem:s24+$0x1E30]  }
0x32: {  	v8 =	vld [tilespmem:s24+$0x1E40]  }
0x33: {  	v7 =	vld [tilespmem:s24+$0x1E50];
	v12 =	vadd.f32 v6, v12  }
0x34: {  	s23 =	simm.s32 $0x200;
	v11 =	vadd.f32 v11, v13;
	v6 =	vld [tilespmem:s24+$0x1E60]  }
.LBB2_3:
0x35: {  	s25 =	sshra.s32 s23, $0x2;
	p0 =	sne.s32 s23, $0x9E00;
	[tilespmem:s24+$0x1E00] =	vst v12;
	v5 =	vadd.f32 v5, v10;
	v10 =	vld [tilespmem:s24+$0x1E70]  }
0x36: {  	v12 =	vld [tilespmem:s25+$0x4600];
	[tilespmem:s24+$0x1E10] =	vst v11;
	v4 =	vadd.f32 v4, v9  }
0x37: {  	v11 =	vld [tilespmem:s25+$0x4610];
	[tilespmem:s24+$0x1E20] =	vst v5;
	v3 =	vadd.f32 v3, v8  }
0x38: {  	v5 =	vld [tilespmem:s25+$0x4620];
	[tilespmem:s24+$0x1E30] =	vst v4;
	v2 =	vadd.f32 v2, v7  }
0x39: {  	v4 =	vld [tilespmem:s25+$0x4630];
	[tilespmem:s24+$0x1E40] =	vst v3;
	v1 =	vadd.f32 v1, v6  }
0x3a: {  	v3 =	vld [tilespmem:s25+$0x4640];
	[tilespmem:s24+$0x1E50] =	vst v2;
	v0 =	vadd.f32 v0, v10  }
0x3b: {  	v2 =	vld [tilespmem:s25+$0x4650];
	[tilespmem:s24+$0x1E60] =	vst v1  }
0x3c: {  	v1 =	vld [tilespmem:s25+$0x4660];
	[tilespmem:s24+$0x1E70] =	vst v0;
	s24 =	smov.u32 s25  }
0x3d: {  	v0 =	vld [tilespmem:s24+$0x4670]  }
0x3e: {  	v6 =	vld [tilespmem:s24+$0x1E00]  }
0x3f: {  	v13 =	vld [tilespmem:s24+$0x1E10]  }
.Ltmp2:
0x40: {  	v10 =	vld [tilespmem:s24+$0x1E20];
	(pc) =	sbr.rel @p0 .LBB2_3-.Ltmp2, $4  }
0x41: {  	v9 =	vld [tilespmem:s24+$0x1E30]  }
0x42: {  	v8 =	vld [tilespmem:s24+$0x1E40]  }
0x43: {  	v12 =	vadd.f32 v12, v6;
	v7 =	vld [tilespmem:s24+$0x1E50]  }
0x44: {  	s23 =	sadd.s32 $0x200, s23;
	v11 =	vadd.f32 v11, v13;
	v6 =	vld [tilespmem:s24+$0x1E60]  }
0x45: {  	[tilespmem:s24+$0x1E00] =	vst v12;
	v5 =	vadd.f32 v5, v10;
	v10 =	vld [tilespmem:s24+$0x1E70]  }
0x46: {  	[tilespmem:s24+$0x1E10] =	vst v11;
	v4 =	vadd.f32 v4, v9  }
0x47: {  	[tilespmem:s24+$0x1E20] =	vst v5;
	v3 =	vadd.f32 v3, v8  }
0x48: {  	s23 =	smul.u32 $0xA0, s22;
	[tilespmem:s24+$0x1E30] =	vst v4;
	v2 =	vadd.f32 v2, v7  }
0x49: {  	[tilespmem:s24+$0x1E40] =	vst v3;
	v1 =	vadd.f32 v1, v6  }
0x4a: {  	s25 =	sadd.s32 s3, s23;
	[tilespmem:s24+$0x1E50] =	vst v2;
	v0 =	vadd.f32 v0, v10  }
0x4b: {  	s25 =	sshll.u32 s25, $0x4;
	[tilespmem:s24+$0x1E60] =	vst v1  }
0x4c: {  	s31 =	sadd.s32 s6, s25;
	[tilespmem:s24+$0x1E70] =	vst v0  }
0x4d: {  	[hbm4b:s31+s2] =	stream.linear.scatter [tilespmem:s14], [sflag:$0x3], $0x2800, $0x38;
	[tilespmem:$0xBE00] =	vst v63  }
0x4e: {  	p0 =	seq.s32 s22, $0x17;
	_ =	swait.ge [sflag:s11], $0x2800  }
0x4f: {  	s26 =	simm.s32 @!p0 $0x1E00;
	[sflag:s11] =	ssyncset.done $0x0  }
0x50: {  	s25 =	simm.s32 @!p0 $0x50;
	s24 =	sadd.s32 @!p0 $0xA0, s23;
	[sflag:s11] =	ssyncadd.s32 $0xFFFFD800  }
0x51: {  	[tilespmem:s26], [sflag:$0x1] =	stream.indirect.gather @!p0 [hbm4b:s4+s25], $0x80, s24, s25, $0xb8;
	[tilespmem:$0xBE00] =	vst v63  }
0x52: {  	s24 =	sadd.s32 @!p0 $0xFA0, s23;
	s26 =	simm.s32 @!p0 $0x4600  }
0x53: {  	[tilespmem:s26], [sflag:$0x1] =	stream.indirect.gather @!p0 [hbm4b:s5+s25], $0x80, s24, s25, $0xb8;
	[tilespmem:$0xBE00] =	vst v63  }
0x54: {  	_ =	swait.ge [sflag:s20], $0x2800  }
0x55: {  	[sflag:s20] =	ssyncset.done $0x0  }
0x56: {  	[sflag:s20] =	ssyncadd.s32 $0xFFFFD800  }
0x57: {  	_ =	swait.ge [sflag:s20], $0x2800  }
0x58: {  	[sflag:s20] =	ssyncset.done $0x0  }
0x59: {  	s24 =	simm.s32 $0x0;
	[sflag:s20] =	ssyncadd.s32 $0xFFFFD800  }
0x5a: {  	v7 =	vld [tilespmem:s24+$0x9600]  }
0x5b: {  	v11 =	vld [tilespmem:s24+$0x9610]  }
0x5c: {  	v5 =	vld [tilespmem:s24+$0x9620]  }
0x5d: {  	v4 =	vld [tilespmem:s24+$0x9630]  }
0x5e: {  	v3 =	vld [tilespmem:s24+$0x9640]  }
0x5f: {  	v2 =	vld [tilespmem:s24+$0x9650]  }
0x60: {  	v1 =	vld [tilespmem:s24+$0x9660]  }
0x61: {  	v0 =	vld [tilespmem:s24+$0x9670]  }
0x62: {  	v12 =	vld [tilespmem:s24+$0x6E00]  }
0x63: {  	v13 =	vld [tilespmem:s24+$0x6E10]  }
0x64: {  	v10 =	vld [tilespmem:s24+$0x6E20]  }
0x65: {  	v9 =	vld [tilespmem:s24+$0x6E30]  }
0x66: {  	v8 =	vld [tilespmem:s24+$0x6E40]  }
0x67: {  	v6 =	vld [tilespmem:s24+$0x6E50];
	v12 =	vadd.f32 v7, v12  }
0x68: {  	s25 =	simm.s32 $0x200;
	v11 =	vadd.f32 v11, v13;
	v7 =	vld [tilespmem:s24+$0x6E60]  }
.LBB2_5:
0x69: {  	s26 =	sshra.s32 s25, $0x2;
	p1 =	sne.s32 s25, $0x9E00;
	[tilespmem:s24+$0x6E00] =	vst v12;
	v5 =	vadd.f32 v5, v10;
	v10 =	vld [tilespmem:s24+$0x6E70]  }
0x6a: {  	v12 =	vld [tilespmem:s26+$0x9600];
	[tilespmem:s24+$0x6E10] =	vst v11;
	v4 =	vadd.f32 v4, v9  }
0x6b: {  	v11 =	vld [tilespmem:s26+$0x9610];
	[tilespmem:s24+$0x6E20] =	vst v5;
	v3 =	vadd.f32 v3, v8  }
0x6c: {  	v5 =	vld [tilespmem:s26+$0x9620];
	[tilespmem:s24+$0x6E30] =	vst v4;
	v2 =	vadd.f32 v2, v6  }
0x6d: {  	v4 =	vld [tilespmem:s26+$0x9630];
	[tilespmem:s24+$0x6E40] =	vst v3;
	v1 =	vadd.f32 v1, v7  }
0x6e: {  	v3 =	vld [tilespmem:s26+$0x9640];
	[tilespmem:s24+$0x6E50] =	vst v2;
	v0 =	vadd.f32 v0, v10  }
0x6f: {  	v2 =	vld [tilespmem:s26+$0x9650];
	[tilespmem:s24+$0x6E60] =	vst v1  }
0x70: {  	v1 =	vld [tilespmem:s26+$0x9660];
	[tilespmem:s24+$0x6E70] =	vst v0;
	s24 =	smov.u32 s26  }
0x71: {  	v0 =	vld [tilespmem:s24+$0x9670]  }
0x72: {  	v6 =	vld [tilespmem:s24+$0x6E00]  }
0x73: {  	v7 =	vld [tilespmem:s24+$0x6E10]  }
.Ltmp3:
0x74: {  	v10 =	vld [tilespmem:s24+$0x6E20];
	(pc) =	sbr.rel @p1 .LBB2_5-.Ltmp3, $4  }
0x75: {  	v9 =	vld [tilespmem:s24+$0x6E30]  }
0x76: {  	v8 =	vld [tilespmem:s24+$0x6E40]  }
0x77: {  	v12 =	vadd.f32 v12, v6;
	v6 =	vld [tilespmem:s24+$0x6E50]  }
0x78: {  	s25 =	sadd.s32 $0x200, s25;
	v11 =	vadd.f32 v11, v7;
	v7 =	vld [tilespmem:s24+$0x6E60]  }
0x79: {  	[tilespmem:s24+$0x6E00] =	vst v12;
	v5 =	vadd.f32 v5, v10;
	v63 =	vld [tilespmem:s24+$0x6E70]  }
0x7a: {  	[tilespmem:s24+$0x6E10] =	vst v11;
	v4 =	vadd.f32 v4, v9  }
0x7b: {  	[tilespmem:s24+$0x6E20] =	vst v5;
	v3 =	vadd.f32 v3, v8  }
0x7c: {  	[tilespmem:s24+$0x6E30] =	vst v4;
	v2 =	vadd.f32 v2, v6  }
0x7d: {  	s25 =	sadd.s32 s23, s9;
	[tilespmem:s24+$0x6E40] =	vst v3;
	v1 =	vadd.f32 v1, v7  }
0x7e: {  	s25 =	sshll.u32 s25, $0x4;
	[tilespmem:s24+$0x6E50] =	vst v2;
	v0 =	vadd.f32 v0, v63  }
0x7f: {  	s25 =	sand.u32 $0x1FFFFF00, s25;
	[tilespmem:s24+$0x6E60] =	vst v1  }
.Ltmp4:
0x80: {  	s31 =	sadd.s32 s6, s25;
	[tilespmem:s24+$0x6E70] =	vst v0;
	(pc) =	sbr.rel @p0 .LBB2_8-.Ltmp4, $4  }
0x81: {  	[hbm4b:s31+s2] =	stream.linear.scatter [tilespmem:s16], [sflag:$0x3], $0x2800, $0x38;
	[tilespmem:$0xBE00] =	vst v63  }
0x82: {  	_ =	swait.ge [sflag:s11], $0x2800  }
0x83: {  	[sflag:s11] =	ssyncset.done $0x0  }
0x84: {  	[sflag:s11] =	ssyncadd.s32 $0xFFFFD800  }
.Ltmp5:
0x85: {  	(pc) =	sbr.rel .LBB2_2-.Ltmp5, $4  }
0x86: {  	s24 =	sadd.s32 $0xF0, s23  }
0x87: {  	[tilespmem:s16], [sflag:$0x2] =	stream.indirect.gather [hbm4b:s4+s13], $0x80, s24, s13, $0xb8;
	[tilespmem:$0xBE00] =	vst v63  }
0x88: {  	s31 =	sadd.s32 $0xFF0, s23;
	s22 =	sadd.s32 $0x1, s22  }
0x89: {  	[tilespmem:s18], [sflag:$0x2] =	stream.indirect.gather [hbm4b:s5+s13], $0x80, s31, s13, $0xb8;
	[tilespmem:$0xBE00] =	vst v63  }
.LBB2_9:
0x8a: {  	_ =	sfence.sel $0x180000  }
0x8b: {  	[bflag:$0x0] =	sbarrier.arrive $0xFFFF  }
0x8c: {  	p0 =	sne.s32 s0, $0x0;
	_ =	strace $0x90000050  }
0x8d: {  	s0 =	sadd.s32 @!p0 $0x100000, s1;
	[bflag:$0x2] =	sbarrier.arrive $0xFFFF  }
0x8e: {  	[sflag:s0] =	ssyncadd.tile.s32 @!p0 $0x1;
	_ =	shalt  }
.Lfunc_end2:
_tile_overlayer_lowered:
.L_overlay_start_2:
0x8f: {  	(tag) =	ssettag $0x2  }
0x90: {  	s0 =	rddreg [dreg:$0x0];
	s2 =	stileid.u32  }
0x91: {  	s1 =	rddreg [dreg:$0x1];
	p0 =	sne.s32 s2, $0x0  }
0x92: {  	s3 =	rddreg [dreg:$0x2];
	[bflag:$0x3] =	sbarrier.arrive $0xFFFF;
	s2 =	simm.s32 @!p0 $0x1C03  }
0x93: {  	[timem:s3], [sflag:s2] =	dma.local @!p0 [hbm:s0], s1  }
0x94: {  	s0 =	simm.s32 @!p0 $0x3  }
0x95: {  	_ =	swait.ge @!p0 [sflag:s0], s1  }
0x96: {  	s1 =	ssub.s32 @!p0 $0x0, s1;
	[sflag:s0] =	ssyncset.done @!p0 $0x0  }
0x97: {  	[sflag:s0] =	ssyncadd.s32 @!p0 s1  }
0x98: {  	[bflag:$0x3] =	sbarrier.arrive $0xFFFF  }
0x99: {  	_ =	shalt  }

</sc_bundles>
